<compile_context>
chip_gen: v7x
topology: tpu7x:2x2x1
jax: 0.10.2.dev20260603
libtpu: 0.0.44.dev20260713+nightly
codegen_flags: <defaults>
</compile_context>

<pallas_src>
import functools

import jax
import jax.numpy as jnp
from jax import lax
from jax.experimental import pallas as pl
from jax.experimental.pallas import tpu as pltpu
from jax.experimental.pallas import tpu_sc as plsc

N = 10000
NP = 10240
D = 128
E = 320000
EP = 327680
NC = 2
NS = 16
NW = NC * NS
CH = 128
EPT = EP // NW
NCHA = EPT // CH
CHC = 80
NT = EPT // CHC
SI = 8
NST = NT // SI
NB = 4
NBE = 8
ETE = EP // NS
NTE = ETE // CH
RPT = NP // NS
RPE = NP // NS // NC

_mesh = plsc.VectorSubcoreMesh(
    core_axis_name="c", subcore_axis_name="s", num_cores=NC, num_subcores=NS)



@functools.partial(
    pl.kernel,
    out_type=jax.ShapeDtypeStruct((NC, NP), jnp.float32),
    mesh=_mesh,
    scratch_types=[
        pltpu.VMEM((NCHA, CH), jnp.int32),
        pltpu.VMEM((CH,), jnp.float32),
        pltpu.VMEM((RPT,), jnp.float32),
        pltpu.VMEM_SHARED((NP,), jnp.float32),
        pltpu.SemaphoreType.DMA,
    ],
)
def _sc_count(dst_h, cnt_h, idx_v, ones_v, zv, cnt_sh, sem_s):
    cid = lax.axis_index("c")
    sid = lax.axis_index("s")
    wid = cid * NS + sid
    for i in range(CH // 16):
        ones_v[pl.ds(i * 16, 16)] = jnp.ones((16,), jnp.float32)
    for i in range(RPT // 16):
        zv[pl.ds(i * 16, 16)] = jnp.zeros((16,), jnp.float32)
    pltpu.sync_copy(zv, cnt_sh.at[pl.ds(sid * RPT, RPT)])
    plsc.subcore_barrier()
    pltpu.sync_copy(dst_h.at[wid], idx_v)

    def chunk(c, carry):
        @pl.when(c >= 8)
        def _drain():
            pltpu.make_async_copy(ones_v, cnt_sh.at[idx_v.at[0]],
                                  sem_s).wait()

        pltpu.async_copy(ones_v, cnt_sh.at[idx_v.at[c]], sem_s, add=True)
        return carry

    lax.fori_loop(0, NCHA, chunk, 0)
    for _ in range(8):
        pltpu.make_async_copy(ones_v, cnt_sh.at[idx_v.at[0]], sem_s).wait()
    plsc.subcore_barrier()
    pltpu.sync_copy(cnt_sh.at[pl.ds(sid * RPT, RPT)],
                    cnt_h.at[cid, pl.ds(sid * RPT, RPT)])



@functools.partial(
    pl.kernel,
    out_type=jax.ShapeDtypeStruct((NC, NP, D), jnp.float32),
    mesh=_mesh,
    scratch_types=[
        pltpu.VMEM((2, SI, CHC), jnp.int32),
        pltpu.VMEM((2, SI, CHC), jnp.int32),
        pltpu.VMEM((NB, CHC, D), jnp.float32),
        pltpu.VMEM_SHARED((NP, D), jnp.float32),
        pltpu.SemaphoreType.DMA,
        pltpu.SemaphoreType.DMA,
        pltpu.SemaphoreType.DMA,
    ],
)
def _sc_agg(src_h, dst_h, g_h, acc_h, isrc, idst, rows, acc_sh,
            sem_g, sem_s, sem_i):
    cid = lax.axis_index("c")
    sid = lax.axis_index("s")
    wid = cid * NS + sid

    def zbody(i, carry):
        for j in range(D // 16):
            rows[0, i, pl.ds(j * 16, 16)] = jnp.zeros((16,), jnp.float32)
        return carry

    lax.fori_loop(0, CHC, zbody, 0)
    for k in range(RPT // CHC):
        pltpu.sync_copy(rows.at[0], acc_sh.at[pl.ds(sid * RPT + k * CHC, CHC)])
    plsc.subcore_barrier()

    pltpu.sync_copy(src_h.at[wid, 0], isrc.at[0])
    pltpu.sync_copy(dst_h.at[wid, 0], idst.at[0])
    pltpu.async_copy(g_h.at[isrc.at[0, 0]], rows.at[0], sem_g)
    pltpu.async_copy(g_h.at[isrc.at[0, 1]], rows.at[1], sem_g)

    def step(c, carry):
        st = c // SI
        cc = c % SI
        sb = st % 2

        @pl.when(jnp.logical_and(cc == 0, st + 1 < NST))
        def _pref():
            pltpu.async_copy(src_h.at[wid, st + 1],
                             isrc.at[(st + 1) % 2], sem_i)
            pltpu.async_copy(dst_h.at[wid, st + 1],
                             idst.at[(st + 1) % 2], sem_i)

        @pl.when(c >= 2)
        def _drain():
            pltpu.make_async_copy(rows.at[0], acc_sh.at[idst.at[0, 0]],
                                  sem_s).wait()

        pltpu.make_async_copy(g_h.at[pl.ds(0, CHC)], rows.at[c % NB],
                              sem_g).wait()

        @pl.when(jnp.logical_and(cc == SI - 2, st + 1 < NST))
        def _wslab():
            pltpu.make_async_copy(src_h.at[0, 0], isrc.at[0], sem_i).wait()
            pltpu.make_async_copy(dst_h.at[0, 0], idst.at[0], sem_i).wait()

        @pl.when(c + 2 < NT)
        def _gnext():
            c2 = c + 2
            pltpu.async_copy(
                g_h.at[isrc.at[(c2 // SI) % 2, c2 % SI]],
                rows.at[c2 % NB], sem_g)

        pltpu.async_copy(rows.at[c % NB], acc_sh.at[idst.at[sb, cc]],
                         sem_s, add=True)
        return carry

    lax.fori_loop(0, NT, step, 0, unroll=2)
    for _ in range(2):
        pltpu.make_async_copy(rows.at[0], acc_sh.at[idst.at[0, 0]],
                              sem_s).wait()
    plsc.subcore_barrier()
    pltpu.sync_copy(acc_sh.at[pl.ds(sid * RPT, RPT)],
                    acc_h.at[cid, pl.ds(sid * RPT, RPT)])



@functools.partial(
    pl.kernel,
    out_type=jax.ShapeDtypeStruct((NP,), jnp.float32),
    mesh=_mesh,
    scratch_types=[
        pltpu.VMEM((NTE, CH), jnp.int32),
        pltpu.VMEM((NTE, CH), jnp.int32),
        pltpu.VMEM((NBE, CH), jnp.float32),
        pltpu.VMEM((RPT,), jnp.float32),
        pltpu.VMEM((RPE,), jnp.float32),
        pltpu.VMEM((RPE,), jnp.float32),
        pltpu.VMEM((RPE,), jnp.float32),
        pltpu.VMEM((16,), jnp.float32),
        pltpu.VMEM_SHARED((NP,), jnp.float32),
        pltpu.VMEM_SHARED((NP,), jnp.float32),
        pltpu.SemaphoreType.DMA,
        pltpu.SemaphoreType.DMA,
    ],
)
def _sc_agg1(src_h, dst_h, t_h, dinv_h, b2_h, out_h, isrc, idst, tv, zv,
             qv, dv, ov, bv, acc_sh, t_sp, sem_g, sem_s):
    cid = lax.axis_index("c")
    sid = lax.axis_index("s")
    for i in range(RPT // 16):
        zv[pl.ds(i * 16, 16)] = jnp.zeros((16,), jnp.float32)
    pltpu.sync_copy(zv, acc_sh.at[pl.ds(sid * RPT, RPT)])
    pltpu.sync_copy(t_h.at[pl.ds(sid * RPT, RPT)],
                    t_sp.at[pl.ds(sid * RPT, RPT)])
    plsc.subcore_barrier()
    pltpu.sync_copy(src_h.at[sid], isrc)
    pltpu.sync_copy(dst_h.at[sid], idst)
    pltpu.async_copy(t_sp.at[isrc.at[0]], tv.at[0], sem_g)
    pltpu.async_copy(t_sp.at[isrc.at[1]], tv.at[1], sem_g)

    def step(c, carry):
        @pl.when(c >= NBE - 2)
        def _drain():
            pltpu.make_async_copy(tv.at[0], acc_sh.at[idst.at[0]],
                                  sem_s).wait()

        pltpu.make_async_copy(t_h.at[pl.ds(0, CH)], tv.at[c % NBE],
                              sem_g).wait()

        @pl.when(c + 2 < NTE)
        def _gnext():
            pltpu.async_copy(t_sp.at[isrc.at[c + 2]], tv.at[(c + 2) % NBE],
                             sem_g)

        pltpu.async_copy(tv.at[c % NBE], acc_sh.at[idst.at[c]],
                         sem_s, add=True)
        return carry

    lax.fori_loop(0, NTE, step, 0, unroll=2)
    for _ in range(NBE - 2):
        pltpu.make_async_copy(tv.at[0], acc_sh.at[idst.at[0]], sem_s).wait()
    plsc.subcore_barrier()

    base = cid * (NP // NC) + sid * RPE
    pltpu.sync_copy(acc_sh.at[pl.ds(base, RPE)], qv)
    pltpu.sync_copy(t_sp.at[pl.ds(base, RPE)], zv.at[pl.ds(0, RPE)])
    pltpu.sync_copy(dinv_h.at[pl.ds(base, RPE)], dv)
    pltpu.sync_copy(b2_h, bv)
    b2 = bv[pl.ds(0, 16)]
    for i in range(RPE // 16):
        sl = pl.ds(i * 16, 16)
        ov[sl] = dv[sl] * (qv[sl] + zv[sl]) + b2
    pltpu.sync_copy(ov, out_h.at[pl.ds(base, RPE)])



BM = 640
GRID = NP // BM


def _tc_b_body(x_ref, w1_ref, c0_ref, c1_ref, g_ref, dinv_ref):
    cnt = c0_ref[...] + c1_ref[...]
    dinv = lax.rsqrt(cnt + 1.0)
    h = jnp.dot(x_ref[...], w1_ref[...], preferred_element_type=jnp.float32)
    g_ref[...] = h * dinv
    dinv_ref[...] = dinv


def _tc_b(xp, w1, c0, c1):
    return pl.pallas_call(
        _tc_b_body,
        grid=(GRID,),
        in_specs=[
            pl.BlockSpec((BM, D), lambda i: (i, 0)),
            pl.BlockSpec((D, D), lambda i: (0, 0)),
            pl.BlockSpec((BM, 1), lambda i: (i, 0)),
            pl.BlockSpec((BM, 1), lambda i: (i, 0)),
        ],
        out_specs=[
            pl.BlockSpec((BM, D), lambda i: (i, 0)),
            pl.BlockSpec((BM, 1), lambda i: (i, 0)),
        ],
        out_shape=[
            jax.ShapeDtypeStruct((NP, D), jnp.float32),
            jax.ShapeDtypeStruct((NP, 1), jnp.float32),
        ],
    )(xp, w1, c0, c1)


def _tc_d_body(a0_ref, a1_ref, g_ref, dinv_ref, b1_ref, w2_ref, t_ref):
    acc = a0_ref[...] + a1_ref[...] + g_ref[...]
    out1 = acc * dinv_ref[...] + b1_ref[...]
    h1 = jnp.maximum(out1, 0.0)
    s = jnp.dot(h1, w2_ref[...], preferred_element_type=jnp.float32)
    t_ref[...] = s * dinv_ref[...]


def _tc_d(a0, a1, g, dinv, b1r, w2):
    return pl.pallas_call(
        _tc_d_body,
        grid=(GRID,),
        in_specs=[
            pl.BlockSpec((BM, D), lambda i: (i, 0)),
            pl.BlockSpec((BM, D), lambda i: (i, 0)),
            pl.BlockSpec((BM, D), lambda i: (i, 0)),
            pl.BlockSpec((BM, 1), lambda i: (i, 0)),
            pl.BlockSpec((1, D), lambda i: (0, 0)),
            pl.BlockSpec((D, 1), lambda i: (0, 0)),
        ],
        out_specs=pl.BlockSpec((BM, 1), lambda i: (i, 0)),
        out_shape=jax.ShapeDtypeStruct((NP, 1), jnp.float32),
    )(a0, a1, g, dinv, b1r, w2)



def kernel(x, edge_index, edge_attr, W1, b1, W2, b2):
    ei = edge_index.astype(jnp.int32)
    pad = N + jnp.arange(EP - E, dtype=jnp.int32) % (NP - N)
    srcp = jnp.concatenate([ei[0], pad])
    dstp = jnp.concatenate([ei[1], pad])
    src_a = srcp.reshape(NW, NCHA, CH)
    dst_a = dstp.reshape(NW, NCHA, CH)
    src_c = srcp.reshape(NW, NST, SI, CHC)
    dst_c = dstp.reshape(NW, NST, SI, CHC)
    src_e = srcp.reshape(NS, NTE, CH)
    dst_e = dstp.reshape(NS, NTE, CH)
    xp = jnp.zeros((NP, D), jnp.float32).at[:N].set(x)

    cnt = _sc_count(dst_a)
    c0 = cnt[0].reshape(NP, 1)
    c1 = cnt[1].reshape(NP, 1)
    g, dinv = _tc_b(xp, W1, c0, c1)
    acc = _sc_agg(src_c, dst_c, g)
    t = _tc_d(acc[0], acc[1], g, dinv, b1.reshape(1, D), W2)
    out = _sc_agg1(src_e, dst_e, t.reshape(NP), dinv.reshape(NP),
                   jnp.broadcast_to(b2, (16,)))
    return out[:N].reshape(N, 1)

# --- scband reference (transcript-rebuilt; emitter-appended) ---
"""Pipeline reference for scband-safest-path-gnn-12189117186386 (READ-ONLY COPY).

The authoritative reference and input builder live on the scoring server;
editing this copy changes nothing except your own understanding.
"""

import jax, jax.numpy as jnp
import numpy as np

N_NODES = 10000
D_FEAT = 128
HIDDEN = 128
N_EDGES = 320000


def gcn_conv(x, edge_index, W, b, num_nodes):
    # PyG GCNConv: add self-loops, symmetric normalization D^{-1/2}(A+I)D^{-1/2} X W + b
    src = edge_index[0]
    dst = edge_index[1]
    loop = jnp.arange(num_nodes, dtype=edge_index.dtype)
    src = jnp.concatenate([src, loop])
    dst = jnp.concatenate([dst, loop])
    ones = jnp.ones(src.shape[0], dtype=x.dtype)
    deg = jnp.zeros(num_nodes, dtype=x.dtype).at[dst].add(ones)
    deg_inv_sqrt = jnp.where(deg > 0, 1.0 / jnp.sqrt(deg), 0.0)
    norm = deg_inv_sqrt[src] * deg_inv_sqrt[dst]
    h = x @ W
    msgs = h[src] * norm[:, None]
    out = jnp.zeros((num_nodes, W.shape[1]), dtype=x.dtype).at[dst].add(msgs)
    return out + b


def setup_inputs(seed: int = 0) -> dict:
    key = jax.random.key(seed)
    k1, k2, k3, k4, k5, k6, k7 = jax.random.split(key, 7)
    x = jax.random.normal(k1, (N_NODES, D_FEAT), dtype=jnp.float32)
    edge_index = jax.random.randint(k2, (2, N_EDGES), 0, N_NODES, dtype=jnp.int64)
    edge_attr = jax.random.normal(k3, (N_EDGES, 4), dtype=jnp.float32)
    # glorot-style init for GCN weights
    s1 = 1.0 / np.sqrt(D_FEAT)
    W1 = jax.random.uniform(k4, (D_FEAT, HIDDEN), minval=-s1, maxval=s1, dtype=jnp.float32)
    b1 = jnp.zeros((HIDDEN,), dtype=jnp.float32)
    s2 = 1.0 / np.sqrt(HIDDEN)
    W2 = jax.random.uniform(k5, (HIDDEN, 1), minval=-s2, maxval=s2, dtype=jnp.float32)
    b2 = jnp.zeros((1,), dtype=jnp.float32)
    return {"x": x, "edge_index": edge_index, "edge_attr": edge_attr,
            "W1": W1, "b1": b1, "W2": W2, "b2": b2}


def reference(x, edge_index, edge_attr, W1, b1, W2, b2):
    # edge_attr is accepted by the original forward but unused
    h = gcn_conv(x, edge_index, W1, b1, N_NODES)
    h = jax.nn.relu(h)
    out = gcn_conv(h, edge_index, W2, b2, N_NODES)
    return out

if __name__ == "__main__":
    import jax
    _d = setup_inputs()
    print(jax.jit(kernel)(*tuple(_d.values())))

</pallas_src>

<mosaic_0001>
#map = affine_map<(d0, d1) -> (0, 0, 0)>
#map1 = affine_map<(d0, d1) -> (0, 0)>
module attributes {stable_mosaic.version = 14 : i64} {
  func.func @_sc_count(%arg0: i32, %arg1: i32, %arg2: memref<32x80x128xi32, #tpu.memory_space<hbm>>, %arg3: memref<2x10240xf32, #tpu.memory_space<hbm>>, %arg4: memref<80x128xi32, #tpu.memory_space<vmem>>, %arg5: memref<128xf32, #tpu.memory_space<vmem>>, %arg6: memref<640xf32, #tpu.memory_space<vmem>>, %arg7: memref<10240xf32, #tpu.memory_space<vmem_shared>>, %arg8: memref<!tpu.dma_semaphore, #tpu.memory_space<semaphore_mem>>) attributes {dimension_semantics = [#tpu.dimension_semantics<core_parallel>, #tpu.dimension_semantics<subcore_parallel>], iteration_bounds = array<i64: 2, 16>, scalar_prefetch = 0 : i64, scratch_operands = 5 : i64, tpu.core_type = #tpu.core_type<sc_vector_subcore>, window_params = [{transform_indices = #map}, {transform_indices = #map1}]} {
    %mul3A = arith.constant 16 : i32
    %mul3A_0 = arith.muli %arg0, %mul3A : i32
    %add3A = arith.addi %mul3A_0, %arg1 : i32
    %broadcast_in_dim3A = arith.constant 1.000000e+00 : f32
    %broadcast_in_dim3A_1 = vector.broadcast %broadcast_in_dim3A : f32 to vector<16xf32>
    %swap3A = arith.constant 0 : index
    %swap3A_2 = tpu.vector_load %arg5[%swap3A] {strides = array<i32>} : memref<128xf32, #tpu.memory_space<vmem>>, vector<16xf32>,
    %swap3A_3 = vector.shape_cast %swap3A_2 : vector<16xf32> to vector<16xf32>
    %swap3A_4 = vector.shape_cast %broadcast_in_dim3A_1 : vector<16xf32> to vector<16xf32>
    tpu.vector_store %arg5[%swap3A], %swap3A_4 {strides = array<i32>} : memref<128xf32, #tpu.memory_space<vmem>>, vector<16xf32>,
    %broadcast_in_dim3A_5 = arith.constant 1.000000e+00 : f32
    %broadcast_in_dim3A_6 = vector.broadcast %broadcast_in_dim3A_5 : f32 to vector<16xf32>
    %swap3A_7 = arith.constant 16 : index
    %swap3A_8 = tpu.vector_load %arg5[%swap3A_7] {strides = array<i32>} : memref<128xf32, #tpu.memory_space<vmem>>, vector<16xf32>,
    %swap3A_9 = vector.shape_cast %swap3A_8 : vector<16xf32> to vector<16xf32>
    %swap3A_10 = vector.shape_cast %broadcast_in_dim3A_6 : vector<16xf32> to vector<16xf32>
    tpu.vector_store %arg5[%swap3A_7], %swap3A_10 {strides = array<i32>} : memref<128xf32, #tpu.memory_space<vmem>>, vector<16xf32>,
    %broadcast_in_dim3A_11 = arith.constant 1.000000e+00 : f32
    %broadcast_in_dim3A_12 = vector.broadcast %broadcast_in_dim3A_11 : f32 to vector<16xf32>
    %swap3A_13 = arith.constant 32 : index
    %swap3A_14 = tpu.vector_load %arg5[%swap3A_13] {strides = array<i32>} : memref<128xf32, #tpu.memory_space<vmem>>, vector<16xf32>,
    %swap3A_15 = vector.shape_cast %swap3A_14 : vector<16xf32> to vector<16xf32>
    %swap3A_16 = vector.shape_cast %broadcast_in_dim3A_12 : vector<16xf32> to vector<16xf32>
    tpu.vector_store %arg5[%swap3A_13], %swap3A_16 {strides = array<i32>} : memref<128xf32, #tpu.memory_space<vmem>>, vector<16xf32>,
    %broadcast_in_dim3A_17 = arith.constant 1.000000e+00 : f32
    %broadcast_in_dim3A_18 = vector.broadcast %broadcast_in_dim3A_17 : f32 to vector<16xf32>
    %swap3A_19 = arith.constant 48 : index
    %swap3A_20 = tpu.vector_load %arg5[%swap3A_19] {strides = array<i32>} : memref<128xf32, #tpu.memory_space<vmem>>, vector<16xf32>,
    %swap3A_21 = vector.shape_cast %swap3A_20 : vector<16xf32> to vector<16xf32>
    %swap3A_22 = vector.shape_cast %broadcast_in_dim3A_18 : vector<16xf32> to vector<16xf32>
    tpu.vector_store %arg5[%swap3A_19], %swap3A_22 {strides = array<i32>} : memref<128xf32, #tpu.memory_space<vmem>>, vector<16xf32>,
    %broadcast_in_dim3A_23 = arith.constant 1.000000e+00 : f32
    %broadcast_in_dim3A_24 = vector.broadcast %broadcast_in_dim3A_23 : f32 to vector<16xf32>
    %swap3A_25 = arith.constant 64 : index
    %swap3A_26 = tpu.vector_load %arg5[%swap3A_25] {strides = array<i32>} : memref<128xf32, #tpu.memory_space<vmem>>, vector<16xf32>,
    %swap3A_27 = vector.shape_cast %swap3A_26 : vector<16xf32> to vector<16xf32>
    %swap3A_28 = vector.shape_cast %broadcast_in_dim3A_24 : vector<16xf32> to vector<16xf32>
    tpu.vector_store %arg5[%swap3A_25], %swap3A_28 {strides = array<i32>} : memref<128xf32, #tpu.memory_space<vmem>>, vector<16xf32>,
    %broadcast_in_dim3A_29 = arith.constant 1.000000e+00 : f32
    %broadcast_in_dim3A_30 = vector.broadcast %broadcast_in_dim3A_29 : f32 to vector<16xf32>
    %swap3A_31 = arith.constant 80 : index
    %swap3A_32 = tpu.vector_load %arg5[%swap3A_31] {strides = array<i32>} : memref<128xf32, #tpu.memory_space<vmem>>, vector<16xf32>,
    %swap3A_33 = vector.shape_cast %swap3A_32 : vector<16xf32> to vector<16xf32>
    %swap3A_34 = vector.shape_cast %broadcast_in_dim3A_30 : vector<16xf32> to vector<16xf32>
    tpu.vector_store %arg5[%swap3A_31], %swap3A_34 {strides = array<i32>} : memref<128xf32, #tpu.memory_space<vmem>>, vector<16xf32>,
    %broadcast_in_dim3A_35 = arith.constant 1.000000e+00 : f32
    %broadcast_in_dim3A_36 = vector.broadcast %broadcast_in_dim3A_35 : f32 to vector<16xf32>
    %swap3A_37 = arith.constant 96 : index
    %swap3A_38 = tpu.vector_load %arg5[%swap3A_37] {strides = array<i32>} : memref<128xf32, #tpu.memory_space<vmem>>, vector<16xf32>,
    %swap3A_39 = vector.shape_cast %swap3A_38 : vector<16xf32> to vector<16xf32>
    %swap3A_40 = vector.shape_cast %broadcast_in_dim3A_36 : vector<16xf32> to vector<16xf32>
    tpu.vector_store %arg5[%swap3A_37], %swap3A_40 {strides = array<i32>} : memref<128xf32, #tpu.memory_space<vmem>>, vector<16xf32>,
    %broadcast_in_dim3A_41 = arith.constant 1.000000e+00 : f32
    %broadcast_in_dim3A_42 = vector.broadcast %broadcast_in_dim3A_41 : f32 to vector<16xf32>
    %swap3A_43 = arith.constant 112 : index
    %swap3A_44 = tpu.vector_load %arg5[%swap3A_43] {strides = array<i32>} : memref<128xf32, #tpu.memory_space<vmem>>, vector<16xf32>,
    %swap3A_45 = vector.shape_cast %swap3A_44 : vector<16xf32> to vector<16xf32>
    %swap3A_46 = vector.shape_cast %broadcast_in_dim3A_42 : vector<16xf32> to vector<16xf32>
    tpu.vector_store %arg5[%swap3A_43], %swap3A_46 {strides = array<i32>} : memref<128xf32, #tpu.memory_space<vmem>>, vector<16xf32>,
    %broadcast_in_dim3A_47 = arith.constant 0.000000e+00 : f32
    %broadcast_in_dim3A_48 = vector.broadcast %broadcast_in_dim3A_47 : f32 to vector<16xf32>
    %swap3A_49 = arith.constant 0 : index
    %swap3A_50 = tpu.vector_load %arg6[%swap3A_49] {strides = array<i32>} : memref<640xf32, #tpu.memory_space<vmem>>, vector<16xf32>,
    %swap3A_51 = vector.shape_cast %swap3A_50 : vector<16xf32> to vector<16xf32>
    %swap3A_52 = vector.shape_cast %broadcast_in_dim3A_48 : vector<16xf32> to vector<16xf32>
    tpu.vector_store %arg6[%swap3A_49], %swap3A_52 {strides = array<i32>} : memref<640xf32, #tpu.memory_space<vmem>>, vector<16xf32>,
    %broadcast_in_dim3A_53 = arith.constant 0.000000e+00 : f32
    %broadcast_in_dim3A_54 = vector.broadcast %broadcast_in_dim3A_53 : f32 to vector<16xf32>
    %swap3A_55 = arith.constant 16 : index
    %swap3A_56 = tpu.vector_load %arg6[%swap3A_55] {strides = array<i32>} : memref<640xf32, #tpu.memory_space<vmem>>, vector<16xf32>,
    %swap3A_57 = vector.shape_cast %swap3A_56 : vector<16xf32> to vector<16xf32>
    %swap3A_58 = vector.shape_cast %broadcast_in_dim3A_54 : vector<16xf32> to vector<16xf32>
    tpu.vector_store %arg6[%swap3A_55], %swap3A_58 {strides = array<i32>} : memref<640xf32, #tpu.memory_space<vmem>>, vector<16xf32>,
    %broadcast_in_dim3A_59 = arith.constant 0.000000e+00 : f32
    %broadcast_in_dim3A_60 = vector.broadcast %broadcast_in_dim3A_59 : f32 to vector<16xf32>
    %swap3A_61 = arith.constant 32 : index
    %swap3A_62 = tpu.vector_load %arg6[%swap3A_61] {strides = array<i32>} : memref<640xf32, #tpu.memory_space<vmem>>, vector<16xf32>,
    %swap3A_63 = vector.shape_cast %swap3A_62 : vector<16xf32> to vector<16xf32>
    %swap3A_64 = vector.shape_cast %broadcast_in_dim3A_60 : vector<16xf32> to vector<16xf32>
    tpu.vector_store %arg6[%swap3A_61], %swap3A_64 {strides = array<i32>} : memref<640xf32, #tpu.memory_space<vmem>>, vector<16xf32>,
    %broadcast_in_dim3A_65 = arith.constant 0.000000e+00 : f32
    %broadcast_in_dim3A_66 = vector.broadcast %broadcast_in_dim3A_65 : f32 to vector<16xf32>
    %swap3A_67 = arith.constant 48 : index
    %swap3A_68 = tpu.vector_load %arg6[%swap3A_67] {strides = array<i32>} : memref<640xf32, #tpu.memory_space<vmem>>, vector<16xf32>,
    %swap3A_69 = vector.shape_cast %swap3A_68 : vector<16xf32> to vector<16xf32>
    %swap3A_70 = vector.shape_cast %broadcast_in_dim3A_66 : vector<16xf32> to vector<16xf32>
    tpu.vector_store %arg6[%swap3A_67], %swap3A_70 {strides = array<i32>} : memref<640xf32, #tpu.memory_space<vmem>>, vector<16xf32>,
    %broadcast_in_dim3A_71 = arith.constant 0.000000e+00 : f32
    %broadcast_in_dim3A_72 = vector.broadcast %broadcast_in_dim3A_71 : f32 to vector<16xf32>
    %swap3A_73 = arith.constant 64 : index
    %swap3A_74 = tpu.vector_load %arg6[%swap3A_73] {strides = array<i32>} : memref<640xf32, #tpu.memory_space<vmem>>, vector<16xf32>,
    %swap3A_75 = vector.shape_cast %swap3A_74 : vector<16xf32> to vector<16xf32>
    %swap3A_76 = vector.shape_cast %broadcast_in_dim3A_72 : vector<16xf32> to vector<16xf32>
    tpu.vector_store %arg6[%swap3A_73], %swap3A_76 {strides = array<i32>} : memref<640xf32, #tpu.memory_space<vmem>>, vector<16xf32>,
    %broadcast_in_dim3A_77 = arith.constant 0.000000e+00 : f32
    %broadcast_in_dim3A_78 = vector.broadcast %broadcast_in_dim3A_77 : f32 to vector<16xf32>
    %swap3A_79 = arith.constant 80 : index
    %swap3A_80 = tpu.vector_load %arg6[%swap3A_79] {strides = array<i32>} : memref<640xf32, #tpu.memory_space<vmem>>, vector<16xf32>,
    %swap3A_81 = vector.shape_cast %swap3A_80 : vector<16xf32> to vector<16xf32>
    %swap3A_82 = vector.shape_cast %broadcast_in_dim3A_78 : vector<16xf32> to vector<16xf32>
    tpu.vector_store %arg6[%swap3A_79], %swap3A_82 {strides = array<i32>} : memref<640xf32, #tpu.memory_space<vmem>>, vector<16xf32>,
    %broadcast_in_dim3A_83 = arith.constant 0.000000e+00 : f32
    %broadcast_in_dim3A_84 = vector.broadcast %broadcast_in_dim3A_83 : f32 to vector<16xf32>
    %swap3A_85 = arith.constant 96 : index
    %swap3A_86 = tpu.vector_load %arg6[%swap3A_85] {strides = array<i32>} : memref<640xf32, #tpu.memory_space<vmem>>, vector<16xf32>,
    %swap3A_87 = vector.shape_cast %swap3A_86 : vector<16xf32> to vector<16xf32>
    %swap3A_88 = vector.shape_cast %broadcast_in_dim3A_84 : vector<16xf32> to vector<16xf32>
    tpu.vector_store %arg6[%swap3A_85], %swap3A_88 {strides = array<i32>} : memref<640xf32, #tpu.memory_space<vmem>>, vector<16xf32>,
    %broadcast_in_dim3A_89 = arith.constant 0.000000e+00 : f32
    %broadcast_in_dim3A_90 = vector.broadcast %broadcast_in_dim3A_89 : f32 to vector<16xf32>
    %swap3A_91 = arith.constant 112 : index
    %swap3A_92 = tpu.vector_load %arg6[%swap3A_91] {strides = array<i32>} : memref<640xf32, #tpu.memory_space<vmem>>, vector<16xf32>,
    %swap3A_93 = vector.shape_cast %swap3A_92 : vector<16xf32> to vector<16xf32>
    %swap3A_94 = vector.shape_cast %broadcast_in_dim3A_90 : vector<16xf32> to vector<16xf32>
    tpu.vector_store %arg6[%swap3A_91], %swap3A_94 {strides = array<i32>} : memref<640xf32, #tpu.memory_space<vmem>>, vector<16xf32>,
    %broadcast_in_dim3A_95 = arith.constant 0.000000e+00 : f32
    %broadcast_in_dim3A_96 = vector.broadcast %broadcast_in_dim3A_95 : f32 to vector<16xf32>
    %swap3A_97 = arith.constant 128 : index
    %swap3A_98 = tpu.vector_load %arg6[%swap3A_97] {strides = array<i32>} : memref<640xf32, #tpu.memory_space<vmem>>, vector<16xf32>,
    %swap3A_99 = vector.shape_cast %swap3A_98 : vector<16xf32> to vector<16xf32>
    %swap3A_100 = vector.shape_cast %broadcast_in_dim3A_96 : vector<16xf32> to vector<16xf32>
    tpu.vector_store %arg6[%swap3A_97], %swap3A_100 {strides = array<i32>} : memref<640xf32, #tpu.memory_space<vmem>>, vector<16xf32>,
    %broadcast_in_dim3A_101 = arith.constant 0.000000e+00 : f32
    %broadcast_in_dim3A_102 = vector.broadcast %broadcast_in_dim3A_101 : f32 to vector<16xf32>
    %swap3A_103 = arith.constant 144 : index
    %swap3A_104 = tpu.vector_load %arg6[%swap3A_103] {strides = array<i32>} : memref<640xf32, #tpu.memory_space<vmem>>, vector<16xf32>,
    %swap3A_105 = vector.shape_cast %swap3A_104 : vector<16xf32> to vector<16xf32>
    %swap3A_106 = vector.shape_cast %broadcast_in_dim3A_102 : vector<16xf32> to vector<16xf32>
    tpu.vector_store %arg6[%swap3A_103], %swap3A_106 {strides = array<i32>} : memref<640xf32, #tpu.memory_space<vmem>>, vector<16xf32>,
    %broadcast_in_dim3A_107 = arith.constant 0.000000e+00 : f32
    %broadcast_in_dim3A_108 = vector.broadcast %broadcast_in_dim3A_107 : f32 to vector<16xf32>
    %swap3A_109 = arith.constant 160 : index
    %swap3A_110 = tpu.vector_load %arg6[%swap3A_109] {strides = array<i32>} : memref<640xf32, #tpu.memory_space<vmem>>, vector<16xf32>,
    %swap3A_111 = vector.shape_cast %swap3A_110 : vector<16xf32> to vector<16xf32>
    %swap3A_112 = vector.shape_cast %broadcast_in_dim3A_108 : vector<16xf32> to vector<16xf32>
    tpu.vector_store %arg6[%swap3A_109], %swap3A_112 {strides = array<i32>} : memref<640xf32, #tpu.memory_space<vmem>>, vector<16xf32>,
    %broadcast_in_dim3A_113 = arith.constant 0.000000e+00 : f32
    %broadcast_in_dim3A_114 = vector.broadcast %broadcast_in_dim3A_113 : f32 to vector<16xf32>
    %swap3A_115 = arith.constant 176 : index
    %swap3A_116 = tpu.vector_load %arg6[%swap3A_115] {strides = array<i32>} : memref<640xf32, #tpu.memory_space<vmem>>, vector<16xf32>,
    %swap3A_117 = vector.shape_cast %swap3A_116 : vector<16xf32> to vector<16xf32>
    %swap3A_118 = vector.shape_cast %broadcast_in_dim3A_114 : vector<16xf32> to vector<16xf32>
    tpu.vector_store %arg6[%swap3A_115], %swap3A_118 {strides = array<i32>} : memref<640xf32, #tpu.memory_space<vmem>>, vector<16xf32>,
    %broadcast_in_dim3A_119 = arith.constant 0.000000e+00 : f32
    %broadcast_in_dim3A_120 = vector.broadcast %broadcast_in_dim3A_119 : f32 to vector<16xf32>
    %swap3A_121 = arith.constant 192 : index
    %swap3A_122 = tpu.vector_load %arg6[%swap3A_121] {strides = array<i32>} : memref<640xf32, #tpu.memory_space<vmem>>, vector<16xf32>,
    %swap3A_123 = vector.shape_cast %swap3A_122 : vector<16xf32> to vector<16xf32>
    %swap3A_124 = vector.shape_cast %broadcast_in_dim3A_120 : vector<16xf32> to vector<16xf32>
    tpu.vector_store %arg6[%swap3A_121], %swap3A_124 {strides = array<i32>} : memref<640xf32, #tpu.memory_space<vmem>>, vector<16xf32>,
    %broadcast_in_dim3A_125 = arith.constant 0.000000e+00 : f32
    %broadcast_in_dim3A_126 = vector.broadcast %broadcast_in_dim3A_125 : f32 to vector<16xf32>
    %swap3A_127 = arith.constant 208 : index
    %swap3A_128 = tpu.vector_load %arg6[%swap3A_127] {strides = array<i32>} : memref<640xf32, #tpu.memory_space<vmem>>, vector<16xf32>,
    %swap3A_129 = vector.shape_cast %swap3A_128 : vector<16xf32> to vector<16xf32>
    %swap3A_130 = vector.shape_cast %broadcast_in_dim3A_126 : vector<16xf32> to vector<16xf32>
    tpu.vector_store %arg6[%swap3A_127], %swap3A_130 {strides = array<i32>} : memref<640xf32, #tpu.memory_space<vmem>>, vector<16xf32>,
    %broadcast_in_dim3A_131 = arith.constant 0.000000e+00 : f32
    %broadcast_in_dim3A_132 = vector.broadcast %broadcast_in_dim3A_131 : f32 to vector<16xf32>
    %swap3A_133 = arith.constant 224 : index
    %swap3A_134 = tpu.vector_load %arg6[%swap3A_133] {strides = array<i32>} : memref<640xf32, #tpu.memory_space<vmem>>, vector<16xf32>,
    %swap3A_135 = vector.shape_cast %swap3A_134 : vector<16xf32> to vector<16xf32>
    %swap3A_136 = vector.shape_cast %broadcast_in_dim3A_132 : vector<16xf32> to vector<16xf32>
    tpu.vector_store %arg6[%swap3A_133], %swap3A_136 {strides = array<i32>} : memref<640xf32, #tpu.memory_space<vmem>>, vector<16xf32>,
    %broadcast_in_dim3A_137 = arith.constant 0.000000e+00 : f32
    %broadcast_in_dim3A_138 = vector.broadcast %broadcast_in_dim3A_137 : f32 to vector<16xf32>
    %swap3A_139 = arith.constant 240 : index
    %swap3A_140 = tpu.vector_load %arg6[%swap3A_139] {strides = array<i32>} : memref<640xf32, #tpu.memory_space<vmem>>, vector<16xf32>,
    %swap3A_141 = vector.shape_cast %swap3A_140 : vector<16xf32> to vector<16xf32>
    %swap3A_142 = vector.shape_cast %broadcast_in_dim3A_138 : vector<16xf32> to vector<16xf32>
    tpu.vector_store %arg6[%swap3A_139], %swap3A_142 {strides = array<i32>} : memref<640xf32, #tpu.memory_space<vmem>>, vector<16xf32>,
    %broadcast_in_dim3A_143 = arith.constant 0.000000e+00 : f32
    %broadcast_in_dim3A_144 = vector.broadcast %broadcast_in_dim3A_143 : f32 to vector<16xf32>
    %swap3A_145 = arith.constant 256 : index
    %swap3A_146 = tpu.vector_load %arg6[%swap3A_145] {strides = array<i32>} : memref<640xf32, #tpu.memory_space<vmem>>, vector<16xf32>,
    %swap3A_147 = vector.shape_cast %swap3A_146 : vector<16xf32> to vector<16xf32>
    %swap3A_148 = vector.shape_cast %broadcast_in_dim3A_144 : vector<16xf32> to vector<16xf32>
    tpu.vector_store %arg6[%swap3A_145], %swap3A_148 {strides = array<i32>} : memref<640xf32, #tpu.memory_space<vmem>>, vector<16xf32>,
    %broadcast_in_dim3A_149 = arith.constant 0.000000e+00 : f32
    %broadcast_in_dim3A_150 = vector.broadcast %broadcast_in_dim3A_149 : f32 to vector<16xf32>
    %swap3A_151 = arith.constant 272 : index
    %swap3A_152 = tpu.vector_load %arg6[%swap3A_151] {strides = array<i32>} : memref<640xf32, #tpu.memory_space<vmem>>, vector<16xf32>,
    %swap3A_153 = vector.shape_cast %swap3A_152 : vector<16xf32> to vector<16xf32>
    %swap3A_154 = vector.shape_cast %broadcast_in_dim3A_150 : vector<16xf32> to vector<16xf32>
    tpu.vector_store %arg6[%swap3A_151], %swap3A_154 {strides = array<i32>} : memref<640xf32, #tpu.memory_space<vmem>>, vector<16xf32>,
    %broadcast_in_dim3A_155 = arith.constant 0.000000e+00 : f32
    %broadcast_in_dim3A_156 = vector.broadcast %broadcast_in_dim3A_155 : f32 to vector<16xf32>
    %swap3A_157 = arith.constant 288 : index
    %swap3A_158 = tpu.vector_load %arg6[%swap3A_157] {strides = array<i32>} : memref<640xf32, #tpu.memory_space<vmem>>, vector<16xf32>,
    %swap3A_159 = vector.shape_cast %swap3A_158 : vector<16xf32> to vector<16xf32>
    %swap3A_160 = vector.shape_cast %broadcast_in_dim3A_156 : vector<16xf32> to vector<16xf32>
    tpu.vector_store %arg6[%swap3A_157], %swap3A_160 {strides = array<i32>} : memref<640xf32, #tpu.memory_space<vmem>>, vector<16xf32>,
    %broadcast_in_dim3A_161 = arith.constant 0.000000e+00 : f32
    %broadcast_in_dim3A_162 = vector.broadcast %broadcast_in_dim3A_161 : f32 to vector<16xf32>
    %swap3A_163 = arith.constant 304 : index
    %swap3A_164 = tpu.vector_load %arg6[%swap3A_163] {strides = array<i32>} : memref<640xf32, #tpu.memory_space<vmem>>, vector<16xf32>,
    %swap3A_165 = vector.shape_cast %swap3A_164 : vector<16xf32> to vector<16xf32>
    %swap3A_166 = vector.shape_cast %broadcast_in_dim3A_162 : vector<16xf32> to vector<16xf32>
    tpu.vector_store %arg6[%swap3A_163], %swap3A_166 {strides = array<i32>} : memref<640xf32, #tpu.memory_space<vmem>>, vector<16xf32>,
    %broadcast_in_dim3A_167 = arith.constant 0.000000e+00 : f32
    %broadcast_in_dim3A_168 = vector.broadcast %broadcast_in_dim3A_167 : f32 to vector<16xf32>
    %swap3A_169 = arith.constant 320 : index
    %swap3A_170 = tpu.vector_load %arg6[%swap3A_169] {strides = array<i32>} : memref<640xf32, #tpu.memory_space<vmem>>, vector<16xf32>,
    %swap3A_171 = vector.shape_cast %swap3A_170 : vector<16xf32> to vector<16xf32>
    %swap3A_172 = vector.shape_cast %broadcast_in_dim3A_168 : vector<16xf32> to vector<16xf32>
    tpu.vector_store %arg6[%swap3A_169], %swap3A_172 {strides = array<i32>} : memref<640xf32, #tpu.memory_space<vmem>>, vector<16xf32>,
    %broadcast_in_dim3A_173 = arith.constant 0.000000e+00 : f32
    %broadcast_in_dim3A_174 = vector.broadcast %broadcast_in_dim3A_173 : f32 to vector<16xf32>
    %swap3A_175 = arith.constant 336 : index
    %swap3A_176 = tpu.vector_load %arg6[%swap3A_175] {strides = array<i32>} : memref<640xf32, #tpu.memory_space<vmem>>, vector<16xf32>,
    %swap3A_177 = vector.shape_cast %swap3A_176 : vector<16xf32> to vector<16xf32>
    %swap3A_178 = vector.shape_cast %broadcast_in_dim3A_174 : vector<16xf32> to vector<16xf32>
    tpu.vector_store %arg6[%swap3A_175], %swap3A_178 {strides = array<i32>} : memref<640xf32, #tpu.memory_space<vmem>>, vector<16xf32>,
    %broadcast_in_dim3A_179 = arith.constant 0.000000e+00 : f32
    %broadcast_in_dim3A_180 = vector.broadcast %broadcast_in_dim3A_179 : f32 to vector<16xf32>
    %swap3A_181 = arith.constant 352 : index
    %swap3A_182 = tpu.vector_load %arg6[%swap3A_181] {strides = array<i32>} : memref<640xf32, #tpu.memory_space<vmem>>, vector<16xf32>,
    %swap3A_183 = vector.shape_cast %swap3A_182 : vector<16xf32> to vector<16xf32>
    %swap3A_184 = vector.shape_cast %broadcast_in_dim3A_180 : vector<16xf32> to vector<16xf32>
    tpu.vector_store %arg6[%swap3A_181], %swap3A_184 {strides = array<i32>} : memref<640xf32, #tpu.memory_space<vmem>>, vector<16xf32>,
    %broadcast_in_dim3A_185 = arith.constant 0.000000e+00 : f32
    %broadcast_in_dim3A_186 = vector.broadcast %broadcast_in_dim3A_185 : f32 to vector<16xf32>
    %swap3A_187 = arith.constant 368 : index
    %swap3A_188 = tpu.vector_load %arg6[%swap3A_187] {strides = array<i32>} : memref<640xf32, #tpu.memory_space<vmem>>, vector<16xf32>,
    %swap3A_189 = vector.shape_cast %swap3A_188 : vector<16xf32> to vector<16xf32>
    %swap3A_190 = vector.shape_cast %broadcast_in_dim3A_186 : vector<16xf32> to vector<16xf32>
    tpu.vector_store %arg6[%swap3A_187], %swap3A_190 {strides = array<i32>} : memref<640xf32, #tpu.memory_space<vmem>>, vector<16xf32>,
    %broadcast_in_dim3A_191 = arith.constant 0.000000e+00 : f32
    %broadcast_in_dim3A_192 = vector.broadcast %broadcast_in_dim3A_191 : f32 to vector<16xf32>
    %swap3A_193 = arith.constant 384 : index
    %swap3A_194 = tpu.vector_load %arg6[%swap3A_193] {strides = array<i32>} : memref<640xf32, #tpu.memory_space<vmem>>, vector<16xf32>,
    %swap3A_195 = vector.shape_cast %swap3A_194 : vector<16xf32> to vector<16xf32>
    %swap3A_196 = vector.shape_cast %broadcast_in_dim3A_192 : vector<16xf32> to vector<16xf32>
    tpu.vector_store %arg6[%swap3A_193], %swap3A_196 {strides = array<i32>} : memref<640xf32, #tpu.memory_space<vmem>>, vector<16xf32>,
    %broadcast_in_dim3A_197 = arith.constant 0.000000e+00 : f32
    %broadcast_in_dim3A_198 = vector.broadcast %broadcast_in_dim3A_197 : f32 to vector<16xf32>
    %swap3A_199 = arith.constant 400 : index
    %swap3A_200 = tpu.vector_load %arg6[%swap3A_199] {strides = array<i32>} : memref<640xf32, #tpu.memory_space<vmem>>, vector<16xf32>,
    %swap3A_201 = vector.shape_cast %swap3A_200 : vector<16xf32> to vector<16xf32>
    %swap3A_202 = vector.shape_cast %broadcast_in_dim3A_198 : vector<16xf32> to vector<16xf32>
    tpu.vector_store %arg6[%swap3A_199], %swap3A_202 {strides = array<i32>} : memref<640xf32, #tpu.memory_space<vmem>>, vector<16xf32>,
    %broadcast_in_dim3A_203 = arith.constant 0.000000e+00 : f32
    %broadcast_in_dim3A_204 = vector.broadcast %broadcast_in_dim3A_203 : f32 to vector<16xf32>
    %swap3A_205 = arith.constant 416 : index
    %swap3A_206 = tpu.vector_load %arg6[%swap3A_205] {strides = array<i32>} : memref<640xf32, #tpu.memory_space<vmem>>, vector<16xf32>,
    %swap3A_207 = vector.shape_cast %swap3A_206 : vector<16xf32> to vector<16xf32>
    %swap3A_208 = vector.shape_cast %broadcast_in_dim3A_204 : vector<16xf32> to vector<16xf32>
    tpu.vector_store %arg6[%swap3A_205], %swap3A_208 {strides = array<i32>} : memref<640xf32, #tpu.memory_space<vmem>>, vector<16xf32>,
    %broadcast_in_dim3A_209 = arith.constant 0.000000e+00 : f32
    %broadcast_in_dim3A_210 = vector.broadcast %broadcast_in_dim3A_209 : f32 to vector<16xf32>
    %swap3A_211 = arith.constant 432 : index
    %swap3A_212 = tpu.vector_load %arg6[%swap3A_211] {strides = array<i32>} : memref<640xf32, #tpu.memory_space<vmem>>, vector<16xf32>,
    %swap3A_213 = vector.shape_cast %swap3A_212 : vector<16xf32> to vector<16xf32>
    %swap3A_214 = vector.shape_cast %broadcast_in_dim3A_210 : vector<16xf32> to vector<16xf32>
    tpu.vector_store %arg6[%swap3A_211], %swap3A_214 {strides = array<i32>} : memref<640xf32, #tpu.memory_space<vmem>>, vector<16xf32>,
    %broadcast_in_dim3A_215 = arith.constant 0.000000e+00 : f32
    %broadcast_in_dim3A_216 = vector.broadcast %broadcast_in_dim3A_215 : f32 to vector<16xf32>
    %swap3A_217 = arith.constant 448 : index
    %swap3A_218 = tpu.vector_load %arg6[%swap3A_217] {strides = array<i32>} : memref<640xf32, #tpu.memory_space<vmem>>, vector<16xf32>,
    %swap3A_219 = vector.shape_cast %swap3A_218 : vector<16xf32> to vector<16xf32>
    %swap3A_220 = vector.shape_cast %broadcast_in_dim3A_216 : vector<16xf32> to vector<16xf32>
    tpu.vector_store %arg6[%swap3A_217], %swap3A_220 {strides = array<i32>} : memref<640xf32, #tpu.memory_space<vmem>>, vector<16xf32>,
    %broadcast_in_dim3A_221 = arith.constant 0.000000e+00 : f32
    %broadcast_in_dim3A_222 = vector.broadcast %broadcast_in_dim3A_221 : f32 to vector<16xf32>
    %swap3A_223 = arith.constant 464 : index
    %swap3A_224 = tpu.vector_load %arg6[%swap3A_223] {strides = array<i32>} : memref<640xf32, #tpu.memory_space<vmem>>, vector<16xf32>,
    %swap3A_225 = vector.shape_cast %swap3A_224 : vector<16xf32> to vector<16xf32>
    %swap3A_226 = vector.shape_cast %broadcast_in_dim3A_222 : vector<16xf32> to vector<16xf32>
    tpu.vector_store %arg6[%swap3A_223], %swap3A_226 {strides = array<i32>} : memref<640xf32, #tpu.memory_space<vmem>>, vector<16xf32>,
    %broadcast_in_dim3A_227 = arith.constant 0.000000e+00 : f32
    %broadcast_in_dim3A_228 = vector.broadcast %broadcast_in_dim3A_227 : f32 to vector<16xf32>
    %swap3A_229 = arith.constant 480 : index
    %swap3A_230 = tpu.vector_load %arg6[%swap3A_229] {strides = array<i32>} : memref<640xf32, #tpu.memory_space<vmem>>, vector<16xf32>,
    %swap3A_231 = vector.shape_cast %swap3A_230 : vector<16xf32> to vector<16xf32>
    %swap3A_232 = vector.shape_cast %broadcast_in_dim3A_228 : vector<16xf32> to vector<16xf32>
    tpu.vector_store %arg6[%swap3A_229], %swap3A_232 {strides = array<i32>} : memref<640xf32, #tpu.memory_space<vmem>>, vector<16xf32>,
    %broadcast_in_dim3A_233 = arith.constant 0.000000e+00 : f32
    %broadcast_in_dim3A_234 = vector.broadcast %broadcast_in_dim3A_233 : f32 to vector<16xf32>
    %swap3A_235 = arith.constant 496 : index
    %swap3A_236 = tpu.vector_load %arg6[%swap3A_235] {strides = array<i32>} : memref<640xf32, #tpu.memory_space<vmem>>, vector<16xf32>,
    %swap3A_237 = vector.shape_cast %swap3A_236 : vector<16xf32> to vector<16xf32>
    %swap3A_238 = vector.shape_cast %broadcast_in_dim3A_234 : vector<16xf32> to vector<16xf32>
    tpu.vector_store %arg6[%swap3A_235], %swap3A_238 {strides = array<i32>} : memref<640xf32, #tpu.memory_space<vmem>>, vector<16xf32>,
    %broadcast_in_dim3A_239 = arith.constant 0.000000e+00 : f32
    %broadcast_in_dim3A_240 = vector.broadcast %broadcast_in_dim3A_239 : f32 to vector<16xf32>
    %swap3A_241 = arith.constant 512 : index
    %swap3A_242 = tpu.vector_load %arg6[%swap3A_241] {strides = array<i32>} : memref<640xf32, #tpu.memory_space<vmem>>, vector<16xf32>,
    %swap3A_243 = vector.shape_cast %swap3A_242 : vector<16xf32> to vector<16xf32>
    %swap3A_244 = vector.shape_cast %broadcast_in_dim3A_240 : vector<16xf32> to vector<16xf32>
    tpu.vector_store %arg6[%swap3A_241], %swap3A_244 {strides = array<i32>} : memref<640xf32, #tpu.memory_space<vmem>>, vector<16xf32>,
    %broadcast_in_dim3A_245 = arith.constant 0.000000e+00 : f32
    %broadcast_in_dim3A_246 = vector.broadcast %broadcast_in_dim3A_245 : f32 to vector<16xf32>
    %swap3A_247 = arith.constant 528 : index
    %swap3A_248 = tpu.vector_load %arg6[%swap3A_247] {strides = array<i32>} : memref<640xf32, #tpu.memory_space<vmem>>, vector<16xf32>,
    %swap3A_249 = vector.shape_cast %swap3A_248 : vector<16xf32> to vector<16xf32>
    %swap3A_250 = vector.shape_cast %broadcast_in_dim3A_246 : vector<16xf32> to vector<16xf32>
    tpu.vector_store %arg6[%swap3A_247], %swap3A_250 {strides = array<i32>} : memref<640xf32, #tpu.memory_space<vmem>>, vector<16xf32>,
    %broadcast_in_dim3A_251 = arith.constant 0.000000e+00 : f32
    %broadcast_in_dim3A_252 = vector.broadcast %broadcast_in_dim3A_251 : f32 to vector<16xf32>
    %swap3A_253 = arith.constant 544 : index
    %swap3A_254 = tpu.vector_load %arg6[%swap3A_253] {strides = array<i32>} : memref<640xf32, #tpu.memory_space<vmem>>, vector<16xf32>,
    %swap3A_255 = vector.shape_cast %swap3A_254 : vector<16xf32> to vector<16xf32>
    %swap3A_256 = vector.shape_cast %broadcast_in_dim3A_252 : vector<16xf32> to vector<16xf32>
    tpu.vector_store %arg6[%swap3A_253], %swap3A_256 {strides = array<i32>} : memref<640xf32, #tpu.memory_space<vmem>>, vector<16xf32>,
    %broadcast_in_dim3A_257 = arith.constant 0.000000e+00 : f32
    %broadcast_in_dim3A_258 = vector.broadcast %broadcast_in_dim3A_257 : f32 to vector<16xf32>
    %swap3A_259 = arith.constant 560 : index
    %swap3A_260 = tpu.vector_load %arg6[%swap3A_259] {strides = array<i32>} : memref<640xf32, #tpu.memory_space<vmem>>, vector<16xf32>,
    %swap3A_261 = vector.shape_cast %swap3A_260 : vector<16xf32> to vector<16xf32>
    %swap3A_262 = vector.shape_cast %broadcast_in_dim3A_258 : vector<16xf32> to vector<16xf32>
    tpu.vector_store %arg6[%swap3A_259], %swap3A_262 {strides = array<i32>} : memref<640xf32, #tpu.memory_space<vmem>>, vector<16xf32>,
    %broadcast_in_dim3A_263 = arith.constant 0.000000e+00 : f32
    %broadcast_in_dim3A_264 = vector.broadcast %broadcast_in_dim3A_263 : f32 to vector<16xf32>
    %swap3A_265 = arith.constant 576 : index
    %swap3A_266 = tpu.vector_load %arg6[%swap3A_265] {strides = array<i32>} : memref<640xf32, #tpu.memory_space<vmem>>, vector<16xf32>,
    %swap3A_267 = vector.shape_cast %swap3A_266 : vector<16xf32> to vector<16xf32>
    %swap3A_268 = vector.shape_cast %broadcast_in_dim3A_264 : vector<16xf32> to vector<16xf32>
    tpu.vector_store %arg6[%swap3A_265], %swap3A_268 {strides = array<i32>} : memref<640xf32, #tpu.memory_space<vmem>>, vector<16xf32>,
    %broadcast_in_dim3A_269 = arith.constant 0.000000e+00 : f32
    %broadcast_in_dim3A_270 = vector.broadcast %broadcast_in_dim3A_269 : f32 to vector<16xf32>
    %swap3A_271 = arith.constant 592 : index
    %swap3A_272 = tpu.vector_load %arg6[%swap3A_271] {strides = array<i32>} : memref<640xf32, #tpu.memory_space<vmem>>, vector<16xf32>,
    %swap3A_273 = vector.shape_cast %swap3A_272 : vector<16xf32> to vector<16xf32>
    %swap3A_274 = vector.shape_cast %broadcast_in_dim3A_270 : vector<16xf32> to vector<16xf32>
    tpu.vector_store %arg6[%swap3A_271], %swap3A_274 {strides = array<i32>} : memref<640xf32, #tpu.memory_space<vmem>>, vector<16xf32>,
    %broadcast_in_dim3A_275 = arith.constant 0.000000e+00 : f32
    %broadcast_in_dim3A_276 = vector.broadcast %broadcast_in_dim3A_275 : f32 to vector<16xf32>
    %swap3A_277 = arith.constant 608 : index
    %swap3A_278 = tpu.vector_load %arg6[%swap3A_277] {strides = array<i32>} : memref<640xf32, #tpu.memory_space<vmem>>, vector<16xf32>,
    %swap3A_279 = vector.shape_cast %swap3A_278 : vector<16xf32> to vector<16xf32>
    %swap3A_280 = vector.shape_cast %broadcast_in_dim3A_276 : vector<16xf32> to vector<16xf32>
    tpu.vector_store %arg6[%swap3A_277], %swap3A_280 {strides = array<i32>} : memref<640xf32, #tpu.memory_space<vmem>>, vector<16xf32>,
    %broadcast_in_dim3A_281 = arith.constant 0.000000e+00 : f32
    %broadcast_in_dim3A_282 = vector.broadcast %broadcast_in_dim3A_281 : f32 to vector<16xf32>
    %swap3A_283 = arith.constant 624 : index
    %swap3A_284 = tpu.vector_load %arg6[%swap3A_283] {strides = array<i32>} : memref<640xf32, #tpu.memory_space<vmem>>, vector<16xf32>,
    %swap3A_285 = vector.shape_cast %swap3A_284 : vector<16xf32> to vector<16xf32>
    %swap3A_286 = vector.shape_cast %broadcast_in_dim3A_282 : vector<16xf32> to vector<16xf32>
    tpu.vector_store %arg6[%swap3A_283], %swap3A_286 {strides = array<i32>} : memref<640xf32, #tpu.memory_space<vmem>>, vector<16xf32>,
    %mul3A_287 = arith.constant 640 : i32
    %mul3A_288 = arith.muli %arg1, %mul3A_287 : i32
    "tpu.region"() ({
      %run_scoped3A = tpu.sem_alloc : memref<!tpu.dma_semaphore, #tpu.memory_space<semaphore_mem>>
      %dma_start3A = tpu.memref_slice %arg7[%mul3A_288] : memref<10240xf32, #tpu.memory_space<vmem_shared>> -> memref<640xf32, #tpu.memory_space<vmem_shared>>
      %dma_start3A_346 = tpu.memref_slice %arg7[%mul3A_288] : memref<10240xf32, #tpu.memory_space<vmem_shared>> -> memref<640xf32, #tpu.memory_space<vmem_shared>>
      tpu.enqueue_dma source(%arg6 : memref<640xf32, #tpu.memory_space<vmem>>) target(%dma_start3A_346 : memref<640xf32, #tpu.memory_space<vmem_shared>>) target_semaphore(%run_scoped3A : memref<!tpu.dma_semaphore, #tpu.memory_space<semaphore_mem>>)
      %dma_wait3A_347 = tpu.memref_slice %arg7[%mul3A_288] : memref<10240xf32, #tpu.memory_space<vmem_shared>> -> memref<640xf32, #tpu.memory_space<vmem_shared>>
      %dma_wait3A_348 = tpu.memref_slice %arg7[%mul3A_288] : memref<10240xf32, #tpu.memory_space<vmem_shared>> -> memref<640xf32, #tpu.memory_space<vmem_shared>>
      tpu.wait_dma2 semaphore(%run_scoped3A : memref<!tpu.dma_semaphore, #tpu.memory_space<semaphore_mem>>) src(%arg6 : memref<640xf32, #tpu.memory_space<vmem>>) dst(%dma_wait3A_348 : memref<640xf32, #tpu.memory_space<vmem_shared>>)
      tpu.yield
    }) : () -> ()
    %barrier3A = arith.constant 0 : index
    tpu.barrier barrier_id(%barrier3A)
    "tpu.region"() ({
      %run_scoped3A = tpu.sem_alloc : memref<!tpu.dma_semaphore, #tpu.memory_space<semaphore_mem>>
      %dma_start3A = arith.constant 0 : i32
      %dma_start3A_346 = arith.constant 0 : i32
      %dma_start3A_347 = tpu.memref_slice %arg2[%add3A, %dma_start3A, %dma_start3A_346] : memref<32x80x128xi32, #tpu.memory_space<hbm>> -> memref<1x80x128xi32, #tpu.memory_space<hbm>>
      %dma_start3A_348 = tpu.memref_squeeze %dma_start3A_347 : memref<1x80x128xi32, #tpu.memory_space<hbm>> -> memref<80x128xi32, #tpu.memory_space<hbm>>
      %dma_start3A_349 = arith.constant 0 : i32
      %dma_start3A_350 = arith.constant 0 : i32
      %dma_start3A_351 = tpu.memref_slice %arg2[%add3A, %dma_start3A_349, %dma_start3A_350] : memref<32x80x128xi32, #tpu.memory_space<hbm>> -> memref<1x80x128xi32, #tpu.memory_space<hbm>>
      %dma_start3A_352 = tpu.memref_squeeze %dma_start3A_351 : memref<1x80x128xi32, #tpu.memory_space<hbm>> -> memref<80x128xi32, #tpu.memory_space<hbm>>
      tpu.enqueue_dma source(%dma_start3A_352 : memref<80x128xi32, #tpu.memory_space<hbm>>) target(%arg4 : memref<80x128xi32, #tpu.memory_space<vmem>>) target_semaphore(%run_scoped3A : memref<!tpu.dma_semaphore, #tpu.memory_space<semaphore_mem>>)
      %dma_wait3A_353 = arith.constant 0 : i32
      %dma_wait3A_354 = arith.constant 0 : i32
      %dma_wait3A_355 = tpu.memref_slice %arg2[%add3A, %dma_wait3A_353, %dma_wait3A_354] : memref<32x80x128xi32, #tpu.memory_space<hbm>> -> memref<1x80x128xi32, #tpu.memory_space<hbm>>
      %dma_wait3A_356 = tpu.memref_squeeze %dma_wait3A_355 : memref<1x80x128xi32, #tpu.memory_space<hbm>> -> memref<80x128xi32, #tpu.memory_space<hbm>>
      %dma_wait3A_357 = arith.constant 0 : i32
      %dma_wait3A_358 = arith.constant 0 : i32
      %dma_wait3A_359 = tpu.memref_slice %arg2[%add3A, %dma_wait3A_357, %dma_wait3A_358] : memref<32x80x128xi32, #tpu.memory_space<hbm>> -> memref<1x80x128xi32, #tpu.memory_space<hbm>>
      %dma_wait3A_360 = tpu.memref_squeeze %dma_wait3A_359 : memref<1x80x128xi32, #tpu.memory_space<hbm>> -> memref<80x128xi32, #tpu.memory_space<hbm>>
      tpu.wait_dma2 semaphore(%run_scoped3A : memref<!tpu.dma_semaphore, #tpu.memory_space<semaphore_mem>>) src(%dma_wait3A_360 : memref<80x128xi32, #tpu.memory_space<hbm>>) dst(%arg4 : memref<80x128xi32, #tpu.memory_space<vmem>>)
      tpu.yield
    }) : () -> ()
    %scan3A = arith.constant 0 : i32
    %scan3A_289 = arith.constant 0 : i32
    %scan3A_290 = arith.constant 80 : i32
    %scan3A_291 = arith.addi %scan3A_289, %scan3A_290 : i32
    %scan3A_292 = arith.constant 1 : i32
    scf.for %scan3A_346 = %scan3A_289 to %scan3A_291 step %scan3A_292  : i32 {
      %ge3A = arith.constant 8 : i32
      %ge3A_347 = arith.cmpi sge, %scan3A_346, %ge3A : i32
      %convert_element_type3A = arith.extui %ge3A_347 : i1 to i32
      %cond3A = arith.constant 0 : i32
      %cond3A_348 = arith.cmpi ne, %convert_element_type3A, %cond3A : i32
      scf.if %cond3A_348 {
        %dma_wait3A_353 = arith.constant 0 : i32
        %dma_wait3A_354 = arith.constant 0 : i32
        %dma_wait3A_355 = tpu.memref_slice %arg4[%dma_wait3A_353, %dma_wait3A_354] : memref<80x128xi32, #tpu.memory_space<vmem>> -> memref<1x128xi32, #tpu.memory_space<vmem>>
        %dma_wait3A_356 = tpu.memref_squeeze %dma_wait3A_355 : memref<1x128xi32, #tpu.memory_space<vmem>> -> memref<128xi32, #tpu.memory_space<vmem>>
        %dma_wait3A_357 = arith.constant 0 : i32
        %dma_wait3A_358 = tpu.memref_slice %arg7[%dma_wait3A_357] : memref<10240xf32, #tpu.memory_space<vmem_shared>> -> memref<10240xf32, #tpu.memory_space<vmem_shared>>
        tpu.wait_indirect_dma semaphore(%arg8 : memref<!tpu.dma_semaphore, #tpu.memory_space<semaphore_mem>>) src(%arg5 : memref<128xf32, #tpu.memory_space<vmem>>) dst(%dma_wait3A_358 : memref<10240xf32, #tpu.memory_space<vmem_shared>>)
      } else {
      }
      %dma_start3A = arith.constant 0 : i32
      %dma_start3A_349 = tpu.memref_slice %arg4[%scan3A_346, %dma_start3A] : memref<80x128xi32, #tpu.memory_space<vmem>> -> memref<1x128xi32, #tpu.memory_space<vmem>>
      %dma_start3A_350 = tpu.memref_squeeze %dma_start3A_349 : memref<1x128xi32, #tpu.memory_space<vmem>> -> memref<128xi32, #tpu.memory_space<vmem>>
      %dma_start3A_351 = arith.constant 0 : i32
      %dma_start3A_352 = tpu.memref_slice %arg7[%dma_start3A_351] : memref<10240xf32, #tpu.memory_space<vmem_shared>> -> memref<10240xf32, #tpu.memory_space<vmem_shared>>
      tpu.enqueue_indirect_dma source(%arg5 : memref<128xf32, #tpu.memory_space<vmem>>) target(%dma_start3A_352 : memref<10240xf32, #tpu.memory_space<vmem_shared>>) offsets(%dma_start3A_350 : memref<128xi32, #tpu.memory_space<vmem>>) semaphore(%arg8 : memref<!tpu.dma_semaphore, #tpu.memory_space<semaphore_mem>>) {add = true}
    }
    %scan3A_293 = arith.constant 80 : i32
    %dma_wait3A = arith.constant 0 : i32
    %dma_wait3A_294 = arith.constant 0 : i32
    %dma_wait3A_295 = tpu.memref_slice %arg4[%dma_wait3A, %dma_wait3A_294] : memref<80x128xi32, #tpu.memory_space<vmem>> -> memref<1x128xi32, #tpu.memory_space<vmem>>
    %dma_wait3A_296 = tpu.memref_squeeze %dma_wait3A_295 : memref<1x128xi32, #tpu.memory_space<vmem>> -> memref<128xi32, #tpu.memory_space<vmem>>
    %dma_wait3A_297 = arith.constant 0 : i32
    %dma_wait3A_298 = tpu.memref_slice %arg7[%dma_wait3A_297] : memref<10240xf32, #tpu.memory_space<vmem_shared>> -> memref<10240xf32, #tpu.memory_space<vmem_shared>>
    tpu.wait_indirect_dma semaphore(%arg8 : memref<!tpu.dma_semaphore, #tpu.memory_space<semaphore_mem>>) src(%arg5 : memref<128xf32, #tpu.memory_space<vmem>>) dst(%dma_wait3A_298 : memref<10240xf32, #tpu.memory_space<vmem_shared>>)
    %dma_wait3A_299 = arith.constant 0 : i32
    %dma_wait3A_300 = arith.constant 0 : i32
    %dma_wait3A_301 = tpu.memref_slice %arg4[%dma_wait3A_299, %dma_wait3A_300] : memref<80x128xi32, #tpu.memory_space<vmem>> -> memref<1x128xi32, #tpu.memory_space<vmem>>
    %dma_wait3A_302 = tpu.memref_squeeze %dma_wait3A_301 : memref<1x128xi32, #tpu.memory_space<vmem>> -> memref<128xi32, #tpu.memory_space<vmem>>
    %dma_wait3A_303 = arith.constant 0 : i32
    %dma_wait3A_304 = tpu.memref_slice %arg7[%dma_wait3A_303] : memref<10240xf32, #tpu.memory_space<vmem_shared>> -> memref<10240xf32, #tpu.memory_space<vmem_shared>>
    tpu.wait_indirect_dma semaphore(%arg8 : memref<!tpu.dma_semaphore, #tpu.memory_space<semaphore_mem>>) src(%arg5 : memref<128xf32, #tpu.memory_space<vmem>>) dst(%dma_wait3A_304 : memref<10240xf32, #tpu.memory_space<vmem_shared>>)
    %dma_wait3A_305 = arith.constant 0 : i32
    %dma_wait3A_306 = arith.constant 0 : i32
    %dma_wait3A_307 = tpu.memref_slice %arg4[%dma_wait3A_305, %dma_wait3A_306] : memref<80x128xi32, #tpu.memory_space<vmem>> -> memref<1x128xi32, #tpu.memory_space<vmem>>
    %dma_wait3A_308 = tpu.memref_squeeze %dma_wait3A_307 : memref<1x128xi32, #tpu.memory_space<vmem>> -> memref<128xi32, #tpu.memory_space<vmem>>
    %dma_wait3A_309 = arith.constant 0 : i32
    %dma_wait3A_310 = tpu.memref_slice %arg7[%dma_wait3A_309] : memref<10240xf32, #tpu.memory_space<vmem_shared>> -> memref<10240xf32, #tpu.memory_space<vmem_shared>>
    tpu.wait_indirect_dma semaphore(%arg8 : memref<!tpu.dma_semaphore, #tpu.memory_space<semaphore_mem>>) src(%arg5 : memref<128xf32, #tpu.memory_space<vmem>>) dst(%dma_wait3A_310 : memref<10240xf32, #tpu.memory_space<vmem_shared>>)
    %dma_wait3A_311 = arith.constant 0 : i32
    %dma_wait3A_312 = arith.constant 0 : i32
    %dma_wait3A_313 = tpu.memref_slice %arg4[%dma_wait3A_311, %dma_wait3A_312] : memref<80x128xi32, #tpu.memory_space<vmem>> -> memref<1x128xi32, #tpu.memory_space<vmem>>
    %dma_wait3A_314 = tpu.memref_squeeze %dma_wait3A_313 : memref<1x128xi32, #tpu.memory_space<vmem>> -> memref<128xi32, #tpu.memory_space<vmem>>
    %dma_wait3A_315 = arith.constant 0 : i32
    %dma_wait3A_316 = tpu.memref_slice %arg7[%dma_wait3A_315] : memref<10240xf32, #tpu.memory_space<vmem_shared>> -> memref<10240xf32, #tpu.memory_space<vmem_shared>>
    tpu.wait_indirect_dma semaphore(%arg8 : memref<!tpu.dma_semaphore, #tpu.memory_space<semaphore_mem>>) src(%arg5 : memref<128xf32, #tpu.memory_space<vmem>>) dst(%dma_wait3A_316 : memref<10240xf32, #tpu.memory_space<vmem_shared>>)
    %dma_wait3A_317 = arith.constant 0 : i32
    %dma_wait3A_318 = arith.constant 0 : i32
    %dma_wait3A_319 = tpu.memref_slice %arg4[%dma_wait3A_317, %dma_wait3A_318] : memref<80x128xi32, #tpu.memory_space<vmem>> -> memref<1x128xi32, #tpu.memory_space<vmem>>
    %dma_wait3A_320 = tpu.memref_squeeze %dma_wait3A_319 : memref<1x128xi32, #tpu.memory_space<vmem>> -> memref<128xi32, #tpu.memory_space<vmem>>
    %dma_wait3A_321 = arith.constant 0 : i32
    %dma_wait3A_322 = tpu.memref_slice %arg7[%dma_wait3A_321] : memref<10240xf32, #tpu.memory_space<vmem_shared>> -> memref<10240xf32, #tpu.memory_space<vmem_shared>>
    tpu.wait_indirect_dma semaphore(%arg8 : memref<!tpu.dma_semaphore, #tpu.memory_space<semaphore_mem>>) src(%arg5 : memref<128xf32, #tpu.memory_space<vmem>>) dst(%dma_wait3A_322 : memref<10240xf32, #tpu.memory_space<vmem_shared>>)
    %dma_wait3A_323 = arith.constant 0 : i32
    %dma_wait3A_324 = arith.constant 0 : i32
    %dma_wait3A_325 = tpu.memref_slice %arg4[%dma_wait3A_323, %dma_wait3A_324] : memref<80x128xi32, #tpu.memory_space<vmem>> -> memref<1x128xi32, #tpu.memory_space<vmem>>
    %dma_wait3A_326 = tpu.memref_squeeze %dma_wait3A_325 : memref<1x128xi32, #tpu.memory_space<vmem>> -> memref<128xi32, #tpu.memory_space<vmem>>
    %dma_wait3A_327 = arith.constant 0 : i32
    %dma_wait3A_328 = tpu.memref_slice %arg7[%dma_wait3A_327] : memref<10240xf32, #tpu.memory_space<vmem_shared>> -> memref<10240xf32, #tpu.memory_space<vmem_shared>>
    tpu.wait_indirect_dma semaphore(%arg8 : memref<!tpu.dma_semaphore, #tpu.memory_space<semaphore_mem>>) src(%arg5 : memref<128xf32, #tpu.memory_space<vmem>>) dst(%dma_wait3A_328 : memref<10240xf32, #tpu.memory_space<vmem_shared>>)
    %dma_wait3A_329 = arith.constant 0 : i32
    %dma_wait3A_330 = arith.constant 0 : i32
    %dma_wait3A_331 = tpu.memref_slice %arg4[%dma_wait3A_329, %dma_wait3A_330] : memref<80x128xi32, #tpu.memory_space<vmem>> -> memref<1x128xi32, #tpu.memory_space<vmem>>
    %dma_wait3A_332 = tpu.memref_squeeze %dma_wait3A_331 : memref<1x128xi32, #tpu.memory_space<vmem>> -> memref<128xi32, #tpu.memory_space<vmem>>
    %dma_wait3A_333 = arith.constant 0 : i32
    %dma_wait3A_334 = tpu.memref_slice %arg7[%dma_wait3A_333] : memref<10240xf32, #tpu.memory_space<vmem_shared>> -> memref<10240xf32, #tpu.memory_space<vmem_shared>>
    tpu.wait_indirect_dma semaphore(%arg8 : memref<!tpu.dma_semaphore, #tpu.memory_space<semaphore_mem>>) src(%arg5 : memref<128xf32, #tpu.memory_space<vmem>>) dst(%dma_wait3A_334 : memref<10240xf32, #tpu.memory_space<vmem_shared>>)
    %dma_wait3A_335 = arith.constant 0 : i32
    %dma_wait3A_336 = arith.constant 0 : i32
    %dma_wait3A_337 = tpu.memref_slice %arg4[%dma_wait3A_335, %dma_wait3A_336] : memref<80x128xi32, #tpu.memory_space<vmem>> -> memref<1x128xi32, #tpu.memory_space<vmem>>
    %dma_wait3A_338 = tpu.memref_squeeze %dma_wait3A_337 : memref<1x128xi32, #tpu.memory_space<vmem>> -> memref<128xi32, #tpu.memory_space<vmem>>
    %dma_wait3A_339 = arith.constant 0 : i32
    %dma_wait3A_340 = tpu.memref_slice %arg7[%dma_wait3A_339] : memref<10240xf32, #tpu.memory_space<vmem_shared>> -> memref<10240xf32, #tpu.memory_space<vmem_shared>>
    tpu.wait_indirect_dma semaphore(%arg8 : memref<!tpu.dma_semaphore, #tpu.memory_space<semaphore_mem>>) src(%arg5 : memref<128xf32, #tpu.memory_space<vmem>>) dst(%dma_wait3A_340 : memref<10240xf32, #tpu.memory_space<vmem_shared>>)
    %barrier3A_341 = arith.constant 0 : index
    tpu.barrier barrier_id(%barrier3A_341)
    %mul3A_342 = arith.constant 640 : i32
    %mul3A_343 = arith.muli %arg1, %mul3A_342 : i32
    %mul3A_344 = arith.constant 640 : i32
    %mul3A_345 = arith.muli %arg1, %mul3A_344 : i32
    "tpu.region"() ({
      %run_scoped3A = tpu.sem_alloc : memref<!tpu.dma_semaphore, #tpu.memory_space<semaphore_mem>>
      %dma_start3A = tpu.memref_slice %arg3[%arg0, %mul3A_345] : memref<2x10240xf32, #tpu.memory_space<hbm>> -> memref<1x640xf32, #tpu.memory_space<hbm>>
      %dma_start3A_346 = tpu.memref_squeeze %dma_start3A : memref<1x640xf32, #tpu.memory_space<hbm>> -> memref<640xf32, #tpu.memory_space<hbm>>
      %dma_start3A_347 = tpu.memref_slice %arg7[%mul3A_343] : memref<10240xf32, #tpu.memory_space<vmem_shared>> -> memref<640xf32, #tpu.memory_space<vmem_shared>>
      tpu.enqueue_dma source(%dma_start3A_347 : memref<640xf32, #tpu.memory_space<vmem_shared>>) target(%dma_start3A_346 : memref<640xf32, #tpu.memory_space<hbm>>) target_semaphore(%run_scoped3A : memref<!tpu.dma_semaphore, #tpu.memory_space<semaphore_mem>>)
      %dma_wait3A_348 = tpu.memref_slice %arg3[%arg0, %mul3A_345] : memref<2x10240xf32, #tpu.memory_space<hbm>> -> memref<1x640xf32, #tpu.memory_space<hbm>>
      %dma_wait3A_349 = tpu.memref_squeeze %dma_wait3A_348 : memref<1x640xf32, #tpu.memory_space<hbm>> -> memref<640xf32, #tpu.memory_space<hbm>>
      %dma_wait3A_350 = tpu.memref_slice %arg7[%mul3A_343] : memref<10240xf32, #tpu.memory_space<vmem_shared>> -> memref<640xf32, #tpu.memory_space<vmem_shared>>
      tpu.wait_dma2 semaphore(%run_scoped3A : memref<!tpu.dma_semaphore, #tpu.memory_space<semaphore_mem>>) src(%dma_wait3A_350 : memref<640xf32, #tpu.memory_space<vmem_shared>>) dst(%dma_wait3A_349 : memref<640xf32, #tpu.memory_space<hbm>>)
      tpu.yield
    }) : () -> ()
    return
  }
}

#map = affine_map<(d0, d1) -> (0, 0, 0)>
#map1 = affine_map<(d0, d1) -> (0)>
module attributes {stable_mosaic.version = 14 : i64} {
  func.func @_sc_agg1(%arg0: i32, %arg1: i32, %arg2: memref<16x160x128xi32, #tpu.memory_space<hbm>>, %arg3: memref<16x160x128xi32, #tpu.memory_space<hbm>>, %arg4: memref<10240xf32, #tpu.memory_space<hbm>>, %arg5: memref<10240xf32, #tpu.memory_space<hbm>>, %arg6: memref<16xf32, #tpu.memory_space<hbm>>, %arg7: memref<10240xf32, #tpu.memory_space<hbm>>, %arg8: memref<160x128xi32, #tpu.memory_space<vmem>>, %arg9: memref<160x128xi32, #tpu.memory_space<vmem>>, %arg10: memref<8x128xf32, #tpu.memory_space<vmem>>, %arg11: memref<640xf32, #tpu.memory_space<vmem>>, %arg12: memref<320xf32, #tpu.memory_space<vmem>>, %arg13: memref<320xf32, #tpu.memory_space<vmem>>, %arg14: memref<320xf32, #tpu.memory_space<vmem>>, %arg15: memref<16xf32, #tpu.memory_space<vmem>>, %arg16: memref<10240xf32, #tpu.memory_space<vmem_shared>>, %arg17: memref<10240xf32, #tpu.memory_space<vmem_shared>>, %arg18: memref<!tpu.dma_semaphore, #tpu.memory_space<semaphore_mem>>, %arg19: memref<!tpu.dma_semaphore, #tpu.memory_space<semaphore_mem>>) attributes {dimension_semantics = [#tpu.dimension_semantics<core_parallel>, #tpu.dimension_semantics<subcore_parallel>], iteration_bounds = array<i64: 2, 16>, scalar_prefetch = 0 : i64, scratch_operands = 12 : i64, tpu.core_type = #tpu.core_type<sc_vector_subcore>, window_params = [{transform_indices = #map}, {transform_indices = #map}, {transform_indices = #map1}, {transform_indices = #map1}, {transform_indices = #map1}, {transform_indices = #map1}]} {
    %broadcast_in_dim3A = arith.constant 0.000000e+00 : f32
    %broadcast_in_dim3A_0 = vector.broadcast %broadcast_in_dim3A : f32 to vector<16xf32>
    %swap3A = arith.constant 0 : index
    %swap3A_1 = tpu.vector_load %arg11[%swap3A] {strides = array<i32>} : memref<640xf32, #tpu.memory_space<vmem>>, vector<16xf32>,
    %swap3A_2 = vector.shape_cast %swap3A_1 : vector<16xf32> to vector<16xf32>
    %swap3A_3 = vector.shape_cast %broadcast_in_dim3A_0 : vector<16xf32> to vector<16xf32>
    tpu.vector_store %arg11[%swap3A], %swap3A_3 {strides = array<i32>} : memref<640xf32, #tpu.memory_space<vmem>>, vector<16xf32>,
    %broadcast_in_dim3A_4 = arith.constant 0.000000e+00 : f32
    %broadcast_in_dim3A_5 = vector.broadcast %broadcast_in_dim3A_4 : f32 to vector<16xf32>
    %swap3A_6 = arith.constant 16 : index
    %swap3A_7 = tpu.vector_load %arg11[%swap3A_6] {strides = array<i32>} : memref<640xf32, #tpu.memory_space<vmem>>, vector<16xf32>,
    %swap3A_8 = vector.shape_cast %swap3A_7 : vector<16xf32> to vector<16xf32>
    %swap3A_9 = vector.shape_cast %broadcast_in_dim3A_5 : vector<16xf32> to vector<16xf32>
    tpu.vector_store %arg11[%swap3A_6], %swap3A_9 {strides = array<i32>} : memref<640xf32, #tpu.memory_space<vmem>>, vector<16xf32>,
    %broadcast_in_dim3A_10 = arith.constant 0.000000e+00 : f32
    %broadcast_in_dim3A_11 = vector.broadcast %broadcast_in_dim3A_10 : f32 to vector<16xf32>
    %swap3A_12 = arith.constant 32 : index
    %swap3A_13 = tpu.vector_load %arg11[%swap3A_12] {strides = array<i32>} : memref<640xf32, #tpu.memory_space<vmem>>, vector<16xf32>,
    %swap3A_14 = vector.shape_cast %swap3A_13 : vector<16xf32> to vector<16xf32>
    %swap3A_15 = vector.shape_cast %broadcast_in_dim3A_11 : vector<16xf32> to vector<16xf32>
    tpu.vector_store %arg11[%swap3A_12], %swap3A_15 {strides = array<i32>} : memref<640xf32, #tpu.memory_space<vmem>>, vector<16xf32>,
    %broadcast_in_dim3A_16 = arith.constant 0.000000e+00 : f32
    %broadcast_in_dim3A_17 = vector.broadcast %broadcast_in_dim3A_16 : f32 to vector<16xf32>
    %swap3A_18 = arith.constant 48 : index
    %swap3A_19 = tpu.vector_load %arg11[%swap3A_18] {strides = array<i32>} : memref<640xf32, #tpu.memory_space<vmem>>, vector<16xf32>,
    %swap3A_20 = vector.shape_cast %swap3A_19 : vector<16xf32> to vector<16xf32>
    %swap3A_21 = vector.shape_cast %broadcast_in_dim3A_17 : vector<16xf32> to vector<16xf32>
    tpu.vector_store %arg11[%swap3A_18], %swap3A_21 {strides = array<i32>} : memref<640xf32, #tpu.memory_space<vmem>>, vector<16xf32>,
    %broadcast_in_dim3A_22 = arith.constant 0.000000e+00 : f32
    %broadcast_in_dim3A_23 = vector.broadcast %broadcast_in_dim3A_22 : f32 to vector<16xf32>
    %swap3A_24 = arith.constant 64 : index
    %swap3A_25 = tpu.vector_load %arg11[%swap3A_24] {strides = array<i32>} : memref<640xf32, #tpu.memory_space<vmem>>, vector<16xf32>,
    %swap3A_26 = vector.shape_cast %swap3A_25 : vector<16xf32> to vector<16xf32>
    %swap3A_27 = vector.shape_cast %broadcast_in_dim3A_23 : vector<16xf32> to vector<16xf32>
    tpu.vector_store %arg11[%swap3A_24], %swap3A_27 {strides = array<i32>} : memref<640xf32, #tpu.memory_space<vmem>>, vector<16xf32>,
    %broadcast_in_dim3A_28 = arith.constant 0.000000e+00 : f32
    %broadcast_in_dim3A_29 = vector.broadcast %broadcast_in_dim3A_28 : f32 to vector<16xf32>
    %swap3A_30 = arith.constant 80 : index
    %swap3A_31 = tpu.vector_load %arg11[%swap3A_30] {strides = array<i32>} : memref<640xf32, #tpu.memory_space<vmem>>, vector<16xf32>,
    %swap3A_32 = vector.shape_cast %swap3A_31 : vector<16xf32> to vector<16xf32>
    %swap3A_33 = vector.shape_cast %broadcast_in_dim3A_29 : vector<16xf32> to vector<16xf32>
    tpu.vector_store %arg11[%swap3A_30], %swap3A_33 {strides = array<i32>} : memref<640xf32, #tpu.memory_space<vmem>>, vector<16xf32>,
    %broadcast_in_dim3A_34 = arith.constant 0.000000e+00 : f32
    %broadcast_in_dim3A_35 = vector.broadcast %broadcast_in_dim3A_34 : f32 to vector<16xf32>
    %swap3A_36 = arith.constant 96 : index
    %swap3A_37 = tpu.vector_load %arg11[%swap3A_36] {strides = array<i32>} : memref<640xf32, #tpu.memory_space<vmem>>, vector<16xf32>,
    %swap3A_38 = vector.shape_cast %swap3A_37 : vector<16xf32> to vector<16xf32>
    %swap3A_39 = vector.shape_cast %broadcast_in_dim3A_35 : vector<16xf32> to vector<16xf32>
    tpu.vector_store %arg11[%swap3A_36], %swap3A_39 {strides = array<i32>} : memref<640xf32, #tpu.memory_space<vmem>>, vector<16xf32>,
    %broadcast_in_dim3A_40 = arith.constant 0.000000e+00 : f32
    %broadcast_in_dim3A_41 = vector.broadcast %broadcast_in_dim3A_40 : f32 to vector<16xf32>
    %swap3A_42 = arith.constant 112 : index
    %swap3A_43 = tpu.vector_load %arg11[%swap3A_42] {strides = array<i32>} : memref<640xf32, #tpu.memory_space<vmem>>, vector<16xf32>,
    %swap3A_44 = vector.shape_cast %swap3A_43 : vector<16xf32> to vector<16xf32>
    %swap3A_45 = vector.shape_cast %broadcast_in_dim3A_41 : vector<16xf32> to vector<16xf32>
    tpu.vector_store %arg11[%swap3A_42], %swap3A_45 {strides = array<i32>} : memref<640xf32, #tpu.memory_space<vmem>>, vector<16xf32>,
    %broadcast_in_dim3A_46 = arith.constant 0.000000e+00 : f32
    %broadcast_in_dim3A_47 = vector.broadcast %broadcast_in_dim3A_46 : f32 to vector<16xf32>
    %swap3A_48 = arith.constant 128 : index
    %swap3A_49 = tpu.vector_load %arg11[%swap3A_48] {strides = array<i32>} : memref<640xf32, #tpu.memory_space<vmem>>, vector<16xf32>,
    %swap3A_50 = vector.shape_cast %swap3A_49 : vector<16xf32> to vector<16xf32>
    %swap3A_51 = vector.shape_cast %broadcast_in_dim3A_47 : vector<16xf32> to vector<16xf32>
    tpu.vector_store %arg11[%swap3A_48], %swap3A_51 {strides = array<i32>} : memref<640xf32, #tpu.memory_space<vmem>>, vector<16xf32>,
    %broadcast_in_dim3A_52 = arith.constant 0.000000e+00 : f32
    %broadcast_in_dim3A_53 = vector.broadcast %broadcast_in_dim3A_52 : f32 to vector<16xf32>
    %swap3A_54 = arith.constant 144 : index
    %swap3A_55 = tpu.vector_load %arg11[%swap3A_54] {strides = array<i32>} : memref<640xf32, #tpu.memory_space<vmem>>, vector<16xf32>,
    %swap3A_56 = vector.shape_cast %swap3A_55 : vector<16xf32> to vector<16xf32>
    %swap3A_57 = vector.shape_cast %broadcast_in_dim3A_53 : vector<16xf32> to vector<16xf32>
    tpu.vector_store %arg11[%swap3A_54], %swap3A_57 {strides = array<i32>} : memref<640xf32, #tpu.memory_space<vmem>>, vector<16xf32>,
    %broadcast_in_dim3A_58 = arith.constant 0.000000e+00 : f32
    %broadcast_in_dim3A_59 = vector.broadcast %broadcast_in_dim3A_58 : f32 to vector<16xf32>
    %swap3A_60 = arith.constant 160 : index
    %swap3A_61 = tpu.vector_load %arg11[%swap3A_60] {strides = array<i32>} : memref<640xf32, #tpu.memory_space<vmem>>, vector<16xf32>,
    %swap3A_62 = vector.shape_cast %swap3A_61 : vector<16xf32> to vector<16xf32>
    %swap3A_63 = vector.shape_cast %broadcast_in_dim3A_59 : vector<16xf32> to vector<16xf32>
    tpu.vector_store %arg11[%swap3A_60], %swap3A_63 {strides = array<i32>} : memref<640xf32, #tpu.memory_space<vmem>>, vector<16xf32>,
    %broadcast_in_dim3A_64 = arith.constant 0.000000e+00 : f32
    %broadcast_in_dim3A_65 = vector.broadcast %broadcast_in_dim3A_64 : f32 to vector<16xf32>
    %swap3A_66 = arith.constant 176 : index
    %swap3A_67 = tpu.vector_load %arg11[%swap3A_66] {strides = array<i32>} : memref<640xf32, #tpu.memory_space<vmem>>, vector<16xf32>,
    %swap3A_68 = vector.shape_cast %swap3A_67 : vector<16xf32> to vector<16xf32>
    %swap3A_69 = vector.shape_cast %broadcast_in_dim3A_65 : vector<16xf32> to vector<16xf32>
    tpu.vector_store %arg11[%swap3A_66], %swap3A_69 {strides = array<i32>} : memref<640xf32, #tpu.memory_space<vmem>>, vector<16xf32>,
    %broadcast_in_dim3A_70 = arith.constant 0.000000e+00 : f32
    %broadcast_in_dim3A_71 = vector.broadcast %broadcast_in_dim3A_70 : f32 to vector<16xf32>
    %swap3A_72 = arith.constant 192 : index
    %swap3A_73 = tpu.vector_load %arg11[%swap3A_72] {strides = array<i32>} : memref<640xf32, #tpu.memory_space<vmem>>, vector<16xf32>,
    %swap3A_74 = vector.shape_cast %swap3A_73 : vector<16xf32> to vector<16xf32>
    %swap3A_75 = vector.shape_cast %broadcast_in_dim3A_71 : vector<16xf32> to vector<16xf32>
    tpu.vector_store %arg11[%swap3A_72], %swap3A_75 {strides = array<i32>} : memref<640xf32, #tpu.memory_space<vmem>>, vector<16xf32>,
    %broadcast_in_dim3A_76 = arith.constant 0.000000e+00 : f32
    %broadcast_in_dim3A_77 = vector.broadcast %broadcast_in_dim3A_76 : f32 to vector<16xf32>
    %swap3A_78 = arith.constant 208 : index
    %swap3A_79 = tpu.vector_load %arg11[%swap3A_78] {strides = array<i32>} : memref<640xf32, #tpu.memory_space<vmem>>, vector<16xf32>,
    %swap3A_80 = vector.shape_cast %swap3A_79 : vector<16xf32> to vector<16xf32>
    %swap3A_81 = vector.shape_cast %broadcast_in_dim3A_77 : vector<16xf32> to vector<16xf32>
    tpu.vector_store %arg11[%swap3A_78], %swap3A_81 {strides = array<i32>} : memref<640xf32, #tpu.memory_space<vmem>>, vector<16xf32>,
    %broadcast_in_dim3A_82 = arith.constant 0.000000e+00 : f32
    %broadcast_in_dim3A_83 = vector.broadcast %broadcast_in_dim3A_82 : f32 to vector<16xf32>
    %swap3A_84 = arith.constant 224 : index
    %swap3A_85 = tpu.vector_load %arg11[%swap3A_84] {strides = array<i32>} : memref<640xf32, #tpu.memory_space<vmem>>, vector<16xf32>,
    %swap3A_86 = vector.shape_cast %swap3A_85 : vector<16xf32> to vector<16xf32>
    %swap3A_87 = vector.shape_cast %broadcast_in_dim3A_83 : vector<16xf32> to vector<16xf32>
    tpu.vector_store %arg11[%swap3A_84], %swap3A_87 {strides = array<i32>} : memref<640xf32, #tpu.memory_space<vmem>>, vector<16xf32>,
    %broadcast_in_dim3A_88 = arith.constant 0.000000e+00 : f32
    %broadcast_in_dim3A_89 = vector.broadcast %broadcast_in_dim3A_88 : f32 to vector<16xf32>
    %swap3A_90 = arith.constant 240 : index
    %swap3A_91 = tpu.vector_load %arg11[%swap3A_90] {strides = array<i32>} : memref<640xf32, #tpu.memory_space<vmem>>, vector<16xf32>,
    %swap3A_92 = vector.shape_cast %swap3A_91 : vector<16xf32> to vector<16xf32>
    %swap3A_93 = vector.shape_cast %broadcast_in_dim3A_89 : vector<16xf32> to vector<16xf32>
    tpu.vector_store %arg11[%swap3A_90], %swap3A_93 {strides = array<i32>} : memref<640xf32, #tpu.memory_space<vmem>>, vector<16xf32>,
    %broadcast_in_dim3A_94 = arith.constant 0.000000e+00 : f32
    %broadcast_in_dim3A_95 = vector.broadcast %broadcast_in_dim3A_94 : f32 to vector<16xf32>
    %swap3A_96 = arith.constant 256 : index
    %swap3A_97 = tpu.vector_load %arg11[%swap3A_96] {strides = array<i32>} : memref<640xf32, #tpu.memory_space<vmem>>, vector<16xf32>,
    %swap3A_98 = vector.shape_cast %swap3A_97 : vector<16xf32> to vector<16xf32>
    %swap3A_99 = vector.shape_cast %broadcast_in_dim3A_95 : vector<16xf32> to vector<16xf32>
    tpu.vector_store %arg11[%swap3A_96], %swap3A_99 {strides = array<i32>} : memref<640xf32, #tpu.memory_space<vmem>>, vector<16xf32>,
    %broadcast_in_dim3A_100 = arith.constant 0.000000e+00 : f32
    %broadcast_in_dim3A_101 = vector.broadcast %broadcast_in_dim3A_100 : f32 to vector<16xf32>
    %swap3A_102 = arith.constant 272 : index
    %swap3A_103 = tpu.vector_load %arg11[%swap3A_102] {strides = array<i32>} : memref<640xf32, #tpu.memory_space<vmem>>, vector<16xf32>,
    %swap3A_104 = vector.shape_cast %swap3A_103 : vector<16xf32> to vector<16xf32>
    %swap3A_105 = vector.shape_cast %broadcast_in_dim3A_101 : vector<16xf32> to vector<16xf32>
    tpu.vector_store %arg11[%swap3A_102], %swap3A_105 {strides = array<i32>} : memref<640xf32, #tpu.memory_space<vmem>>, vector<16xf32>,
    %broadcast_in_dim3A_106 = arith.constant 0.000000e+00 : f32
    %broadcast_in_dim3A_107 = vector.broadcast %broadcast_in_dim3A_106 : f32 to vector<16xf32>
    %swap3A_108 = arith.constant 288 : index
    %swap3A_109 = tpu.vector_load %arg11[%swap3A_108] {strides = array<i32>} : memref<640xf32, #tpu.memory_space<vmem>>, vector<16xf32>,
    %swap3A_110 = vector.shape_cast %swap3A_109 : vector<16xf32> to vector<16xf32>
    %swap3A_111 = vector.shape_cast %broadcast_in_dim3A_107 : vector<16xf32> to vector<16xf32>
    tpu.vector_store %arg11[%swap3A_108], %swap3A_111 {strides = array<i32>} : memref<640xf32, #tpu.memory_space<vmem>>, vector<16xf32>,
    %broadcast_in_dim3A_112 = arith.constant 0.000000e+00 : f32
    %broadcast_in_dim3A_113 = vector.broadcast %broadcast_in_dim3A_112 : f32 to vector<16xf32>
    %swap3A_114 = arith.constant 304 : index
    %swap3A_115 = tpu.vector_load %arg11[%swap3A_114] {strides = array<i32>} : memref<640xf32, #tpu.memory_space<vmem>>, vector<16xf32>,
    %swap3A_116 = vector.shape_cast %swap3A_115 : vector<16xf32> to vector<16xf32>
    %swap3A_117 = vector.shape_cast %broadcast_in_dim3A_113 : vector<16xf32> to vector<16xf32>
    tpu.vector_store %arg11[%swap3A_114], %swap3A_117 {strides = array<i32>} : memref<640xf32, #tpu.memory_space<vmem>>, vector<16xf32>,
    %broadcast_in_dim3A_118 = arith.constant 0.000000e+00 : f32
    %broadcast_in_dim3A_119 = vector.broadcast %broadcast_in_dim3A_118 : f32 to vector<16xf32>
    %swap3A_120 = arith.constant 320 : index
    %swap3A_121 = tpu.vector_load %arg11[%swap3A_120] {strides = array<i32>} : memref<640xf32, #tpu.memory_space<vmem>>, vector<16xf32>,
    %swap3A_122 = vector.shape_cast %swap3A_121 : vector<16xf32> to vector<16xf32>
    %swap3A_123 = vector.shape_cast %broadcast_in_dim3A_119 : vector<16xf32> to vector<16xf32>
    tpu.vector_store %arg11[%swap3A_120], %swap3A_123 {strides = array<i32>} : memref<640xf32, #tpu.memory_space<vmem>>, vector<16xf32>,
    %broadcast_in_dim3A_124 = arith.constant 0.000000e+00 : f32
    %broadcast_in_dim3A_125 = vector.broadcast %broadcast_in_dim3A_124 : f32 to vector<16xf32>
    %swap3A_126 = arith.constant 336 : index
    %swap3A_127 = tpu.vector_load %arg11[%swap3A_126] {strides = array<i32>} : memref<640xf32, #tpu.memory_space<vmem>>, vector<16xf32>,
    %swap3A_128 = vector.shape_cast %swap3A_127 : vector<16xf32> to vector<16xf32>
    %swap3A_129 = vector.shape_cast %broadcast_in_dim3A_125 : vector<16xf32> to vector<16xf32>
    tpu.vector_store %arg11[%swap3A_126], %swap3A_129 {strides = array<i32>} : memref<640xf32, #tpu.memory_space<vmem>>, vector<16xf32>,
    %broadcast_in_dim3A_130 = arith.constant 0.000000e+00 : f32
    %broadcast_in_dim3A_131 = vector.broadcast %broadcast_in_dim3A_130 : f32 to vector<16xf32>
    %swap3A_132 = arith.constant 352 : index
    %swap3A_133 = tpu.vector_load %arg11[%swap3A_132] {strides = array<i32>} : memref<640xf32, #tpu.memory_space<vmem>>, vector<16xf32>,
    %swap3A_134 = vector.shape_cast %swap3A_133 : vector<16xf32> to vector<16xf32>
    %swap3A_135 = vector.shape_cast %broadcast_in_dim3A_131 : vector<16xf32> to vector<16xf32>
    tpu.vector_store %arg11[%swap3A_132], %swap3A_135 {strides = array<i32>} : memref<640xf32, #tpu.memory_space<vmem>>, vector<16xf32>,
    %broadcast_in_dim3A_136 = arith.constant 0.000000e+00 : f32
    %broadcast_in_dim3A_137 = vector.broadcast %broadcast_in_dim3A_136 : f32 to vector<16xf32>
    %swap3A_138 = arith.constant 368 : index
    %swap3A_139 = tpu.vector_load %arg11[%swap3A_138] {strides = array<i32>} : memref<640xf32, #tpu.memory_space<vmem>>, vector<16xf32>,
    %swap3A_140 = vector.shape_cast %swap3A_139 : vector<16xf32> to vector<16xf32>
    %swap3A_141 = vector.shape_cast %broadcast_in_dim3A_137 : vector<16xf32> to vector<16xf32>
    tpu.vector_store %arg11[%swap3A_138], %swap3A_141 {strides = array<i32>} : memref<640xf32, #tpu.memory_space<vmem>>, vector<16xf32>,
    %broadcast_in_dim3A_142 = arith.constant 0.000000e+00 : f32
    %broadcast_in_dim3A_143 = vector.broadcast %broadcast_in_dim3A_142 : f32 to vector<16xf32>
    %swap3A_144 = arith.constant 384 : index
    %swap3A_145 = tpu.vector_load %arg11[%swap3A_144] {strides = array<i32>} : memref<640xf32, #tpu.memory_space<vmem>>, vector<16xf32>,
    %swap3A_146 = vector.shape_cast %swap3A_145 : vector<16xf32> to vector<16xf32>
    %swap3A_147 = vector.shape_cast %broadcast_in_dim3A_143 : vector<16xf32> to vector<16xf32>
    tpu.vector_store %arg11[%swap3A_144], %swap3A_147 {strides = array<i32>} : memref<640xf32, #tpu.memory_space<vmem>>, vector<16xf32>,
    %broadcast_in_dim3A_148 = arith.constant 0.000000e+00 : f32
    %broadcast_in_dim3A_149 = vector.broadcast %broadcast_in_dim3A_148 : f32 to vector<16xf32>
    %swap3A_150 = arith.constant 400 : index
    %swap3A_151 = tpu.vector_load %arg11[%swap3A_150] {strides = array<i32>} : memref<640xf32, #tpu.memory_space<vmem>>, vector<16xf32>,
    %swap3A_152 = vector.shape_cast %swap3A_151 : vector<16xf32> to vector<16xf32>
    %swap3A_153 = vector.shape_cast %broadcast_in_dim3A_149 : vector<16xf32> to vector<16xf32>
    tpu.vector_store %arg11[%swap3A_150], %swap3A_153 {strides = array<i32>} : memref<640xf32, #tpu.memory_space<vmem>>, vector<16xf32>,
    %broadcast_in_dim3A_154 = arith.constant 0.000000e+00 : f32
    %broadcast_in_dim3A_155 = vector.broadcast %broadcast_in_dim3A_154 : f32 to vector<16xf32>
    %swap3A_156 = arith.constant 416 : index
    %swap3A_157 = tpu.vector_load %arg11[%swap3A_156] {strides = array<i32>} : memref<640xf32, #tpu.memory_space<vmem>>, vector<16xf32>,
    %swap3A_158 = vector.shape_cast %swap3A_157 : vector<16xf32> to vector<16xf32>
    %swap3A_159 = vector.shape_cast %broadcast_in_dim3A_155 : vector<16xf32> to vector<16xf32>
    tpu.vector_store %arg11[%swap3A_156], %swap3A_159 {strides = array<i32>} : memref<640xf32, #tpu.memory_space<vmem>>, vector<16xf32>,
    %broadcast_in_dim3A_160 = arith.constant 0.000000e+00 : f32
    %broadcast_in_dim3A_161 = vector.broadcast %broadcast_in_dim3A_160 : f32 to vector<16xf32>
    %swap3A_162 = arith.constant 432 : index
    %swap3A_163 = tpu.vector_load %arg11[%swap3A_162] {strides = array<i32>} : memref<640xf32, #tpu.memory_space<vmem>>, vector<16xf32>,
    %swap3A_164 = vector.shape_cast %swap3A_163 : vector<16xf32> to vector<16xf32>
    %swap3A_165 = vector.shape_cast %broadcast_in_dim3A_161 : vector<16xf32> to vector<16xf32>
    tpu.vector_store %arg11[%swap3A_162], %swap3A_165 {strides = array<i32>} : memref<640xf32, #tpu.memory_space<vmem>>, vector<16xf32>,
    %broadcast_in_dim3A_166 = arith.constant 0.000000e+00 : f32
    %broadcast_in_dim3A_167 = vector.broadcast %broadcast_in_dim3A_166 : f32 to vector<16xf32>
    %swap3A_168 = arith.constant 448 : index
    %swap3A_169 = tpu.vector_load %arg11[%swap3A_168] {strides = array<i32>} : memref<640xf32, #tpu.memory_space<vmem>>, vector<16xf32>,
    %swap3A_170 = vector.shape_cast %swap3A_169 : vector<16xf32> to vector<16xf32>
    %swap3A_171 = vector.shape_cast %broadcast_in_dim3A_167 : vector<16xf32> to vector<16xf32>
    tpu.vector_store %arg11[%swap3A_168], %swap3A_171 {strides = array<i32>} : memref<640xf32, #tpu.memory_space<vmem>>, vector<16xf32>,
    %broadcast_in_dim3A_172 = arith.constant 0.000000e+00 : f32
    %broadcast_in_dim3A_173 = vector.broadcast %broadcast_in_dim3A_172 : f32 to vector<16xf32>
    %swap3A_174 = arith.constant 464 : index
    %swap3A_175 = tpu.vector_load %arg11[%swap3A_174] {strides = array<i32>} : memref<640xf32, #tpu.memory_space<vmem>>, vector<16xf32>,
    %swap3A_176 = vector.shape_cast %swap3A_175 : vector<16xf32> to vector<16xf32>
    %swap3A_177 = vector.shape_cast %broadcast_in_dim3A_173 : vector<16xf32> to vector<16xf32>
    tpu.vector_store %arg11[%swap3A_174], %swap3A_177 {strides = array<i32>} : memref<640xf32, #tpu.memory_space<vmem>>, vector<16xf32>,
    %broadcast_in_dim3A_178 = arith.constant 0.000000e+00 : f32
    %broadcast_in_dim3A_179 = vector.broadcast %broadcast_in_dim3A_178 : f32 to vector<16xf32>
    %swap3A_180 = arith.constant 480 : index
    %swap3A_181 = tpu.vector_load %arg11[%swap3A_180] {strides = array<i32>} : memref<640xf32, #tpu.memory_space<vmem>>, vector<16xf32>,
    %swap3A_182 = vector.shape_cast %swap3A_181 : vector<16xf32> to vector<16xf32>
    %swap3A_183 = vector.shape_cast %broadcast_in_dim3A_179 : vector<16xf32> to vector<16xf32>
    tpu.vector_store %arg11[%swap3A_180], %swap3A_183 {strides = array<i32>} : memref<640xf32, #tpu.memory_space<vmem>>, vector<16xf32>,
    %broadcast_in_dim3A_184 = arith.constant 0.000000e+00 : f32
    %broadcast_in_dim3A_185 = vector.broadcast %broadcast_in_dim3A_184 : f32 to vector<16xf32>
    %swap3A_186 = arith.constant 496 : index
    %swap3A_187 = tpu.vector_load %arg11[%swap3A_186] {strides = array<i32>} : memref<640xf32, #tpu.memory_space<vmem>>, vector<16xf32>,
    %swap3A_188 = vector.shape_cast %swap3A_187 : vector<16xf32> to vector<16xf32>
    %swap3A_189 = vector.shape_cast %broadcast_in_dim3A_185 : vector<16xf32> to vector<16xf32>
    tpu.vector_store %arg11[%swap3A_186], %swap3A_189 {strides = array<i32>} : memref<640xf32, #tpu.memory_space<vmem>>, vector<16xf32>,
    %broadcast_in_dim3A_190 = arith.constant 0.000000e+00 : f32
    %broadcast_in_dim3A_191 = vector.broadcast %broadcast_in_dim3A_190 : f32 to vector<16xf32>
    %swap3A_192 = arith.constant 512 : index
    %swap3A_193 = tpu.vector_load %arg11[%swap3A_192] {strides = array<i32>} : memref<640xf32, #tpu.memory_space<vmem>>, vector<16xf32>,
    %swap3A_194 = vector.shape_cast %swap3A_193 : vector<16xf32> to vector<16xf32>
    %swap3A_195 = vector.shape_cast %broadcast_in_dim3A_191 : vector<16xf32> to vector<16xf32>
    tpu.vector_store %arg11[%swap3A_192], %swap3A_195 {strides = array<i32>} : memref<640xf32, #tpu.memory_space<vmem>>, vector<16xf32>,
    %broadcast_in_dim3A_196 = arith.constant 0.000000e+00 : f32
    %broadcast_in_dim3A_197 = vector.broadcast %broadcast_in_dim3A_196 : f32 to vector<16xf32>
    %swap3A_198 = arith.constant 528 : index
    %swap3A_199 = tpu.vector_load %arg11[%swap3A_198] {strides = array<i32>} : memref<640xf32, #tpu.memory_space<vmem>>, vector<16xf32>,
    %swap3A_200 = vector.shape_cast %swap3A_199 : vector<16xf32> to vector<16xf32>
    %swap3A_201 = vector.shape_cast %broadcast_in_dim3A_197 : vector<16xf32> to vector<16xf32>
    tpu.vector_store %arg11[%swap3A_198], %swap3A_201 {strides = array<i32>} : memref<640xf32, #tpu.memory_space<vmem>>, vector<16xf32>,
    %broadcast_in_dim3A_202 = arith.constant 0.000000e+00 : f32
    %broadcast_in_dim3A_203 = vector.broadcast %broadcast_in_dim3A_202 : f32 to vector<16xf32>
    %swap3A_204 = arith.constant 544 : index
    %swap3A_205 = tpu.vector_load %arg11[%swap3A_204] {strides = array<i32>} : memref<640xf32, #tpu.memory_space<vmem>>, vector<16xf32>,
    %swap3A_206 = vector.shape_cast %swap3A_205 : vector<16xf32> to vector<16xf32>
    %swap3A_207 = vector.shape_cast %broadcast_in_dim3A_203 : vector<16xf32> to vector<16xf32>
    tpu.vector_store %arg11[%swap3A_204], %swap3A_207 {strides = array<i32>} : memref<640xf32, #tpu.memory_space<vmem>>, vector<16xf32>,
    %broadcast_in_dim3A_208 = arith.constant 0.000000e+00 : f32
    %broadcast_in_dim3A_209 = vector.broadcast %broadcast_in_dim3A_208 : f32 to vector<16xf32>
    %swap3A_210 = arith.constant 560 : index
    %swap3A_211 = tpu.vector_load %arg11[%swap3A_210] {strides = array<i32>} : memref<640xf32, #tpu.memory_space<vmem>>, vector<16xf32>,
    %swap3A_212 = vector.shape_cast %swap3A_211 : vector<16xf32> to vector<16xf32>
    %swap3A_213 = vector.shape_cast %broadcast_in_dim3A_209 : vector<16xf32> to vector<16xf32>
    tpu.vector_store %arg11[%swap3A_210], %swap3A_213 {strides = array<i32>} : memref<640xf32, #tpu.memory_space<vmem>>, vector<16xf32>,
    %broadcast_in_dim3A_214 = arith.constant 0.000000e+00 : f32
    %broadcast_in_dim3A_215 = vector.broadcast %broadcast_in_dim3A_214 : f32 to vector<16xf32>
    %swap3A_216 = arith.constant 576 : index
    %swap3A_217 = tpu.vector_load %arg11[%swap3A_216] {strides = array<i32>} : memref<640xf32, #tpu.memory_space<vmem>>, vector<16xf32>,
    %swap3A_218 = vector.shape_cast %swap3A_217 : vector<16xf32> to vector<16xf32>
    %swap3A_219 = vector.shape_cast %broadcast_in_dim3A_215 : vector<16xf32> to vector<16xf32>
    tpu.vector_store %arg11[%swap3A_216], %swap3A_219 {strides = array<i32>} : memref<640xf32, #tpu.memory_space<vmem>>, vector<16xf32>,
    %broadcast_in_dim3A_220 = arith.constant 0.000000e+00 : f32
    %broadcast_in_dim3A_221 = vector.broadcast %broadcast_in_dim3A_220 : f32 to vector<16xf32>
    %swap3A_222 = arith.constant 592 : index
    %swap3A_223 = tpu.vector_load %arg11[%swap3A_222] {strides = array<i32>} : memref<640xf32, #tpu.memory_space<vmem>>, vector<16xf32>,
    %swap3A_224 = vector.shape_cast %swap3A_223 : vector<16xf32> to vector<16xf32>
    %swap3A_225 = vector.shape_cast %broadcast_in_dim3A_221 : vector<16xf32> to vector<16xf32>
    tpu.vector_store %arg11[%swap3A_222], %swap3A_225 {strides = array<i32>} : memref<640xf32, #tpu.memory_space<vmem>>, vector<16xf32>,
    %broadcast_in_dim3A_226 = arith.constant 0.000000e+00 : f32
    %broadcast_in_dim3A_227 = vector.broadcast %broadcast_in_dim3A_226 : f32 to vector<16xf32>
    %swap3A_228 = arith.constant 608 : index
    %swap3A_229 = tpu.vector_load %arg11[%swap3A_228] {strides = array<i32>} : memref<640xf32, #tpu.memory_space<vmem>>, vector<16xf32>,
    %swap3A_230 = vector.shape_cast %swap3A_229 : vector<16xf32> to vector<16xf32>
    %swap3A_231 = vector.shape_cast %broadcast_in_dim3A_227 : vector<16xf32> to vector<16xf32>
    tpu.vector_store %arg11[%swap3A_228], %swap3A_231 {strides = array<i32>} : memref<640xf32, #tpu.memory_space<vmem>>, vector<16xf32>,
    %broadcast_in_dim3A_232 = arith.constant 0.000000e+00 : f32
    %broadcast_in_dim3A_233 = vector.broadcast %broadcast_in_dim3A_232 : f32 to vector<16xf32>
    %swap3A_234 = arith.constant 624 : index
    %swap3A_235 = tpu.vector_load %arg11[%swap3A_234] {strides = array<i32>} : memref<640xf32, #tpu.memory_space<vmem>>, vector<16xf32>,
    %swap3A_236 = vector.shape_cast %swap3A_235 : vector<16xf32> to vector<16xf32>
    %swap3A_237 = vector.shape_cast %broadcast_in_dim3A_233 : vector<16xf32> to vector<16xf32>
    tpu.vector_store %arg11[%swap3A_234], %swap3A_237 {strides = array<i32>} : memref<640xf32, #tpu.memory_space<vmem>>, vector<16xf32>,
    %mul3A = arith.constant 640 : i32
    %mul3A_238 = arith.muli %arg1, %mul3A : i32
    "tpu.region"() ({
      %run_scoped3A = tpu.sem_alloc : memref<!tpu.dma_semaphore, #tpu.memory_space<semaphore_mem>>
      %dma_start3A_653 = tpu.memref_slice %arg16[%mul3A_238] : memref<10240xf32, #tpu.memory_space<vmem_shared>> -> memref<640xf32, #tpu.memory_space<vmem_shared>>
      %dma_start3A_654 = tpu.memref_slice %arg16[%mul3A_238] : memref<10240xf32, #tpu.memory_space<vmem_shared>> -> memref<640xf32, #tpu.memory_space<vmem_shared>>
      tpu.enqueue_dma source(%arg11 : memref<640xf32, #tpu.memory_space<vmem>>) target(%dma_start3A_654 : memref<640xf32, #tpu.memory_space<vmem_shared>>) target_semaphore(%run_scoped3A : memref<!tpu.dma_semaphore, #tpu.memory_space<semaphore_mem>>)
      %dma_wait3A_655 = tpu.memref_slice %arg16[%mul3A_238] : memref<10240xf32, #tpu.memory_space<vmem_shared>> -> memref<640xf32, #tpu.memory_space<vmem_shared>>
      %dma_wait3A_656 = tpu.memref_slice %arg16[%mul3A_238] : memref<10240xf32, #tpu.memory_space<vmem_shared>> -> memref<640xf32, #tpu.memory_space<vmem_shared>>
      tpu.wait_dma2 semaphore(%run_scoped3A : memref<!tpu.dma_semaphore, #tpu.memory_space<semaphore_mem>>) src(%arg11 : memref<640xf32, #tpu.memory_space<vmem>>) dst(%dma_wait3A_656 : memref<640xf32, #tpu.memory_space<vmem_shared>>)
      tpu.yield
    }) : () -> ()
    %mul3A_239 = arith.constant 640 : i32
    %mul3A_240 = arith.muli %arg1, %mul3A_239 : i32
    %mul3A_241 = arith.constant 640 : i32
    %mul3A_242 = arith.muli %arg1, %mul3A_241 : i32
    "tpu.region"() ({
      %run_scoped3A = tpu.sem_alloc : memref<!tpu.dma_semaphore, #tpu.memory_space<semaphore_mem>>
      %dma_start3A_653 = tpu.memref_slice %arg17[%mul3A_242] : memref<10240xf32, #tpu.memory_space<vmem_shared>> -> memref<640xf32, #tpu.memory_space<vmem_shared>>
      %dma_start3A_654 = tpu.memref_slice %arg4[%mul3A_240] : memref<10240xf32, #tpu.memory_space<hbm>> -> memref<640xf32, #tpu.memory_space<hbm>>
      tpu.enqueue_dma source(%dma_start3A_654 : memref<640xf32, #tpu.memory_space<hbm>>) target(%dma_start3A_653 : memref<640xf32, #tpu.memory_space<vmem_shared>>) target_semaphore(%run_scoped3A : memref<!tpu.dma_semaphore, #tpu.memory_space<semaphore_mem>>)
      %dma_wait3A_655 = tpu.memref_slice %arg17[%mul3A_242] : memref<10240xf32, #tpu.memory_space<vmem_shared>> -> memref<640xf32, #tpu.memory_space<vmem_shared>>
      %dma_wait3A_656 = tpu.memref_slice %arg4[%mul3A_240] : memref<10240xf32, #tpu.memory_space<hbm>> -> memref<640xf32, #tpu.memory_space<hbm>>
      tpu.wait_dma2 semaphore(%run_scoped3A : memref<!tpu.dma_semaphore, #tpu.memory_space<semaphore_mem>>) src(%dma_wait3A_656 : memref<640xf32, #tpu.memory_space<hbm>>) dst(%dma_wait3A_655 : memref<640xf32, #tpu.memory_space<vmem_shared>>)
      tpu.yield
    }) : () -> ()
    %barrier3A = arith.constant 0 : index
    tpu.barrier barrier_id(%barrier3A)
    "tpu.region"() ({
      %run_scoped3A = tpu.sem_alloc : memref<!tpu.dma_semaphore, #tpu.memory_space<semaphore_mem>>
      %dma_start3A_653 = arith.constant 0 : i32
      %dma_start3A_654 = arith.constant 0 : i32
      %dma_start3A_655 = tpu.memref_slice %arg2[%arg1, %dma_start3A_653, %dma_start3A_654] : memref<16x160x128xi32, #tpu.memory_space<hbm>> -> memref<1x160x128xi32, #tpu.memory_space<hbm>>
      %dma_start3A_656 = tpu.memref_squeeze %dma_start3A_655 : memref<1x160x128xi32, #tpu.memory_space<hbm>> -> memref<160x128xi32, #tpu.memory_space<hbm>>
      %dma_start3A_657 = arith.constant 0 : i32
      %dma_start3A_658 = arith.constant 0 : i32
      %dma_start3A_659 = tpu.memref_slice %arg2[%arg1, %dma_start3A_657, %dma_start3A_658] : memref<16x160x128xi32, #tpu.memory_space<hbm>> -> memref<1x160x128xi32, #tpu.memory_space<hbm>>
      %dma_start3A_660 = tpu.memref_squeeze %dma_start3A_659 : memref<1x160x128xi32, #tpu.memory_space<hbm>> -> memref<160x128xi32, #tpu.memory_space<hbm>>
      tpu.enqueue_dma source(%dma_start3A_660 : memref<160x128xi32, #tpu.memory_space<hbm>>) target(%arg8 : memref<160x128xi32, #tpu.memory_space<vmem>>) target_semaphore(%run_scoped3A : memref<!tpu.dma_semaphore, #tpu.memory_space<semaphore_mem>>)
      %dma_wait3A_661 = arith.constant 0 : i32
      %dma_wait3A_662 = arith.constant 0 : i32
      %dma_wait3A_663 = tpu.memref_slice %arg2[%arg1, %dma_wait3A_661, %dma_wait3A_662] : memref<16x160x128xi32, #tpu.memory_space<hbm>> -> memref<1x160x128xi32, #tpu.memory_space<hbm>>
      %dma_wait3A_664 = tpu.memref_squeeze %dma_wait3A_663 : memref<1x160x128xi32, #tpu.memory_space<hbm>> -> memref<160x128xi32, #tpu.memory_space<hbm>>
      %dma_wait3A_665 = arith.constant 0 : i32
      %dma_wait3A_666 = arith.constant 0 : i32
      %dma_wait3A_667 = tpu.memref_slice %arg2[%arg1, %dma_wait3A_665, %dma_wait3A_666] : memref<16x160x128xi32, #tpu.memory_space<hbm>> -> memref<1x160x128xi32, #tpu.memory_space<hbm>>
      %dma_wait3A_668 = tpu.memref_squeeze %dma_wait3A_667 : memref<1x160x128xi32, #tpu.memory_space<hbm>> -> memref<160x128xi32, #tpu.memory_space<hbm>>
      tpu.wait_dma2 semaphore(%run_scoped3A : memref<!tpu.dma_semaphore, #tpu.memory_space<semaphore_mem>>) src(%dma_wait3A_668 : memref<160x128xi32, #tpu.memory_space<hbm>>) dst(%arg8 : memref<160x128xi32, #tpu.memory_space<vmem>>)
      tpu.yield
    }) : () -> ()
    "tpu.region"() ({
      %run_scoped3A = tpu.sem_alloc : memref<!tpu.dma_semaphore, #tpu.memory_space<semaphore_mem>>
      %dma_start3A_653 = arith.constant 0 : i32
      %dma_start3A_654 = arith.constant 0 : i32
      %dma_start3A_655 = tpu.memref_slice %arg3[%arg1, %dma_start3A_653, %dma_start3A_654] : memref<16x160x128xi32, #tpu.memory_space<hbm>> -> memref<1x160x128xi32, #tpu.memory_space<hbm>>
      %dma_start3A_656 = tpu.memref_squeeze %dma_start3A_655 : memref<1x160x128xi32, #tpu.memory_space<hbm>> -> memref<160x128xi32, #tpu.memory_space<hbm>>
      %dma_start3A_657 = arith.constant 0 : i32
      %dma_start3A_658 = arith.constant 0 : i32
      %dma_start3A_659 = tpu.memref_slice %arg3[%arg1, %dma_start3A_657, %dma_start3A_658] : memref<16x160x128xi32, #tpu.memory_space<hbm>> -> memref<1x160x128xi32, #tpu.memory_space<hbm>>
      %dma_start3A_660 = tpu.memref_squeeze %dma_start3A_659 : memref<1x160x128xi32, #tpu.memory_space<hbm>> -> memref<160x128xi32, #tpu.memory_space<hbm>>
      tpu.enqueue_dma source(%dma_start3A_660 : memref<160x128xi32, #tpu.memory_space<hbm>>) target(%arg9 : memref<160x128xi32, #tpu.memory_space<vmem>>) target_semaphore(%run_scoped3A : memref<!tpu.dma_semaphore, #tpu.memory_space<semaphore_mem>>)
      %dma_wait3A_661 = arith.constant 0 : i32
      %dma_wait3A_662 = arith.constant 0 : i32
      %dma_wait3A_663 = tpu.memref_slice %arg3[%arg1, %dma_wait3A_661, %dma_wait3A_662] : memref<16x160x128xi32, #tpu.memory_space<hbm>> -> memref<1x160x128xi32, #tpu.memory_space<hbm>>
      %dma_wait3A_664 = tpu.memref_squeeze %dma_wait3A_663 : memref<1x160x128xi32, #tpu.memory_space<hbm>> -> memref<160x128xi32, #tpu.memory_space<hbm>>
      %dma_wait3A_665 = arith.constant 0 : i32
      %dma_wait3A_666 = arith.constant 0 : i32
      %dma_wait3A_667 = tpu.memref_slice %arg3[%arg1, %dma_wait3A_665, %dma_wait3A_666] : memref<16x160x128xi32, #tpu.memory_space<hbm>> -> memref<1x160x128xi32, #tpu.memory_space<hbm>>
      %dma_wait3A_668 = tpu.memref_squeeze %dma_wait3A_667 : memref<1x160x128xi32, #tpu.memory_space<hbm>> -> memref<160x128xi32, #tpu.memory_space<hbm>>
      tpu.wait_dma2 semaphore(%run_scoped3A : memref<!tpu.dma_semaphore, #tpu.memory_space<semaphore_mem>>) src(%dma_wait3A_668 : memref<160x128xi32, #tpu.memory_space<hbm>>) dst(%arg9 : memref<160x128xi32, #tpu.memory_space<vmem>>)
      tpu.yield
    }) : () -> ()
    %dma_start3A = arith.constant 0 : i32
    %dma_start3A_243 = arith.constant 0 : i32
    %dma_start3A_244 = arith.constant 0 : i32
    %dma_start3A_245 = tpu.memref_slice %arg10[%dma_start3A_243, %dma_start3A_244] : memref<8x128xf32, #tpu.memory_space<vmem>> -> memref<1x128xf32, #tpu.memory_space<vmem>>
    %dma_start3A_246 = tpu.memref_squeeze %dma_start3A_245 : memref<1x128xf32, #tpu.memory_space<vmem>> -> memref<128xf32, #tpu.memory_space<vmem>>
    %dma_start3A_247 = arith.constant 0 : i32
    %dma_start3A_248 = tpu.memref_slice %arg8[%dma_start3A, %dma_start3A_247] : memref<160x128xi32, #tpu.memory_space<vmem>> -> memref<1x128xi32, #tpu.memory_space<vmem>>
    %dma_start3A_249 = tpu.memref_squeeze %dma_start3A_248 : memref<1x128xi32, #tpu.memory_space<vmem>> -> memref<128xi32, #tpu.memory_space<vmem>>
    %dma_start3A_250 = arith.constant 0 : i32
    %dma_start3A_251 = tpu.memref_slice %arg17[%dma_start3A_250] : memref<10240xf32, #tpu.memory_space<vmem_shared>> -> memref<10240xf32, #tpu.memory_space<vmem_shared>>
    tpu.enqueue_indirect_dma source(%dma_start3A_251 : memref<10240xf32, #tpu.memory_space<vmem_shared>>) target(%dma_start3A_246 : memref<128xf32, #tpu.memory_space<vmem>>) offsets(%dma_start3A_249 : memref<128xi32, #tpu.memory_space<vmem>>) semaphore(%arg18 : memref<!tpu.dma_semaphore, #tpu.memory_space<semaphore_mem>>)
    %dma_start3A_252 = arith.constant 1 : i32
    %dma_start3A_253 = arith.constant 1 : i32
    %dma_start3A_254 = arith.constant 0 : i32
    %dma_start3A_255 = tpu.memref_slice %arg10[%dma_start3A_253, %dma_start3A_254] : memref<8x128xf32, #tpu.memory_space<vmem>> -> memref<1x128xf32, #tpu.memory_space<vmem>>
    %dma_start3A_256 = tpu.memref_squeeze %dma_start3A_255 : memref<1x128xf32, #tpu.memory_space<vmem>> -> memref<128xf32, #tpu.memory_space<vmem>>
    %dma_start3A_257 = arith.constant 0 : i32
    %dma_start3A_258 = tpu.memref_slice %arg8[%dma_start3A_252, %dma_start3A_257] : memref<160x128xi32, #tpu.memory_space<vmem>> -> memref<1x128xi32, #tpu.memory_space<vmem>>
    %dma_start3A_259 = tpu.memref_squeeze %dma_start3A_258 : memref<1x128xi32, #tpu.memory_space<vmem>> -> memref<128xi32, #tpu.memory_space<vmem>>
    %dma_start3A_260 = arith.constant 0 : i32
    %dma_start3A_261 = tpu.memref_slice %arg17[%dma_start3A_260] : memref<10240xf32, #tpu.memory_space<vmem_shared>> -> memref<10240xf32, #tpu.memory_space<vmem_shared>>
    tpu.enqueue_indirect_dma source(%dma_start3A_261 : memref<10240xf32, #tpu.memory_space<vmem_shared>>) target(%dma_start3A_256 : memref<128xf32, #tpu.memory_space<vmem>>) offsets(%dma_start3A_259 : memref<128xi32, #tpu.memory_space<vmem>>) semaphore(%arg18 : memref<!tpu.dma_semaphore, #tpu.memory_space<semaphore_mem>>)
    %scan3A = arith.constant 0 : i32
    %scan3A_262 = arith.constant 0 : i32
    %scan3A_263 = arith.constant 160 : i32
    %scan3A_264 = arith.addi %scan3A_262, %scan3A_263 : i32
    %scan3A_265 = arith.constant 2 : i32
    scf.for %scan3A_653 = %scan3A_262 to %scan3A_264 step %scan3A_265  : i32 {
      %ge3A = arith.constant 6 : i32
      %ge3A_654 = arith.cmpi sge, %scan3A_653, %ge3A : i32
      %convert_element_type3A = arith.extui %ge3A_654 : i1 to i32
      %cond3A = arith.constant 0 : i32
      %cond3A_655 = arith.cmpi ne, %convert_element_type3A, %cond3A : i32
      scf.if %cond3A_655 {
        %dma_wait3A_770 = arith.constant 0 : i32
        %dma_wait3A_771 = arith.constant 0 : i32
        %dma_wait3A_772 = arith.constant 0 : i32
        %dma_wait3A_773 = tpu.memref_slice %arg10[%dma_wait3A_770, %dma_wait3A_772] : memref<8x128xf32, #tpu.memory_space<vmem>> -> memref<1x128xf32, #tpu.memory_space<vmem>>
        %dma_wait3A_774 = tpu.memref_squeeze %dma_wait3A_773 : memref<1x128xf32, #tpu.memory_space<vmem>> -> memref<128xf32, #tpu.memory_space<vmem>>
        %dma_wait3A_775 = arith.constant 0 : i32
        %dma_wait3A_776 = tpu.memref_slice %arg9[%dma_wait3A_771, %dma_wait3A_775] : memref<160x128xi32, #tpu.memory_space<vmem>> -> memref<1x128xi32, #tpu.memory_space<vmem>>
        %dma_wait3A_777 = tpu.memref_squeeze %dma_wait3A_776 : memref<1x128xi32, #tpu.memory_space<vmem>> -> memref<128xi32, #tpu.memory_space<vmem>>
        %dma_wait3A_778 = arith.constant 0 : i32
        %dma_wait3A_779 = tpu.memref_slice %arg16[%dma_wait3A_778] : memref<10240xf32, #tpu.memory_space<vmem_shared>> -> memref<10240xf32, #tpu.memory_space<vmem_shared>>
        tpu.wait_indirect_dma semaphore(%arg19 : memref<!tpu.dma_semaphore, #tpu.memory_space<semaphore_mem>>) src(%dma_wait3A_774 : memref<128xf32, #tpu.memory_space<vmem>>) dst(%dma_wait3A_779 : memref<10240xf32, #tpu.memory_space<vmem_shared>>)
      } else {
      }
      %jit3A = arith.constant 8 : i32
      %eq3A = arith.constant 0 : i32
      %eq3A_656 = arith.cmpi eq, %jit3A, %eq3A : i32
      %jit3A_657 = arith.constant 1 : i32
      %select_n3A = arith.select %eq3A_656, %jit3A_657, %jit3A : i32
      %rem3A = arith.remsi %scan3A_653, %select_n3A : i32
      %ne3A = arith.constant 0 : i32
      %ne3A_658 = arith.cmpi ne, %rem3A, %ne3A : i32
      %lt3A = arith.constant 0 : i32
      %lt3A_659 = arith.cmpi slt, %rem3A, %lt3A : i32
      %lt3A_660 = arith.constant 0 : i32
      %lt3A_661 = arith.cmpi slt, %select_n3A, %lt3A_660 : i32
      %ne3A_662 = arith.xori %lt3A_659, %lt3A_661 : i1
      %and3A = arith.andi %ne3A_662, %ne3A_658 : i1
      %add3A_663 = arith.addi %rem3A, %select_n3A : i32
      %select_n3A_664 = arith.select %and3A, %add3A_663, %rem3A : i32
      %dma_wait3A_665 = arith.constant 0 : i32
      %dma_wait3A_666 = tpu.memref_slice %arg10[%select_n3A_664, %dma_wait3A_665] : memref<8x128xf32, #tpu.memory_space<vmem>> -> memref<1x128xf32, #tpu.memory_space<vmem>>
      %dma_wait3A_667 = tpu.memref_squeeze %dma_wait3A_666 : memref<1x128xf32, #tpu.memory_space<vmem>> -> memref<128xf32, #tpu.memory_space<vmem>>
      %dma_wait3A_668 = arith.constant 0 : i32
      %dma_wait3A_669 = tpu.memref_slice %arg4[%dma_wait3A_668] : memref<10240xf32, #tpu.memory_space<hbm>> -> memref<128xf32, #tpu.memory_space<hbm>>
      %dma_wait3A_670 = arith.constant 0 : i32
      %dma_wait3A_671 = tpu.memref_slice %arg10[%select_n3A_664, %dma_wait3A_670] : memref<8x128xf32, #tpu.memory_space<vmem>> -> memref<1x128xf32, #tpu.memory_space<vmem>>
      %dma_wait3A_672 = tpu.memref_squeeze %dma_wait3A_671 : memref<1x128xf32, #tpu.memory_space<vmem>> -> memref<128xf32, #tpu.memory_space<vmem>>
      %dma_wait3A_673 = arith.constant 0 : i32
      %dma_wait3A_674 = tpu.memref_slice %arg4[%dma_wait3A_673] : memref<10240xf32, #tpu.memory_space<hbm>> -> memref<128xf32, #tpu.memory_space<hbm>>
      tpu.wait_dma2 semaphore(%arg18 : memref<!tpu.dma_semaphore, #tpu.memory_space<semaphore_mem>>) src(%dma_wait3A_674 : memref<128xf32, #tpu.memory_space<hbm>>) dst(%dma_wait3A_672 : memref<128xf32, #tpu.memory_space<vmem>>)
      %add3A_675 = arith.constant 2 : i32
      %add3A_676 = arith.addi %scan3A_653, %add3A_675 : i32
      %lt3A_677 = arith.constant 160 : i32
      %lt3A_678 = arith.cmpi slt, %add3A_676, %lt3A_677 : i32
      %convert_element_type3A_679 = arith.extui %lt3A_678 : i1 to i32
      %cond3A_680 = arith.constant 0 : i32
      %cond3A_681 = arith.cmpi ne, %convert_element_type3A_679, %cond3A_680 : i32
      scf.if %cond3A_681 {
        %add3A_770 = arith.constant 2 : i32
        %add3A_771 = arith.addi %scan3A_653, %add3A_770 : i32
        %add3A_772 = arith.constant 2 : i32
        %add3A_773 = arith.addi %scan3A_653, %add3A_772 : i32
        %jit3A_774 = arith.constant 8 : i32
        %eq3A_775 = arith.constant 0 : i32
        %eq3A_776 = arith.cmpi eq, %jit3A_774, %eq3A_775 : i32
        %jit3A_777 = arith.constant 1 : i32
        %select_n3A_778 = arith.select %eq3A_776, %jit3A_777, %jit3A_774 : i32
        %rem3A_779 = arith.remsi %add3A_773, %select_n3A_778 : i32
        %ne3A_780 = arith.constant 0 : i32
        %ne3A_781 = arith.cmpi ne, %rem3A_779, %ne3A_780 : i32
        %lt3A_782 = arith.constant 0 : i32
        %lt3A_783 = arith.cmpi slt, %rem3A_779, %lt3A_782 : i32
        %lt3A_784 = arith.constant 0 : i32
        %lt3A_785 = arith.cmpi slt, %select_n3A_778, %lt3A_784 : i32
        %ne3A_786 = arith.xori %lt3A_783, %lt3A_785 : i1
        %and3A_787 = arith.andi %ne3A_786, %ne3A_781 : i1
        %add3A_788 = arith.addi %rem3A_779, %select_n3A_778 : i32
        %select_n3A_789 = arith.select %and3A_787, %add3A_788, %rem3A_779 : i32
        %dma_start3A_790 = arith.constant 0 : i32
        %dma_start3A_791 = tpu.memref_slice %arg10[%select_n3A_789, %dma_start3A_790] : memref<8x128xf32, #tpu.memory_space<vmem>> -> memref<1x128xf32, #tpu.memory_space<vmem>>
        %dma_start3A_792 = tpu.memref_squeeze %dma_start3A_791 : memref<1x128xf32, #tpu.memory_space<vmem>> -> memref<128xf32, #tpu.memory_space<vmem>>
        %dma_start3A_793 = arith.constant 0 : i32
        %dma_start3A_794 = tpu.memref_slice %arg8[%add3A_771, %dma_start3A_793] : memref<160x128xi32, #tpu.memory_space<vmem>> -> memref<1x128xi32, #tpu.memory_space<vmem>>
        %dma_start3A_795 = tpu.memref_squeeze %dma_start3A_794 : memref<1x128xi32, #tpu.memory_space<vmem>> -> memref<128xi32, #tpu.memory_space<vmem>>
        %dma_start3A_796 = arith.constant 0 : i32
        %dma_start3A_797 = tpu.memref_slice %arg17[%dma_start3A_796] : memref<10240xf32, #tpu.memory_space<vmem_shared>> -> memref<10240xf32, #tpu.memory_space<vmem_shared>>
        tpu.enqueue_indirect_dma source(%dma_start3A_797 : memref<10240xf32, #tpu.memory_space<vmem_shared>>) target(%dma_start3A_792 : memref<128xf32, #tpu.memory_space<vmem>>) offsets(%dma_start3A_795 : memref<128xi32, #tpu.memory_space<vmem>>) semaphore(%arg18 : memref<!tpu.dma_semaphore, #tpu.memory_space<semaphore_mem>>)
      } else {
      }
      %jit3A_682 = arith.constant 8 : i32
      %eq3A_683 = arith.constant 0 : i32
      %eq3A_684 = arith.cmpi eq, %jit3A_682, %eq3A_683 : i32
      %jit3A_685 = arith.constant 1 : i32
      %select_n3A_686 = arith.select %eq3A_684, %jit3A_685, %jit3A_682 : i32
      %rem3A_687 = arith.remsi %scan3A_653, %select_n3A_686 : i32
      %ne3A_688 = arith.constant 0 : i32
      %ne3A_689 = arith.cmpi ne, %rem3A_687, %ne3A_688 : i32
      %lt3A_690 = arith.constant 0 : i32
      %lt3A_691 = arith.cmpi slt, %rem3A_687, %lt3A_690 : i32
      %lt3A_692 = arith.constant 0 : i32
      %lt3A_693 = arith.cmpi slt, %select_n3A_686, %lt3A_692 : i32
      %ne3A_694 = arith.xori %lt3A_691, %lt3A_693 : i1
      %and3A_695 = arith.andi %ne3A_694, %ne3A_689 : i1
      %add3A_696 = arith.addi %rem3A_687, %select_n3A_686 : i32
      %select_n3A_697 = arith.select %and3A_695, %add3A_696, %rem3A_687 : i32
      %dma_start3A_698 = arith.constant 0 : i32
      %dma_start3A_699 = tpu.memref_slice %arg10[%select_n3A_697, %dma_start3A_698] : memref<8x128xf32, #tpu.memory_space<vmem>> -> memref<1x128xf32, #tpu.memory_space<vmem>>
      %dma_start3A_700 = tpu.memref_squeeze %dma_start3A_699 : memref<1x128xf32, #tpu.memory_space<vmem>> -> memref<128xf32, #tpu.memory_space<vmem>>
      %dma_start3A_701 = arith.constant 0 : i32
      %dma_start3A_702 = tpu.memref_slice %arg9[%scan3A_653, %dma_start3A_701] : memref<160x128xi32, #tpu.memory_space<vmem>> -> memref<1x128xi32, #tpu.memory_space<vmem>>
      %dma_start3A_703 = tpu.memref_squeeze %dma_start3A_702 : memref<1x128xi32, #tpu.memory_space<vmem>> -> memref<128xi32, #tpu.memory_space<vmem>>
      %dma_start3A_704 = arith.constant 0 : i32
      %dma_start3A_705 = tpu.memref_slice %arg16[%dma_start3A_704] : memref<10240xf32, #tpu.memory_space<vmem_shared>> -> memref<10240xf32, #tpu.memory_space<vmem_shared>>
      tpu.enqueue_indirect_dma source(%dma_start3A_700 : memref<128xf32, #tpu.memory_space<vmem>>) target(%dma_start3A_705 : memref<10240xf32, #tpu.memory_space<vmem_shared>>) offsets(%dma_start3A_703 : memref<128xi32, #tpu.memory_space<vmem>>) semaphore(%arg19 : memref<!tpu.dma_semaphore, #tpu.memory_space<semaphore_mem>>) {add = true}
      %scan3A_706 = arith.constant 1 : i32
      %scan3A_707 = arith.addi %scan3A_653, %scan3A_706 : i32
      %ge3A_708 = arith.constant 6 : i32
      %ge3A_709 = arith.cmpi sge, %scan3A_707, %ge3A_708 : i32
      %convert_element_type3A_710 = arith.extui %ge3A_709 : i1 to i32
      %cond3A_711 = arith.constant 0 : i32
      %cond3A_712 = arith.cmpi ne, %convert_element_type3A_710, %cond3A_711 : i32
      scf.if %cond3A_712 {
        %dma_wait3A_770 = arith.constant 0 : i32
        %dma_wait3A_771 = arith.constant 0 : i32
        %dma_wait3A_772 = arith.constant 0 : i32
        %dma_wait3A_773 = tpu.memref_slice %arg10[%dma_wait3A_770, %dma_wait3A_772] : memref<8x128xf32, #tpu.memory_space<vmem>> -> memref<1x128xf32, #tpu.memory_space<vmem>>
        %dma_wait3A_774 = tpu.memref_squeeze %dma_wait3A_773 : memref<1x128xf32, #tpu.memory_space<vmem>> -> memref<128xf32, #tpu.memory_space<vmem>>
        %dma_wait3A_775 = arith.constant 0 : i32
        %dma_wait3A_776 = tpu.memref_slice %arg9[%dma_wait3A_771, %dma_wait3A_775] : memref<160x128xi32, #tpu.memory_space<vmem>> -> memref<1x128xi32, #tpu.memory_space<vmem>>
        %dma_wait3A_777 = tpu.memref_squeeze %dma_wait3A_776 : memref<1x128xi32, #tpu.memory_space<vmem>> -> memref<128xi32, #tpu.memory_space<vmem>>
        %dma_wait3A_778 = arith.constant 0 : i32
        %dma_wait3A_779 = tpu.memref_slice %arg16[%dma_wait3A_778] : memref<10240xf32, #tpu.memory_space<vmem_shared>> -> memref<10240xf32, #tpu.memory_space<vmem_shared>>
        tpu.wait_indirect_dma semaphore(%arg19 : memref<!tpu.dma_semaphore, #tpu.memory_space<semaphore_mem>>) src(%dma_wait3A_774 : memref<128xf32, #tpu.memory_space<vmem>>) dst(%dma_wait3A_779 : memref<10240xf32, #tpu.memory_space<vmem_shared>>)
      } else {
      }
      %jit3A_713 = arith.constant 8 : i32
      %eq3A_714 = arith.constant 0 : i32
      %eq3A_715 = arith.cmpi eq, %jit3A_713, %eq3A_714 : i32
      %jit3A_716 = arith.constant 1 : i32
      %select_n3A_717 = arith.select %eq3A_715, %jit3A_716, %jit3A_713 : i32
      %rem3A_718 = arith.remsi %scan3A_707, %select_n3A_717 : i32
      %ne3A_719 = arith.constant 0 : i32
      %ne3A_720 = arith.cmpi ne, %rem3A_718, %ne3A_719 : i32
      %lt3A_721 = arith.constant 0 : i32
      %lt3A_722 = arith.cmpi slt, %rem3A_718, %lt3A_721 : i32
      %lt3A_723 = arith.constant 0 : i32
      %lt3A_724 = arith.cmpi slt, %select_n3A_717, %lt3A_723 : i32
      %ne3A_725 = arith.xori %lt3A_722, %lt3A_724 : i1
      %and3A_726 = arith.andi %ne3A_725, %ne3A_720 : i1
      %add3A_727 = arith.addi %rem3A_718, %select_n3A_717 : i32
      %select_n3A_728 = arith.select %and3A_726, %add3A_727, %rem3A_718 : i32
      %dma_wait3A_729 = arith.constant 0 : i32
      %dma_wait3A_730 = tpu.memref_slice %arg10[%select_n3A_728, %dma_wait3A_729] : memref<8x128xf32, #tpu.memory_space<vmem>> -> memref<1x128xf32, #tpu.memory_space<vmem>>
      %dma_wait3A_731 = tpu.memref_squeeze %dma_wait3A_730 : memref<1x128xf32, #tpu.memory_space<vmem>> -> memref<128xf32, #tpu.memory_space<vmem>>
      %dma_wait3A_732 = arith.constant 0 : i32
      %dma_wait3A_733 = tpu.memref_slice %arg4[%dma_wait3A_732] : memref<10240xf32, #tpu.memory_space<hbm>> -> memref<128xf32, #tpu.memory_space<hbm>>
      %dma_wait3A_734 = arith.constant 0 : i32
      %dma_wait3A_735 = tpu.memref_slice %arg10[%select_n3A_728, %dma_wait3A_734] : memref<8x128xf32, #tpu.memory_space<vmem>> -> memref<1x128xf32, #tpu.memory_space<vmem>>
      %dma_wait3A_736 = tpu.memref_squeeze %dma_wait3A_735 : memref<1x128xf32, #tpu.memory_space<vmem>> -> memref<128xf32, #tpu.memory_space<vmem>>
      %dma_wait3A_737 = arith.constant 0 : i32
      %dma_wait3A_738 = tpu.memref_slice %arg4[%dma_wait3A_737] : memref<10240xf32, #tpu.memory_space<hbm>> -> memref<128xf32, #tpu.memory_space<hbm>>
      tpu.wait_dma2 semaphore(%arg18 : memref<!tpu.dma_semaphore, #tpu.memory_space<semaphore_mem>>) src(%dma_wait3A_738 : memref<128xf32, #tpu.memory_space<hbm>>) dst(%dma_wait3A_736 : memref<128xf32, #tpu.memory_space<vmem>>)
      %add3A_739 = arith.constant 2 : i32
      %add3A_740 = arith.addi %scan3A_707, %add3A_739 : i32
      %lt3A_741 = arith.constant 160 : i32
      %lt3A_742 = arith.cmpi slt, %add3A_740, %lt3A_741 : i32
      %convert_element_type3A_743 = arith.extui %lt3A_742 : i1 to i32
      %cond3A_744 = arith.constant 0 : i32
      %cond3A_745 = arith.cmpi ne, %convert_element_type3A_743, %cond3A_744 : i32
      scf.if %cond3A_745 {
        %add3A_770 = arith.constant 2 : i32
        %add3A_771 = arith.addi %scan3A_707, %add3A_770 : i32
        %add3A_772 = arith.constant 2 : i32
        %add3A_773 = arith.addi %scan3A_707, %add3A_772 : i32
        %jit3A_774 = arith.constant 8 : i32
        %eq3A_775 = arith.constant 0 : i32
        %eq3A_776 = arith.cmpi eq, %jit3A_774, %eq3A_775 : i32
        %jit3A_777 = arith.constant 1 : i32
        %select_n3A_778 = arith.select %eq3A_776, %jit3A_777, %jit3A_774 : i32
        %rem3A_779 = arith.remsi %add3A_773, %select_n3A_778 : i32
        %ne3A_780 = arith.constant 0 : i32
        %ne3A_781 = arith.cmpi ne, %rem3A_779, %ne3A_780 : i32
        %lt3A_782 = arith.constant 0 : i32
        %lt3A_783 = arith.cmpi slt, %rem3A_779, %lt3A_782 : i32
        %lt3A_784 = arith.constant 0 : i32
        %lt3A_785 = arith.cmpi slt, %select_n3A_778, %lt3A_784 : i32
        %ne3A_786 = arith.xori %lt3A_783, %lt3A_785 : i1
        %and3A_787 = arith.andi %ne3A_786, %ne3A_781 : i1
        %add3A_788 = arith.addi %rem3A_779, %select_n3A_778 : i32
        %select_n3A_789 = arith.select %and3A_787, %add3A_788, %rem3A_779 : i32
        %dma_start3A_790 = arith.constant 0 : i32
        %dma_start3A_791 = tpu.memref_slice %arg10[%select_n3A_789, %dma_start3A_790] : memref<8x128xf32, #tpu.memory_space<vmem>> -> memref<1x128xf32, #tpu.memory_space<vmem>>
        %dma_start3A_792 = tpu.memref_squeeze %dma_start3A_791 : memref<1x128xf32, #tpu.memory_space<vmem>> -> memref<128xf32, #tpu.memory_space<vmem>>
        %dma_start3A_793 = arith.constant 0 : i32
        %dma_start3A_794 = tpu.memref_slice %arg8[%add3A_771, %dma_start3A_793] : memref<160x128xi32, #tpu.memory_space<vmem>> -> memref<1x128xi32, #tpu.memory_space<vmem>>
        %dma_start3A_795 = tpu.memref_squeeze %dma_start3A_794 : memref<1x128xi32, #tpu.memory_space<vmem>> -> memref<128xi32, #tpu.memory_space<vmem>>
        %dma_start3A_796 = arith.constant 0 : i32
        %dma_start3A_797 = tpu.memref_slice %arg17[%dma_start3A_796] : memref<10240xf32, #tpu.memory_space<vmem_shared>> -> memref<10240xf32, #tpu.memory_space<vmem_shared>>
        tpu.enqueue_indirect_dma source(%dma_start3A_797 : memref<10240xf32, #tpu.memory_space<vmem_shared>>) target(%dma_start3A_792 : memref<128xf32, #tpu.memory_space<vmem>>) offsets(%dma_start3A_795 : memref<128xi32, #tpu.memory_space<vmem>>) semaphore(%arg18 : memref<!tpu.dma_semaphore, #tpu.memory_space<semaphore_mem>>)
      } else {
      }
      %jit3A_746 = arith.constant 8 : i32
      %eq3A_747 = arith.constant 0 : i32
      %eq3A_748 = arith.cmpi eq, %jit3A_746, %eq3A_747 : i32
      %jit3A_749 = arith.constant 1 : i32
      %select_n3A_750 = arith.select %eq3A_748, %jit3A_749, %jit3A_746 : i32
      %rem3A_751 = arith.remsi %scan3A_707, %select_n3A_750 : i32
      %ne3A_752 = arith.constant 0 : i32
      %ne3A_753 = arith.cmpi ne, %rem3A_751, %ne3A_752 : i32
      %lt3A_754 = arith.constant 0 : i32
      %lt3A_755 = arith.cmpi slt, %rem3A_751, %lt3A_754 : i32
      %lt3A_756 = arith.constant 0 : i32
      %lt3A_757 = arith.cmpi slt, %select_n3A_750, %lt3A_756 : i32
      %ne3A_758 = arith.xori %lt3A_755, %lt3A_757 : i1
      %and3A_759 = arith.andi %ne3A_758, %ne3A_753 : i1
      %add3A_760 = arith.addi %rem3A_751, %select_n3A_750 : i32
      %select_n3A_761 = arith.select %and3A_759, %add3A_760, %rem3A_751 : i32
      %dma_start3A_762 = arith.constant 0 : i32
      %dma_start3A_763 = tpu.memref_slice %arg10[%select_n3A_761, %dma_start3A_762] : memref<8x128xf32, #tpu.memory_space<vmem>> -> memref<1x128xf32, #tpu.memory_space<vmem>>
      %dma_start3A_764 = tpu.memref_squeeze %dma_start3A_763 : memref<1x128xf32, #tpu.memory_space<vmem>> -> memref<128xf32, #tpu.memory_space<vmem>>
      %dma_start3A_765 = arith.constant 0 : i32
      %dma_start3A_766 = tpu.memref_slice %arg9[%scan3A_707, %dma_start3A_765] : memref<160x128xi32, #tpu.memory_space<vmem>> -> memref<1x128xi32, #tpu.memory_space<vmem>>
      %dma_start3A_767 = tpu.memref_squeeze %dma_start3A_766 : memref<1x128xi32, #tpu.memory_space<vmem>> -> memref<128xi32, #tpu.memory_space<vmem>>
      %dma_start3A_768 = arith.constant 0 : i32
      %dma_start3A_769 = tpu.memref_slice %arg16[%dma_start3A_768] : memref<10240xf32, #tpu.memory_space<vmem_shared>> -> memref<10240xf32, #tpu.memory_space<vmem_shared>>
      tpu.enqueue_indirect_dma source(%dma_start3A_764 : memref<128xf32, #tpu.memory_space<vmem>>) target(%dma_start3A_769 : memref<10240xf32, #tpu.memory_space<vmem_shared>>) offsets(%dma_start3A_767 : memref<128xi32, #tpu.memory_space<vmem>>) semaphore(%arg19 : memref<!tpu.dma_semaphore, #tpu.memory_space<semaphore_mem>>) {add = true}
    }
    %scan3A_266 = arith.constant 160 : i32
    %dma_wait3A = arith.constant 0 : i32
    %dma_wait3A_267 = arith.constant 0 : i32
    %dma_wait3A_268 = arith.constant 0 : i32
    %dma_wait3A_269 = tpu.memref_slice %arg10[%dma_wait3A, %dma_wait3A_268] : memref<8x128xf32, #tpu.memory_space<vmem>> -> memref<1x128xf32, #tpu.memory_space<vmem>>
    %dma_wait3A_270 = tpu.memref_squeeze %dma_wait3A_269 : memref<1x128xf32, #tpu.memory_space<vmem>> -> memref<128xf32, #tpu.memory_space<vmem>>
    %dma_wait3A_271 = arith.constant 0 : i32
    %dma_wait3A_272 = tpu.memref_slice %arg9[%dma_wait3A_267, %dma_wait3A_271] : memref<160x128xi32, #tpu.memory_space<vmem>> -> memref<1x128xi32, #tpu.memory_space<vmem>>
    %dma_wait3A_273 = tpu.memref_squeeze %dma_wait3A_272 : memref<1x128xi32, #tpu.memory_space<vmem>> -> memref<128xi32, #tpu.memory_space<vmem>>
    %dma_wait3A_274 = arith.constant 0 : i32
    %dma_wait3A_275 = tpu.memref_slice %arg16[%dma_wait3A_274] : memref<10240xf32, #tpu.memory_space<vmem_shared>> -> memref<10240xf32, #tpu.memory_space<vmem_shared>>
    tpu.wait_indirect_dma semaphore(%arg19 : memref<!tpu.dma_semaphore, #tpu.memory_space<semaphore_mem>>) src(%dma_wait3A_270 : memref<128xf32, #tpu.memory_space<vmem>>) dst(%dma_wait3A_275 : memref<10240xf32, #tpu.memory_space<vmem_shared>>)
    %dma_wait3A_276 = arith.constant 0 : i32
    %dma_wait3A_277 = arith.constant 0 : i32
    %dma_wait3A_278 = arith.constant 0 : i32
    %dma_wait3A_279 = tpu.memref_slice %arg10[%dma_wait3A_276, %dma_wait3A_278] : memref<8x128xf32, #tpu.memory_space<vmem>> -> memref<1x128xf32, #tpu.memory_space<vmem>>
    %dma_wait3A_280 = tpu.memref_squeeze %dma_wait3A_279 : memref<1x128xf32, #tpu.memory_space<vmem>> -> memref<128xf32, #tpu.memory_space<vmem>>
    %dma_wait3A_281 = arith.constant 0 : i32
    %dma_wait3A_282 = tpu.memref_slice %arg9[%dma_wait3A_277, %dma_wait3A_281] : memref<160x128xi32, #tpu.memory_space<vmem>> -> memref<1x128xi32, #tpu.memory_space<vmem>>
    %dma_wait3A_283 = tpu.memref_squeeze %dma_wait3A_282 : memref<1x128xi32, #tpu.memory_space<vmem>> -> memref<128xi32, #tpu.memory_space<vmem>>
    %dma_wait3A_284 = arith.constant 0 : i32
    %dma_wait3A_285 = tpu.memref_slice %arg16[%dma_wait3A_284] : memref<10240xf32, #tpu.memory_space<vmem_shared>> -> memref<10240xf32, #tpu.memory_space<vmem_shared>>
    tpu.wait_indirect_dma semaphore(%arg19 : memref<!tpu.dma_semaphore, #tpu.memory_space<semaphore_mem>>) src(%dma_wait3A_280 : memref<128xf32, #tpu.memory_space<vmem>>) dst(%dma_wait3A_285 : memref<10240xf32, #tpu.memory_space<vmem_shared>>)
    %dma_wait3A_286 = arith.constant 0 : i32
    %dma_wait3A_287 = arith.constant 0 : i32
    %dma_wait3A_288 = arith.constant 0 : i32
    %dma_wait3A_289 = tpu.memref_slice %arg10[%dma_wait3A_286, %dma_wait3A_288] : memref<8x128xf32, #tpu.memory_space<vmem>> -> memref<1x128xf32, #tpu.memory_space<vmem>>
    %dma_wait3A_290 = tpu.memref_squeeze %dma_wait3A_289 : memref<1x128xf32, #tpu.memory_space<vmem>> -> memref<128xf32, #tpu.memory_space<vmem>>
    %dma_wait3A_291 = arith.constant 0 : i32
    %dma_wait3A_292 = tpu.memref_slice %arg9[%dma_wait3A_287, %dma_wait3A_291] : memref<160x128xi32, #tpu.memory_space<vmem>> -> memref<1x128xi32, #tpu.memory_space<vmem>>
    %dma_wait3A_293 = tpu.memref_squeeze %dma_wait3A_292 : memref<1x128xi32, #tpu.memory_space<vmem>> -> memref<128xi32, #tpu.memory_space<vmem>>
    %dma_wait3A_294 = arith.constant 0 : i32
    %dma_wait3A_295 = tpu.memref_slice %arg16[%dma_wait3A_294] : memref<10240xf32, #tpu.memory_space<vmem_shared>> -> memref<10240xf32, #tpu.memory_space<vmem_shared>>
    tpu.wait_indirect_dma semaphore(%arg19 : memref<!tpu.dma_semaphore, #tpu.memory_space<semaphore_mem>>) src(%dma_wait3A_290 : memref<128xf32, #tpu.memory_space<vmem>>) dst(%dma_wait3A_295 : memref<10240xf32, #tpu.memory_space<vmem_shared>>)
    %dma_wait3A_296 = arith.constant 0 : i32
    %dma_wait3A_297 = arith.constant 0 : i32
    %dma_wait3A_298 = arith.constant 0 : i32
    %dma_wait3A_299 = tpu.memref_slice %arg10[%dma_wait3A_296, %dma_wait3A_298] : memref<8x128xf32, #tpu.memory_space<vmem>> -> memref<1x128xf32, #tpu.memory_space<vmem>>
    %dma_wait3A_300 = tpu.memref_squeeze %dma_wait3A_299 : memref<1x128xf32, #tpu.memory_space<vmem>> -> memref<128xf32, #tpu.memory_space<vmem>>
    %dma_wait3A_301 = arith.constant 0 : i32
    %dma_wait3A_302 = tpu.memref_slice %arg9[%dma_wait3A_297, %dma_wait3A_301] : memref<160x128xi32, #tpu.memory_space<vmem>> -> memref<1x128xi32, #tpu.memory_space<vmem>>
    %dma_wait3A_303 = tpu.memref_squeeze %dma_wait3A_302 : memref<1x128xi32, #tpu.memory_space<vmem>> -> memref<128xi32, #tpu.memory_space<vmem>>
    %dma_wait3A_304 = arith.constant 0 : i32
    %dma_wait3A_305 = tpu.memref_slice %arg16[%dma_wait3A_304] : memref<10240xf32, #tpu.memory_space<vmem_shared>> -> memref<10240xf32, #tpu.memory_space<vmem_shared>>
    tpu.wait_indirect_dma semaphore(%arg19 : memref<!tpu.dma_semaphore, #tpu.memory_space<semaphore_mem>>) src(%dma_wait3A_300 : memref<128xf32, #tpu.memory_space<vmem>>) dst(%dma_wait3A_305 : memref<10240xf32, #tpu.memory_space<vmem_shared>>)
    %dma_wait3A_306 = arith.constant 0 : i32
    %dma_wait3A_307 = arith.constant 0 : i32
    %dma_wait3A_308 = arith.constant 0 : i32
    %dma_wait3A_309 = tpu.memref_slice %arg10[%dma_wait3A_306, %dma_wait3A_308] : memref<8x128xf32, #tpu.memory_space<vmem>> -> memref<1x128xf32, #tpu.memory_space<vmem>>
    %dma_wait3A_310 = tpu.memref_squeeze %dma_wait3A_309 : memref<1x128xf32, #tpu.memory_space<vmem>> -> memref<128xf32, #tpu.memory_space<vmem>>
    %dma_wait3A_311 = arith.constant 0 : i32
    %dma_wait3A_312 = tpu.memref_slice %arg9[%dma_wait3A_307, %dma_wait3A_311] : memref<160x128xi32, #tpu.memory_space<vmem>> -> memref<1x128xi32, #tpu.memory_space<vmem>>
    %dma_wait3A_313 = tpu.memref_squeeze %dma_wait3A_312 : memref<1x128xi32, #tpu.memory_space<vmem>> -> memref<128xi32, #tpu.memory_space<vmem>>
    %dma_wait3A_314 = arith.constant 0 : i32
    %dma_wait3A_315 = tpu.memref_slice %arg16[%dma_wait3A_314] : memref<10240xf32, #tpu.memory_space<vmem_shared>> -> memref<10240xf32, #tpu.memory_space<vmem_shared>>
    tpu.wait_indirect_dma semaphore(%arg19 : memref<!tpu.dma_semaphore, #tpu.memory_space<semaphore_mem>>) src(%dma_wait3A_310 : memref<128xf32, #tpu.memory_space<vmem>>) dst(%dma_wait3A_315 : memref<10240xf32, #tpu.memory_space<vmem_shared>>)
    %dma_wait3A_316 = arith.constant 0 : i32
    %dma_wait3A_317 = arith.constant 0 : i32
    %dma_wait3A_318 = arith.constant 0 : i32
    %dma_wait3A_319 = tpu.memref_slice %arg10[%dma_wait3A_316, %dma_wait3A_318] : memref<8x128xf32, #tpu.memory_space<vmem>> -> memref<1x128xf32, #tpu.memory_space<vmem>>
    %dma_wait3A_320 = tpu.memref_squeeze %dma_wait3A_319 : memref<1x128xf32, #tpu.memory_space<vmem>> -> memref<128xf32, #tpu.memory_space<vmem>>
    %dma_wait3A_321 = arith.constant 0 : i32
    %dma_wait3A_322 = tpu.memref_slice %arg9[%dma_wait3A_317, %dma_wait3A_321] : memref<160x128xi32, #tpu.memory_space<vmem>> -> memref<1x128xi32, #tpu.memory_space<vmem>>
    %dma_wait3A_323 = tpu.memref_squeeze %dma_wait3A_322 : memref<1x128xi32, #tpu.memory_space<vmem>> -> memref<128xi32, #tpu.memory_space<vmem>>
    %dma_wait3A_324 = arith.constant 0 : i32
    %dma_wait3A_325 = tpu.memref_slice %arg16[%dma_wait3A_324] : memref<10240xf32, #tpu.memory_space<vmem_shared>> -> memref<10240xf32, #tpu.memory_space<vmem_shared>>
    tpu.wait_indirect_dma semaphore(%arg19 : memref<!tpu.dma_semaphore, #tpu.memory_space<semaphore_mem>>) src(%dma_wait3A_320 : memref<128xf32, #tpu.memory_space<vmem>>) dst(%dma_wait3A_325 : memref<10240xf32, #tpu.memory_space<vmem_shared>>)
    %barrier3A_326 = arith.constant 0 : index
    tpu.barrier barrier_id(%barrier3A_326)
    %mul3A_327 = arith.constant 5120 : i32
    %mul3A_328 = arith.muli %arg0, %mul3A_327 : i32
    %mul3A_329 = arith.constant 320 : i32
    %mul3A_330 = arith.muli %arg1, %mul3A_329 : i32
    %add3A = arith.addi %mul3A_328, %mul3A_330 : i32
    "tpu.region"() ({
      %run_scoped3A = tpu.sem_alloc : memref<!tpu.dma_semaphore, #tpu.memory_space<semaphore_mem>>
      %dma_start3A_653 = tpu.memref_slice %arg16[%add3A] : memref<10240xf32, #tpu.memory_space<vmem_shared>> -> memref<320xf32, #tpu.memory_space<vmem_shared>>
      %dma_start3A_654 = tpu.memref_slice %arg16[%add3A] : memref<10240xf32, #tpu.memory_space<vmem_shared>> -> memref<320xf32, #tpu.memory_space<vmem_shared>>
      tpu.enqueue_dma source(%dma_start3A_654 : memref<320xf32, #tpu.memory_space<vmem_shared>>) target(%arg12 : memref<320xf32, #tpu.memory_space<vmem>>) target_semaphore(%run_scoped3A : memref<!tpu.dma_semaphore, #tpu.memory_space<semaphore_mem>>)
      %dma_wait3A_655 = tpu.memref_slice %arg16[%add3A] : memref<10240xf32, #tpu.memory_space<vmem_shared>> -> memref<320xf32, #tpu.memory_space<vmem_shared>>
      %dma_wait3A_656 = tpu.memref_slice %arg16[%add3A] : memref<10240xf32, #tpu.memory_space<vmem_shared>> -> memref<320xf32, #tpu.memory_space<vmem_shared>>
      tpu.wait_dma2 semaphore(%run_scoped3A : memref<!tpu.dma_semaphore, #tpu.memory_space<semaphore_mem>>) src(%dma_wait3A_656 : memref<320xf32, #tpu.memory_space<vmem_shared>>) dst(%arg12 : memref<320xf32, #tpu.memory_space<vmem>>)
      tpu.yield
    }) : () -> ()
    "tpu.region"() ({
      %run_scoped3A = tpu.sem_alloc : memref<!tpu.dma_semaphore, #tpu.memory_space<semaphore_mem>>
      %dma_start3A_653 = arith.constant 0 : i32
      %dma_start3A_654 = tpu.memref_slice %arg11[%dma_start3A_653] : memref<640xf32, #tpu.memory_space<vmem>> -> memref<320xf32, #tpu.memory_space<vmem>>
      %dma_start3A_655 = tpu.memref_slice %arg17[%add3A] : memref<10240xf32, #tpu.memory_space<vmem_shared>> -> memref<320xf32, #tpu.memory_space<vmem_shared>>
      %dma_start3A_656 = arith.constant 0 : i32
      %dma_start3A_657 = tpu.memref_slice %arg11[%dma_start3A_656] : memref<640xf32, #tpu.memory_space<vmem>> -> memref<320xf32, #tpu.memory_space<vmem>>
      %dma_start3A_658 = tpu.memref_slice %arg17[%add3A] : memref<10240xf32, #tpu.memory_space<vmem_shared>> -> memref<320xf32, #tpu.memory_space<vmem_shared>>
      tpu.enqueue_dma source(%dma_start3A_658 : memref<320xf32, #tpu.memory_space<vmem_shared>>) target(%dma_start3A_657 : memref<320xf32, #tpu.memory_space<vmem>>) target_semaphore(%run_scoped3A : memref<!tpu.dma_semaphore, #tpu.memory_space<semaphore_mem>>)
      %dma_wait3A_659 = arith.constant 0 : i32
      %dma_wait3A_660 = tpu.memref_slice %arg11[%dma_wait3A_659] : memref<640xf32, #tpu.memory_space<vmem>> -> memref<320xf32, #tpu.memory_space<vmem>>
      %dma_wait3A_661 = tpu.memref_slice %arg17[%add3A] : memref<10240xf32, #tpu.memory_space<vmem_shared>> -> memref<320xf32, #tpu.memory_space<vmem_shared>>
      %dma_wait3A_662 = arith.constant 0 : i32
      %dma_wait3A_663 = tpu.memref_slice %arg11[%dma_wait3A_662] : memref<640xf32, #tpu.memory_space<vmem>> -> memref<320xf32, #tpu.memory_space<vmem>>
      %dma_wait3A_664 = tpu.memref_slice %arg17[%add3A] : memref<10240xf32, #tpu.memory_space<vmem_shared>> -> memref<320xf32, #tpu.memory_space<vmem_shared>>
      tpu.wait_dma2 semaphore(%run_scoped3A : memref<!tpu.dma_semaphore, #tpu.memory_space<semaphore_mem>>) src(%dma_wait3A_664 : memref<320xf32, #tpu.memory_space<vmem_shared>>) dst(%dma_wait3A_663 : memref<320xf32, #tpu.memory_space<vmem>>)
      tpu.yield
    }) : () -> ()
    "tpu.region"() ({
      %run_scoped3A = tpu.sem_alloc : memref<!tpu.dma_semaphore, #tpu.memory_space<semaphore_mem>>
      %dma_start3A_653 = tpu.memref_slice %arg5[%add3A] : memref<10240xf32, #tpu.memory_space<hbm>> -> memref<320xf32, #tpu.memory_space<hbm>>
      %dma_start3A_654 = tpu.memref_slice %arg5[%add3A] : memref<10240xf32, #tpu.memory_space<hbm>> -> memref<320xf32, #tpu.memory_space<hbm>>
      tpu.enqueue_dma source(%dma_start3A_654 : memref<320xf32, #tpu.memory_space<hbm>>) target(%arg13 : memref<320xf32, #tpu.memory_space<vmem>>) target_semaphore(%run_scoped3A : memref<!tpu.dma_semaphore, #tpu.memory_space<semaphore_mem>>)
      %dma_wait3A_655 = tpu.memref_slice %arg5[%add3A] : memref<10240xf32, #tpu.memory_space<hbm>> -> memref<320xf32, #tpu.memory_space<hbm>>
      %dma_wait3A_656 = tpu.memref_slice %arg5[%add3A] : memref<10240xf32, #tpu.memory_space<hbm>> -> memref<320xf32, #tpu.memory_space<hbm>>
      tpu.wait_dma2 semaphore(%run_scoped3A : memref<!tpu.dma_semaphore, #tpu.memory_space<semaphore_mem>>) src(%dma_wait3A_656 : memref<320xf32, #tpu.memory_space<hbm>>) dst(%arg13 : memref<320xf32, #tpu.memory_space<vmem>>)
      tpu.yield
    }) : () -> ()
    "tpu.region"() ({
      %run_scoped3A = tpu.sem_alloc : memref<!tpu.dma_semaphore, #tpu.memory_space<semaphore_mem>>
      tpu.enqueue_dma source(%arg6 : memref<16xf32, #tpu.memory_space<hbm>>) target(%arg15 : memref<16xf32, #tpu.memory_space<vmem>>) target_semaphore(%run_scoped3A : memref<!tpu.dma_semaphore, #tpu.memory_space<semaphore_mem>>)
      tpu.wait_dma2 semaphore(%run_scoped3A : memref<!tpu.dma_semaphore, #tpu.memory_space<semaphore_mem>>) src(%arg6 : memref<16xf32, #tpu.memory_space<hbm>>) dst(%arg15 : memref<16xf32, #tpu.memory_space<vmem>>)
      tpu.yield
    }) : () -> ()
    %get3A = arith.constant 0 : index
    %get3A_331 = tpu.vector_load %arg15[%get3A] {strides = array<i32>} : memref<16xf32, #tpu.memory_space<vmem>>, vector<16xf32>,
    %get3A_332 = vector.shape_cast %get3A_331 : vector<16xf32> to vector<16xf32>
    %get3A_333 = arith.constant 0 : index
    %get3A_334 = tpu.vector_load %arg13[%get3A_333] {strides = array<i32>} : memref<320xf32, #tpu.memory_space<vmem>>, vector<16xf32>,
    %get3A_335 = vector.shape_cast %get3A_334 : vector<16xf32> to vector<16xf32>
    %get3A_336 = arith.constant 0 : index
    %get3A_337 = tpu.vector_load %arg12[%get3A_336] {strides = array<i32>} : memref<320xf32, #tpu.memory_space<vmem>>, vector<16xf32>,
    %get3A_338 = vector.shape_cast %get3A_337 : vector<16xf32> to vector<16xf32>
    %get3A_339 = arith.constant 0 : index
    %get3A_340 = tpu.vector_load %arg11[%get3A_339] {strides = array<i32>} : memref<640xf32, #tpu.memory_space<vmem>>, vector<16xf32>,
    %get3A_341 = vector.shape_cast %get3A_340 : vector<16xf32> to vector<16xf32>
    %add3A_342 = arith.addf %get3A_338, %get3A_341 : vector<16xf32>
    %mul3A_343 = arith.mulf %get3A_335, %add3A_342 : vector<16xf32>
    %add3A_344 = arith.addf %mul3A_343, %get3A_332 : vector<16xf32>
    %swap3A_345 = arith.constant 0 : index
    %swap3A_346 = tpu.vector_load %arg14[%swap3A_345] {strides = array<i32>} : memref<320xf32, #tpu.memory_space<vmem>>, vector<16xf32>,
    %swap3A_347 = vector.shape_cast %swap3A_346 : vector<16xf32> to vector<16xf32>
    %swap3A_348 = vector.shape_cast %add3A_344 : vector<16xf32> to vector<16xf32>
    tpu.vector_store %arg14[%swap3A_345], %swap3A_348 {strides = array<i32>} : memref<320xf32, #tpu.memory_space<vmem>>, vector<16xf32>,
    %get3A_349 = arith.constant 16 : index
    %get3A_350 = tpu.vector_load %arg13[%get3A_349] {strides = array<i32>} : memref<320xf32, #tpu.memory_space<vmem>>, vector<16xf32>,
    %get3A_351 = vector.shape_cast %get3A_350 : vector<16xf32> to vector<16xf32>
    %get3A_352 = arith.constant 16 : index
    %get3A_353 = tpu.vector_load %arg12[%get3A_352] {strides = array<i32>} : memref<320xf32, #tpu.memory_space<vmem>>, vector<16xf32>,
    %get3A_354 = vector.shape_cast %get3A_353 : vector<16xf32> to vector<16xf32>
    %get3A_355 = arith.constant 16 : index
    %get3A_356 = tpu.vector_load %arg11[%get3A_355] {strides = array<i32>} : memref<640xf32, #tpu.memory_space<vmem>>, vector<16xf32>,
    %get3A_357 = vector.shape_cast %get3A_356 : vector<16xf32> to vector<16xf32>
    %add3A_358 = arith.addf %get3A_354, %get3A_357 : vector<16xf32>
    %mul3A_359 = arith.mulf %get3A_351, %add3A_358 : vector<16xf32>
    %add3A_360 = arith.addf %mul3A_359, %get3A_332 : vector<16xf32>
    %swap3A_361 = arith.constant 16 : index
    %swap3A_362 = tpu.vector_load %arg14[%swap3A_361] {strides = array<i32>} : memref<320xf32, #tpu.memory_space<vmem>>, vector<16xf32>,
    %swap3A_363 = vector.shape_cast %swap3A_362 : vector<16xf32> to vector<16xf32>
    %swap3A_364 = vector.shape_cast %add3A_360 : vector<16xf32> to vector<16xf32>
    tpu.vector_store %arg14[%swap3A_361], %swap3A_364 {strides = array<i32>} : memref<320xf32, #tpu.memory_space<vmem>>, vector<16xf32>,
    %get3A_365 = arith.constant 32 : index
    %get3A_366 = tpu.vector_load %arg13[%get3A_365] {strides = array<i32>} : memref<320xf32, #tpu.memory_space<vmem>>, vector<16xf32>,
    %get3A_367 = vector.shape_cast %get3A_366 : vector<16xf32> to vector<16xf32>
    %get3A_368 = arith.constant 32 : index
    %get3A_369 = tpu.vector_load %arg12[%get3A_368] {strides = array<i32>} : memref<320xf32, #tpu.memory_space<vmem>>, vector<16xf32>,
    %get3A_370 = vector.shape_cast %get3A_369 : vector<16xf32> to vector<16xf32>
    %get3A_371 = arith.constant 32 : index
    %get3A_372 = tpu.vector_load %arg11[%get3A_371] {strides = array<i32>} : memref<640xf32, #tpu.memory_space<vmem>>, vector<16xf32>,
    %get3A_373 = vector.shape_cast %get3A_372 : vector<16xf32> to vector<16xf32>
    %add3A_374 = arith.addf %get3A_370, %get3A_373 : vector<16xf32>
    %mul3A_375 = arith.mulf %get3A_367, %add3A_374 : vector<16xf32>
    %add3A_376 = arith.addf %mul3A_375, %get3A_332 : vector<16xf32>
    %swap3A_377 = arith.constant 32 : index
    %swap3A_378 = tpu.vector_load %arg14[%swap3A_377] {strides = array<i32>} : memref<320xf32, #tpu.memory_space<vmem>>, vector<16xf32>,
    %swap3A_379 = vector.shape_cast %swap3A_378 : vector<16xf32> to vector<16xf32>
    %swap3A_380 = vector.shape_cast %add3A_376 : vector<16xf32> to vector<16xf32>
    tpu.vector_store %arg14[%swap3A_377], %swap3A_380 {strides = array<i32>} : memref<320xf32, #tpu.memory_space<vmem>>, vector<16xf32>,
    %get3A_381 = arith.constant 48 : index
    %get3A_382 = tpu.vector_load %arg13[%get3A_381] {strides = array<i32>} : memref<320xf32, #tpu.memory_space<vmem>>, vector<16xf32>,
    %get3A_383 = vector.shape_cast %get3A_382 : vector<16xf32> to vector<16xf32>
    %get3A_384 = arith.constant 48 : index
    %get3A_385 = tpu.vector_load %arg12[%get3A_384] {strides = array<i32>} : memref<320xf32, #tpu.memory_space<vmem>>, vector<16xf32>,
    %get3A_386 = vector.shape_cast %get3A_385 : vector<16xf32> to vector<16xf32>
    %get3A_387 = arith.constant 48 : index
    %get3A_388 = tpu.vector_load %arg11[%get3A_387] {strides = array<i32>} : memref<640xf32, #tpu.memory_space<vmem>>, vector<16xf32>,
    %get3A_389 = vector.shape_cast %get3A_388 : vector<16xf32> to vector<16xf32>
    %add3A_390 = arith.addf %get3A_386, %get3A_389 : vector<16xf32>
    %mul3A_391 = arith.mulf %get3A_383, %add3A_390 : vector<16xf32>
    %add3A_392 = arith.addf %mul3A_391, %get3A_332 : vector<16xf32>
    %swap3A_393 = arith.constant 48 : index
    %swap3A_394 = tpu.vector_load %arg14[%swap3A_393] {strides = array<i32>} : memref<320xf32, #tpu.memory_space<vmem>>, vector<16xf32>,
    %swap3A_395 = vector.shape_cast %swap3A_394 : vector<16xf32> to vector<16xf32>
    %swap3A_396 = vector.shape_cast %add3A_392 : vector<16xf32> to vector<16xf32>
    tpu.vector_store %arg14[%swap3A_393], %swap3A_396 {strides = array<i32>} : memref<320xf32, #tpu.memory_space<vmem>>, vector<16xf32>,
    %get3A_397 = arith.constant 64 : index
    %get3A_398 = tpu.vector_load %arg13[%get3A_397] {strides = array<i32>} : memref<320xf32, #tpu.memory_space<vmem>>, vector<16xf32>,
    %get3A_399 = vector.shape_cast %get3A_398 : vector<16xf32> to vector<16xf32>
    %get3A_400 = arith.constant 64 : index
    %get3A_401 = tpu.vector_load %arg12[%get3A_400] {strides = array<i32>} : memref<320xf32, #tpu.memory_space<vmem>>, vector<16xf32>,
    %get3A_402 = vector.shape_cast %get3A_401 : vector<16xf32> to vector<16xf32>
    %get3A_403 = arith.constant 64 : index
    %get3A_404 = tpu.vector_load %arg11[%get3A_403] {strides = array<i32>} : memref<640xf32, #tpu.memory_space<vmem>>, vector<16xf32>,
    %get3A_405 = vector.shape_cast %get3A_404 : vector<16xf32> to vector<16xf32>
    %add3A_406 = arith.addf %get3A_402, %get3A_405 : vector<16xf32>
    %mul3A_407 = arith.mulf %get3A_399, %add3A_406 : vector<16xf32>
    %add3A_408 = arith.addf %mul3A_407, %get3A_332 : vector<16xf32>
    %swap3A_409 = arith.constant 64 : index
    %swap3A_410 = tpu.vector_load %arg14[%swap3A_409] {strides = array<i32>} : memref<320xf32, #tpu.memory_space<vmem>>, vector<16xf32>,
    %swap3A_411 = vector.shape_cast %swap3A_410 : vector<16xf32> to vector<16xf32>
    %swap3A_412 = vector.shape_cast %add3A_408 : vector<16xf32> to vector<16xf32>
    tpu.vector_store %arg14[%swap3A_409], %swap3A_412 {strides = array<i32>} : memref<320xf32, #tpu.memory_space<vmem>>, vector<16xf32>,
    %get3A_413 = arith.constant 80 : index
    %get3A_414 = tpu.vector_load %arg13[%get3A_413] {strides = array<i32>} : memref<320xf32, #tpu.memory_space<vmem>>, vector<16xf32>,
    %get3A_415 = vector.shape_cast %get3A_414 : vector<16xf32> to vector<16xf32>
    %get3A_416 = arith.constant 80 : index
    %get3A_417 = tpu.vector_load %arg12[%get3A_416] {strides = array<i32>} : memref<320xf32, #tpu.memory_space<vmem>>, vector<16xf32>,
    %get3A_418 = vector.shape_cast %get3A_417 : vector<16xf32> to vector<16xf32>
    %get3A_419 = arith.constant 80 : index
    %get3A_420 = tpu.vector_load %arg11[%get3A_419] {strides = array<i32>} : memref<640xf32, #tpu.memory_space<vmem>>, vector<16xf32>,
    %get3A_421 = vector.shape_cast %get3A_420 : vector<16xf32> to vector<16xf32>
    %add3A_422 = arith.addf %get3A_418, %get3A_421 : vector<16xf32>
    %mul3A_423 = arith.mulf %get3A_415, %add3A_422 : vector<16xf32>
    %add3A_424 = arith.addf %mul3A_423, %get3A_332 : vector<16xf32>
    %swap3A_425 = arith.constant 80 : index
    %swap3A_426 = tpu.vector_load %arg14[%swap3A_425] {strides = array<i32>} : memref<320xf32, #tpu.memory_space<vmem>>, vector<16xf32>,
    %swap3A_427 = vector.shape_cast %swap3A_426 : vector<16xf32> to vector<16xf32>
    %swap3A_428 = vector.shape_cast %add3A_424 : vector<16xf32> to vector<16xf32>
    tpu.vector_store %arg14[%swap3A_425], %swap3A_428 {strides = array<i32>} : memref<320xf32, #tpu.memory_space<vmem>>, vector<16xf32>,
    %get3A_429 = arith.constant 96 : index
    %get3A_430 = tpu.vector_load %arg13[%get3A_429] {strides = array<i32>} : memref<320xf32, #tpu.memory_space<vmem>>, vector<16xf32>,
    %get3A_431 = vector.shape_cast %get3A_430 : vector<16xf32> to vector<16xf32>
    %get3A_432 = arith.constant 96 : index
    %get3A_433 = tpu.vector_load %arg12[%get3A_432] {strides = array<i32>} : memref<320xf32, #tpu.memory_space<vmem>>, vector<16xf32>,
    %get3A_434 = vector.shape_cast %get3A_433 : vector<16xf32> to vector<16xf32>
    %get3A_435 = arith.constant 96 : index
    %get3A_436 = tpu.vector_load %arg11[%get3A_435] {strides = array<i32>} : memref<640xf32, #tpu.memory_space<vmem>>, vector<16xf32>,
    %get3A_437 = vector.shape_cast %get3A_436 : vector<16xf32> to vector<16xf32>
    %add3A_438 = arith.addf %get3A_434, %get3A_437 : vector<16xf32>
    %mul3A_439 = arith.mulf %get3A_431, %add3A_438 : vector<16xf32>
    %add3A_440 = arith.addf %mul3A_439, %get3A_332 : vector<16xf32>
    %swap3A_441 = arith.constant 96 : index
    %swap3A_442 = tpu.vector_load %arg14[%swap3A_441] {strides = array<i32>} : memref<320xf32, #tpu.memory_space<vmem>>, vector<16xf32>,
    %swap3A_443 = vector.shape_cast %swap3A_442 : vector<16xf32> to vector<16xf32>
    %swap3A_444 = vector.shape_cast %add3A_440 : vector<16xf32> to vector<16xf32>
    tpu.vector_store %arg14[%swap3A_441], %swap3A_444 {strides = array<i32>} : memref<320xf32, #tpu.memory_space<vmem>>, vector<16xf32>,
    %get3A_445 = arith.constant 112 : index
    %get3A_446 = tpu.vector_load %arg13[%get3A_445] {strides = array<i32>} : memref<320xf32, #tpu.memory_space<vmem>>, vector<16xf32>,
    %get3A_447 = vector.shape_cast %get3A_446 : vector<16xf32> to vector<16xf32>
    %get3A_448 = arith.constant 112 : index
    %get3A_449 = tpu.vector_load %arg12[%get3A_448] {strides = array<i32>} : memref<320xf32, #tpu.memory_space<vmem>>, vector<16xf32>,
    %get3A_450 = vector.shape_cast %get3A_449 : vector<16xf32> to vector<16xf32>
    %get3A_451 = arith.constant 112 : index
    %get3A_452 = tpu.vector_load %arg11[%get3A_451] {strides = array<i32>} : memref<640xf32, #tpu.memory_space<vmem>>, vector<16xf32>,
    %get3A_453 = vector.shape_cast %get3A_452 : vector<16xf32> to vector<16xf32>
    %add3A_454 = arith.addf %get3A_450, %get3A_453 : vector<16xf32>
    %mul3A_455 = arith.mulf %get3A_447, %add3A_454 : vector<16xf32>
    %add3A_456 = arith.addf %mul3A_455, %get3A_332 : vector<16xf32>
    %swap3A_457 = arith.constant 112 : index
    %swap3A_458 = tpu.vector_load %arg14[%swap3A_457] {strides = array<i32>} : memref<320xf32, #tpu.memory_space<vmem>>, vector<16xf32>,
    %swap3A_459 = vector.shape_cast %swap3A_458 : vector<16xf32> to vector<16xf32>
    %swap3A_460 = vector.shape_cast %add3A_456 : vector<16xf32> to vector<16xf32>
    tpu.vector_store %arg14[%swap3A_457], %swap3A_460 {strides = array<i32>} : memref<320xf32, #tpu.memory_space<vmem>>, vector<16xf32>,
    %get3A_461 = arith.constant 128 : index
    %get3A_462 = tpu.vector_load %arg13[%get3A_461] {strides = array<i32>} : memref<320xf32, #tpu.memory_space<vmem>>, vector<16xf32>,
    %get3A_463 = vector.shape_cast %get3A_462 : vector<16xf32> to vector<16xf32>
    %get3A_464 = arith.constant 128 : index
    %get3A_465 = tpu.vector_load %arg12[%get3A_464] {strides = array<i32>} : memref<320xf32, #tpu.memory_space<vmem>>, vector<16xf32>,
    %get3A_466 = vector.shape_cast %get3A_465 : vector<16xf32> to vector<16xf32>
    %get3A_467 = arith.constant 128 : index
    %get3A_468 = tpu.vector_load %arg11[%get3A_467] {strides = array<i32>} : memref<640xf32, #tpu.memory_space<vmem>>, vector<16xf32>,
    %get3A_469 = vector.shape_cast %get3A_468 : vector<16xf32> to vector<16xf32>
    %add3A_470 = arith.addf %get3A_466, %get3A_469 : vector<16xf32>
    %mul3A_471 = arith.mulf %get3A_463, %add3A_470 : vector<16xf32>
    %add3A_472 = arith.addf %mul3A_471, %get3A_332 : vector<16xf32>
    %swap3A_473 = arith.constant 128 : index
    %swap3A_474 = tpu.vector_load %arg14[%swap3A_473] {strides = array<i32>} : memref<320xf32, #tpu.memory_space<vmem>>, vector<16xf32>,
    %swap3A_475 = vector.shape_cast %swap3A_474 : vector<16xf32> to vector<16xf32>
    %swap3A_476 = vector.shape_cast %add3A_472 : vector<16xf32> to vector<16xf32>
    tpu.vector_store %arg14[%swap3A_473], %swap3A_476 {strides = array<i32>} : memref<320xf32, #tpu.memory_space<vmem>>, vector<16xf32>,
    %get3A_477 = arith.constant 144 : index
    %get3A_478 = tpu.vector_load %arg13[%get3A_477] {strides = array<i32>} : memref<320xf32, #tpu.memory_space<vmem>>, vector<16xf32>,
    %get3A_479 = vector.shape_cast %get3A_478 : vector<16xf32> to vector<16xf32>
    %get3A_480 = arith.constant 144 : index
    %get3A_481 = tpu.vector_load %arg12[%get3A_480] {strides = array<i32>} : memref<320xf32, #tpu.memory_space<vmem>>, vector<16xf32>,
    %get3A_482 = vector.shape_cast %get3A_481 : vector<16xf32> to vector<16xf32>
    %get3A_483 = arith.constant 144 : index
    %get3A_484 = tpu.vector_load %arg11[%get3A_483] {strides = array<i32>} : memref<640xf32, #tpu.memory_space<vmem>>, vector<16xf32>,
    %get3A_485 = vector.shape_cast %get3A_484 : vector<16xf32> to vector<16xf32>
    %add3A_486 = arith.addf %get3A_482, %get3A_485 : vector<16xf32>
    %mul3A_487 = arith.mulf %get3A_479, %add3A_486 : vector<16xf32>
    %add3A_488 = arith.addf %mul3A_487, %get3A_332 : vector<16xf32>
    %swap3A_489 = arith.constant 144 : index
    %swap3A_490 = tpu.vector_load %arg14[%swap3A_489] {strides = array<i32>} : memref<320xf32, #tpu.memory_space<vmem>>, vector<16xf32>,
    %swap3A_491 = vector.shape_cast %swap3A_490 : vector<16xf32> to vector<16xf32>
    %swap3A_492 = vector.shape_cast %add3A_488 : vector<16xf32> to vector<16xf32>
    tpu.vector_store %arg14[%swap3A_489], %swap3A_492 {strides = array<i32>} : memref<320xf32, #tpu.memory_space<vmem>>, vector<16xf32>,
    %get3A_493 = arith.constant 160 : index
    %get3A_494 = tpu.vector_load %arg13[%get3A_493] {strides = array<i32>} : memref<320xf32, #tpu.memory_space<vmem>>, vector<16xf32>,
    %get3A_495 = vector.shape_cast %get3A_494 : vector<16xf32> to vector<16xf32>
    %get3A_496 = arith.constant 160 : index
    %get3A_497 = tpu.vector_load %arg12[%get3A_496] {strides = array<i32>} : memref<320xf32, #tpu.memory_space<vmem>>, vector<16xf32>,
    %get3A_498 = vector.shape_cast %get3A_497 : vector<16xf32> to vector<16xf32>
    %get3A_499 = arith.constant 160 : index
    %get3A_500 = tpu.vector_load %arg11[%get3A_499] {strides = array<i32>} : memref<640xf32, #tpu.memory_space<vmem>>, vector<16xf32>,
    %get3A_501 = vector.shape_cast %get3A_500 : vector<16xf32> to vector<16xf32>
    %add3A_502 = arith.addf %get3A_498, %get3A_501 : vector<16xf32>
    %mul3A_503 = arith.mulf %get3A_495, %add3A_502 : vector<16xf32>
    %add3A_504 = arith.addf %mul3A_503, %get3A_332 : vector<16xf32>
    %swap3A_505 = arith.constant 160 : index
    %swap3A_506 = tpu.vector_load %arg14[%swap3A_505] {strides = array<i32>} : memref<320xf32, #tpu.memory_space<vmem>>, vector<16xf32>,
    %swap3A_507 = vector.shape_cast %swap3A_506 : vector<16xf32> to vector<16xf32>
    %swap3A_508 = vector.shape_cast %add3A_504 : vector<16xf32> to vector<16xf32>
    tpu.vector_store %arg14[%swap3A_505], %swap3A_508 {strides = array<i32>} : memref<320xf32, #tpu.memory_space<vmem>>, vector<16xf32>,
    %get3A_509 = arith.constant 176 : index
    %get3A_510 = tpu.vector_load %arg13[%get3A_509] {strides = array<i32>} : memref<320xf32, #tpu.memory_space<vmem>>, vector<16xf32>,
    %get3A_511 = vector.shape_cast %get3A_510 : vector<16xf32> to vector<16xf32>
    %get3A_512 = arith.constant 176 : index
    %get3A_513 = tpu.vector_load %arg12[%get3A_512] {strides = array<i32>} : memref<320xf32, #tpu.memory_space<vmem>>, vector<16xf32>,
    %get3A_514 = vector.shape_cast %get3A_513 : vector<16xf32> to vector<16xf32>
    %get3A_515 = arith.constant 176 : index
    %get3A_516 = tpu.vector_load %arg11[%get3A_515] {strides = array<i32>} : memref<640xf32, #tpu.memory_space<vmem>>, vector<16xf32>,
    %get3A_517 = vector.shape_cast %get3A_516 : vector<16xf32> to vector<16xf32>
    %add3A_518 = arith.addf %get3A_514, %get3A_517 : vector<16xf32>
    %mul3A_519 = arith.mulf %get3A_511, %add3A_518 : vector<16xf32>
    %add3A_520 = arith.addf %mul3A_519, %get3A_332 : vector<16xf32>
    %swap3A_521 = arith.constant 176 : index
    %swap3A_522 = tpu.vector_load %arg14[%swap3A_521] {strides = array<i32>} : memref<320xf32, #tpu.memory_space<vmem>>, vector<16xf32>,
    %swap3A_523 = vector.shape_cast %swap3A_522 : vector<16xf32> to vector<16xf32>
    %swap3A_524 = vector.shape_cast %add3A_520 : vector<16xf32> to vector<16xf32>
    tpu.vector_store %arg14[%swap3A_521], %swap3A_524 {strides = array<i32>} : memref<320xf32, #tpu.memory_space<vmem>>, vector<16xf32>,
    %get3A_525 = arith.constant 192 : index
    %get3A_526 = tpu.vector_load %arg13[%get3A_525] {strides = array<i32>} : memref<320xf32, #tpu.memory_space<vmem>>, vector<16xf32>,
    %get3A_527 = vector.shape_cast %get3A_526 : vector<16xf32> to vector<16xf32>
    %get3A_528 = arith.constant 192 : index
    %get3A_529 = tpu.vector_load %arg12[%get3A_528] {strides = array<i32>} : memref<320xf32, #tpu.memory_space<vmem>>, vector<16xf32>,
    %get3A_530 = vector.shape_cast %get3A_529 : vector<16xf32> to vector<16xf32>
    %get3A_531 = arith.constant 192 : index
    %get3A_532 = tpu.vector_load %arg11[%get3A_531] {strides = array<i32>} : memref<640xf32, #tpu.memory_space<vmem>>, vector<16xf32>,
    %get3A_533 = vector.shape_cast %get3A_532 : vector<16xf32> to vector<16xf32>
    %add3A_534 = arith.addf %get3A_530, %get3A_533 : vector<16xf32>
    %mul3A_535 = arith.mulf %get3A_527, %add3A_534 : vector<16xf32>
    %add3A_536 = arith.addf %mul3A_535, %get3A_332 : vector<16xf32>
    %swap3A_537 = arith.constant 192 : index
    %swap3A_538 = tpu.vector_load %arg14[%swap3A_537] {strides = array<i32>} : memref<320xf32, #tpu.memory_space<vmem>>, vector<16xf32>,
    %swap3A_539 = vector.shape_cast %swap3A_538 : vector<16xf32> to vector<16xf32>
    %swap3A_540 = vector.shape_cast %add3A_536 : vector<16xf32> to vector<16xf32>
    tpu.vector_store %arg14[%swap3A_537], %swap3A_540 {strides = array<i32>} : memref<320xf32, #tpu.memory_space<vmem>>, vector<16xf32>,
    %get3A_541 = arith.constant 208 : index
    %get3A_542 = tpu.vector_load %arg13[%get3A_541] {strides = array<i32>} : memref<320xf32, #tpu.memory_space<vmem>>, vector<16xf32>,
    %get3A_543 = vector.shape_cast %get3A_542 : vector<16xf32> to vector<16xf32>
    %get3A_544 = arith.constant 208 : index
    %get3A_545 = tpu.vector_load %arg12[%get3A_544] {strides = array<i32>} : memref<320xf32, #tpu.memory_space<vmem>>, vector<16xf32>,
    %get3A_546 = vector.shape_cast %get3A_545 : vector<16xf32> to vector<16xf32>
    %get3A_547 = arith.constant 208 : index
    %get3A_548 = tpu.vector_load %arg11[%get3A_547] {strides = array<i32>} : memref<640xf32, #tpu.memory_space<vmem>>, vector<16xf32>,
    %get3A_549 = vector.shape_cast %get3A_548 : vector<16xf32> to vector<16xf32>
    %add3A_550 = arith.addf %get3A_546, %get3A_549 : vector<16xf32>
    %mul3A_551 = arith.mulf %get3A_543, %add3A_550 : vector<16xf32>
    %add3A_552 = arith.addf %mul3A_551, %get3A_332 : vector<16xf32>
    %swap3A_553 = arith.constant 208 : index
    %swap3A_554 = tpu.vector_load %arg14[%swap3A_553] {strides = array<i32>} : memref<320xf32, #tpu.memory_space<vmem>>, vector<16xf32>,
    %swap3A_555 = vector.shape_cast %swap3A_554 : vector<16xf32> to vector<16xf32>
    %swap3A_556 = vector.shape_cast %add3A_552 : vector<16xf32> to vector<16xf32>
    tpu.vector_store %arg14[%swap3A_553], %swap3A_556 {strides = array<i32>} : memref<320xf32, #tpu.memory_space<vmem>>, vector<16xf32>,
    %get3A_557 = arith.constant 224 : index
    %get3A_558 = tpu.vector_load %arg13[%get3A_557] {strides = array<i32>} : memref<320xf32, #tpu.memory_space<vmem>>, vector<16xf32>,
    %get3A_559 = vector.shape_cast %get3A_558 : vector<16xf32> to vector<16xf32>
    %get3A_560 = arith.constant 224 : index
    %get3A_561 = tpu.vector_load %arg12[%get3A_560] {strides = array<i32>} : memref<320xf32, #tpu.memory_space<vmem>>, vector<16xf32>,
    %get3A_562 = vector.shape_cast %get3A_561 : vector<16xf32> to vector<16xf32>
    %get3A_563 = arith.constant 224 : index
    %get3A_564 = tpu.vector_load %arg11[%get3A_563] {strides = array<i32>} : memref<640xf32, #tpu.memory_space<vmem>>, vector<16xf32>,
    %get3A_565 = vector.shape_cast %get3A_564 : vector<16xf32> to vector<16xf32>
    %add3A_566 = arith.addf %get3A_562, %get3A_565 : vector<16xf32>
    %mul3A_567 = arith.mulf %get3A_559, %add3A_566 : vector<16xf32>
    %add3A_568 = arith.addf %mul3A_567, %get3A_332 : vector<16xf32>
    %swap3A_569 = arith.constant 224 : index
    %swap3A_570 = tpu.vector_load %arg14[%swap3A_569] {strides = array<i32>} : memref<320xf32, #tpu.memory_space<vmem>>, vector<16xf32>,
    %swap3A_571 = vector.shape_cast %swap3A_570 : vector<16xf32> to vector<16xf32>
    %swap3A_572 = vector.shape_cast %add3A_568 : vector<16xf32> to vector<16xf32>
    tpu.vector_store %arg14[%swap3A_569], %swap3A_572 {strides = array<i32>} : memref<320xf32, #tpu.memory_space<vmem>>, vector<16xf32>,
    %get3A_573 = arith.constant 240 : index
    %get3A_574 = tpu.vector_load %arg13[%get3A_573] {strides = array<i32>} : memref<320xf32, #tpu.memory_space<vmem>>, vector<16xf32>,
    %get3A_575 = vector.shape_cast %get3A_574 : vector<16xf32> to vector<16xf32>
    %get3A_576 = arith.constant 240 : index
    %get3A_577 = tpu.vector_load %arg12[%get3A_576] {strides = array<i32>} : memref<320xf32, #tpu.memory_space<vmem>>, vector<16xf32>,
    %get3A_578 = vector.shape_cast %get3A_577 : vector<16xf32> to vector<16xf32>
    %get3A_579 = arith.constant 240 : index
    %get3A_580 = tpu.vector_load %arg11[%get3A_579] {strides = array<i32>} : memref<640xf32, #tpu.memory_space<vmem>>, vector<16xf32>,
    %get3A_581 = vector.shape_cast %get3A_580 : vector<16xf32> to vector<16xf32>
    %add3A_582 = arith.addf %get3A_578, %get3A_581 : vector<16xf32>
    %mul3A_583 = arith.mulf %get3A_575, %add3A_582 : vector<16xf32>
    %add3A_584 = arith.addf %mul3A_583, %get3A_332 : vector<16xf32>
    %swap3A_585 = arith.constant 240 : index
    %swap3A_586 = tpu.vector_load %arg14[%swap3A_585] {strides = array<i32>} : memref<320xf32, #tpu.memory_space<vmem>>, vector<16xf32>,
    %swap3A_587 = vector.shape_cast %swap3A_586 : vector<16xf32> to vector<16xf32>
    %swap3A_588 = vector.shape_cast %add3A_584 : vector<16xf32> to vector<16xf32>
    tpu.vector_store %arg14[%swap3A_585], %swap3A_588 {strides = array<i32>} : memref<320xf32, #tpu.memory_space<vmem>>, vector<16xf32>,
    %get3A_589 = arith.constant 256 : index
    %get3A_590 = tpu.vector_load %arg13[%get3A_589] {strides = array<i32>} : memref<320xf32, #tpu.memory_space<vmem>>, vector<16xf32>,
    %get3A_591 = vector.shape_cast %get3A_590 : vector<16xf32> to vector<16xf32>
    %get3A_592 = arith.constant 256 : index
    %get3A_593 = tpu.vector_load %arg12[%get3A_592] {strides = array<i32>} : memref<320xf32, #tpu.memory_space<vmem>>, vector<16xf32>,
    %get3A_594 = vector.shape_cast %get3A_593 : vector<16xf32> to vector<16xf32>
    %get3A_595 = arith.constant 256 : index
    %get3A_596 = tpu.vector_load %arg11[%get3A_595] {strides = array<i32>} : memref<640xf32, #tpu.memory_space<vmem>>, vector<16xf32>,
    %get3A_597 = vector.shape_cast %get3A_596 : vector<16xf32> to vector<16xf32>
    %add3A_598 = arith.addf %get3A_594, %get3A_597 : vector<16xf32>
    %mul3A_599 = arith.mulf %get3A_591, %add3A_598 : vector<16xf32>
    %add3A_600 = arith.addf %mul3A_599, %get3A_332 : vector<16xf32>
    %swap3A_601 = arith.constant 256 : index
    %swap3A_602 = tpu.vector_load %arg14[%swap3A_601] {strides = array<i32>} : memref<320xf32, #tpu.memory_space<vmem>>, vector<16xf32>,
    %swap3A_603 = vector.shape_cast %swap3A_602 : vector<16xf32> to vector<16xf32>
    %swap3A_604 = vector.shape_cast %add3A_600 : vector<16xf32> to vector<16xf32>
    tpu.vector_store %arg14[%swap3A_601], %swap3A_604 {strides = array<i32>} : memref<320xf32, #tpu.memory_space<vmem>>, vector<16xf32>,
    %get3A_605 = arith.constant 272 : index
    %get3A_606 = tpu.vector_load %arg13[%get3A_605] {strides = array<i32>} : memref<320xf32, #tpu.memory_space<vmem>>, vector<16xf32>,
    %get3A_607 = vector.shape_cast %get3A_606 : vector<16xf32> to vector<16xf32>
    %get3A_608 = arith.constant 272 : index
    %get3A_609 = tpu.vector_load %arg12[%get3A_608] {strides = array<i32>} : memref<320xf32, #tpu.memory_space<vmem>>, vector<16xf32>,
    %get3A_610 = vector.shape_cast %get3A_609 : vector<16xf32> to vector<16xf32>
    %get3A_611 = arith.constant 272 : index
    %get3A_612 = tpu.vector_load %arg11[%get3A_611] {strides = array<i32>} : memref<640xf32, #tpu.memory_space<vmem>>, vector<16xf32>,
    %get3A_613 = vector.shape_cast %get3A_612 : vector<16xf32> to vector<16xf32>
    %add3A_614 = arith.addf %get3A_610, %get3A_613 : vector<16xf32>
    %mul3A_615 = arith.mulf %get3A_607, %add3A_614 : vector<16xf32>
    %add3A_616 = arith.addf %mul3A_615, %get3A_332 : vector<16xf32>
    %swap3A_617 = arith.constant 272 : index
    %swap3A_618 = tpu.vector_load %arg14[%swap3A_617] {strides = array<i32>} : memref<320xf32, #tpu.memory_space<vmem>>, vector<16xf32>,
    %swap3A_619 = vector.shape_cast %swap3A_618 : vector<16xf32> to vector<16xf32>
    %swap3A_620 = vector.shape_cast %add3A_616 : vector<16xf32> to vector<16xf32>
    tpu.vector_store %arg14[%swap3A_617], %swap3A_620 {strides = array<i32>} : memref<320xf32, #tpu.memory_space<vmem>>, vector<16xf32>,
    %get3A_621 = arith.constant 288 : index
    %get3A_622 = tpu.vector_load %arg13[%get3A_621] {strides = array<i32>} : memref<320xf32, #tpu.memory_space<vmem>>, vector<16xf32>,
    %get3A_623 = vector.shape_cast %get3A_622 : vector<16xf32> to vector<16xf32>
    %get3A_624 = arith.constant 288 : index
    %get3A_625 = tpu.vector_load %arg12[%get3A_624] {strides = array<i32>} : memref<320xf32, #tpu.memory_space<vmem>>, vector<16xf32>,
    %get3A_626 = vector.shape_cast %get3A_625 : vector<16xf32> to vector<16xf32>
    %get3A_627 = arith.constant 288 : index
    %get3A_628 = tpu.vector_load %arg11[%get3A_627] {strides = array<i32>} : memref<640xf32, #tpu.memory_space<vmem>>, vector<16xf32>,
    %get3A_629 = vector.shape_cast %get3A_628 : vector<16xf32> to vector<16xf32>
    %add3A_630 = arith.addf %get3A_626, %get3A_629 : vector<16xf32>
    %mul3A_631 = arith.mulf %get3A_623, %add3A_630 : vector<16xf32>
    %add3A_632 = arith.addf %mul3A_631, %get3A_332 : vector<16xf32>
    %swap3A_633 = arith.constant 288 : index
    %swap3A_634 = tpu.vector_load %arg14[%swap3A_633] {strides = array<i32>} : memref<320xf32, #tpu.memory_space<vmem>>, vector<16xf32>,
    %swap3A_635 = vector.shape_cast %swap3A_634 : vector<16xf32> to vector<16xf32>
    %swap3A_636 = vector.shape_cast %add3A_632 : vector<16xf32> to vector<16xf32>
    tpu.vector_store %arg14[%swap3A_633], %swap3A_636 {strides = array<i32>} : memref<320xf32, #tpu.memory_space<vmem>>, vector<16xf32>,
    %get3A_637 = arith.constant 304 : index
    %get3A_638 = tpu.vector_load %arg13[%get3A_637] {strides = array<i32>} : memref<320xf32, #tpu.memory_space<vmem>>, vector<16xf32>,
    %get3A_639 = vector.shape_cast %get3A_638 : vector<16xf32> to vector<16xf32>
    %get3A_640 = arith.constant 304 : index
    %get3A_641 = tpu.vector_load %arg12[%get3A_640] {strides = array<i32>} : memref<320xf32, #tpu.memory_space<vmem>>, vector<16xf32>,
    %get3A_642 = vector.shape_cast %get3A_641 : vector<16xf32> to vector<16xf32>
    %get3A_643 = arith.constant 304 : index
    %get3A_644 = tpu.vector_load %arg11[%get3A_643] {strides = array<i32>} : memref<640xf32, #tpu.memory_space<vmem>>, vector<16xf32>,
    %get3A_645 = vector.shape_cast %get3A_644 : vector<16xf32> to vector<16xf32>
    %add3A_646 = arith.addf %get3A_642, %get3A_645 : vector<16xf32>
    %mul3A_647 = arith.mulf %get3A_639, %add3A_646 : vector<16xf32>
    %add3A_648 = arith.addf %mul3A_647, %get3A_332 : vector<16xf32>
    %swap3A_649 = arith.constant 304 : index
    %swap3A_650 = tpu.vector_load %arg14[%swap3A_649] {strides = array<i32>} : memref<320xf32, #tpu.memory_space<vmem>>, vector<16xf32>,
    %swap3A_651 = vector.shape_cast %swap3A_650 : vector<16xf32> to vector<16xf32>
    %swap3A_652 = vector.shape_cast %add3A_648 : vector<16xf32> to vector<16xf32>
    tpu.vector_store %arg14[%swap3A_649], %swap3A_652 {strides = array<i32>} : memref<320xf32, #tpu.memory_space<vmem>>, vector<16xf32>,
    "tpu.region"() ({
      %run_scoped3A = tpu.sem_alloc : memref<!tpu.dma_semaphore, #tpu.memory_space<semaphore_mem>>
      %dma_start3A_653 = tpu.memref_slice %arg7[%add3A] : memref<10240xf32, #tpu.memory_space<hbm>> -> memref<320xf32, #tpu.memory_space<hbm>>
      %dma_start3A_654 = tpu.memref_slice %arg7[%add3A] : memref<10240xf32, #tpu.memory_space<hbm>> -> memref<320xf32, #tpu.memory_space<hbm>>
      tpu.enqueue_dma source(%arg14 : memref<320xf32, #tpu.memory_space<vmem>>) target(%dma_start3A_654 : memref<320xf32, #tpu.memory_space<hbm>>) target_semaphore(%run_scoped3A : memref<!tpu.dma_semaphore, #tpu.memory_space<semaphore_mem>>)
      %dma_wait3A_655 = tpu.memref_slice %arg7[%add3A] : memref<10240xf32, #tpu.memory_space<hbm>> -> memref<320xf32, #tpu.memory_space<hbm>>
      %dma_wait3A_656 = tpu.memref_slice %arg7[%add3A] : memref<10240xf32, #tpu.memory_space<hbm>> -> memref<320xf32, #tpu.memory_space<hbm>>
      tpu.wait_dma2 semaphore(%run_scoped3A : memref<!tpu.dma_semaphore, #tpu.memory_space<semaphore_mem>>) src(%arg14 : memref<320xf32, #tpu.memory_space<vmem>>) dst(%dma_wait3A_656 : memref<320xf32, #tpu.memory_space<hbm>>)
      tpu.yield
    }) : () -> ()
    return
  }
}

#map = affine_map<(d0, d1) -> (0, 0, 0, 0)>
#map1 = affine_map<(d0, d1) -> (0, 0)>
#map2 = affine_map<(d0, d1) -> (0, 0, 0)>
module attributes {stable_mosaic.version = 14 : i64} {
  func.func @_sc_agg(%arg0: i32, %arg1: i32, %arg2: memref<32x16x8x80xi32, #tpu.memory_space<hbm>>, %arg3: memref<32x16x8x80xi32, #tpu.memory_space<hbm>>, %arg4: memref<10240x128xf32, #tpu.memory_space<hbm>>, %arg5: memref<2x10240x128xf32, #tpu.memory_space<hbm>>, %arg6: memref<2x8x80xi32, #tpu.memory_space<vmem>>, %arg7: memref<2x8x80xi32, #tpu.memory_space<vmem>>, %arg8: memref<4x80x128xf32, #tpu.memory_space<vmem>>, %arg9: memref<10240x128xf32, #tpu.memory_space<vmem_shared>>, %arg10: memref<!tpu.dma_semaphore, #tpu.memory_space<semaphore_mem>>, %arg11: memref<!tpu.dma_semaphore, #tpu.memory_space<semaphore_mem>>, %arg12: memref<!tpu.dma_semaphore, #tpu.memory_space<semaphore_mem>>) attributes {dimension_semantics = [#tpu.dimension_semantics<core_parallel>, #tpu.dimension_semantics<subcore_parallel>], iteration_bounds = array<i64: 2, 16>, scalar_prefetch = 0 : i64, scratch_operands = 7 : i64, tpu.core_type = #tpu.core_type<sc_vector_subcore>, window_params = [{transform_indices = #map}, {transform_indices = #map}, {transform_indices = #map1}, {transform_indices = #map2}]} {
    %mul3A = arith.constant 16 : i32
    %mul3A_0 = arith.muli %arg0, %mul3A : i32
    %add3A = arith.addi %mul3A_0, %arg1 : i32
    %scan3A = arith.constant 0 : i32
    %scan3A_1 = arith.constant 0 : i32
    %scan3A_2 = arith.constant 80 : i32
    %scan3A_3 = arith.addi %scan3A_1, %scan3A_2 : i32
    %scan3A_4 = arith.constant 1 : i32
    scf.for %scan3A_110 = %scan3A_1 to %scan3A_3 step %scan3A_4  : i32 {
      %broadcast_in_dim3A = arith.constant 0.000000e+00 : f32
      %broadcast_in_dim3A_111 = vector.broadcast %broadcast_in_dim3A : f32 to vector<16xf32>
      %swap3A = arith.constant 0 : i32
      %swap3A_112 = arith.index_cast %swap3A : i32 to index
      %swap3A_113 = arith.index_cast %scan3A_110 : i32 to index
      %swap3A_114 = arith.constant 0 : index
      %swap3A_115 = tpu.vector_load %arg8[%swap3A_112, %swap3A_113, %swap3A_114] {strides = array<i32>} : memref<4x80x128xf32, #tpu.memory_space<vmem>>, vector<1x1x16xf32>,
      %swap3A_116 = vector.shape_cast %swap3A_115 : vector<1x1x16xf32> to vector<16xf32>
      %swap3A_117 = vector.shape_cast %broadcast_in_dim3A_111 : vector<16xf32> to vector<1x1x16xf32>
      tpu.vector_store %arg8[%swap3A_112, %swap3A_113, %swap3A_114], %swap3A_117 {strides = array<i32>} : memref<4x80x128xf32, #tpu.memory_space<vmem>>, vector<1x1x16xf32>,
      %broadcast_in_dim3A_118 = arith.constant 0.000000e+00 : f32
      %broadcast_in_dim3A_119 = vector.broadcast %broadcast_in_dim3A_118 : f32 to vector<16xf32>
      %swap3A_120 = arith.constant 0 : i32
      %swap3A_121 = arith.index_cast %swap3A_120 : i32 to index
      %swap3A_122 = arith.index_cast %scan3A_110 : i32 to index
      %swap3A_123 = arith.constant 16 : index
      %swap3A_124 = tpu.vector_load %arg8[%swap3A_121, %swap3A_122, %swap3A_123] {strides = array<i32>} : memref<4x80x128xf32, #tpu.memory_space<vmem>>, vector<1x1x16xf32>,
      %swap3A_125 = vector.shape_cast %swap3A_124 : vector<1x1x16xf32> to vector<16xf32>
      %swap3A_126 = vector.shape_cast %broadcast_in_dim3A_119 : vector<16xf32> to vector<1x1x16xf32>
      tpu.vector_store %arg8[%swap3A_121, %swap3A_122, %swap3A_123], %swap3A_126 {strides = array<i32>} : memref<4x80x128xf32, #tpu.memory_space<vmem>>, vector<1x1x16xf32>,
      %broadcast_in_dim3A_127 = arith.constant 0.000000e+00 : f32
      %broadcast_in_dim3A_128 = vector.broadcast %broadcast_in_dim3A_127 : f32 to vector<16xf32>
      %swap3A_129 = arith.constant 0 : i32
      %swap3A_130 = arith.index_cast %swap3A_129 : i32 to index
      %swap3A_131 = arith.index_cast %scan3A_110 : i32 to index
      %swap3A_132 = arith.constant 32 : index
      %swap3A_133 = tpu.vector_load %arg8[%swap3A_130, %swap3A_131, %swap3A_132] {strides = array<i32>} : memref<4x80x128xf32, #tpu.memory_space<vmem>>, vector<1x1x16xf32>,
      %swap3A_134 = vector.shape_cast %swap3A_133 : vector<1x1x16xf32> to vector<16xf32>
      %swap3A_135 = vector.shape_cast %broadcast_in_dim3A_128 : vector<16xf32> to vector<1x1x16xf32>
      tpu.vector_store %arg8[%swap3A_130, %swap3A_131, %swap3A_132], %swap3A_135 {strides = array<i32>} : memref<4x80x128xf32, #tpu.memory_space<vmem>>, vector<1x1x16xf32>,
      %broadcast_in_dim3A_136 = arith.constant 0.000000e+00 : f32
      %broadcast_in_dim3A_137 = vector.broadcast %broadcast_in_dim3A_136 : f32 to vector<16xf32>
      %swap3A_138 = arith.constant 0 : i32
      %swap3A_139 = arith.index_cast %swap3A_138 : i32 to index
      %swap3A_140 = arith.index_cast %scan3A_110 : i32 to index
      %swap3A_141 = arith.constant 48 : index
      %swap3A_142 = tpu.vector_load %arg8[%swap3A_139, %swap3A_140, %swap3A_141] {strides = array<i32>} : memref<4x80x128xf32, #tpu.memory_space<vmem>>, vector<1x1x16xf32>,
      %swap3A_143 = vector.shape_cast %swap3A_142 : vector<1x1x16xf32> to vector<16xf32>
      %swap3A_144 = vector.shape_cast %broadcast_in_dim3A_137 : vector<16xf32> to vector<1x1x16xf32>
      tpu.vector_store %arg8[%swap3A_139, %swap3A_140, %swap3A_141], %swap3A_144 {strides = array<i32>} : memref<4x80x128xf32, #tpu.memory_space<vmem>>, vector<1x1x16xf32>,
      %broadcast_in_dim3A_145 = arith.constant 0.000000e+00 : f32
      %broadcast_in_dim3A_146 = vector.broadcast %broadcast_in_dim3A_145 : f32 to vector<16xf32>
      %swap3A_147 = arith.constant 0 : i32
      %swap3A_148 = arith.index_cast %swap3A_147 : i32 to index
      %swap3A_149 = arith.index_cast %scan3A_110 : i32 to index
      %swap3A_150 = arith.constant 64 : index
      %swap3A_151 = tpu.vector_load %arg8[%swap3A_148, %swap3A_149, %swap3A_150] {strides = array<i32>} : memref<4x80x128xf32, #tpu.memory_space<vmem>>, vector<1x1x16xf32>,
      %swap3A_152 = vector.shape_cast %swap3A_151 : vector<1x1x16xf32> to vector<16xf32>
      %swap3A_153 = vector.shape_cast %broadcast_in_dim3A_146 : vector<16xf32> to vector<1x1x16xf32>
      tpu.vector_store %arg8[%swap3A_148, %swap3A_149, %swap3A_150], %swap3A_153 {strides = array<i32>} : memref<4x80x128xf32, #tpu.memory_space<vmem>>, vector<1x1x16xf32>,
      %broadcast_in_dim3A_154 = arith.constant 0.000000e+00 : f32
      %broadcast_in_dim3A_155 = vector.broadcast %broadcast_in_dim3A_154 : f32 to vector<16xf32>
      %swap3A_156 = arith.constant 0 : i32
      %swap3A_157 = arith.index_cast %swap3A_156 : i32 to index
      %swap3A_158 = arith.index_cast %scan3A_110 : i32 to index
      %swap3A_159 = arith.constant 80 : index
      %swap3A_160 = tpu.vector_load %arg8[%swap3A_157, %swap3A_158, %swap3A_159] {strides = array<i32>} : memref<4x80x128xf32, #tpu.memory_space<vmem>>, vector<1x1x16xf32>,
      %swap3A_161 = vector.shape_cast %swap3A_160 : vector<1x1x16xf32> to vector<16xf32>
      %swap3A_162 = vector.shape_cast %broadcast_in_dim3A_155 : vector<16xf32> to vector<1x1x16xf32>
      tpu.vector_store %arg8[%swap3A_157, %swap3A_158, %swap3A_159], %swap3A_162 {strides = array<i32>} : memref<4x80x128xf32, #tpu.memory_space<vmem>>, vector<1x1x16xf32>,
      %broadcast_in_dim3A_163 = arith.constant 0.000000e+00 : f32
      %broadcast_in_dim3A_164 = vector.broadcast %broadcast_in_dim3A_163 : f32 to vector<16xf32>
      %swap3A_165 = arith.constant 0 : i32
      %swap3A_166 = arith.index_cast %swap3A_165 : i32 to index
      %swap3A_167 = arith.index_cast %scan3A_110 : i32 to index
      %swap3A_168 = arith.constant 96 : index
      %swap3A_169 = tpu.vector_load %arg8[%swap3A_166, %swap3A_167, %swap3A_168] {strides = array<i32>} : memref<4x80x128xf32, #tpu.memory_space<vmem>>, vector<1x1x16xf32>,
      %swap3A_170 = vector.shape_cast %swap3A_169 : vector<1x1x16xf32> to vector<16xf32>
      %swap3A_171 = vector.shape_cast %broadcast_in_dim3A_164 : vector<16xf32> to vector<1x1x16xf32>
      tpu.vector_store %arg8[%swap3A_166, %swap3A_167, %swap3A_168], %swap3A_171 {strides = array<i32>} : memref<4x80x128xf32, #tpu.memory_space<vmem>>, vector<1x1x16xf32>,
      %broadcast_in_dim3A_172 = arith.constant 0.000000e+00 : f32
      %broadcast_in_dim3A_173 = vector.broadcast %broadcast_in_dim3A_172 : f32 to vector<16xf32>
      %swap3A_174 = arith.constant 0 : i32
      %swap3A_175 = arith.index_cast %swap3A_174 : i32 to index
      %swap3A_176 = arith.index_cast %scan3A_110 : i32 to index
      %swap3A_177 = arith.constant 112 : index
      %swap3A_178 = tpu.vector_load %arg8[%swap3A_175, %swap3A_176, %swap3A_177] {strides = array<i32>} : memref<4x80x128xf32, #tpu.memory_space<vmem>>, vector<1x1x16xf32>,
      %swap3A_179 = vector.shape_cast %swap3A_178 : vector<1x1x16xf32> to vector<16xf32>
      %swap3A_180 = vector.shape_cast %broadcast_in_dim3A_173 : vector<16xf32> to vector<1x1x16xf32>
      tpu.vector_store %arg8[%swap3A_175, %swap3A_176, %swap3A_177], %swap3A_180 {strides = array<i32>} : memref<4x80x128xf32, #tpu.memory_space<vmem>>, vector<1x1x16xf32>,
    }
    %scan3A_5 = arith.constant 80 : i32
    %mul3A_6 = arith.constant 640 : i32
    %mul3A_7 = arith.muli %arg1, %mul3A_6 : i32
    %add3A_8 = arith.constant 0 : i32
    %add3A_9 = arith.addi %mul3A_7, %add3A_8 : i32
    %run_scoped3A = arith.constant 0 : i32
    "tpu.region"() ({
      %run_scoped3A_110 = tpu.sem_alloc : memref<!tpu.dma_semaphore, #tpu.memory_space<semaphore_mem>>
      %dma_start3A_111 = arith.constant 0 : i32
      %dma_start3A_112 = arith.constant 0 : i32
      %dma_start3A_113 = tpu.memref_slice %arg8[%run_scoped3A, %dma_start3A_111, %dma_start3A_112] : memref<4x80x128xf32, #tpu.memory_space<vmem>> -> memref<1x80x128xf32, #tpu.memory_space<vmem>>
      %dma_start3A_114 = tpu.memref_squeeze %dma_start3A_113 : memref<1x80x128xf32, #tpu.memory_space<vmem>> -> memref<80x128xf32, #tpu.memory_space<vmem>>
      %dma_start3A_115 = arith.constant 0 : i32
      %dma_start3A_116 = tpu.memref_slice %arg9[%add3A_9, %dma_start3A_115] : memref<10240x128xf32, #tpu.memory_space<vmem_shared>> -> memref<80x128xf32, #tpu.memory_space<vmem_shared>>
      %dma_start3A_117 = arith.constant 0 : i32
      %dma_start3A_118 = tpu.memref_slice %arg9[%add3A_9, %dma_start3A_117] : memref<10240x128xf32, #tpu.memory_space<vmem_shared>> -> memref<80x128xf32, #tpu.memory_space<vmem_shared>>
      %dma_start3A_119 = arith.constant 0 : i32
      %dma_start3A_120 = arith.constant 0 : i32
      %dma_start3A_121 = tpu.memref_slice %arg8[%run_scoped3A, %dma_start3A_119, %dma_start3A_120] : memref<4x80x128xf32, #tpu.memory_space<vmem>> -> memref<1x80x128xf32, #tpu.memory_space<vmem>>
      %dma_start3A_122 = tpu.memref_squeeze %dma_start3A_121 : memref<1x80x128xf32, #tpu.memory_space<vmem>> -> memref<80x128xf32, #tpu.memory_space<vmem>>
      tpu.enqueue_dma source(%dma_start3A_122 : memref<80x128xf32, #tpu.memory_space<vmem>>) target(%dma_start3A_118 : memref<80x128xf32, #tpu.memory_space<vmem_shared>>) target_semaphore(%run_scoped3A_110 : memref<!tpu.dma_semaphore, #tpu.memory_space<semaphore_mem>>)
      %dma_wait3A_123 = arith.constant 0 : i32
      %dma_wait3A_124 = arith.constant 0 : i32
      %dma_wait3A_125 = tpu.memref_slice %arg8[%run_scoped3A, %dma_wait3A_123, %dma_wait3A_124] : memref<4x80x128xf32, #tpu.memory_space<vmem>> -> memref<1x80x128xf32, #tpu.memory_space<vmem>>
      %dma_wait3A_126 = tpu.memref_squeeze %dma_wait3A_125 : memref<1x80x128xf32, #tpu.memory_space<vmem>> -> memref<80x128xf32, #tpu.memory_space<vmem>>
      %dma_wait3A_127 = arith.constant 0 : i32
      %dma_wait3A_128 = tpu.memref_slice %arg9[%add3A_9, %dma_wait3A_127] : memref<10240x128xf32, #tpu.memory_space<vmem_shared>> -> memref<80x128xf32, #tpu.memory_space<vmem_shared>>
      %dma_wait3A_129 = arith.constant 0 : i32
      %dma_wait3A_130 = tpu.memref_slice %arg9[%add3A_9, %dma_wait3A_129] : memref<10240x128xf32, #tpu.memory_space<vmem_shared>> -> memref<80x128xf32, #tpu.memory_space<vmem_shared>>
      %dma_wait3A_131 = arith.constant 0 : i32
      %dma_wait3A_132 = arith.constant 0 : i32
      %dma_wait3A_133 = tpu.memref_slice %arg8[%run_scoped3A, %dma_wait3A_131, %dma_wait3A_132] : memref<4x80x128xf32, #tpu.memory_space<vmem>> -> memref<1x80x128xf32, #tpu.memory_space<vmem>>
      %dma_wait3A_134 = tpu.memref_squeeze %dma_wait3A_133 : memref<1x80x128xf32, #tpu.memory_space<vmem>> -> memref<80x128xf32, #tpu.memory_space<vmem>>
      tpu.wait_dma2 semaphore(%run_scoped3A_110 : memref<!tpu.dma_semaphore, #tpu.memory_space<semaphore_mem>>) src(%dma_wait3A_134 : memref<80x128xf32, #tpu.memory_space<vmem>>) dst(%dma_wait3A_130 : memref<80x128xf32, #tpu.memory_space<vmem_shared>>)
      tpu.yield
    }) : () -> ()
    %mul3A_10 = arith.constant 640 : i32
    %mul3A_11 = arith.muli %arg1, %mul3A_10 : i32
    %add3A_12 = arith.constant 80 : i32
    %add3A_13 = arith.addi %mul3A_11, %add3A_12 : i32
    %run_scoped3A_14 = arith.constant 0 : i32
    "tpu.region"() ({
      %run_scoped3A_110 = tpu.sem_alloc : memref<!tpu.dma_semaphore, #tpu.memory_space<semaphore_mem>>
      %dma_start3A_111 = arith.constant 0 : i32
      %dma_start3A_112 = arith.constant 0 : i32
      %dma_start3A_113 = tpu.memref_slice %arg8[%run_scoped3A_14, %dma_start3A_111, %dma_start3A_112] : memref<4x80x128xf32, #tpu.memory_space<vmem>> -> memref<1x80x128xf32, #tpu.memory_space<vmem>>
      %dma_start3A_114 = tpu.memref_squeeze %dma_start3A_113 : memref<1x80x128xf32, #tpu.memory_space<vmem>> -> memref<80x128xf32, #tpu.memory_space<vmem>>
      %dma_start3A_115 = arith.constant 0 : i32
      %dma_start3A_116 = tpu.memref_slice %arg9[%add3A_13, %dma_start3A_115] : memref<10240x128xf32, #tpu.memory_space<vmem_shared>> -> memref<80x128xf32, #tpu.memory_space<vmem_shared>>
      %dma_start3A_117 = arith.constant 0 : i32
      %dma_start3A_118 = tpu.memref_slice %arg9[%add3A_13, %dma_start3A_117] : memref<10240x128xf32, #tpu.memory_space<vmem_shared>> -> memref<80x128xf32, #tpu.memory_space<vmem_shared>>
      %dma_start3A_119 = arith.constant 0 : i32
      %dma_start3A_120 = arith.constant 0 : i32
      %dma_start3A_121 = tpu.memref_slice %arg8[%run_scoped3A_14, %dma_start3A_119, %dma_start3A_120] : memref<4x80x128xf32, #tpu.memory_space<vmem>> -> memref<1x80x128xf32, #tpu.memory_space<vmem>>
      %dma_start3A_122 = tpu.memref_squeeze %dma_start3A_121 : memref<1x80x128xf32, #tpu.memory_space<vmem>> -> memref<80x128xf32, #tpu.memory_space<vmem>>
      tpu.enqueue_dma source(%dma_start3A_122 : memref<80x128xf32, #tpu.memory_space<vmem>>) target(%dma_start3A_118 : memref<80x128xf32, #tpu.memory_space<vmem_shared>>) target_semaphore(%run_scoped3A_110 : memref<!tpu.dma_semaphore, #tpu.memory_space<semaphore_mem>>)
      %dma_wait3A_123 = arith.constant 0 : i32
      %dma_wait3A_124 = arith.constant 0 : i32
      %dma_wait3A_125 = tpu.memref_slice %arg8[%run_scoped3A_14, %dma_wait3A_123, %dma_wait3A_124] : memref<4x80x128xf32, #tpu.memory_space<vmem>> -> memref<1x80x128xf32, #tpu.memory_space<vmem>>
      %dma_wait3A_126 = tpu.memref_squeeze %dma_wait3A_125 : memref<1x80x128xf32, #tpu.memory_space<vmem>> -> memref<80x128xf32, #tpu.memory_space<vmem>>
      %dma_wait3A_127 = arith.constant 0 : i32
      %dma_wait3A_128 = tpu.memref_slice %arg9[%add3A_13, %dma_wait3A_127] : memref<10240x128xf32, #tpu.memory_space<vmem_shared>> -> memref<80x128xf32, #tpu.memory_space<vmem_shared>>
      %dma_wait3A_129 = arith.constant 0 : i32
      %dma_wait3A_130 = tpu.memref_slice %arg9[%add3A_13, %dma_wait3A_129] : memref<10240x128xf32, #tpu.memory_space<vmem_shared>> -> memref<80x128xf32, #tpu.memory_space<vmem_shared>>
      %dma_wait3A_131 = arith.constant 0 : i32
      %dma_wait3A_132 = arith.constant 0 : i32
      %dma_wait3A_133 = tpu.memref_slice %arg8[%run_scoped3A_14, %dma_wait3A_131, %dma_wait3A_132] : memref<4x80x128xf32, #tpu.memory_space<vmem>> -> memref<1x80x128xf32, #tpu.memory_space<vmem>>
      %dma_wait3A_134 = tpu.memref_squeeze %dma_wait3A_133 : memref<1x80x128xf32, #tpu.memory_space<vmem>> -> memref<80x128xf32, #tpu.memory_space<vmem>>
      tpu.wait_dma2 semaphore(%run_scoped3A_110 : memref<!tpu.dma_semaphore, #tpu.memory_space<semaphore_mem>>) src(%dma_wait3A_134 : memref<80x128xf32, #tpu.memory_space<vmem>>) dst(%dma_wait3A_130 : memref<80x128xf32, #tpu.memory_space<vmem_shared>>)
      tpu.yield
    }) : () -> ()
    %mul3A_15 = arith.constant 640 : i32
    %mul3A_16 = arith.muli %arg1, %mul3A_15 : i32
    %add3A_17 = arith.constant 160 : i32
    %add3A_18 = arith.addi %mul3A_16, %add3A_17 : i32
    %run_scoped3A_19 = arith.constant 0 : i32
    "tpu.region"() ({
      %run_scoped3A_110 = tpu.sem_alloc : memref<!tpu.dma_semaphore, #tpu.memory_space<semaphore_mem>>
      %dma_start3A_111 = arith.constant 0 : i32
      %dma_start3A_112 = arith.constant 0 : i32
      %dma_start3A_113 = tpu.memref_slice %arg8[%run_scoped3A_19, %dma_start3A_111, %dma_start3A_112] : memref<4x80x128xf32, #tpu.memory_space<vmem>> -> memref<1x80x128xf32, #tpu.memory_space<vmem>>
      %dma_start3A_114 = tpu.memref_squeeze %dma_start3A_113 : memref<1x80x128xf32, #tpu.memory_space<vmem>> -> memref<80x128xf32, #tpu.memory_space<vmem>>
      %dma_start3A_115 = arith.constant 0 : i32
      %dma_start3A_116 = tpu.memref_slice %arg9[%add3A_18, %dma_start3A_115] : memref<10240x128xf32, #tpu.memory_space<vmem_shared>> -> memref<80x128xf32, #tpu.memory_space<vmem_shared>>
      %dma_start3A_117 = arith.constant 0 : i32
      %dma_start3A_118 = tpu.memref_slice %arg9[%add3A_18, %dma_start3A_117] : memref<10240x128xf32, #tpu.memory_space<vmem_shared>> -> memref<80x128xf32, #tpu.memory_space<vmem_shared>>
      %dma_start3A_119 = arith.constant 0 : i32
      %dma_start3A_120 = arith.constant 0 : i32
      %dma_start3A_121 = tpu.memref_slice %arg8[%run_scoped3A_19, %dma_start3A_119, %dma_start3A_120] : memref<4x80x128xf32, #tpu.memory_space<vmem>> -> memref<1x80x128xf32, #tpu.memory_space<vmem>>
      %dma_start3A_122 = tpu.memref_squeeze %dma_start3A_121 : memref<1x80x128xf32, #tpu.memory_space<vmem>> -> memref<80x128xf32, #tpu.memory_space<vmem>>
      tpu.enqueue_dma source(%dma_start3A_122 : memref<80x128xf32, #tpu.memory_space<vmem>>) target(%dma_start3A_118 : memref<80x128xf32, #tpu.memory_space<vmem_shared>>) target_semaphore(%run_scoped3A_110 : memref<!tpu.dma_semaphore, #tpu.memory_space<semaphore_mem>>)
      %dma_wait3A_123 = arith.constant 0 : i32
      %dma_wait3A_124 = arith.constant 0 : i32
      %dma_wait3A_125 = tpu.memref_slice %arg8[%run_scoped3A_19, %dma_wait3A_123, %dma_wait3A_124] : memref<4x80x128xf32, #tpu.memory_space<vmem>> -> memref<1x80x128xf32, #tpu.memory_space<vmem>>
      %dma_wait3A_126 = tpu.memref_squeeze %dma_wait3A_125 : memref<1x80x128xf32, #tpu.memory_space<vmem>> -> memref<80x128xf32, #tpu.memory_space<vmem>>
      %dma_wait3A_127 = arith.constant 0 : i32
      %dma_wait3A_128 = tpu.memref_slice %arg9[%add3A_18, %dma_wait3A_127] : memref<10240x128xf32, #tpu.memory_space<vmem_shared>> -> memref<80x128xf32, #tpu.memory_space<vmem_shared>>
      %dma_wait3A_129 = arith.constant 0 : i32
      %dma_wait3A_130 = tpu.memref_slice %arg9[%add3A_18, %dma_wait3A_129] : memref<10240x128xf32, #tpu.memory_space<vmem_shared>> -> memref<80x128xf32, #tpu.memory_space<vmem_shared>>
      %dma_wait3A_131 = arith.constant 0 : i32
      %dma_wait3A_132 = arith.constant 0 : i32
      %dma_wait3A_133 = tpu.memref_slice %arg8[%run_scoped3A_19, %dma_wait3A_131, %dma_wait3A_132] : memref<4x80x128xf32, #tpu.memory_space<vmem>> -> memref<1x80x128xf32, #tpu.memory_space<vmem>>
      %dma_wait3A_134 = tpu.memref_squeeze %dma_wait3A_133 : memref<1x80x128xf32, #tpu.memory_space<vmem>> -> memref<80x128xf32, #tpu.memory_space<vmem>>
      tpu.wait_dma2 semaphore(%run_scoped3A_110 : memref<!tpu.dma_semaphore, #tpu.memory_space<semaphore_mem>>) src(%dma_wait3A_134 : memref<80x128xf32, #tpu.memory_space<vmem>>) dst(%dma_wait3A_130 : memref<80x128xf32, #tpu.memory_space<vmem_shared>>)
      tpu.yield
    }) : () -> ()
    %mul3A_20 = arith.constant 640 : i32
    %mul3A_21 = arith.muli %arg1, %mul3A_20 : i32
    %add3A_22 = arith.constant 240 : i32
    %add3A_23 = arith.addi %mul3A_21, %add3A_22 : i32
    %run_scoped3A_24 = arith.constant 0 : i32
    "tpu.region"() ({
      %run_scoped3A_110 = tpu.sem_alloc : memref<!tpu.dma_semaphore, #tpu.memory_space<semaphore_mem>>
      %dma_start3A_111 = arith.constant 0 : i32
      %dma_start3A_112 = arith.constant 0 : i32
      %dma_start3A_113 = tpu.memref_slice %arg8[%run_scoped3A_24, %dma_start3A_111, %dma_start3A_112] : memref<4x80x128xf32, #tpu.memory_space<vmem>> -> memref<1x80x128xf32, #tpu.memory_space<vmem>>
      %dma_start3A_114 = tpu.memref_squeeze %dma_start3A_113 : memref<1x80x128xf32, #tpu.memory_space<vmem>> -> memref<80x128xf32, #tpu.memory_space<vmem>>
      %dma_start3A_115 = arith.constant 0 : i32
      %dma_start3A_116 = tpu.memref_slice %arg9[%add3A_23, %dma_start3A_115] : memref<10240x128xf32, #tpu.memory_space<vmem_shared>> -> memref<80x128xf32, #tpu.memory_space<vmem_shared>>
      %dma_start3A_117 = arith.constant 0 : i32
      %dma_start3A_118 = tpu.memref_slice %arg9[%add3A_23, %dma_start3A_117] : memref<10240x128xf32, #tpu.memory_space<vmem_shared>> -> memref<80x128xf32, #tpu.memory_space<vmem_shared>>
      %dma_start3A_119 = arith.constant 0 : i32
      %dma_start3A_120 = arith.constant 0 : i32
      %dma_start3A_121 = tpu.memref_slice %arg8[%run_scoped3A_24, %dma_start3A_119, %dma_start3A_120] : memref<4x80x128xf32, #tpu.memory_space<vmem>> -> memref<1x80x128xf32, #tpu.memory_space<vmem>>
      %dma_start3A_122 = tpu.memref_squeeze %dma_start3A_121 : memref<1x80x128xf32, #tpu.memory_space<vmem>> -> memref<80x128xf32, #tpu.memory_space<vmem>>
      tpu.enqueue_dma source(%dma_start3A_122 : memref<80x128xf32, #tpu.memory_space<vmem>>) target(%dma_start3A_118 : memref<80x128xf32, #tpu.memory_space<vmem_shared>>) target_semaphore(%run_scoped3A_110 : memref<!tpu.dma_semaphore, #tpu.memory_space<semaphore_mem>>)
      %dma_wait3A_123 = arith.constant 0 : i32
      %dma_wait3A_124 = arith.constant 0 : i32
      %dma_wait3A_125 = tpu.memref_slice %arg8[%run_scoped3A_24, %dma_wait3A_123, %dma_wait3A_124] : memref<4x80x128xf32, #tpu.memory_space<vmem>> -> memref<1x80x128xf32, #tpu.memory_space<vmem>>
      %dma_wait3A_126 = tpu.memref_squeeze %dma_wait3A_125 : memref<1x80x128xf32, #tpu.memory_space<vmem>> -> memref<80x128xf32, #tpu.memory_space<vmem>>
      %dma_wait3A_127 = arith.constant 0 : i32
      %dma_wait3A_128 = tpu.memref_slice %arg9[%add3A_23, %dma_wait3A_127] : memref<10240x128xf32, #tpu.memory_space<vmem_shared>> -> memref<80x128xf32, #tpu.memory_space<vmem_shared>>
      %dma_wait3A_129 = arith.constant 0 : i32
      %dma_wait3A_130 = tpu.memref_slice %arg9[%add3A_23, %dma_wait3A_129] : memref<10240x128xf32, #tpu.memory_space<vmem_shared>> -> memref<80x128xf32, #tpu.memory_space<vmem_shared>>
      %dma_wait3A_131 = arith.constant 0 : i32
      %dma_wait3A_132 = arith.constant 0 : i32
      %dma_wait3A_133 = tpu.memref_slice %arg8[%run_scoped3A_24, %dma_wait3A_131, %dma_wait3A_132] : memref<4x80x128xf32, #tpu.memory_space<vmem>> -> memref<1x80x128xf32, #tpu.memory_space<vmem>>
      %dma_wait3A_134 = tpu.memref_squeeze %dma_wait3A_133 : memref<1x80x128xf32, #tpu.memory_space<vmem>> -> memref<80x128xf32, #tpu.memory_space<vmem>>
      tpu.wait_dma2 semaphore(%run_scoped3A_110 : memref<!tpu.dma_semaphore, #tpu.memory_space<semaphore_mem>>) src(%dma_wait3A_134 : memref<80x128xf32, #tpu.memory_space<vmem>>) dst(%dma_wait3A_130 : memref<80x128xf32, #tpu.memory_space<vmem_shared>>)
      tpu.yield
    }) : () -> ()
    %mul3A_25 = arith.constant 640 : i32
    %mul3A_26 = arith.muli %arg1, %mul3A_25 : i32
    %add3A_27 = arith.constant 320 : i32
    %add3A_28 = arith.addi %mul3A_26, %add3A_27 : i32
    %run_scoped3A_29 = arith.constant 0 : i32
    "tpu.region"() ({
      %run_scoped3A_110 = tpu.sem_alloc : memref<!tpu.dma_semaphore, #tpu.memory_space<semaphore_mem>>
      %dma_start3A_111 = arith.constant 0 : i32
      %dma_start3A_112 = arith.constant 0 : i32
      %dma_start3A_113 = tpu.memref_slice %arg8[%run_scoped3A_29, %dma_start3A_111, %dma_start3A_112] : memref<4x80x128xf32, #tpu.memory_space<vmem>> -> memref<1x80x128xf32, #tpu.memory_space<vmem>>
      %dma_start3A_114 = tpu.memref_squeeze %dma_start3A_113 : memref<1x80x128xf32, #tpu.memory_space<vmem>> -> memref<80x128xf32, #tpu.memory_space<vmem>>
      %dma_start3A_115 = arith.constant 0 : i32
      %dma_start3A_116 = tpu.memref_slice %arg9[%add3A_28, %dma_start3A_115] : memref<10240x128xf32, #tpu.memory_space<vmem_shared>> -> memref<80x128xf32, #tpu.memory_space<vmem_shared>>
      %dma_start3A_117 = arith.constant 0 : i32
      %dma_start3A_118 = tpu.memref_slice %arg9[%add3A_28, %dma_start3A_117] : memref<10240x128xf32, #tpu.memory_space<vmem_shared>> -> memref<80x128xf32, #tpu.memory_space<vmem_shared>>
      %dma_start3A_119 = arith.constant 0 : i32
      %dma_start3A_120 = arith.constant 0 : i32
      %dma_start3A_121 = tpu.memref_slice %arg8[%run_scoped3A_29, %dma_start3A_119, %dma_start3A_120] : memref<4x80x128xf32, #tpu.memory_space<vmem>> -> memref<1x80x128xf32, #tpu.memory_space<vmem>>
      %dma_start3A_122 = tpu.memref_squeeze %dma_start3A_121 : memref<1x80x128xf32, #tpu.memory_space<vmem>> -> memref<80x128xf32, #tpu.memory_space<vmem>>
      tpu.enqueue_dma source(%dma_start3A_122 : memref<80x128xf32, #tpu.memory_space<vmem>>) target(%dma_start3A_118 : memref<80x128xf32, #tpu.memory_space<vmem_shared>>) target_semaphore(%run_scoped3A_110 : memref<!tpu.dma_semaphore, #tpu.memory_space<semaphore_mem>>)
      %dma_wait3A_123 = arith.constant 0 : i32
      %dma_wait3A_124 = arith.constant 0 : i32
      %dma_wait3A_125 = tpu.memref_slice %arg8[%run_scoped3A_29, %dma_wait3A_123, %dma_wait3A_124] : memref<4x80x128xf32, #tpu.memory_space<vmem>> -> memref<1x80x128xf32, #tpu.memory_space<vmem>>
      %dma_wait3A_126 = tpu.memref_squeeze %dma_wait3A_125 : memref<1x80x128xf32, #tpu.memory_space<vmem>> -> memref<80x128xf32, #tpu.memory_space<vmem>>
      %dma_wait3A_127 = arith.constant 0 : i32
      %dma_wait3A_128 = tpu.memref_slice %arg9[%add3A_28, %dma_wait3A_127] : memref<10240x128xf32, #tpu.memory_space<vmem_shared>> -> memref<80x128xf32, #tpu.memory_space<vmem_shared>>
      %dma_wait3A_129 = arith.constant 0 : i32
      %dma_wait3A_130 = tpu.memref_slice %arg9[%add3A_28, %dma_wait3A_129] : memref<10240x128xf32, #tpu.memory_space<vmem_shared>> -> memref<80x128xf32, #tpu.memory_space<vmem_shared>>
      %dma_wait3A_131 = arith.constant 0 : i32
      %dma_wait3A_132 = arith.constant 0 : i32
      %dma_wait3A_133 = tpu.memref_slice %arg8[%run_scoped3A_29, %dma_wait3A_131, %dma_wait3A_132] : memref<4x80x128xf32, #tpu.memory_space<vmem>> -> memref<1x80x128xf32, #tpu.memory_space<vmem>>
      %dma_wait3A_134 = tpu.memref_squeeze %dma_wait3A_133 : memref<1x80x128xf32, #tpu.memory_space<vmem>> -> memref<80x128xf32, #tpu.memory_space<vmem>>
      tpu.wait_dma2 semaphore(%run_scoped3A_110 : memref<!tpu.dma_semaphore, #tpu.memory_space<semaphore_mem>>) src(%dma_wait3A_134 : memref<80x128xf32, #tpu.memory_space<vmem>>) dst(%dma_wait3A_130 : memref<80x128xf32, #tpu.memory_space<vmem_shared>>)
      tpu.yield
    }) : () -> ()
    %mul3A_30 = arith.constant 640 : i32
    %mul3A_31 = arith.muli %arg1, %mul3A_30 : i32
    %add3A_32 = arith.constant 400 : i32
    %add3A_33 = arith.addi %mul3A_31, %add3A_32 : i32
    %run_scoped3A_34 = arith.constant 0 : i32
    "tpu.region"() ({
      %run_scoped3A_110 = tpu.sem_alloc : memref<!tpu.dma_semaphore, #tpu.memory_space<semaphore_mem>>
      %dma_start3A_111 = arith.constant 0 : i32
      %dma_start3A_112 = arith.constant 0 : i32
      %dma_start3A_113 = tpu.memref_slice %arg8[%run_scoped3A_34, %dma_start3A_111, %dma_start3A_112] : memref<4x80x128xf32, #tpu.memory_space<vmem>> -> memref<1x80x128xf32, #tpu.memory_space<vmem>>
      %dma_start3A_114 = tpu.memref_squeeze %dma_start3A_113 : memref<1x80x128xf32, #tpu.memory_space<vmem>> -> memref<80x128xf32, #tpu.memory_space<vmem>>
      %dma_start3A_115 = arith.constant 0 : i32
      %dma_start3A_116 = tpu.memref_slice %arg9[%add3A_33, %dma_start3A_115] : memref<10240x128xf32, #tpu.memory_space<vmem_shared>> -> memref<80x128xf32, #tpu.memory_space<vmem_shared>>
      %dma_start3A_117 = arith.constant 0 : i32
      %dma_start3A_118 = tpu.memref_slice %arg9[%add3A_33, %dma_start3A_117] : memref<10240x128xf32, #tpu.memory_space<vmem_shared>> -> memref<80x128xf32, #tpu.memory_space<vmem_shared>>
      %dma_start3A_119 = arith.constant 0 : i32
      %dma_start3A_120 = arith.constant 0 : i32
      %dma_start3A_121 = tpu.memref_slice %arg8[%run_scoped3A_34, %dma_start3A_119, %dma_start3A_120] : memref<4x80x128xf32, #tpu.memory_space<vmem>> -> memref<1x80x128xf32, #tpu.memory_space<vmem>>
      %dma_start3A_122 = tpu.memref_squeeze %dma_start3A_121 : memref<1x80x128xf32, #tpu.memory_space<vmem>> -> memref<80x128xf32, #tpu.memory_space<vmem>>
      tpu.enqueue_dma source(%dma_start3A_122 : memref<80x128xf32, #tpu.memory_space<vmem>>) target(%dma_start3A_118 : memref<80x128xf32, #tpu.memory_space<vmem_shared>>) target_semaphore(%run_scoped3A_110 : memref<!tpu.dma_semaphore, #tpu.memory_space<semaphore_mem>>)
      %dma_wait3A_123 = arith.constant 0 : i32
      %dma_wait3A_124 = arith.constant 0 : i32
      %dma_wait3A_125 = tpu.memref_slice %arg8[%run_scoped3A_34, %dma_wait3A_123, %dma_wait3A_124] : memref<4x80x128xf32, #tpu.memory_space<vmem>> -> memref<1x80x128xf32, #tpu.memory_space<vmem>>
      %dma_wait3A_126 = tpu.memref_squeeze %dma_wait3A_125 : memref<1x80x128xf32, #tpu.memory_space<vmem>> -> memref<80x128xf32, #tpu.memory_space<vmem>>
      %dma_wait3A_127 = arith.constant 0 : i32
      %dma_wait3A_128 = tpu.memref_slice %arg9[%add3A_33, %dma_wait3A_127] : memref<10240x128xf32, #tpu.memory_space<vmem_shared>> -> memref<80x128xf32, #tpu.memory_space<vmem_shared>>
      %dma_wait3A_129 = arith.constant 0 : i32
      %dma_wait3A_130 = tpu.memref_slice %arg9[%add3A_33, %dma_wait3A_129] : memref<10240x128xf32, #tpu.memory_space<vmem_shared>> -> memref<80x128xf32, #tpu.memory_space<vmem_shared>>
      %dma_wait3A_131 = arith.constant 0 : i32
      %dma_wait3A_132 = arith.constant 0 : i32
      %dma_wait3A_133 = tpu.memref_slice %arg8[%run_scoped3A_34, %dma_wait3A_131, %dma_wait3A_132] : memref<4x80x128xf32, #tpu.memory_space<vmem>> -> memref<1x80x128xf32, #tpu.memory_space<vmem>>
      %dma_wait3A_134 = tpu.memref_squeeze %dma_wait3A_133 : memref<1x80x128xf32, #tpu.memory_space<vmem>> -> memref<80x128xf32, #tpu.memory_space<vmem>>
      tpu.wait_dma2 semaphore(%run_scoped3A_110 : memref<!tpu.dma_semaphore, #tpu.memory_space<semaphore_mem>>) src(%dma_wait3A_134 : memref<80x128xf32, #tpu.memory_space<vmem>>) dst(%dma_wait3A_130 : memref<80x128xf32, #tpu.memory_space<vmem_shared>>)
      tpu.yield
    }) : () -> ()
    %mul3A_35 = arith.constant 640 : i32
    %mul3A_36 = arith.muli %arg1, %mul3A_35 : i32
    %add3A_37 = arith.constant 480 : i32
    %add3A_38 = arith.addi %mul3A_36, %add3A_37 : i32
    %run_scoped3A_39 = arith.constant 0 : i32
    "tpu.region"() ({
      %run_scoped3A_110 = tpu.sem_alloc : memref<!tpu.dma_semaphore, #tpu.memory_space<semaphore_mem>>
      %dma_start3A_111 = arith.constant 0 : i32
      %dma_start3A_112 = arith.constant 0 : i32
      %dma_start3A_113 = tpu.memref_slice %arg8[%run_scoped3A_39, %dma_start3A_111, %dma_start3A_112] : memref<4x80x128xf32, #tpu.memory_space<vmem>> -> memref<1x80x128xf32, #tpu.memory_space<vmem>>
      %dma_start3A_114 = tpu.memref_squeeze %dma_start3A_113 : memref<1x80x128xf32, #tpu.memory_space<vmem>> -> memref<80x128xf32, #tpu.memory_space<vmem>>
      %dma_start3A_115 = arith.constant 0 : i32
      %dma_start3A_116 = tpu.memref_slice %arg9[%add3A_38, %dma_start3A_115] : memref<10240x128xf32, #tpu.memory_space<vmem_shared>> -> memref<80x128xf32, #tpu.memory_space<vmem_shared>>
      %dma_start3A_117 = arith.constant 0 : i32
      %dma_start3A_118 = tpu.memref_slice %arg9[%add3A_38, %dma_start3A_117] : memref<10240x128xf32, #tpu.memory_space<vmem_shared>> -> memref<80x128xf32, #tpu.memory_space<vmem_shared>>
      %dma_start3A_119 = arith.constant 0 : i32
      %dma_start3A_120 = arith.constant 0 : i32
      %dma_start3A_121 = tpu.memref_slice %arg8[%run_scoped3A_39, %dma_start3A_119, %dma_start3A_120] : memref<4x80x128xf32, #tpu.memory_space<vmem>> -> memref<1x80x128xf32, #tpu.memory_space<vmem>>
      %dma_start3A_122 = tpu.memref_squeeze %dma_start3A_121 : memref<1x80x128xf32, #tpu.memory_space<vmem>> -> memref<80x128xf32, #tpu.memory_space<vmem>>
      tpu.enqueue_dma source(%dma_start3A_122 : memref<80x128xf32, #tpu.memory_space<vmem>>) target(%dma_start3A_118 : memref<80x128xf32, #tpu.memory_space<vmem_shared>>) target_semaphore(%run_scoped3A_110 : memref<!tpu.dma_semaphore, #tpu.memory_space<semaphore_mem>>)
      %dma_wait3A_123 = arith.constant 0 : i32
      %dma_wait3A_124 = arith.constant 0 : i32
      %dma_wait3A_125 = tpu.memref_slice %arg8[%run_scoped3A_39, %dma_wait3A_123, %dma_wait3A_124] : memref<4x80x128xf32, #tpu.memory_space<vmem>> -> memref<1x80x128xf32, #tpu.memory_space<vmem>>
      %dma_wait3A_126 = tpu.memref_squeeze %dma_wait3A_125 : memref<1x80x128xf32, #tpu.memory_space<vmem>> -> memref<80x128xf32, #tpu.memory_space<vmem>>
      %dma_wait3A_127 = arith.constant 0 : i32
      %dma_wait3A_128 = tpu.memref_slice %arg9[%add3A_38, %dma_wait3A_127] : memref<10240x128xf32, #tpu.memory_space<vmem_shared>> -> memref<80x128xf32, #tpu.memory_space<vmem_shared>>
      %dma_wait3A_129 = arith.constant 0 : i32
      %dma_wait3A_130 = tpu.memref_slice %arg9[%add3A_38, %dma_wait3A_129] : memref<10240x128xf32, #tpu.memory_space<vmem_shared>> -> memref<80x128xf32, #tpu.memory_space<vmem_shared>>
      %dma_wait3A_131 = arith.constant 0 : i32
      %dma_wait3A_132 = arith.constant 0 : i32
      %dma_wait3A_133 = tpu.memref_slice %arg8[%run_scoped3A_39, %dma_wait3A_131, %dma_wait3A_132] : memref<4x80x128xf32, #tpu.memory_space<vmem>> -> memref<1x80x128xf32, #tpu.memory_space<vmem>>
      %dma_wait3A_134 = tpu.memref_squeeze %dma_wait3A_133 : memref<1x80x128xf32, #tpu.memory_space<vmem>> -> memref<80x128xf32, #tpu.memory_space<vmem>>
      tpu.wait_dma2 semaphore(%run_scoped3A_110 : memref<!tpu.dma_semaphore, #tpu.memory_space<semaphore_mem>>) src(%dma_wait3A_134 : memref<80x128xf32, #tpu.memory_space<vmem>>) dst(%dma_wait3A_130 : memref<80x128xf32, #tpu.memory_space<vmem_shared>>)
      tpu.yield
    }) : () -> ()
    %mul3A_40 = arith.constant 640 : i32
    %mul3A_41 = arith.muli %arg1, %mul3A_40 : i32
    %add3A_42 = arith.constant 560 : i32
    %add3A_43 = arith.addi %mul3A_41, %add3A_42 : i32
    %run_scoped3A_44 = arith.constant 0 : i32
    "tpu.region"() ({
      %run_scoped3A_110 = tpu.sem_alloc : memref<!tpu.dma_semaphore, #tpu.memory_space<semaphore_mem>>
      %dma_start3A_111 = arith.constant 0 : i32
      %dma_start3A_112 = arith.constant 0 : i32
      %dma_start3A_113 = tpu.memref_slice %arg8[%run_scoped3A_44, %dma_start3A_111, %dma_start3A_112] : memref<4x80x128xf32, #tpu.memory_space<vmem>> -> memref<1x80x128xf32, #tpu.memory_space<vmem>>
      %dma_start3A_114 = tpu.memref_squeeze %dma_start3A_113 : memref<1x80x128xf32, #tpu.memory_space<vmem>> -> memref<80x128xf32, #tpu.memory_space<vmem>>
      %dma_start3A_115 = arith.constant 0 : i32
      %dma_start3A_116 = tpu.memref_slice %arg9[%add3A_43, %dma_start3A_115] : memref<10240x128xf32, #tpu.memory_space<vmem_shared>> -> memref<80x128xf32, #tpu.memory_space<vmem_shared>>
      %dma_start3A_117 = arith.constant 0 : i32
      %dma_start3A_118 = tpu.memref_slice %arg9[%add3A_43, %dma_start3A_117] : memref<10240x128xf32, #tpu.memory_space<vmem_shared>> -> memref<80x128xf32, #tpu.memory_space<vmem_shared>>
      %dma_start3A_119 = arith.constant 0 : i32
      %dma_start3A_120 = arith.constant 0 : i32
      %dma_start3A_121 = tpu.memref_slice %arg8[%run_scoped3A_44, %dma_start3A_119, %dma_start3A_120] : memref<4x80x128xf32, #tpu.memory_space<vmem>> -> memref<1x80x128xf32, #tpu.memory_space<vmem>>
      %dma_start3A_122 = tpu.memref_squeeze %dma_start3A_121 : memref<1x80x128xf32, #tpu.memory_space<vmem>> -> memref<80x128xf32, #tpu.memory_space<vmem>>
      tpu.enqueue_dma source(%dma_start3A_122 : memref<80x128xf32, #tpu.memory_space<vmem>>) target(%dma_start3A_118 : memref<80x128xf32, #tpu.memory_space<vmem_shared>>) target_semaphore(%run_scoped3A_110 : memref<!tpu.dma_semaphore, #tpu.memory_space<semaphore_mem>>)
      %dma_wait3A_123 = arith.constant 0 : i32
      %dma_wait3A_124 = arith.constant 0 : i32
      %dma_wait3A_125 = tpu.memref_slice %arg8[%run_scoped3A_44, %dma_wait3A_123, %dma_wait3A_124] : memref<4x80x128xf32, #tpu.memory_space<vmem>> -> memref<1x80x128xf32, #tpu.memory_space<vmem>>
      %dma_wait3A_126 = tpu.memref_squeeze %dma_wait3A_125 : memref<1x80x128xf32, #tpu.memory_space<vmem>> -> memref<80x128xf32, #tpu.memory_space<vmem>>
      %dma_wait3A_127 = arith.constant 0 : i32
      %dma_wait3A_128 = tpu.memref_slice %arg9[%add3A_43, %dma_wait3A_127] : memref<10240x128xf32, #tpu.memory_space<vmem_shared>> -> memref<80x128xf32, #tpu.memory_space<vmem_shared>>
      %dma_wait3A_129 = arith.constant 0 : i32
      %dma_wait3A_130 = tpu.memref_slice %arg9[%add3A_43, %dma_wait3A_129] : memref<10240x128xf32, #tpu.memory_space<vmem_shared>> -> memref<80x128xf32, #tpu.memory_space<vmem_shared>>
      %dma_wait3A_131 = arith.constant 0 : i32
      %dma_wait3A_132 = arith.constant 0 : i32
      %dma_wait3A_133 = tpu.memref_slice %arg8[%run_scoped3A_44, %dma_wait3A_131, %dma_wait3A_132] : memref<4x80x128xf32, #tpu.memory_space<vmem>> -> memref<1x80x128xf32, #tpu.memory_space<vmem>>
      %dma_wait3A_134 = tpu.memref_squeeze %dma_wait3A_133 : memref<1x80x128xf32, #tpu.memory_space<vmem>> -> memref<80x128xf32, #tpu.memory_space<vmem>>
      tpu.wait_dma2 semaphore(%run_scoped3A_110 : memref<!tpu.dma_semaphore, #tpu.memory_space<semaphore_mem>>) src(%dma_wait3A_134 : memref<80x128xf32, #tpu.memory_space<vmem>>) dst(%dma_wait3A_130 : memref<80x128xf32, #tpu.memory_space<vmem_shared>>)
      tpu.yield
    }) : () -> ()
    %barrier3A = arith.constant 0 : index
    tpu.barrier barrier_id(%barrier3A)
    %run_scoped3A_45 = arith.constant 0 : i32
    %run_scoped3A_46 = arith.constant 0 : i32
    "tpu.region"() ({
      %run_scoped3A_110 = tpu.sem_alloc : memref<!tpu.dma_semaphore, #tpu.memory_space<semaphore_mem>>
      %dma_start3A_111 = arith.constant 0 : i32
      %dma_start3A_112 = arith.constant 0 : i32
      %dma_start3A_113 = tpu.memref_slice %arg6[%run_scoped3A_46, %dma_start3A_111, %dma_start3A_112] : memref<2x8x80xi32, #tpu.memory_space<vmem>> -> memref<1x8x80xi32, #tpu.memory_space<vmem>>
      %dma_start3A_114 = tpu.memref_squeeze %dma_start3A_113 : memref<1x8x80xi32, #tpu.memory_space<vmem>> -> memref<8x80xi32, #tpu.memory_space<vmem>>
      %dma_start3A_115 = arith.constant 0 : i32
      %dma_start3A_116 = arith.constant 0 : i32
      %dma_start3A_117 = tpu.memref_slice %arg2[%add3A, %run_scoped3A_45, %dma_start3A_115, %dma_start3A_116] : memref<32x16x8x80xi32, #tpu.memory_space<hbm>> -> memref<1x1x8x80xi32, #tpu.memory_space<hbm>>
      %dma_start3A_118 = tpu.memref_squeeze %dma_start3A_117 : memref<1x1x8x80xi32, #tpu.memory_space<hbm>> -> memref<8x80xi32, #tpu.memory_space<hbm>>
      %dma_start3A_119 = arith.constant 0 : i32
      %dma_start3A_120 = arith.constant 0 : i32
      %dma_start3A_121 = tpu.memref_slice %arg6[%run_scoped3A_46, %dma_start3A_119, %dma_start3A_120] : memref<2x8x80xi32, #tpu.memory_space<vmem>> -> memref<1x8x80xi32, #tpu.memory_space<vmem>>
      %dma_start3A_122 = tpu.memref_squeeze %dma_start3A_121 : memref<1x8x80xi32, #tpu.memory_space<vmem>> -> memref<8x80xi32, #tpu.memory_space<vmem>>
      %dma_start3A_123 = arith.constant 0 : i32
      %dma_start3A_124 = arith.constant 0 : i32
      %dma_start3A_125 = tpu.memref_slice %arg2[%add3A, %run_scoped3A_45, %dma_start3A_123, %dma_start3A_124] : memref<32x16x8x80xi32, #tpu.memory_space<hbm>> -> memref<1x1x8x80xi32, #tpu.memory_space<hbm>>
      %dma_start3A_126 = tpu.memref_squeeze %dma_start3A_125 : memref<1x1x8x80xi32, #tpu.memory_space<hbm>> -> memref<8x80xi32, #tpu.memory_space<hbm>>
      tpu.enqueue_dma source(%dma_start3A_126 : memref<8x80xi32, #tpu.memory_space<hbm>>) target(%dma_start3A_122 : memref<8x80xi32, #tpu.memory_space<vmem>>) target_semaphore(%run_scoped3A_110 : memref<!tpu.dma_semaphore, #tpu.memory_space<semaphore_mem>>)
      %dma_wait3A_127 = arith.constant 0 : i32
      %dma_wait3A_128 = arith.constant 0 : i32
      %dma_wait3A_129 = tpu.memref_slice %arg6[%run_scoped3A_46, %dma_wait3A_127, %dma_wait3A_128] : memref<2x8x80xi32, #tpu.memory_space<vmem>> -> memref<1x8x80xi32, #tpu.memory_space<vmem>>
      %dma_wait3A_130 = tpu.memref_squeeze %dma_wait3A_129 : memref<1x8x80xi32, #tpu.memory_space<vmem>> -> memref<8x80xi32, #tpu.memory_space<vmem>>
      %dma_wait3A_131 = arith.constant 0 : i32
      %dma_wait3A_132 = arith.constant 0 : i32
      %dma_wait3A_133 = tpu.memref_slice %arg2[%add3A, %run_scoped3A_45, %dma_wait3A_131, %dma_wait3A_132] : memref<32x16x8x80xi32, #tpu.memory_space<hbm>> -> memref<1x1x8x80xi32, #tpu.memory_space<hbm>>
      %dma_wait3A_134 = tpu.memref_squeeze %dma_wait3A_133 : memref<1x1x8x80xi32, #tpu.memory_space<hbm>> -> memref<8x80xi32, #tpu.memory_space<hbm>>
      %dma_wait3A_135 = arith.constant 0 : i32
      %dma_wait3A_136 = arith.constant 0 : i32
      %dma_wait3A_137 = tpu.memref_slice %arg6[%run_scoped3A_46, %dma_wait3A_135, %dma_wait3A_136] : memref<2x8x80xi32, #tpu.memory_space<vmem>> -> memref<1x8x80xi32, #tpu.memory_space<vmem>>
      %dma_wait3A_138 = tpu.memref_squeeze %dma_wait3A_137 : memref<1x8x80xi32, #tpu.memory_space<vmem>> -> memref<8x80xi32, #tpu.memory_space<vmem>>
      %dma_wait3A_139 = arith.constant 0 : i32
      %dma_wait3A_140 = arith.constant 0 : i32
      %dma_wait3A_141 = tpu.memref_slice %arg2[%add3A, %run_scoped3A_45, %dma_wait3A_139, %dma_wait3A_140] : memref<32x16x8x80xi32, #tpu.memory_space<hbm>> -> memref<1x1x8x80xi32, #tpu.memory_space<hbm>>
      %dma_wait3A_142 = tpu.memref_squeeze %dma_wait3A_141 : memref<1x1x8x80xi32, #tpu.memory_space<hbm>> -> memref<8x80xi32, #tpu.memory_space<hbm>>
      tpu.wait_dma2 semaphore(%run_scoped3A_110 : memref<!tpu.dma_semaphore, #tpu.memory_space<semaphore_mem>>) src(%dma_wait3A_142 : memref<8x80xi32, #tpu.memory_space<hbm>>) dst(%dma_wait3A_138 : memref<8x80xi32, #tpu.memory_space<vmem>>)
      tpu.yield
    }) : () -> ()
    %run_scoped3A_47 = arith.constant 0 : i32
    %run_scoped3A_48 = arith.constant 0 : i32
    "tpu.region"() ({
      %run_scoped3A_110 = tpu.sem_alloc : memref<!tpu.dma_semaphore, #tpu.memory_space<semaphore_mem>>
      %dma_start3A_111 = arith.constant 0 : i32
      %dma_start3A_112 = arith.constant 0 : i32
      %dma_start3A_113 = tpu.memref_slice %arg7[%run_scoped3A_48, %dma_start3A_111, %dma_start3A_112] : memref<2x8x80xi32, #tpu.memory_space<vmem>> -> memref<1x8x80xi32, #tpu.memory_space<vmem>>
      %dma_start3A_114 = tpu.memref_squeeze %dma_start3A_113 : memref<1x8x80xi32, #tpu.memory_space<vmem>> -> memref<8x80xi32, #tpu.memory_space<vmem>>
      %dma_start3A_115 = arith.constant 0 : i32
      %dma_start3A_116 = arith.constant 0 : i32
      %dma_start3A_117 = tpu.memref_slice %arg3[%add3A, %run_scoped3A_47, %dma_start3A_115, %dma_start3A_116] : memref<32x16x8x80xi32, #tpu.memory_space<hbm>> -> memref<1x1x8x80xi32, #tpu.memory_space<hbm>>
      %dma_start3A_118 = tpu.memref_squeeze %dma_start3A_117 : memref<1x1x8x80xi32, #tpu.memory_space<hbm>> -> memref<8x80xi32, #tpu.memory_space<hbm>>
      %dma_start3A_119 = arith.constant 0 : i32
      %dma_start3A_120 = arith.constant 0 : i32
      %dma_start3A_121 = tpu.memref_slice %arg7[%run_scoped3A_48, %dma_start3A_119, %dma_start3A_120] : memref<2x8x80xi32, #tpu.memory_space<vmem>> -> memref<1x8x80xi32, #tpu.memory_space<vmem>>
      %dma_start3A_122 = tpu.memref_squeeze %dma_start3A_121 : memref<1x8x80xi32, #tpu.memory_space<vmem>> -> memref<8x80xi32, #tpu.memory_space<vmem>>
      %dma_start3A_123 = arith.constant 0 : i32
      %dma_start3A_124 = arith.constant 0 : i32
      %dma_start3A_125 = tpu.memref_slice %arg3[%add3A, %run_scoped3A_47, %dma_start3A_123, %dma_start3A_124] : memref<32x16x8x80xi32, #tpu.memory_space<hbm>> -> memref<1x1x8x80xi32, #tpu.memory_space<hbm>>
      %dma_start3A_126 = tpu.memref_squeeze %dma_start3A_125 : memref<1x1x8x80xi32, #tpu.memory_space<hbm>> -> memref<8x80xi32, #tpu.memory_space<hbm>>
      tpu.enqueue_dma source(%dma_start3A_126 : memref<8x80xi32, #tpu.memory_space<hbm>>) target(%dma_start3A_122 : memref<8x80xi32, #tpu.memory_space<vmem>>) target_semaphore(%run_scoped3A_110 : memref<!tpu.dma_semaphore, #tpu.memory_space<semaphore_mem>>)
      %dma_wait3A_127 = arith.constant 0 : i32
      %dma_wait3A_128 = arith.constant 0 : i32
      %dma_wait3A_129 = tpu.memref_slice %arg7[%run_scoped3A_48, %dma_wait3A_127, %dma_wait3A_128] : memref<2x8x80xi32, #tpu.memory_space<vmem>> -> memref<1x8x80xi32, #tpu.memory_space<vmem>>
      %dma_wait3A_130 = tpu.memref_squeeze %dma_wait3A_129 : memref<1x8x80xi32, #tpu.memory_space<vmem>> -> memref<8x80xi32, #tpu.memory_space<vmem>>
      %dma_wait3A_131 = arith.constant 0 : i32
      %dma_wait3A_132 = arith.constant 0 : i32
      %dma_wait3A_133 = tpu.memref_slice %arg3[%add3A, %run_scoped3A_47, %dma_wait3A_131, %dma_wait3A_132] : memref<32x16x8x80xi32, #tpu.memory_space<hbm>> -> memref<1x1x8x80xi32, #tpu.memory_space<hbm>>
      %dma_wait3A_134 = tpu.memref_squeeze %dma_wait3A_133 : memref<1x1x8x80xi32, #tpu.memory_space<hbm>> -> memref<8x80xi32, #tpu.memory_space<hbm>>
      %dma_wait3A_135 = arith.constant 0 : i32
      %dma_wait3A_136 = arith.constant 0 : i32
      %dma_wait3A_137 = tpu.memref_slice %arg7[%run_scoped3A_48, %dma_wait3A_135, %dma_wait3A_136] : memref<2x8x80xi32, #tpu.memory_space<vmem>> -> memref<1x8x80xi32, #tpu.memory_space<vmem>>
      %dma_wait3A_138 = tpu.memref_squeeze %dma_wait3A_137 : memref<1x8x80xi32, #tpu.memory_space<vmem>> -> memref<8x80xi32, #tpu.memory_space<vmem>>
      %dma_wait3A_139 = arith.constant 0 : i32
      %dma_wait3A_140 = arith.constant 0 : i32
      %dma_wait3A_141 = tpu.memref_slice %arg3[%add3A, %run_scoped3A_47, %dma_wait3A_139, %dma_wait3A_140] : memref<32x16x8x80xi32, #tpu.memory_space<hbm>> -> memref<1x1x8x80xi32, #tpu.memory_space<hbm>>
      %dma_wait3A_142 = tpu.memref_squeeze %dma_wait3A_141 : memref<1x1x8x80xi32, #tpu.memory_space<hbm>> -> memref<8x80xi32, #tpu.memory_space<hbm>>
      tpu.wait_dma2 semaphore(%run_scoped3A_110 : memref<!tpu.dma_semaphore, #tpu.memory_space<semaphore_mem>>) src(%dma_wait3A_142 : memref<8x80xi32, #tpu.memory_space<hbm>>) dst(%dma_wait3A_138 : memref<8x80xi32, #tpu.memory_space<vmem>>)
      tpu.yield
    }) : () -> ()
    %dma_start3A = arith.constant 0 : i32
    %dma_start3A_49 = arith.constant 0 : i32
    %dma_start3A_50 = arith.constant 0 : i32
    %dma_start3A_51 = arith.constant 0 : i32
    %dma_start3A_52 = arith.constant 0 : i32
    %dma_start3A_53 = tpu.memref_slice %arg8[%dma_start3A_50, %dma_start3A_51, %dma_start3A_52] : memref<4x80x128xf32, #tpu.memory_space<vmem>> -> memref<1x80x128xf32, #tpu.memory_space<vmem>>
    %dma_start3A_54 = tpu.memref_squeeze %dma_start3A_53 : memref<1x80x128xf32, #tpu.memory_space<vmem>> -> memref<80x128xf32, #tpu.memory_space<vmem>>
    %dma_start3A_55 = arith.constant 0 : i32
    %dma_start3A_56 = tpu.memref_slice %arg6[%dma_start3A, %dma_start3A_49, %dma_start3A_55] : memref<2x8x80xi32, #tpu.memory_space<vmem>> -> memref<1x1x80xi32, #tpu.memory_space<vmem>>
    %dma_start3A_57 = tpu.memref_squeeze %dma_start3A_56 : memref<1x1x80xi32, #tpu.memory_space<vmem>> -> memref<80xi32, #tpu.memory_space<vmem>>
    %dma_start3A_58 = arith.constant 0 : i32
    %dma_start3A_59 = arith.constant 0 : i32
    %dma_start3A_60 = tpu.memref_slice %arg4[%dma_start3A_58, %dma_start3A_59] : memref<10240x128xf32, #tpu.memory_space<hbm>> -> memref<10240x128xf32, #tpu.memory_space<hbm>>
    tpu.enqueue_indirect_dma source(%dma_start3A_60 : memref<10240x128xf32, #tpu.memory_space<hbm>>) target(%dma_start3A_54 : memref<80x128xf32, #tpu.memory_space<vmem>>) offsets(%dma_start3A_57 : memref<80xi32, #tpu.memory_space<vmem>>) semaphore(%arg10 : memref<!tpu.dma_semaphore, #tpu.memory_space<semaphore_mem>>)
    %dma_start3A_61 = arith.constant 0 : i32
    %dma_start3A_62 = arith.constant 1 : i32
    %dma_start3A_63 = arith.constant 1 : i32
    %dma_start3A_64 = arith.constant 0 : i32
    %dma_start3A_65 = arith.constant 0 : i32
    %dma_start3A_66 = tpu.memref_slice %arg8[%dma_start3A_63, %dma_start3A_64, %dma_start3A_65] : memref<4x80x128xf32, #tpu.memory_space<vmem>> -> memref<1x80x128xf32, #tpu.memory_space<vmem>>
    %dma_start3A_67 = tpu.memref_squeeze %dma_start3A_66 : memref<1x80x128xf32, #tpu.memory_space<vmem>> -> memref<80x128xf32, #tpu.memory_space<vmem>>
    %dma_start3A_68 = arith.constant 0 : i32
    %dma_start3A_69 = tpu.memref_slice %arg6[%dma_start3A_61, %dma_start3A_62, %dma_start3A_68] : memref<2x8x80xi32, #tpu.memory_space<vmem>> -> memref<1x1x80xi32, #tpu.memory_space<vmem>>
    %dma_start3A_70 = tpu.memref_squeeze %dma_start3A_69 : memref<1x1x80xi32, #tpu.memory_space<vmem>> -> memref<80xi32, #tpu.memory_space<vmem>>
    %dma_start3A_71 = arith.constant 0 : i32
    %dma_start3A_72 = arith.constant 0 : i32
    %dma_start3A_73 = tpu.memref_slice %arg4[%dma_start3A_71, %dma_start3A_72] : memref<10240x128xf32, #tpu.memory_space<hbm>> -> memref<10240x128xf32, #tpu.memory_space<hbm>>
    tpu.enqueue_indirect_dma source(%dma_start3A_73 : memref<10240x128xf32, #tpu.memory_space<hbm>>) target(%dma_start3A_67 : memref<80x128xf32, #tpu.memory_space<vmem>>) offsets(%dma_start3A_70 : memref<80xi32, #tpu.memory_space<vmem>>) semaphore(%arg10 : memref<!tpu.dma_semaphore, #tpu.memory_space<semaphore_mem>>)
    %scan3A_74 = arith.constant 0 : i32
    %scan3A_75 = arith.constant 0 : i32
    %scan3A_76 = arith.constant 128 : i32
    %scan3A_77 = arith.addi %scan3A_75, %scan3A_76 : i32
    %scan3A_78 = arith.constant 2 : i32
    scf.for %scan3A_110 = %scan3A_75 to %scan3A_77 step %scan3A_78  : i32 {
      %jit3A = arith.constant 8 : i32
      %div3A = arith.divsi %scan3A_110, %jit3A : i32
      %sign3A = arith.constant 0 : i32
      %sign3A_111 = arith.cmpi sgt, %scan3A_110, %sign3A : i32
      %sign3A_112 = arith.extui %sign3A_111 : i1 to i32
      %sign3A_113 = arith.constant 0 : i32
      %sign3A_114 = arith.cmpi slt, %scan3A_110, %sign3A_113 : i32
      %sign3A_115 = arith.extui %sign3A_114 : i1 to i32
      %sign3A_116 = arith.subi %sign3A_112, %sign3A_115 : i32
      %sign3A_117 = arith.constant 0 : i32
      %sign3A_118 = arith.cmpi sgt, %jit3A, %sign3A_117 : i32
      %sign3A_119 = arith.extui %sign3A_118 : i1 to i32
      %sign3A_120 = arith.constant 0 : i32
      %sign3A_121 = arith.cmpi slt, %jit3A, %sign3A_120 : i32
      %sign3A_122 = arith.extui %sign3A_121 : i1 to i32
      %sign3A_123 = arith.subi %sign3A_119, %sign3A_122 : i32
      %ne3A = arith.cmpi ne, %sign3A_116, %sign3A_123 : i32
      %rem3A = arith.remsi %scan3A_110, %jit3A : i32
      %ne3A_124 = arith.constant 0 : i32
      %ne3A_125 = arith.cmpi ne, %rem3A, %ne3A_124 : i32
      %and3A = arith.andi %ne3A, %ne3A_125 : i1
      %sub3A = arith.constant 1 : i32
      %sub3A_126 = arith.subi %div3A, %sub3A : i32
      %select_n3A = arith.select %and3A, %sub3A_126, %div3A : i32
      %jit3A_127 = arith.constant 8 : i32
      %eq3A = arith.constant 0 : i32
      %eq3A_128 = arith.cmpi eq, %jit3A_127, %eq3A : i32
      %jit3A_129 = arith.constant 1 : i32
      %select_n3A_130 = arith.select %eq3A_128, %jit3A_129, %jit3A_127 : i32
      %rem3A_131 = arith.remsi %scan3A_110, %select_n3A_130 : i32
      %ne3A_132 = arith.constant 0 : i32
      %ne3A_133 = arith.cmpi ne, %rem3A_131, %ne3A_132 : i32
      %lt3A = arith.constant 0 : i32
      %lt3A_134 = arith.cmpi slt, %rem3A_131, %lt3A : i32
      %lt3A_135 = arith.constant 0 : i32
      %lt3A_136 = arith.cmpi slt, %select_n3A_130, %lt3A_135 : i32
      %ne3A_137 = arith.xori %lt3A_134, %lt3A_136 : i1
      %and3A_138 = arith.andi %ne3A_137, %ne3A_133 : i1
      %add3A_139 = arith.addi %rem3A_131, %select_n3A_130 : i32
      %select_n3A_140 = arith.select %and3A_138, %add3A_139, %rem3A_131 : i32
      %jit3A_141 = arith.constant 2 : i32
      %eq3A_142 = arith.constant 0 : i32
      %eq3A_143 = arith.cmpi eq, %jit3A_141, %eq3A_142 : i32
      %jit3A_144 = arith.constant 1 : i32
      %select_n3A_145 = arith.select %eq3A_143, %jit3A_144, %jit3A_141 : i32
      %rem3A_146 = arith.remsi %select_n3A, %select_n3A_145 : i32
      %ne3A_147 = arith.constant 0 : i32
      %ne3A_148 = arith.cmpi ne, %rem3A_146, %ne3A_147 : i32
      %lt3A_149 = arith.constant 0 : i32
      %lt3A_150 = arith.cmpi slt, %rem3A_146, %lt3A_149 : i32
      %lt3A_151 = arith.constant 0 : i32
      %lt3A_152 = arith.cmpi slt, %select_n3A_145, %lt3A_151 : i32
      %ne3A_153 = arith.xori %lt3A_150, %lt3A_152 : i1
      %and3A_154 = arith.andi %ne3A_153, %ne3A_148 : i1
      %add3A_155 = arith.addi %rem3A_146, %select_n3A_145 : i32
      %select_n3A_156 = arith.select %and3A_154, %add3A_155, %rem3A_146 : i32
      %eq3A_157 = arith.constant 0 : i32
      %eq3A_158 = arith.cmpi eq, %select_n3A_140, %eq3A_157 : i32
      %add3A_159 = arith.constant 1 : i32
      %add3A_160 = arith.addi %select_n3A, %add3A_159 : i32
      %lt3A_161 = arith.constant 16 : i32
      %lt3A_162 = arith.cmpi slt, %add3A_160, %lt3A_161 : i32
      %and3A_163 = arith.andi %eq3A_158, %lt3A_162 : i1
      %convert_element_type3A = arith.extui %and3A_163 : i1 to i32
      %cond3A = arith.constant 0 : i32
      %cond3A_164 = arith.cmpi ne, %convert_element_type3A, %cond3A : i32
      scf.if %cond3A_164 {
        %add3A_388 = arith.constant 1 : i32
        %add3A_389 = arith.addi %select_n3A, %add3A_388 : i32
        %add3A_390 = arith.constant 1 : i32
        %add3A_391 = arith.addi %select_n3A, %add3A_390 : i32
        %jit3A_392 = arith.constant 2 : i32
        %eq3A_393 = arith.constant 0 : i32
        %eq3A_394 = arith.cmpi eq, %jit3A_392, %eq3A_393 : i32
        %jit3A_395 = arith.constant 1 : i32
        %select_n3A_396 = arith.select %eq3A_394, %jit3A_395, %jit3A_392 : i32
        %rem3A_397 = arith.remsi %add3A_391, %select_n3A_396 : i32
        %ne3A_398 = arith.constant 0 : i32
        %ne3A_399 = arith.cmpi ne, %rem3A_397, %ne3A_398 : i32
        %lt3A_400 = arith.constant 0 : i32
        %lt3A_401 = arith.cmpi slt, %rem3A_397, %lt3A_400 : i32
        %lt3A_402 = arith.constant 0 : i32
        %lt3A_403 = arith.cmpi slt, %select_n3A_396, %lt3A_402 : i32
        %ne3A_404 = arith.xori %lt3A_401, %lt3A_403 : i1
        %and3A_405 = arith.andi %ne3A_404, %ne3A_399 : i1
        %add3A_406 = arith.addi %rem3A_397, %select_n3A_396 : i32
        %select_n3A_407 = arith.select %and3A_405, %add3A_406, %rem3A_397 : i32
        %dma_start3A_408 = arith.constant 0 : i32
        %dma_start3A_409 = arith.constant 0 : i32
        %dma_start3A_410 = tpu.memref_slice %arg6[%select_n3A_407, %dma_start3A_408, %dma_start3A_409] : memref<2x8x80xi32, #tpu.memory_space<vmem>> -> memref<1x8x80xi32, #tpu.memory_space<vmem>>
        %dma_start3A_411 = tpu.memref_squeeze %dma_start3A_410 : memref<1x8x80xi32, #tpu.memory_space<vmem>> -> memref<8x80xi32, #tpu.memory_space<vmem>>
        %dma_start3A_412 = arith.constant 0 : i32
        %dma_start3A_413 = arith.constant 0 : i32
        %dma_start3A_414 = tpu.memref_slice %arg2[%add3A, %add3A_389, %dma_start3A_412, %dma_start3A_413] : memref<32x16x8x80xi32, #tpu.memory_space<hbm>> -> memref<1x1x8x80xi32, #tpu.memory_space<hbm>>
        %dma_start3A_415 = tpu.memref_squeeze %dma_start3A_414 : memref<1x1x8x80xi32, #tpu.memory_space<hbm>> -> memref<8x80xi32, #tpu.memory_space<hbm>>
        %dma_start3A_416 = arith.constant 0 : i32
        %dma_start3A_417 = arith.constant 0 : i32
        %dma_start3A_418 = tpu.memref_slice %arg6[%select_n3A_407, %dma_start3A_416, %dma_start3A_417] : memref<2x8x80xi32, #tpu.memory_space<vmem>> -> memref<1x8x80xi32, #tpu.memory_space<vmem>>
        %dma_start3A_419 = tpu.memref_squeeze %dma_start3A_418 : memref<1x8x80xi32, #tpu.memory_space<vmem>> -> memref<8x80xi32, #tpu.memory_space<vmem>>
        %dma_start3A_420 = arith.constant 0 : i32
        %dma_start3A_421 = arith.constant 0 : i32
        %dma_start3A_422 = tpu.memref_slice %arg2[%add3A, %add3A_389, %dma_start3A_420, %dma_start3A_421] : memref<32x16x8x80xi32, #tpu.memory_space<hbm>> -> memref<1x1x8x80xi32, #tpu.memory_space<hbm>>
        %dma_start3A_423 = tpu.memref_squeeze %dma_start3A_422 : memref<1x1x8x80xi32, #tpu.memory_space<hbm>> -> memref<8x80xi32, #tpu.memory_space<hbm>>
        tpu.enqueue_dma source(%dma_start3A_423 : memref<8x80xi32, #tpu.memory_space<hbm>>) target(%dma_start3A_419 : memref<8x80xi32, #tpu.memory_space<vmem>>) target_semaphore(%arg12 : memref<!tpu.dma_semaphore, #tpu.memory_space<semaphore_mem>>)
        %add3A_424 = arith.constant 1 : i32
        %add3A_425 = arith.addi %select_n3A, %add3A_424 : i32
        %add3A_426 = arith.constant 1 : i32
        %add3A_427 = arith.addi %select_n3A, %add3A_426 : i32
        %jit3A_428 = arith.constant 2 : i32
        %eq3A_429 = arith.constant 0 : i32
        %eq3A_430 = arith.cmpi eq, %jit3A_428, %eq3A_429 : i32
        %jit3A_431 = arith.constant 1 : i32
        %select_n3A_432 = arith.select %eq3A_430, %jit3A_431, %jit3A_428 : i32
        %rem3A_433 = arith.remsi %add3A_427, %select_n3A_432 : i32
        %ne3A_434 = arith.constant 0 : i32
        %ne3A_435 = arith.cmpi ne, %rem3A_433, %ne3A_434 : i32
        %lt3A_436 = arith.constant 0 : i32
        %lt3A_437 = arith.cmpi slt, %rem3A_433, %lt3A_436 : i32
        %lt3A_438 = arith.constant 0 : i32
        %lt3A_439 = arith.cmpi slt, %select_n3A_432, %lt3A_438 : i32
        %ne3A_440 = arith.xori %lt3A_437, %lt3A_439 : i1
        %and3A_441 = arith.andi %ne3A_440, %ne3A_435 : i1
        %add3A_442 = arith.addi %rem3A_433, %select_n3A_432 : i32
        %select_n3A_443 = arith.select %and3A_441, %add3A_442, %rem3A_433 : i32
        %dma_start3A_444 = arith.constant 0 : i32
        %dma_start3A_445 = arith.constant 0 : i32
        %dma_start3A_446 = tpu.memref_slice %arg7[%select_n3A_443, %dma_start3A_444, %dma_start3A_445] : memref<2x8x80xi32, #tpu.memory_space<vmem>> -> memref<1x8x80xi32, #tpu.memory_space<vmem>>
        %dma_start3A_447 = tpu.memref_squeeze %dma_start3A_446 : memref<1x8x80xi32, #tpu.memory_space<vmem>> -> memref<8x80xi32, #tpu.memory_space<vmem>>
        %dma_start3A_448 = arith.constant 0 : i32
        %dma_start3A_449 = arith.constant 0 : i32
        %dma_start3A_450 = tpu.memref_slice %arg3[%add3A, %add3A_425, %dma_start3A_448, %dma_start3A_449] : memref<32x16x8x80xi32, #tpu.memory_space<hbm>> -> memref<1x1x8x80xi32, #tpu.memory_space<hbm>>
        %dma_start3A_451 = tpu.memref_squeeze %dma_start3A_450 : memref<1x1x8x80xi32, #tpu.memory_space<hbm>> -> memref<8x80xi32, #tpu.memory_space<hbm>>
        %dma_start3A_452 = arith.constant 0 : i32
        %dma_start3A_453 = arith.constant 0 : i32
        %dma_start3A_454 = tpu.memref_slice %arg7[%select_n3A_443, %dma_start3A_452, %dma_start3A_453] : memref<2x8x80xi32, #tpu.memory_space<vmem>> -> memref<1x8x80xi32, #tpu.memory_space<vmem>>
        %dma_start3A_455 = tpu.memref_squeeze %dma_start3A_454 : memref<1x8x80xi32, #tpu.memory_space<vmem>> -> memref<8x80xi32, #tpu.memory_space<vmem>>
        %dma_start3A_456 = arith.constant 0 : i32
        %dma_start3A_457 = arith.constant 0 : i32
        %dma_start3A_458 = tpu.memref_slice %arg3[%add3A, %add3A_425, %dma_start3A_456, %dma_start3A_457] : memref<32x16x8x80xi32, #tpu.memory_space<hbm>> -> memref<1x1x8x80xi32, #tpu.memory_space<hbm>>
        %dma_start3A_459 = tpu.memref_squeeze %dma_start3A_458 : memref<1x1x8x80xi32, #tpu.memory_space<hbm>> -> memref<8x80xi32, #tpu.memory_space<hbm>>
        tpu.enqueue_dma source(%dma_start3A_459 : memref<8x80xi32, #tpu.memory_space<hbm>>) target(%dma_start3A_455 : memref<8x80xi32, #tpu.memory_space<vmem>>) target_semaphore(%arg12 : memref<!tpu.dma_semaphore, #tpu.memory_space<semaphore_mem>>)
      } else {
      }
      %ge3A = arith.constant 2 : i32
      %ge3A_165 = arith.cmpi sge, %scan3A_110, %ge3A : i32
      %convert_element_type3A_166 = arith.extui %ge3A_165 : i1 to i32
      %cond3A_167 = arith.constant 0 : i32
      %cond3A_168 = arith.cmpi ne, %convert_element_type3A_166, %cond3A_167 : i32
      scf.if %cond3A_168 {
        %dma_wait3A_388 = arith.constant 0 : i32
        %dma_wait3A_389 = arith.constant 0 : i32
        %dma_wait3A_390 = arith.constant 0 : i32
        %dma_wait3A_391 = arith.constant 0 : i32
        %dma_wait3A_392 = arith.constant 0 : i32
        %dma_wait3A_393 = tpu.memref_slice %arg8[%dma_wait3A_388, %dma_wait3A_391, %dma_wait3A_392] : memref<4x80x128xf32, #tpu.memory_space<vmem>> -> memref<1x80x128xf32, #tpu.memory_space<vmem>>
        %dma_wait3A_394 = tpu.memref_squeeze %dma_wait3A_393 : memref<1x80x128xf32, #tpu.memory_space<vmem>> -> memref<80x128xf32, #tpu.memory_space<vmem>>
        %dma_wait3A_395 = arith.constant 0 : i32
        %dma_wait3A_396 = tpu.memref_slice %arg7[%dma_wait3A_389, %dma_wait3A_390, %dma_wait3A_395] : memref<2x8x80xi32, #tpu.memory_space<vmem>> -> memref<1x1x80xi32, #tpu.memory_space<vmem>>
        %dma_wait3A_397 = tpu.memref_squeeze %dma_wait3A_396 : memref<1x1x80xi32, #tpu.memory_space<vmem>> -> memref<80xi32, #tpu.memory_space<vmem>>
        %dma_wait3A_398 = arith.constant 0 : i32
        %dma_wait3A_399 = arith.constant 0 : i32
        %dma_wait3A_400 = tpu.memref_slice %arg9[%dma_wait3A_398, %dma_wait3A_399] : memref<10240x128xf32, #tpu.memory_space<vmem_shared>> -> memref<10240x128xf32, #tpu.memory_space<vmem_shared>>
        tpu.wait_indirect_dma semaphore(%arg11 : memref<!tpu.dma_semaphore, #tpu.memory_space<semaphore_mem>>) src(%dma_wait3A_394 : memref<80x128xf32, #tpu.memory_space<vmem>>) dst(%dma_wait3A_400 : memref<10240x128xf32, #tpu.memory_space<vmem_shared>>)
      } else {
      }
      %jit3A_169 = arith.constant 4 : i32
      %eq3A_170 = arith.constant 0 : i32
      %eq3A_171 = arith.cmpi eq, %jit3A_169, %eq3A_170 : i32
      %jit3A_172 = arith.constant 1 : i32
      %select_n3A_173 = arith.select %eq3A_171, %jit3A_172, %jit3A_169 : i32
      %rem3A_174 = arith.remsi %scan3A_110, %select_n3A_173 : i32
      %ne3A_175 = arith.constant 0 : i32
      %ne3A_176 = arith.cmpi ne, %rem3A_174, %ne3A_175 : i32
      %lt3A_177 = arith.constant 0 : i32
      %lt3A_178 = arith.cmpi slt, %rem3A_174, %lt3A_177 : i32
      %lt3A_179 = arith.constant 0 : i32
      %lt3A_180 = arith.cmpi slt, %select_n3A_173, %lt3A_179 : i32
      %ne3A_181 = arith.xori %lt3A_178, %lt3A_180 : i1
      %and3A_182 = arith.andi %ne3A_181, %ne3A_176 : i1
      %add3A_183 = arith.addi %rem3A_174, %select_n3A_173 : i32
      %select_n3A_184 = arith.select %and3A_182, %add3A_183, %rem3A_174 : i32
      %dma_wait3A_185 = arith.constant 0 : i32
      %dma_wait3A_186 = arith.constant 0 : i32
      %dma_wait3A_187 = tpu.memref_slice %arg8[%select_n3A_184, %dma_wait3A_185, %dma_wait3A_186] : memref<4x80x128xf32, #tpu.memory_space<vmem>> -> memref<1x80x128xf32, #tpu.memory_space<vmem>>
      %dma_wait3A_188 = tpu.memref_squeeze %dma_wait3A_187 : memref<1x80x128xf32, #tpu.memory_space<vmem>> -> memref<80x128xf32, #tpu.memory_space<vmem>>
      %dma_wait3A_189 = arith.constant 0 : i32
      %dma_wait3A_190 = arith.constant 0 : i32
      %dma_wait3A_191 = tpu.memref_slice %arg4[%dma_wait3A_189, %dma_wait3A_190] : memref<10240x128xf32, #tpu.memory_space<hbm>> -> memref<80x128xf32, #tpu.memory_space<hbm>>
      %dma_wait3A_192 = arith.constant 0 : i32
      %dma_wait3A_193 = arith.constant 0 : i32
      %dma_wait3A_194 = tpu.memref_slice %arg8[%select_n3A_184, %dma_wait3A_192, %dma_wait3A_193] : memref<4x80x128xf32, #tpu.memory_space<vmem>> -> memref<1x80x128xf32, #tpu.memory_space<vmem>>
      %dma_wait3A_195 = tpu.memref_squeeze %dma_wait3A_194 : memref<1x80x128xf32, #tpu.memory_space<vmem>> -> memref<80x128xf32, #tpu.memory_space<vmem>>
      %dma_wait3A_196 = arith.constant 0 : i32
      %dma_wait3A_197 = arith.constant 0 : i32
      %dma_wait3A_198 = tpu.memref_slice %arg4[%dma_wait3A_196, %dma_wait3A_197] : memref<10240x128xf32, #tpu.memory_space<hbm>> -> memref<80x128xf32, #tpu.memory_space<hbm>>
      tpu.wait_dma2 semaphore(%arg10 : memref<!tpu.dma_semaphore, #tpu.memory_space<semaphore_mem>>) src(%dma_wait3A_198 : memref<80x128xf32, #tpu.memory_space<hbm>>) dst(%dma_wait3A_195 : memref<80x128xf32, #tpu.memory_space<vmem>>)
      %eq3A_199 = arith.constant 6 : i32
      %eq3A_200 = arith.cmpi eq, %select_n3A_140, %eq3A_199 : i32
      %add3A_201 = arith.constant 1 : i32
      %add3A_202 = arith.addi %select_n3A, %add3A_201 : i32
      %lt3A_203 = arith.constant 16 : i32
      %lt3A_204 = arith.cmpi slt, %add3A_202, %lt3A_203 : i32
      %and3A_205 = arith.andi %eq3A_200, %lt3A_204 : i1
      %convert_element_type3A_206 = arith.extui %and3A_205 : i1 to i32
      %cond3A_207 = arith.constant 0 : i32
      %cond3A_208 = arith.cmpi ne, %convert_element_type3A_206, %cond3A_207 : i32
      scf.if %cond3A_208 {
        %dma_wait3A_388 = arith.constant 0 : i32
        %dma_wait3A_389 = arith.constant 0 : i32
        %dma_wait3A_390 = arith.constant 0 : i32
        %dma_wait3A_391 = arith.constant 0 : i32
        %dma_wait3A_392 = arith.constant 0 : i32
        %dma_wait3A_393 = tpu.memref_slice %arg6[%dma_wait3A_390, %dma_wait3A_391, %dma_wait3A_392] : memref<2x8x80xi32, #tpu.memory_space<vmem>> -> memref<1x8x80xi32, #tpu.memory_space<vmem>>
        %dma_wait3A_394 = tpu.memref_squeeze %dma_wait3A_393 : memref<1x8x80xi32, #tpu.memory_space<vmem>> -> memref<8x80xi32, #tpu.memory_space<vmem>>
        %dma_wait3A_395 = arith.constant 0 : i32
        %dma_wait3A_396 = arith.constant 0 : i32
        %dma_wait3A_397 = tpu.memref_slice %arg2[%dma_wait3A_388, %dma_wait3A_389, %dma_wait3A_395, %dma_wait3A_396] : memref<32x16x8x80xi32, #tpu.memory_space<hbm>> -> memref<1x1x8x80xi32, #tpu.memory_space<hbm>>
        %dma_wait3A_398 = tpu.memref_squeeze %dma_wait3A_397 : memref<1x1x8x80xi32, #tpu.memory_space<hbm>> -> memref<8x80xi32, #tpu.memory_space<hbm>>
        %dma_wait3A_399 = arith.constant 0 : i32
        %dma_wait3A_400 = arith.constant 0 : i32
        %dma_wait3A_401 = tpu.memref_slice %arg6[%dma_wait3A_390, %dma_wait3A_399, %dma_wait3A_400] : memref<2x8x80xi32, #tpu.memory_space<vmem>> -> memref<1x8x80xi32, #tpu.memory_space<vmem>>
        %dma_wait3A_402 = tpu.memref_squeeze %dma_wait3A_401 : memref<1x8x80xi32, #tpu.memory_space<vmem>> -> memref<8x80xi32, #tpu.memory_space<vmem>>
        %dma_wait3A_403 = arith.constant 0 : i32
        %dma_wait3A_404 = arith.constant 0 : i32
        %dma_wait3A_405 = tpu.memref_slice %arg2[%dma_wait3A_388, %dma_wait3A_389, %dma_wait3A_403, %dma_wait3A_404] : memref<32x16x8x80xi32, #tpu.memory_space<hbm>> -> memref<1x1x8x80xi32, #tpu.memory_space<hbm>>
        %dma_wait3A_406 = tpu.memref_squeeze %dma_wait3A_405 : memref<1x1x8x80xi32, #tpu.memory_space<hbm>> -> memref<8x80xi32, #tpu.memory_space<hbm>>
        tpu.wait_dma2 semaphore(%arg12 : memref<!tpu.dma_semaphore, #tpu.memory_space<semaphore_mem>>) src(%dma_wait3A_406 : memref<8x80xi32, #tpu.memory_space<hbm>>) dst(%dma_wait3A_402 : memref<8x80xi32, #tpu.memory_space<vmem>>)
        %dma_wait3A_407 = arith.constant 0 : i32
        %dma_wait3A_408 = arith.constant 0 : i32
        %dma_wait3A_409 = arith.constant 0 : i32
        %dma_wait3A_410 = arith.constant 0 : i32
        %dma_wait3A_411 = arith.constant 0 : i32
        %dma_wait3A_412 = tpu.memref_slice %arg7[%dma_wait3A_409, %dma_wait3A_410, %dma_wait3A_411] : memref<2x8x80xi32, #tpu.memory_space<vmem>> -> memref<1x8x80xi32, #tpu.memory_space<vmem>>
        %dma_wait3A_413 = tpu.memref_squeeze %dma_wait3A_412 : memref<1x8x80xi32, #tpu.memory_space<vmem>> -> memref<8x80xi32, #tpu.memory_space<vmem>>
        %dma_wait3A_414 = arith.constant 0 : i32
        %dma_wait3A_415 = arith.constant 0 : i32
        %dma_wait3A_416 = tpu.memref_slice %arg3[%dma_wait3A_407, %dma_wait3A_408, %dma_wait3A_414, %dma_wait3A_415] : memref<32x16x8x80xi32, #tpu.memory_space<hbm>> -> memref<1x1x8x80xi32, #tpu.memory_space<hbm>>
        %dma_wait3A_417 = tpu.memref_squeeze %dma_wait3A_416 : memref<1x1x8x80xi32, #tpu.memory_space<hbm>> -> memref<8x80xi32, #tpu.memory_space<hbm>>
        %dma_wait3A_418 = arith.constant 0 : i32
        %dma_wait3A_419 = arith.constant 0 : i32
        %dma_wait3A_420 = tpu.memref_slice %arg7[%dma_wait3A_409, %dma_wait3A_418, %dma_wait3A_419] : memref<2x8x80xi32, #tpu.memory_space<vmem>> -> memref<1x8x80xi32, #tpu.memory_space<vmem>>
        %dma_wait3A_421 = tpu.memref_squeeze %dma_wait3A_420 : memref<1x8x80xi32, #tpu.memory_space<vmem>> -> memref<8x80xi32, #tpu.memory_space<vmem>>
        %dma_wait3A_422 = arith.constant 0 : i32
        %dma_wait3A_423 = arith.constant 0 : i32
        %dma_wait3A_424 = tpu.memref_slice %arg3[%dma_wait3A_407, %dma_wait3A_408, %dma_wait3A_422, %dma_wait3A_423] : memref<32x16x8x80xi32, #tpu.memory_space<hbm>> -> memref<1x1x8x80xi32, #tpu.memory_space<hbm>>
        %dma_wait3A_425 = tpu.memref_squeeze %dma_wait3A_424 : memref<1x1x8x80xi32, #tpu.memory_space<hbm>> -> memref<8x80xi32, #tpu.memory_space<hbm>>
        tpu.wait_dma2 semaphore(%arg12 : memref<!tpu.dma_semaphore, #tpu.memory_space<semaphore_mem>>) src(%dma_wait3A_425 : memref<8x80xi32, #tpu.memory_space<hbm>>) dst(%dma_wait3A_421 : memref<8x80xi32, #tpu.memory_space<vmem>>)
      } else {
      }
      %add3A_209 = arith.constant 2 : i32
      %add3A_210 = arith.addi %scan3A_110, %add3A_209 : i32
      %lt3A_211 = arith.constant 128 : i32
      %lt3A_212 = arith.cmpi slt, %add3A_210, %lt3A_211 : i32
      %convert_element_type3A_213 = arith.extui %lt3A_212 : i1 to i32
      %cond3A_214 = arith.constant 0 : i32
      %cond3A_215 = arith.cmpi ne, %convert_element_type3A_213, %cond3A_214 : i32
      scf.if %cond3A_215 {
        %add3A_388 = arith.constant 2 : i32
        %add3A_389 = arith.addi %scan3A_110, %add3A_388 : i32
        %jit3A_390 = arith.constant 8 : i32
        %div3A_391 = arith.divsi %add3A_389, %jit3A_390 : i32
        %sign3A_392 = arith.constant 0 : i32
        %sign3A_393 = arith.cmpi sgt, %add3A_389, %sign3A_392 : i32
        %sign3A_394 = arith.extui %sign3A_393 : i1 to i32
        %sign3A_395 = arith.constant 0 : i32
        %sign3A_396 = arith.cmpi slt, %add3A_389, %sign3A_395 : i32
        %sign3A_397 = arith.extui %sign3A_396 : i1 to i32
        %sign3A_398 = arith.subi %sign3A_394, %sign3A_397 : i32
        %sign3A_399 = arith.constant 0 : i32
        %sign3A_400 = arith.cmpi sgt, %jit3A_390, %sign3A_399 : i32
        %sign3A_401 = arith.extui %sign3A_400 : i1 to i32
        %sign3A_402 = arith.constant 0 : i32
        %sign3A_403 = arith.cmpi slt, %jit3A_390, %sign3A_402 : i32
        %sign3A_404 = arith.extui %sign3A_403 : i1 to i32
        %sign3A_405 = arith.subi %sign3A_401, %sign3A_404 : i32
        %ne3A_406 = arith.cmpi ne, %sign3A_398, %sign3A_405 : i32
        %rem3A_407 = arith.remsi %add3A_389, %jit3A_390 : i32
        %ne3A_408 = arith.constant 0 : i32
        %ne3A_409 = arith.cmpi ne, %rem3A_407, %ne3A_408 : i32
        %and3A_410 = arith.andi %ne3A_406, %ne3A_409 : i1
        %sub3A_411 = arith.constant 1 : i32
        %sub3A_412 = arith.subi %div3A_391, %sub3A_411 : i32
        %select_n3A_413 = arith.select %and3A_410, %sub3A_412, %div3A_391 : i32
        %jit3A_414 = arith.constant 2 : i32
        %eq3A_415 = arith.constant 0 : i32
        %eq3A_416 = arith.cmpi eq, %jit3A_414, %eq3A_415 : i32
        %jit3A_417 = arith.constant 1 : i32
        %select_n3A_418 = arith.select %eq3A_416, %jit3A_417, %jit3A_414 : i32
        %rem3A_419 = arith.remsi %select_n3A_413, %select_n3A_418 : i32
        %ne3A_420 = arith.constant 0 : i32
        %ne3A_421 = arith.cmpi ne, %rem3A_419, %ne3A_420 : i32
        %lt3A_422 = arith.constant 0 : i32
        %lt3A_423 = arith.cmpi slt, %rem3A_419, %lt3A_422 : i32
        %lt3A_424 = arith.constant 0 : i32
        %lt3A_425 = arith.cmpi slt, %select_n3A_418, %lt3A_424 : i32
        %ne3A_426 = arith.xori %lt3A_423, %lt3A_425 : i1
        %and3A_427 = arith.andi %ne3A_426, %ne3A_421 : i1
        %add3A_428 = arith.addi %rem3A_419, %select_n3A_418 : i32
        %select_n3A_429 = arith.select %and3A_427, %add3A_428, %rem3A_419 : i32
        %jit3A_430 = arith.constant 8 : i32
        %eq3A_431 = arith.constant 0 : i32
        %eq3A_432 = arith.cmpi eq, %jit3A_430, %eq3A_431 : i32
        %jit3A_433 = arith.constant 1 : i32
        %select_n3A_434 = arith.select %eq3A_432, %jit3A_433, %jit3A_430 : i32
        %rem3A_435 = arith.remsi %add3A_389, %select_n3A_434 : i32
        %ne3A_436 = arith.constant 0 : i32
        %ne3A_437 = arith.cmpi ne, %rem3A_435, %ne3A_436 : i32
        %lt3A_438 = arith.constant 0 : i32
        %lt3A_439 = arith.cmpi slt, %rem3A_435, %lt3A_438 : i32
        %lt3A_440 = arith.constant 0 : i32
        %lt3A_441 = arith.cmpi slt, %select_n3A_434, %lt3A_440 : i32
        %ne3A_442 = arith.xori %lt3A_439, %lt3A_441 : i1
        %and3A_443 = arith.andi %ne3A_442, %ne3A_437 : i1
        %add3A_444 = arith.addi %rem3A_435, %select_n3A_434 : i32
        %select_n3A_445 = arith.select %and3A_443, %add3A_444, %rem3A_435 : i32
        %jit3A_446 = arith.constant 4 : i32
        %eq3A_447 = arith.constant 0 : i32
        %eq3A_448 = arith.cmpi eq, %jit3A_446, %eq3A_447 : i32
        %jit3A_449 = arith.constant 1 : i32
        %select_n3A_450 = arith.select %eq3A_448, %jit3A_449, %jit3A_446 : i32
        %rem3A_451 = arith.remsi %add3A_389, %select_n3A_450 : i32
        %ne3A_452 = arith.constant 0 : i32
        %ne3A_453 = arith.cmpi ne, %rem3A_451, %ne3A_452 : i32
        %lt3A_454 = arith.constant 0 : i32
        %lt3A_455 = arith.cmpi slt, %rem3A_451, %lt3A_454 : i32
        %lt3A_456 = arith.constant 0 : i32
        %lt3A_457 = arith.cmpi slt, %select_n3A_450, %lt3A_456 : i32
        %ne3A_458 = arith.xori %lt3A_455, %lt3A_457 : i1
        %and3A_459 = arith.andi %ne3A_458, %ne3A_453 : i1
        %add3A_460 = arith.addi %rem3A_451, %select_n3A_450 : i32
        %select_n3A_461 = arith.select %and3A_459, %add3A_460, %rem3A_451 : i32
        %dma_start3A_462 = arith.constant 0 : i32
        %dma_start3A_463 = arith.constant 0 : i32
        %dma_start3A_464 = tpu.memref_slice %arg8[%select_n3A_461, %dma_start3A_462, %dma_start3A_463] : memref<4x80x128xf32, #tpu.memory_space<vmem>> -> memref<1x80x128xf32, #tpu.memory_space<vmem>>
        %dma_start3A_465 = tpu.memref_squeeze %dma_start3A_464 : memref<1x80x128xf32, #tpu.memory_space<vmem>> -> memref<80x128xf32, #tpu.memory_space<vmem>>
        %dma_start3A_466 = arith.constant 0 : i32
        %dma_start3A_467 = tpu.memref_slice %arg6[%select_n3A_429, %select_n3A_445, %dma_start3A_466] : memref<2x8x80xi32, #tpu.memory_space<vmem>> -> memref<1x1x80xi32, #tpu.memory_space<vmem>>
        %dma_start3A_468 = tpu.memref_squeeze %dma_start3A_467 : memref<1x1x80xi32, #tpu.memory_space<vmem>> -> memref<80xi32, #tpu.memory_space<vmem>>
        %dma_start3A_469 = arith.constant 0 : i32
        %dma_start3A_470 = arith.constant 0 : i32
        %dma_start3A_471 = tpu.memref_slice %arg4[%dma_start3A_469, %dma_start3A_470] : memref<10240x128xf32, #tpu.memory_space<hbm>> -> memref<10240x128xf32, #tpu.memory_space<hbm>>
        tpu.enqueue_indirect_dma source(%dma_start3A_471 : memref<10240x128xf32, #tpu.memory_space<hbm>>) target(%dma_start3A_465 : memref<80x128xf32, #tpu.memory_space<vmem>>) offsets(%dma_start3A_468 : memref<80xi32, #tpu.memory_space<vmem>>) semaphore(%arg10 : memref<!tpu.dma_semaphore, #tpu.memory_space<semaphore_mem>>)
      } else {
      }
      %jit3A_216 = arith.constant 4 : i32
      %eq3A_217 = arith.constant 0 : i32
      %eq3A_218 = arith.cmpi eq, %jit3A_216, %eq3A_217 : i32
      %jit3A_219 = arith.constant 1 : i32
      %select_n3A_220 = arith.select %eq3A_218, %jit3A_219, %jit3A_216 : i32
      %rem3A_221 = arith.remsi %scan3A_110, %select_n3A_220 : i32
      %ne3A_222 = arith.constant 0 : i32
      %ne3A_223 = arith.cmpi ne, %rem3A_221, %ne3A_222 : i32
      %lt3A_224 = arith.constant 0 : i32
      %lt3A_225 = arith.cmpi slt, %rem3A_221, %lt3A_224 : i32
      %lt3A_226 = arith.constant 0 : i32
      %lt3A_227 = arith.cmpi slt, %select_n3A_220, %lt3A_226 : i32
      %ne3A_228 = arith.xori %lt3A_225, %lt3A_227 : i1
      %and3A_229 = arith.andi %ne3A_228, %ne3A_223 : i1
      %add3A_230 = arith.addi %rem3A_221, %select_n3A_220 : i32
      %select_n3A_231 = arith.select %and3A_229, %add3A_230, %rem3A_221 : i32
      %dma_start3A_232 = arith.constant 0 : i32
      %dma_start3A_233 = arith.constant 0 : i32
      %dma_start3A_234 = tpu.memref_slice %arg8[%select_n3A_231, %dma_start3A_232, %dma_start3A_233] : memref<4x80x128xf32, #tpu.memory_space<vmem>> -> memref<1x80x128xf32, #tpu.memory_space<vmem>>
      %dma_start3A_235 = tpu.memref_squeeze %dma_start3A_234 : memref<1x80x128xf32, #tpu.memory_space<vmem>> -> memref<80x128xf32, #tpu.memory_space<vmem>>
      %dma_start3A_236 = arith.constant 0 : i32
      %dma_start3A_237 = tpu.memref_slice %arg7[%select_n3A_156, %select_n3A_140, %dma_start3A_236] : memref<2x8x80xi32, #tpu.memory_space<vmem>> -> memref<1x1x80xi32, #tpu.memory_space<vmem>>
      %dma_start3A_238 = tpu.memref_squeeze %dma_start3A_237 : memref<1x1x80xi32, #tpu.memory_space<vmem>> -> memref<80xi32, #tpu.memory_space<vmem>>
      %dma_start3A_239 = arith.constant 0 : i32
      %dma_start3A_240 = arith.constant 0 : i32
      %dma_start3A_241 = tpu.memref_slice %arg9[%dma_start3A_239, %dma_start3A_240] : memref<10240x128xf32, #tpu.memory_space<vmem_shared>> -> memref<10240x128xf32, #tpu.memory_space<vmem_shared>>
      tpu.enqueue_indirect_dma source(%dma_start3A_235 : memref<80x128xf32, #tpu.memory_space<vmem>>) target(%dma_start3A_241 : memref<10240x128xf32, #tpu.memory_space<vmem_shared>>) offsets(%dma_start3A_238 : memref<80xi32, #tpu.memory_space<vmem>>) semaphore(%arg11 : memref<!tpu.dma_semaphore, #tpu.memory_space<semaphore_mem>>) {add = true}
      %scan3A_242 = arith.constant 1 : i32
      %scan3A_243 = arith.addi %scan3A_110, %scan3A_242 : i32
      %jit3A_244 = arith.constant 8 : i32
      %div3A_245 = arith.divsi %scan3A_243, %jit3A_244 : i32
      %sign3A_246 = arith.constant 0 : i32
      %sign3A_247 = arith.cmpi sgt, %scan3A_243, %sign3A_246 : i32
      %sign3A_248 = arith.extui %sign3A_247 : i1 to i32
      %sign3A_249 = arith.constant 0 : i32
      %sign3A_250 = arith.cmpi slt, %scan3A_243, %sign3A_249 : i32
      %sign3A_251 = arith.extui %sign3A_250 : i1 to i32
      %sign3A_252 = arith.subi %sign3A_248, %sign3A_251 : i32
      %sign3A_253 = arith.constant 0 : i32
      %sign3A_254 = arith.cmpi sgt, %jit3A_244, %sign3A_253 : i32
      %sign3A_255 = arith.extui %sign3A_254 : i1 to i32
      %sign3A_256 = arith.constant 0 : i32
      %sign3A_257 = arith.cmpi slt, %jit3A_244, %sign3A_256 : i32
      %sign3A_258 = arith.extui %sign3A_257 : i1 to i32
      %sign3A_259 = arith.subi %sign3A_255, %sign3A_258 : i32
      %ne3A_260 = arith.cmpi ne, %sign3A_252, %sign3A_259 : i32
      %rem3A_261 = arith.remsi %scan3A_243, %jit3A_244 : i32
      %ne3A_262 = arith.constant 0 : i32
      %ne3A_263 = arith.cmpi ne, %rem3A_261, %ne3A_262 : i32
      %and3A_264 = arith.andi %ne3A_260, %ne3A_263 : i1
      %sub3A_265 = arith.constant 1 : i32
      %sub3A_266 = arith.subi %div3A_245, %sub3A_265 : i32
      %select_n3A_267 = arith.select %and3A_264, %sub3A_266, %div3A_245 : i32
      %jit3A_268 = arith.constant 8 : i32
      %eq3A_269 = arith.constant 0 : i32
      %eq3A_270 = arith.cmpi eq, %jit3A_268, %eq3A_269 : i32
      %jit3A_271 = arith.constant 1 : i32
      %select_n3A_272 = arith.select %eq3A_270, %jit3A_271, %jit3A_268 : i32
      %rem3A_273 = arith.remsi %scan3A_243, %select_n3A_272 : i32
      %ne3A_274 = arith.constant 0 : i32
      %ne3A_275 = arith.cmpi ne, %rem3A_273, %ne3A_274 : i32
      %lt3A_276 = arith.constant 0 : i32
      %lt3A_277 = arith.cmpi slt, %rem3A_273, %lt3A_276 : i32
      %lt3A_278 = arith.constant 0 : i32
      %lt3A_279 = arith.cmpi slt, %select_n3A_272, %lt3A_278 : i32
      %ne3A_280 = arith.xori %lt3A_277, %lt3A_279 : i1
      %and3A_281 = arith.andi %ne3A_280, %ne3A_275 : i1
      %add3A_282 = arith.addi %rem3A_273, %select_n3A_272 : i32
      %select_n3A_283 = arith.select %and3A_281, %add3A_282, %rem3A_273 : i32
      %jit3A_284 = arith.constant 2 : i32
      %eq3A_285 = arith.constant 0 : i32
      %eq3A_286 = arith.cmpi eq, %jit3A_284, %eq3A_285 : i32
      %jit3A_287 = arith.constant 1 : i32
      %select_n3A_288 = arith.select %eq3A_286, %jit3A_287, %jit3A_284 : i32
      %rem3A_289 = arith.remsi %select_n3A_267, %select_n3A_288 : i32
      %ne3A_290 = arith.constant 0 : i32
      %ne3A_291 = arith.cmpi ne, %rem3A_289, %ne3A_290 : i32
      %lt3A_292 = arith.constant 0 : i32
      %lt3A_293 = arith.cmpi slt, %rem3A_289, %lt3A_292 : i32
      %lt3A_294 = arith.constant 0 : i32
      %lt3A_295 = arith.cmpi slt, %select_n3A_288, %lt3A_294 : i32
      %ne3A_296 = arith.xori %lt3A_293, %lt3A_295 : i1
      %and3A_297 = arith.andi %ne3A_296, %ne3A_291 : i1
      %add3A_298 = arith.addi %rem3A_289, %select_n3A_288 : i32
      %select_n3A_299 = arith.select %and3A_297, %add3A_298, %rem3A_289 : i32
      %eq3A_300 = arith.constant 0 : i32
      %eq3A_301 = arith.cmpi eq, %select_n3A_283, %eq3A_300 : i32
      %add3A_302 = arith.constant 1 : i32
      %add3A_303 = arith.addi %select_n3A_267, %add3A_302 : i32
      %lt3A_304 = arith.constant 16 : i32
      %lt3A_305 = arith.cmpi slt, %add3A_303, %lt3A_304 : i32
      %and3A_306 = arith.andi %eq3A_301, %lt3A_305 : i1
      %convert_element_type3A_307 = arith.extui %and3A_306 : i1 to i32
      %cond3A_308 = arith.constant 0 : i32
      %cond3A_309 = arith.cmpi ne, %convert_element_type3A_307, %cond3A_308 : i32
      scf.if %cond3A_309 {
        %add3A_388 = arith.constant 1 : i32
        %add3A_389 = arith.addi %select_n3A_267, %add3A_388 : i32
        %add3A_390 = arith.constant 1 : i32
        %add3A_391 = arith.addi %select_n3A_267, %add3A_390 : i32
        %jit3A_392 = arith.constant 2 : i32
        %eq3A_393 = arith.constant 0 : i32
        %eq3A_394 = arith.cmpi eq, %jit3A_392, %eq3A_393 : i32
        %jit3A_395 = arith.constant 1 : i32
        %select_n3A_396 = arith.select %eq3A_394, %jit3A_395, %jit3A_392 : i32
        %rem3A_397 = arith.remsi %add3A_391, %select_n3A_396 : i32
        %ne3A_398 = arith.constant 0 : i32
        %ne3A_399 = arith.cmpi ne, %rem3A_397, %ne3A_398 : i32
        %lt3A_400 = arith.constant 0 : i32
        %lt3A_401 = arith.cmpi slt, %rem3A_397, %lt3A_400 : i32
        %lt3A_402 = arith.constant 0 : i32
        %lt3A_403 = arith.cmpi slt, %select_n3A_396, %lt3A_402 : i32
        %ne3A_404 = arith.xori %lt3A_401, %lt3A_403 : i1
        %and3A_405 = arith.andi %ne3A_404, %ne3A_399 : i1
        %add3A_406 = arith.addi %rem3A_397, %select_n3A_396 : i32
        %select_n3A_407 = arith.select %and3A_405, %add3A_406, %rem3A_397 : i32
        %dma_start3A_408 = arith.constant 0 : i32
        %dma_start3A_409 = arith.constant 0 : i32
        %dma_start3A_410 = tpu.memref_slice %arg6[%select_n3A_407, %dma_start3A_408, %dma_start3A_409] : memref<2x8x80xi32, #tpu.memory_space<vmem>> -> memref<1x8x80xi32, #tpu.memory_space<vmem>>
        %dma_start3A_411 = tpu.memref_squeeze %dma_start3A_410 : memref<1x8x80xi32, #tpu.memory_space<vmem>> -> memref<8x80xi32, #tpu.memory_space<vmem>>
        %dma_start3A_412 = arith.constant 0 : i32
        %dma_start3A_413 = arith.constant 0 : i32
        %dma_start3A_414 = tpu.memref_slice %arg2[%add3A, %add3A_389, %dma_start3A_412, %dma_start3A_413] : memref<32x16x8x80xi32, #tpu.memory_space<hbm>> -> memref<1x1x8x80xi32, #tpu.memory_space<hbm>>
        %dma_start3A_415 = tpu.memref_squeeze %dma_start3A_414 : memref<1x1x8x80xi32, #tpu.memory_space<hbm>> -> memref<8x80xi32, #tpu.memory_space<hbm>>
        %dma_start3A_416 = arith.constant 0 : i32
        %dma_start3A_417 = arith.constant 0 : i32
        %dma_start3A_418 = tpu.memref_slice %arg6[%select_n3A_407, %dma_start3A_416, %dma_start3A_417] : memref<2x8x80xi32, #tpu.memory_space<vmem>> -> memref<1x8x80xi32, #tpu.memory_space<vmem>>
        %dma_start3A_419 = tpu.memref_squeeze %dma_start3A_418 : memref<1x8x80xi32, #tpu.memory_space<vmem>> -> memref<8x80xi32, #tpu.memory_space<vmem>>
        %dma_start3A_420 = arith.constant 0 : i32
        %dma_start3A_421 = arith.constant 0 : i32
        %dma_start3A_422 = tpu.memref_slice %arg2[%add3A, %add3A_389, %dma_start3A_420, %dma_start3A_421] : memref<32x16x8x80xi32, #tpu.memory_space<hbm>> -> memref<1x1x8x80xi32, #tpu.memory_space<hbm>>
        %dma_start3A_423 = tpu.memref_squeeze %dma_start3A_422 : memref<1x1x8x80xi32, #tpu.memory_space<hbm>> -> memref<8x80xi32, #tpu.memory_space<hbm>>
        tpu.enqueue_dma source(%dma_start3A_423 : memref<8x80xi32, #tpu.memory_space<hbm>>) target(%dma_start3A_419 : memref<8x80xi32, #tpu.memory_space<vmem>>) target_semaphore(%arg12 : memref<!tpu.dma_semaphore, #tpu.memory_space<semaphore_mem>>)
        %add3A_424 = arith.constant 1 : i32
        %add3A_425 = arith.addi %select_n3A_267, %add3A_424 : i32
        %add3A_426 = arith.constant 1 : i32
        %add3A_427 = arith.addi %select_n3A_267, %add3A_426 : i32
        %jit3A_428 = arith.constant 2 : i32
        %eq3A_429 = arith.constant 0 : i32
        %eq3A_430 = arith.cmpi eq, %jit3A_428, %eq3A_429 : i32
        %jit3A_431 = arith.constant 1 : i32
        %select_n3A_432 = arith.select %eq3A_430, %jit3A_431, %jit3A_428 : i32
        %rem3A_433 = arith.remsi %add3A_427, %select_n3A_432 : i32
        %ne3A_434 = arith.constant 0 : i32
        %ne3A_435 = arith.cmpi ne, %rem3A_433, %ne3A_434 : i32
        %lt3A_436 = arith.constant 0 : i32
        %lt3A_437 = arith.cmpi slt, %rem3A_433, %lt3A_436 : i32
        %lt3A_438 = arith.constant 0 : i32
        %lt3A_439 = arith.cmpi slt, %select_n3A_432, %lt3A_438 : i32
        %ne3A_440 = arith.xori %lt3A_437, %lt3A_439 : i1
        %and3A_441 = arith.andi %ne3A_440, %ne3A_435 : i1
        %add3A_442 = arith.addi %rem3A_433, %select_n3A_432 : i32
        %select_n3A_443 = arith.select %and3A_441, %add3A_442, %rem3A_433 : i32
        %dma_start3A_444 = arith.constant 0 : i32
        %dma_start3A_445 = arith.constant 0 : i32
        %dma_start3A_446 = tpu.memref_slice %arg7[%select_n3A_443, %dma_start3A_444, %dma_start3A_445] : memref<2x8x80xi32, #tpu.memory_space<vmem>> -> memref<1x8x80xi32, #tpu.memory_space<vmem>>
        %dma_start3A_447 = tpu.memref_squeeze %dma_start3A_446 : memref<1x8x80xi32, #tpu.memory_space<vmem>> -> memref<8x80xi32, #tpu.memory_space<vmem>>
        %dma_start3A_448 = arith.constant 0 : i32
        %dma_start3A_449 = arith.constant 0 : i32
        %dma_start3A_450 = tpu.memref_slice %arg3[%add3A, %add3A_425, %dma_start3A_448, %dma_start3A_449] : memref<32x16x8x80xi32, #tpu.memory_space<hbm>> -> memref<1x1x8x80xi32, #tpu.memory_space<hbm>>
        %dma_start3A_451 = tpu.memref_squeeze %dma_start3A_450 : memref<1x1x8x80xi32, #tpu.memory_space<hbm>> -> memref<8x80xi32, #tpu.memory_space<hbm>>
        %dma_start3A_452 = arith.constant 0 : i32
        %dma_start3A_453 = arith.constant 0 : i32
        %dma_start3A_454 = tpu.memref_slice %arg7[%select_n3A_443, %dma_start3A_452, %dma_start3A_453] : memref<2x8x80xi32, #tpu.memory_space<vmem>> -> memref<1x8x80xi32, #tpu.memory_space<vmem>>
        %dma_start3A_455 = tpu.memref_squeeze %dma_start3A_454 : memref<1x8x80xi32, #tpu.memory_space<vmem>> -> memref<8x80xi32, #tpu.memory_space<vmem>>
        %dma_start3A_456 = arith.constant 0 : i32
        %dma_start3A_457 = arith.constant 0 : i32
        %dma_start3A_458 = tpu.memref_slice %arg3[%add3A, %add3A_425, %dma_start3A_456, %dma_start3A_457] : memref<32x16x8x80xi32, #tpu.memory_space<hbm>> -> memref<1x1x8x80xi32, #tpu.memory_space<hbm>>
        %dma_start3A_459 = tpu.memref_squeeze %dma_start3A_458 : memref<1x1x8x80xi32, #tpu.memory_space<hbm>> -> memref<8x80xi32, #tpu.memory_space<hbm>>
        tpu.enqueue_dma source(%dma_start3A_459 : memref<8x80xi32, #tpu.memory_space<hbm>>) target(%dma_start3A_455 : memref<8x80xi32, #tpu.memory_space<vmem>>) target_semaphore(%arg12 : memref<!tpu.dma_semaphore, #tpu.memory_space<semaphore_mem>>)
      } else {
      }
      %ge3A_310 = arith.constant 2 : i32
      %ge3A_311 = arith.cmpi sge, %scan3A_243, %ge3A_310 : i32
      %convert_element_type3A_312 = arith.extui %ge3A_311 : i1 to i32
      %cond3A_313 = arith.constant 0 : i32
      %cond3A_314 = arith.cmpi ne, %convert_element_type3A_312, %cond3A_313 : i32
      scf.if %cond3A_314 {
        %dma_wait3A_388 = arith.constant 0 : i32
        %dma_wait3A_389 = arith.constant 0 : i32
        %dma_wait3A_390 = arith.constant 0 : i32
        %dma_wait3A_391 = arith.constant 0 : i32
        %dma_wait3A_392 = arith.constant 0 : i32
        %dma_wait3A_393 = tpu.memref_slice %arg8[%dma_wait3A_388, %dma_wait3A_391, %dma_wait3A_392] : memref<4x80x128xf32, #tpu.memory_space<vmem>> -> memref<1x80x128xf32, #tpu.memory_space<vmem>>
        %dma_wait3A_394 = tpu.memref_squeeze %dma_wait3A_393 : memref<1x80x128xf32, #tpu.memory_space<vmem>> -> memref<80x128xf32, #tpu.memory_space<vmem>>
        %dma_wait3A_395 = arith.constant 0 : i32
        %dma_wait3A_396 = tpu.memref_slice %arg7[%dma_wait3A_389, %dma_wait3A_390, %dma_wait3A_395] : memref<2x8x80xi32, #tpu.memory_space<vmem>> -> memref<1x1x80xi32, #tpu.memory_space<vmem>>
        %dma_wait3A_397 = tpu.memref_squeeze %dma_wait3A_396 : memref<1x1x80xi32, #tpu.memory_space<vmem>> -> memref<80xi32, #tpu.memory_space<vmem>>
        %dma_wait3A_398 = arith.constant 0 : i32
        %dma_wait3A_399 = arith.constant 0 : i32
        %dma_wait3A_400 = tpu.memref_slice %arg9[%dma_wait3A_398, %dma_wait3A_399] : memref<10240x128xf32, #tpu.memory_space<vmem_shared>> -> memref<10240x128xf32, #tpu.memory_space<vmem_shared>>
        tpu.wait_indirect_dma semaphore(%arg11 : memref<!tpu.dma_semaphore, #tpu.memory_space<semaphore_mem>>) src(%dma_wait3A_394 : memref<80x128xf32, #tpu.memory_space<vmem>>) dst(%dma_wait3A_400 : memref<10240x128xf32, #tpu.memory_space<vmem_shared>>)
      } else {
      }
      %jit3A_315 = arith.constant 4 : i32
      %eq3A_316 = arith.constant 0 : i32
      %eq3A_317 = arith.cmpi eq, %jit3A_315, %eq3A_316 : i32
      %jit3A_318 = arith.constant 1 : i32
      %select_n3A_319 = arith.select %eq3A_317, %jit3A_318, %jit3A_315 : i32
      %rem3A_320 = arith.remsi %scan3A_243, %select_n3A_319 : i32
      %ne3A_321 = arith.constant 0 : i32
      %ne3A_322 = arith.cmpi ne, %rem3A_320, %ne3A_321 : i32
      %lt3A_323 = arith.constant 0 : i32
      %lt3A_324 = arith.cmpi slt, %rem3A_320, %lt3A_323 : i32
      %lt3A_325 = arith.constant 0 : i32
      %lt3A_326 = arith.cmpi slt, %select_n3A_319, %lt3A_325 : i32
      %ne3A_327 = arith.xori %lt3A_324, %lt3A_326 : i1
      %and3A_328 = arith.andi %ne3A_327, %ne3A_322 : i1
      %add3A_329 = arith.addi %rem3A_320, %select_n3A_319 : i32
      %select_n3A_330 = arith.select %and3A_328, %add3A_329, %rem3A_320 : i32
      %dma_wait3A_331 = arith.constant 0 : i32
      %dma_wait3A_332 = arith.constant 0 : i32
      %dma_wait3A_333 = tpu.memref_slice %arg8[%select_n3A_330, %dma_wait3A_331, %dma_wait3A_332] : memref<4x80x128xf32, #tpu.memory_space<vmem>> -> memref<1x80x128xf32, #tpu.memory_space<vmem>>
      %dma_wait3A_334 = tpu.memref_squeeze %dma_wait3A_333 : memref<1x80x128xf32, #tpu.memory_space<vmem>> -> memref<80x128xf32, #tpu.memory_space<vmem>>
      %dma_wait3A_335 = arith.constant 0 : i32
      %dma_wait3A_336 = arith.constant 0 : i32
      %dma_wait3A_337 = tpu.memref_slice %arg4[%dma_wait3A_335, %dma_wait3A_336] : memref<10240x128xf32, #tpu.memory_space<hbm>> -> memref<80x128xf32, #tpu.memory_space<hbm>>
      %dma_wait3A_338 = arith.constant 0 : i32
      %dma_wait3A_339 = arith.constant 0 : i32
      %dma_wait3A_340 = tpu.memref_slice %arg8[%select_n3A_330, %dma_wait3A_338, %dma_wait3A_339] : memref<4x80x128xf32, #tpu.memory_space<vmem>> -> memref<1x80x128xf32, #tpu.memory_space<vmem>>
      %dma_wait3A_341 = tpu.memref_squeeze %dma_wait3A_340 : memref<1x80x128xf32, #tpu.memory_space<vmem>> -> memref<80x128xf32, #tpu.memory_space<vmem>>
      %dma_wait3A_342 = arith.constant 0 : i32
      %dma_wait3A_343 = arith.constant 0 : i32
      %dma_wait3A_344 = tpu.memref_slice %arg4[%dma_wait3A_342, %dma_wait3A_343] : memref<10240x128xf32, #tpu.memory_space<hbm>> -> memref<80x128xf32, #tpu.memory_space<hbm>>
      tpu.wait_dma2 semaphore(%arg10 : memref<!tpu.dma_semaphore, #tpu.memory_space<semaphore_mem>>) src(%dma_wait3A_344 : memref<80x128xf32, #tpu.memory_space<hbm>>) dst(%dma_wait3A_341 : memref<80x128xf32, #tpu.memory_space<vmem>>)
      %eq3A_345 = arith.constant 6 : i32
      %eq3A_346 = arith.cmpi eq, %select_n3A_283, %eq3A_345 : i32
      %add3A_347 = arith.constant 1 : i32
      %add3A_348 = arith.addi %select_n3A_267, %add3A_347 : i32
      %lt3A_349 = arith.constant 16 : i32
      %lt3A_350 = arith.cmpi slt, %add3A_348, %lt3A_349 : i32
      %and3A_351 = arith.andi %eq3A_346, %lt3A_350 : i1
      %convert_element_type3A_352 = arith.extui %and3A_351 : i1 to i32
      %cond3A_353 = arith.constant 0 : i32
      %cond3A_354 = arith.cmpi ne, %convert_element_type3A_352, %cond3A_353 : i32
      scf.if %cond3A_354 {
        %dma_wait3A_388 = arith.constant 0 : i32
        %dma_wait3A_389 = arith.constant 0 : i32
        %dma_wait3A_390 = arith.constant 0 : i32
        %dma_wait3A_391 = arith.constant 0 : i32
        %dma_wait3A_392 = arith.constant 0 : i32
        %dma_wait3A_393 = tpu.memref_slice %arg6[%dma_wait3A_390, %dma_wait3A_391, %dma_wait3A_392] : memref<2x8x80xi32, #tpu.memory_space<vmem>> -> memref<1x8x80xi32, #tpu.memory_space<vmem>>
        %dma_wait3A_394 = tpu.memref_squeeze %dma_wait3A_393 : memref<1x8x80xi32, #tpu.memory_space<vmem>> -> memref<8x80xi32, #tpu.memory_space<vmem>>
        %dma_wait3A_395 = arith.constant 0 : i32
        %dma_wait3A_396 = arith.constant 0 : i32
        %dma_wait3A_397 = tpu.memref_slice %arg2[%dma_wait3A_388, %dma_wait3A_389, %dma_wait3A_395, %dma_wait3A_396] : memref<32x16x8x80xi32, #tpu.memory_space<hbm>> -> memref<1x1x8x80xi32, #tpu.memory_space<hbm>>
        %dma_wait3A_398 = tpu.memref_squeeze %dma_wait3A_397 : memref<1x1x8x80xi32, #tpu.memory_space<hbm>> -> memref<8x80xi32, #tpu.memory_space<hbm>>
        %dma_wait3A_399 = arith.constant 0 : i32
        %dma_wait3A_400 = arith.constant 0 : i32
        %dma_wait3A_401 = tpu.memref_slice %arg6[%dma_wait3A_390, %dma_wait3A_399, %dma_wait3A_400] : memref<2x8x80xi32, #tpu.memory_space<vmem>> -> memref<1x8x80xi32, #tpu.memory_space<vmem>>
        %dma_wait3A_402 = tpu.memref_squeeze %dma_wait3A_401 : memref<1x8x80xi32, #tpu.memory_space<vmem>> -> memref<8x80xi32, #tpu.memory_space<vmem>>
        %dma_wait3A_403 = arith.constant 0 : i32
        %dma_wait3A_404 = arith.constant 0 : i32
        %dma_wait3A_405 = tpu.memref_slice %arg2[%dma_wait3A_388, %dma_wait3A_389, %dma_wait3A_403, %dma_wait3A_404] : memref<32x16x8x80xi32, #tpu.memory_space<hbm>> -> memref<1x1x8x80xi32, #tpu.memory_space<hbm>>
        %dma_wait3A_406 = tpu.memref_squeeze %dma_wait3A_405 : memref<1x1x8x80xi32, #tpu.memory_space<hbm>> -> memref<8x80xi32, #tpu.memory_space<hbm>>
        tpu.wait_dma2 semaphore(%arg12 : memref<!tpu.dma_semaphore, #tpu.memory_space<semaphore_mem>>) src(%dma_wait3A_406 : memref<8x80xi32, #tpu.memory_space<hbm>>) dst(%dma_wait3A_402 : memref<8x80xi32, #tpu.memory_space<vmem>>)
        %dma_wait3A_407 = arith.constant 0 : i32
        %dma_wait3A_408 = arith.constant 0 : i32
        %dma_wait3A_409 = arith.constant 0 : i32
        %dma_wait3A_410 = arith.constant 0 : i32
        %dma_wait3A_411 = arith.constant 0 : i32
        %dma_wait3A_412 = tpu.memref_slice %arg7[%dma_wait3A_409, %dma_wait3A_410, %dma_wait3A_411] : memref<2x8x80xi32, #tpu.memory_space<vmem>> -> memref<1x8x80xi32, #tpu.memory_space<vmem>>
        %dma_wait3A_413 = tpu.memref_squeeze %dma_wait3A_412 : memref<1x8x80xi32, #tpu.memory_space<vmem>> -> memref<8x80xi32, #tpu.memory_space<vmem>>
        %dma_wait3A_414 = arith.constant 0 : i32
        %dma_wait3A_415 = arith.constant 0 : i32
        %dma_wait3A_416 = tpu.memref_slice %arg3[%dma_wait3A_407, %dma_wait3A_408, %dma_wait3A_414, %dma_wait3A_415] : memref<32x16x8x80xi32, #tpu.memory_space<hbm>> -> memref<1x1x8x80xi32, #tpu.memory_space<hbm>>
        %dma_wait3A_417 = tpu.memref_squeeze %dma_wait3A_416 : memref<1x1x8x80xi32, #tpu.memory_space<hbm>> -> memref<8x80xi32, #tpu.memory_space<hbm>>
        %dma_wait3A_418 = arith.constant 0 : i32
        %dma_wait3A_419 = arith.constant 0 : i32
        %dma_wait3A_420 = tpu.memref_slice %arg7[%dma_wait3A_409, %dma_wait3A_418, %dma_wait3A_419] : memref<2x8x80xi32, #tpu.memory_space<vmem>> -> memref<1x8x80xi32, #tpu.memory_space<vmem>>
        %dma_wait3A_421 = tpu.memref_squeeze %dma_wait3A_420 : memref<1x8x80xi32, #tpu.memory_space<vmem>> -> memref<8x80xi32, #tpu.memory_space<vmem>>
        %dma_wait3A_422 = arith.constant 0 : i32
        %dma_wait3A_423 = arith.constant 0 : i32
        %dma_wait3A_424 = tpu.memref_slice %arg3[%dma_wait3A_407, %dma_wait3A_408, %dma_wait3A_422, %dma_wait3A_423] : memref<32x16x8x80xi32, #tpu.memory_space<hbm>> -> memref<1x1x8x80xi32, #tpu.memory_space<hbm>>
        %dma_wait3A_425 = tpu.memref_squeeze %dma_wait3A_424 : memref<1x1x8x80xi32, #tpu.memory_space<hbm>> -> memref<8x80xi32, #tpu.memory_space<hbm>>
        tpu.wait_dma2 semaphore(%arg12 : memref<!tpu.dma_semaphore, #tpu.memory_space<semaphore_mem>>) src(%dma_wait3A_425 : memref<8x80xi32, #tpu.memory_space<hbm>>) dst(%dma_wait3A_421 : memref<8x80xi32, #tpu.memory_space<vmem>>)
      } else {
      }
      %add3A_355 = arith.constant 2 : i32
      %add3A_356 = arith.addi %scan3A_243, %add3A_355 : i32
      %lt3A_357 = arith.constant 128 : i32
      %lt3A_358 = arith.cmpi slt, %add3A_356, %lt3A_357 : i32
      %convert_element_type3A_359 = arith.extui %lt3A_358 : i1 to i32
      %cond3A_360 = arith.constant 0 : i32
      %cond3A_361 = arith.cmpi ne, %convert_element_type3A_359, %cond3A_360 : i32
      scf.if %cond3A_361 {
        %add3A_388 = arith.constant 2 : i32
        %add3A_389 = arith.addi %scan3A_243, %add3A_388 : i32
        %jit3A_390 = arith.constant 8 : i32
        %div3A_391 = arith.divsi %add3A_389, %jit3A_390 : i32
        %sign3A_392 = arith.constant 0 : i32
        %sign3A_393 = arith.cmpi sgt, %add3A_389, %sign3A_392 : i32
        %sign3A_394 = arith.extui %sign3A_393 : i1 to i32
        %sign3A_395 = arith.constant 0 : i32
        %sign3A_396 = arith.cmpi slt, %add3A_389, %sign3A_395 : i32
        %sign3A_397 = arith.extui %sign3A_396 : i1 to i32
        %sign3A_398 = arith.subi %sign3A_394, %sign3A_397 : i32
        %sign3A_399 = arith.constant 0 : i32
        %sign3A_400 = arith.cmpi sgt, %jit3A_390, %sign3A_399 : i32
        %sign3A_401 = arith.extui %sign3A_400 : i1 to i32
        %sign3A_402 = arith.constant 0 : i32
        %sign3A_403 = arith.cmpi slt, %jit3A_390, %sign3A_402 : i32
        %sign3A_404 = arith.extui %sign3A_403 : i1 to i32
        %sign3A_405 = arith.subi %sign3A_401, %sign3A_404 : i32
        %ne3A_406 = arith.cmpi ne, %sign3A_398, %sign3A_405 : i32
        %rem3A_407 = arith.remsi %add3A_389, %jit3A_390 : i32
        %ne3A_408 = arith.constant 0 : i32
        %ne3A_409 = arith.cmpi ne, %rem3A_407, %ne3A_408 : i32
        %and3A_410 = arith.andi %ne3A_406, %ne3A_409 : i1
        %sub3A_411 = arith.constant 1 : i32
        %sub3A_412 = arith.subi %div3A_391, %sub3A_411 : i32
        %select_n3A_413 = arith.select %and3A_410, %sub3A_412, %div3A_391 : i32
        %jit3A_414 = arith.constant 2 : i32
        %eq3A_415 = arith.constant 0 : i32
        %eq3A_416 = arith.cmpi eq, %jit3A_414, %eq3A_415 : i32
        %jit3A_417 = arith.constant 1 : i32
        %select_n3A_418 = arith.select %eq3A_416, %jit3A_417, %jit3A_414 : i32
        %rem3A_419 = arith.remsi %select_n3A_413, %select_n3A_418 : i32
        %ne3A_420 = arith.constant 0 : i32
        %ne3A_421 = arith.cmpi ne, %rem3A_419, %ne3A_420 : i32
        %lt3A_422 = arith.constant 0 : i32
        %lt3A_423 = arith.cmpi slt, %rem3A_419, %lt3A_422 : i32
        %lt3A_424 = arith.constant 0 : i32
        %lt3A_425 = arith.cmpi slt, %select_n3A_418, %lt3A_424 : i32
        %ne3A_426 = arith.xori %lt3A_423, %lt3A_425 : i1
        %and3A_427 = arith.andi %ne3A_426, %ne3A_421 : i1
        %add3A_428 = arith.addi %rem3A_419, %select_n3A_418 : i32
        %select_n3A_429 = arith.select %and3A_427, %add3A_428, %rem3A_419 : i32
        %jit3A_430 = arith.constant 8 : i32
        %eq3A_431 = arith.constant 0 : i32
        %eq3A_432 = arith.cmpi eq, %jit3A_430, %eq3A_431 : i32
        %jit3A_433 = arith.constant 1 : i32
        %select_n3A_434 = arith.select %eq3A_432, %jit3A_433, %jit3A_430 : i32
        %rem3A_435 = arith.remsi %add3A_389, %select_n3A_434 : i32
        %ne3A_436 = arith.constant 0 : i32
        %ne3A_437 = arith.cmpi ne, %rem3A_435, %ne3A_436 : i32
        %lt3A_438 = arith.constant 0 : i32
        %lt3A_439 = arith.cmpi slt, %rem3A_435, %lt3A_438 : i32
        %lt3A_440 = arith.constant 0 : i32
        %lt3A_441 = arith.cmpi slt, %select_n3A_434, %lt3A_440 : i32
        %ne3A_442 = arith.xori %lt3A_439, %lt3A_441 : i1
        %and3A_443 = arith.andi %ne3A_442, %ne3A_437 : i1
        %add3A_444 = arith.addi %rem3A_435, %select_n3A_434 : i32
        %select_n3A_445 = arith.select %and3A_443, %add3A_444, %rem3A_435 : i32
        %jit3A_446 = arith.constant 4 : i32
        %eq3A_447 = arith.constant 0 : i32
        %eq3A_448 = arith.cmpi eq, %jit3A_446, %eq3A_447 : i32
        %jit3A_449 = arith.constant 1 : i32
        %select_n3A_450 = arith.select %eq3A_448, %jit3A_449, %jit3A_446 : i32
        %rem3A_451 = arith.remsi %add3A_389, %select_n3A_450 : i32
        %ne3A_452 = arith.constant 0 : i32
        %ne3A_453 = arith.cmpi ne, %rem3A_451, %ne3A_452 : i32
        %lt3A_454 = arith.constant 0 : i32
        %lt3A_455 = arith.cmpi slt, %rem3A_451, %lt3A_454 : i32
        %lt3A_456 = arith.constant 0 : i32
        %lt3A_457 = arith.cmpi slt, %select_n3A_450, %lt3A_456 : i32
        %ne3A_458 = arith.xori %lt3A_455, %lt3A_457 : i1
        %and3A_459 = arith.andi %ne3A_458, %ne3A_453 : i1
        %add3A_460 = arith.addi %rem3A_451, %select_n3A_450 : i32
        %select_n3A_461 = arith.select %and3A_459, %add3A_460, %rem3A_451 : i32
        %dma_start3A_462 = arith.constant 0 : i32
        %dma_start3A_463 = arith.constant 0 : i32
        %dma_start3A_464 = tpu.memref_slice %arg8[%select_n3A_461, %dma_start3A_462, %dma_start3A_463] : memref<4x80x128xf32, #tpu.memory_space<vmem>> -> memref<1x80x128xf32, #tpu.memory_space<vmem>>
        %dma_start3A_465 = tpu.memref_squeeze %dma_start3A_464 : memref<1x80x128xf32, #tpu.memory_space<vmem>> -> memref<80x128xf32, #tpu.memory_space<vmem>>
        %dma_start3A_466 = arith.constant 0 : i32
        %dma_start3A_467 = tpu.memref_slice %arg6[%select_n3A_429, %select_n3A_445, %dma_start3A_466] : memref<2x8x80xi32, #tpu.memory_space<vmem>> -> memref<1x1x80xi32, #tpu.memory_space<vmem>>
        %dma_start3A_468 = tpu.memref_squeeze %dma_start3A_467 : memref<1x1x80xi32, #tpu.memory_space<vmem>> -> memref<80xi32, #tpu.memory_space<vmem>>
        %dma_start3A_469 = arith.constant 0 : i32
        %dma_start3A_470 = arith.constant 0 : i32
        %dma_start3A_471 = tpu.memref_slice %arg4[%dma_start3A_469, %dma_start3A_470] : memref<10240x128xf32, #tpu.memory_space<hbm>> -> memref<10240x128xf32, #tpu.memory_space<hbm>>
        tpu.enqueue_indirect_dma source(%dma_start3A_471 : memref<10240x128xf32, #tpu.memory_space<hbm>>) target(%dma_start3A_465 : memref<80x128xf32, #tpu.memory_space<vmem>>) offsets(%dma_start3A_468 : memref<80xi32, #tpu.memory_space<vmem>>) semaphore(%arg10 : memref<!tpu.dma_semaphore, #tpu.memory_space<semaphore_mem>>)
      } else {
      }
      %jit3A_362 = arith.constant 4 : i32
      %eq3A_363 = arith.constant 0 : i32
      %eq3A_364 = arith.cmpi eq, %jit3A_362, %eq3A_363 : i32
      %jit3A_365 = arith.constant 1 : i32
      %select_n3A_366 = arith.select %eq3A_364, %jit3A_365, %jit3A_362 : i32
      %rem3A_367 = arith.remsi %scan3A_243, %select_n3A_366 : i32
      %ne3A_368 = arith.constant 0 : i32
      %ne3A_369 = arith.cmpi ne, %rem3A_367, %ne3A_368 : i32
      %lt3A_370 = arith.constant 0 : i32
      %lt3A_371 = arith.cmpi slt, %rem3A_367, %lt3A_370 : i32
      %lt3A_372 = arith.constant 0 : i32
      %lt3A_373 = arith.cmpi slt, %select_n3A_366, %lt3A_372 : i32
      %ne3A_374 = arith.xori %lt3A_371, %lt3A_373 : i1
      %and3A_375 = arith.andi %ne3A_374, %ne3A_369 : i1
      %add3A_376 = arith.addi %rem3A_367, %select_n3A_366 : i32
      %select_n3A_377 = arith.select %and3A_375, %add3A_376, %rem3A_367 : i32
      %dma_start3A_378 = arith.constant 0 : i32
      %dma_start3A_379 = arith.constant 0 : i32
      %dma_start3A_380 = tpu.memref_slice %arg8[%select_n3A_377, %dma_start3A_378, %dma_start3A_379] : memref<4x80x128xf32, #tpu.memory_space<vmem>> -> memref<1x80x128xf32, #tpu.memory_space<vmem>>
      %dma_start3A_381 = tpu.memref_squeeze %dma_start3A_380 : memref<1x80x128xf32, #tpu.memory_space<vmem>> -> memref<80x128xf32, #tpu.memory_space<vmem>>
      %dma_start3A_382 = arith.constant 0 : i32
      %dma_start3A_383 = tpu.memref_slice %arg7[%select_n3A_299, %select_n3A_283, %dma_start3A_382] : memref<2x8x80xi32, #tpu.memory_space<vmem>> -> memref<1x1x80xi32, #tpu.memory_space<vmem>>
      %dma_start3A_384 = tpu.memref_squeeze %dma_start3A_383 : memref<1x1x80xi32, #tpu.memory_space<vmem>> -> memref<80xi32, #tpu.memory_space<vmem>>
      %dma_start3A_385 = arith.constant 0 : i32
      %dma_start3A_386 = arith.constant 0 : i32
      %dma_start3A_387 = tpu.memref_slice %arg9[%dma_start3A_385, %dma_start3A_386] : memref<10240x128xf32, #tpu.memory_space<vmem_shared>> -> memref<10240x128xf32, #tpu.memory_space<vmem_shared>>
      tpu.enqueue_indirect_dma source(%dma_start3A_381 : memref<80x128xf32, #tpu.memory_space<vmem>>) target(%dma_start3A_387 : memref<10240x128xf32, #tpu.memory_space<vmem_shared>>) offsets(%dma_start3A_384 : memref<80xi32, #tpu.memory_space<vmem>>) semaphore(%arg11 : memref<!tpu.dma_semaphore, #tpu.memory_space<semaphore_mem>>) {add = true}
    }
    %scan3A_79 = arith.constant 128 : i32
    %dma_wait3A = arith.constant 0 : i32
    %dma_wait3A_80 = arith.constant 0 : i32
    %dma_wait3A_81 = arith.constant 0 : i32
    %dma_wait3A_82 = arith.constant 0 : i32
    %dma_wait3A_83 = arith.constant 0 : i32
    %dma_wait3A_84 = tpu.memref_slice %arg8[%dma_wait3A, %dma_wait3A_82, %dma_wait3A_83] : memref<4x80x128xf32, #tpu.memory_space<vmem>> -> memref<1x80x128xf32, #tpu.memory_space<vmem>>
    %dma_wait3A_85 = tpu.memref_squeeze %dma_wait3A_84 : memref<1x80x128xf32, #tpu.memory_space<vmem>> -> memref<80x128xf32, #tpu.memory_space<vmem>>
    %dma_wait3A_86 = arith.constant 0 : i32
    %dma_wait3A_87 = tpu.memref_slice %arg7[%dma_wait3A_80, %dma_wait3A_81, %dma_wait3A_86] : memref<2x8x80xi32, #tpu.memory_space<vmem>> -> memref<1x1x80xi32, #tpu.memory_space<vmem>>
    %dma_wait3A_88 = tpu.memref_squeeze %dma_wait3A_87 : memref<1x1x80xi32, #tpu.memory_space<vmem>> -> memref<80xi32, #tpu.memory_space<vmem>>
    %dma_wait3A_89 = arith.constant 0 : i32
    %dma_wait3A_90 = arith.constant 0 : i32
    %dma_wait3A_91 = tpu.memref_slice %arg9[%dma_wait3A_89, %dma_wait3A_90] : memref<10240x128xf32, #tpu.memory_space<vmem_shared>> -> memref<10240x128xf32, #tpu.memory_space<vmem_shared>>
    tpu.wait_indirect_dma semaphore(%arg11 : memref<!tpu.dma_semaphore, #tpu.memory_space<semaphore_mem>>) src(%dma_wait3A_85 : memref<80x128xf32, #tpu.memory_space<vmem>>) dst(%dma_wait3A_91 : memref<10240x128xf32, #tpu.memory_space<vmem_shared>>)
    %dma_wait3A_92 = arith.constant 0 : i32
    %dma_wait3A_93 = arith.constant 0 : i32
    %dma_wait3A_94 = arith.constant 0 : i32
    %dma_wait3A_95 = arith.constant 0 : i32
    %dma_wait3A_96 = arith.constant 0 : i32
    %dma_wait3A_97 = tpu.memref_slice %arg8[%dma_wait3A_92, %dma_wait3A_95, %dma_wait3A_96] : memref<4x80x128xf32, #tpu.memory_space<vmem>> -> memref<1x80x128xf32, #tpu.memory_space<vmem>>
    %dma_wait3A_98 = tpu.memref_squeeze %dma_wait3A_97 : memref<1x80x128xf32, #tpu.memory_space<vmem>> -> memref<80x128xf32, #tpu.memory_space<vmem>>
    %dma_wait3A_99 = arith.constant 0 : i32
    %dma_wait3A_100 = tpu.memref_slice %arg7[%dma_wait3A_93, %dma_wait3A_94, %dma_wait3A_99] : memref<2x8x80xi32, #tpu.memory_space<vmem>> -> memref<1x1x80xi32, #tpu.memory_space<vmem>>
    %dma_wait3A_101 = tpu.memref_squeeze %dma_wait3A_100 : memref<1x1x80xi32, #tpu.memory_space<vmem>> -> memref<80xi32, #tpu.memory_space<vmem>>
    %dma_wait3A_102 = arith.constant 0 : i32
    %dma_wait3A_103 = arith.constant 0 : i32
    %dma_wait3A_104 = tpu.memref_slice %arg9[%dma_wait3A_102, %dma_wait3A_103] : memref<10240x128xf32, #tpu.memory_space<vmem_shared>> -> memref<10240x128xf32, #tpu.memory_space<vmem_shared>>
    tpu.wait_indirect_dma semaphore(%arg11 : memref<!tpu.dma_semaphore, #tpu.memory_space<semaphore_mem>>) src(%dma_wait3A_98 : memref<80x128xf32, #tpu.memory_space<vmem>>) dst(%dma_wait3A_104 : memref<10240x128xf32, #tpu.memory_space<vmem_shared>>)
    %barrier3A_105 = arith.constant 0 : index
    tpu.barrier barrier_id(%barrier3A_105)
    %mul3A_106 = arith.constant 640 : i32
    %mul3A_107 = arith.muli %arg1, %mul3A_106 : i32
    %mul3A_108 = arith.constant 640 : i32
    %mul3A_109 = arith.muli %arg1, %mul3A_108 : i32
    "tpu.region"() ({
      %run_scoped3A_110 = tpu.sem_alloc : memref<!tpu.dma_semaphore, #tpu.memory_space<semaphore_mem>>
      %dma_start3A_111 = arith.constant 0 : i32
      %dma_start3A_112 = tpu.memref_slice %arg5[%arg0, %mul3A_109, %dma_start3A_111] : memref<2x10240x128xf32, #tpu.memory_space<hbm>> -> memref<1x640x128xf32, #tpu.memory_space<hbm>>
      %dma_start3A_113 = tpu.memref_squeeze %dma_start3A_112 : memref<1x640x128xf32, #tpu.memory_space<hbm>> -> memref<640x128xf32, #tpu.memory_space<hbm>>
      %dma_start3A_114 = arith.constant 0 : i32
      %dma_start3A_115 = tpu.memref_slice %arg9[%mul3A_107, %dma_start3A_114] : memref<10240x128xf32, #tpu.memory_space<vmem_shared>> -> memref<640x128xf32, #tpu.memory_space<vmem_shared>>
      tpu.enqueue_dma source(%dma_start3A_115 : memref<640x128xf32, #tpu.memory_space<vmem_shared>>) target(%dma_start3A_113 : memref<640x128xf32, #tpu.memory_space<hbm>>) target_semaphore(%run_scoped3A_110 : memref<!tpu.dma_semaphore, #tpu.memory_space<semaphore_mem>>)
      %dma_wait3A_116 = arith.constant 0 : i32
      %dma_wait3A_117 = tpu.memref_slice %arg5[%arg0, %mul3A_109, %dma_wait3A_116] : memref<2x10240x128xf32, #tpu.memory_space<hbm>> -> memref<1x640x128xf32, #tpu.memory_space<hbm>>
      %dma_wait3A_118 = tpu.memref_squeeze %dma_wait3A_117 : memref<1x640x128xf32, #tpu.memory_space<hbm>> -> memref<640x128xf32, #tpu.memory_space<hbm>>
      %dma_wait3A_119 = arith.constant 0 : i32
      %dma_wait3A_120 = tpu.memref_slice %arg9[%mul3A_107, %dma_wait3A_119] : memref<10240x128xf32, #tpu.memory_space<vmem_shared>> -> memref<640x128xf32, #tpu.memory_space<vmem_shared>>
      tpu.wait_dma2 semaphore(%run_scoped3A_110 : memref<!tpu.dma_semaphore, #tpu.memory_space<semaphore_mem>>) src(%dma_wait3A_120 : memref<640x128xf32, #tpu.memory_space<vmem_shared>>) dst(%dma_wait3A_118 : memref<640x128xf32, #tpu.memory_space<hbm>>)
      tpu.yield
    }) : () -> ()
    return
  }
}

module attributes {stable_mosaic.version = 14 : i64} {
  func.func @_tc_b_body(%arg0: i32, %arg1: memref<640x128xf32, #tpu.memory_space<vmem>>, %arg2: memref<128x128xf32, #tpu.memory_space<vmem>>, %arg3: memref<640x1xf32, #tpu.memory_space<vmem>>, %arg4: memref<640x1xf32, #tpu.memory_space<vmem>>, %arg5: memref<640x128xf32, #tpu.memory_space<vmem>>, %arg6: memref<640x1xf32, #tpu.memory_space<vmem>>) attributes {dimension_semantics = [#tpu.dimension_semantics<arbitrary>], iteration_bounds = array<i64: 16>, scalar_prefetch = 0 : i64, scratch_operands = 0 : i64, tpu.core_type = #tpu.core_type<tc>, window_params = [{transform_indices = @transform_0, window_bounds = array<i64: 640, 128>}, {pipeline_mode = #tpu.pipeline_mode<synchronous>, transform_indices = @transform_1, window_bounds = array<i64: 128, 128>}, {transform_indices = @transform_2, window_bounds = array<i64: 640, 1>}, {transform_indices = @transform_3, window_bounds = array<i64: 640, 1>}, {transform_indices = @transform_4, window_bounds = array<i64: 640, 128>}, {transform_indices = @transform_5, window_bounds = array<i64: 640, 1>}]} {
    %get3A = arith.constant 0 : index
    %get3A_0 = arith.constant 0 : index
    %get3A_1 = vector.load %arg3[%get3A, %get3A_0] : memref<640x1xf32, #tpu.memory_space<vmem>>, vector<640x1xf32>
    %get3A_2 = arith.constant 0 : index
    %get3A_3 = arith.constant 0 : index
    %get3A_4 = vector.load %arg4[%get3A_2, %get3A_3] : memref<640x1xf32, #tpu.memory_space<vmem>>, vector<640x1xf32>
    %add3A = arith.addf %get3A_1, %get3A_4 : vector<640x1xf32>
    %add3A_5 = arith.constant 1.000000e+00 : f32
    %add3A_6 = vector.broadcast %add3A_5 : f32 to vector<640x1xf32>
    %add3A_7 = arith.addf %add3A, %add3A_6 : vector<640x1xf32>
    %rsqrt3A = math.rsqrt %add3A_7 : vector<640x1xf32>
    %get3A_8 = arith.constant 0 : index
    %get3A_9 = arith.constant 0 : index
    %get3A_10 = vector.load %arg1[%get3A_8, %get3A_9] : memref<640x128xf32, #tpu.memory_space<vmem>>, vector<640x128xf32>
    %get3A_11 = arith.constant 0 : index
    %get3A_12 = arith.constant 0 : index
    %get3A_13 = vector.load %arg2[%get3A_11, %get3A_12] : memref<128x128xf32, #tpu.memory_space<vmem>>, vector<128x128xf32>
    %dot_general3A = arith.constant dense<0.000000e+00> : vector<640x128xf32>
    %dot_general3A_14 = tpu.matmul %get3A_10, %get3A_13, %dot_general3A {dimension_numbers = #tpu.dot_dimension_numbers<[1], [0], [0], [1], [0, 0, 1, 1], [], []>, transpose_lhs_hint = false} : vector<640x128xf32>, vector<128x128xf32>, vector<640x128xf32> -> vector<640x128xf32>
    %mul3A = vector.broadcast %rsqrt3A : vector<640x1xf32> to vector<640x128xf32>
    %mul3A_15 = arith.mulf %dot_general3A_14, %mul3A : vector<640x128xf32>
    %swap3A = arith.constant 0 : index
    %swap3A_16 = arith.constant 0 : index
    %swap3A_17 = vector.load %arg5[%swap3A, %swap3A_16] : memref<640x128xf32, #tpu.memory_space<vmem>>, vector<640x128xf32>
    tpu.vector_store %arg5[%swap3A, %swap3A_16], %mul3A_15 {strides = array<i32>} : memref<640x128xf32, #tpu.memory_space<vmem>>, vector<640x128xf32>,
    %swap3A_18 = arith.constant 0 : index
    %swap3A_19 = arith.constant 0 : index
    %swap3A_20 = vector.load %arg6[%swap3A_18, %swap3A_19] : memref<640x1xf32, #tpu.memory_space<vmem>>, vector<640x1xf32>
    tpu.vector_store %arg6[%swap3A_18, %swap3A_19], %rsqrt3A {strides = array<i32>} : memref<640x1xf32, #tpu.memory_space<vmem>>, vector<640x1xf32>,
    return
  }
  func.func @transform_0(%arg0: i32) -> (i32, i32) {
    %c0_i32 = arith.constant 0 : i32
    %c0_i32_0 = arith.constant 0 : i32
    return %arg0, %c0_i32 : i32, i32
  }
  func.func @transform_1(%arg0: i32) -> (i32, i32) {
    %c0_i32 = arith.constant 0 : i32
    %c0_i32_0 = arith.constant 0 : i32
    %c0_i32_1 = arith.constant 0 : i32
    return %c0_i32, %c0_i32_0 : i32, i32
  }
  func.func @transform_2(%arg0: i32) -> (i32, i32) {
    %c0_i32 = arith.constant 0 : i32
    %c0_i32_0 = arith.constant 0 : i32
    return %arg0, %c0_i32 : i32, i32
  }
  func.func @transform_3(%arg0: i32) -> (i32, i32) {
    %c0_i32 = arith.constant 0 : i32
    %c0_i32_0 = arith.constant 0 : i32
    return %arg0, %c0_i32 : i32, i32
  }
  func.func @transform_4(%arg0: i32) -> (i32, i32) {
    %c0_i32 = arith.constant 0 : i32
    %c0_i32_0 = arith.constant 0 : i32
    return %arg0, %c0_i32 : i32, i32
  }
  func.func @transform_5(%arg0: i32) -> (i32, i32) {
    %c0_i32 = arith.constant 0 : i32
    %c0_i32_0 = arith.constant 0 : i32
    return %arg0, %c0_i32 : i32, i32
  }
}

module attributes {stable_mosaic.version = 14 : i64} {
  func.func @_tc_d_body(%arg0: i32, %arg1: memref<640x128xf32, #tpu.memory_space<vmem>>, %arg2: memref<640x128xf32, #tpu.memory_space<vmem>>, %arg3: memref<640x128xf32, #tpu.memory_space<vmem>>, %arg4: memref<640x1xf32, #tpu.memory_space<vmem>>, %arg5: memref<1x128xf32, #tpu.memory_space<vmem>>, %arg6: memref<128x1xf32, #tpu.memory_space<vmem>>, %arg7: memref<640x1xf32, #tpu.memory_space<vmem>>) attributes {dimension_semantics = [#tpu.dimension_semantics<arbitrary>], iteration_bounds = array<i64: 16>, scalar_prefetch = 0 : i64, scratch_operands = 0 : i64, tpu.core_type = #tpu.core_type<tc>, window_params = [{transform_indices = @transform_0, window_bounds = array<i64: 640, 128>}, {transform_indices = @transform_1, window_bounds = array<i64: 640, 128>}, {transform_indices = @transform_2, window_bounds = array<i64: 640, 128>}, {transform_indices = @transform_3, window_bounds = array<i64: 640, 1>}, {pipeline_mode = #tpu.pipeline_mode<synchronous>, transform_indices = @transform_4, window_bounds = array<i64: 1, 128>}, {pipeline_mode = #tpu.pipeline_mode<synchronous>, transform_indices = @transform_5, window_bounds = array<i64: 128, 1>}, {transform_indices = @transform_6, window_bounds = array<i64: 640, 1>}]} {
    %get3A = arith.constant 0 : index
    %get3A_0 = arith.constant 0 : index
    %get3A_1 = vector.load %arg1[%get3A, %get3A_0] : memref<640x128xf32, #tpu.memory_space<vmem>>, vector<640x128xf32>
    %get3A_2 = arith.constant 0 : index
    %get3A_3 = arith.constant 0 : index
    %get3A_4 = vector.load %arg2[%get3A_2, %get3A_3] : memref<640x128xf32, #tpu.memory_space<vmem>>, vector<640x128xf32>
    %add3A = arith.addf %get3A_1, %get3A_4 : vector<640x128xf32>
    %get3A_5 = arith.constant 0 : index
    %get3A_6 = arith.constant 0 : index
    %get3A_7 = vector.load %arg3[%get3A_5, %get3A_6] : memref<640x128xf32, #tpu.memory_space<vmem>>, vector<640x128xf32>
    %add3A_8 = arith.addf %add3A, %get3A_7 : vector<640x128xf32>
    %get3A_9 = arith.constant 0 : index
    %get3A_10 = arith.constant 0 : index
    %get3A_11 = vector.load %arg4[%get3A_9, %get3A_10] : memref<640x1xf32, #tpu.memory_space<vmem>>, vector<640x1xf32>
    %mul3A = vector.broadcast %get3A_11 : vector<640x1xf32> to vector<640x128xf32>
    %mul3A_12 = arith.mulf %add3A_8, %mul3A : vector<640x128xf32>
    %get3A_13 = arith.constant 0 : index
    %get3A_14 = arith.constant 0 : index
    %get3A_15 = vector.load %arg5[%get3A_13, %get3A_14] : memref<1x128xf32, #tpu.memory_space<vmem>>, vector<1x128xf32>
    %add3A_16 = vector.broadcast %get3A_15 : vector<1x128xf32> to vector<640x128xf32>
    %add3A_17 = arith.addf %mul3A_12, %add3A_16 : vector<640x128xf32>
    %max3A = arith.constant 0.000000e+00 : f32
    %max3A_18 = vector.broadcast %max3A : f32 to vector<640x128xf32>
    %max3A_19 = arith.maximumf %add3A_17, %max3A_18 : vector<640x128xf32>
    %get3A_20 = arith.constant 0 : index
    %get3A_21 = arith.constant 0 : index
    %get3A_22 = vector.load %arg6[%get3A_20, %get3A_21] : memref<128x1xf32, #tpu.memory_space<vmem>>, vector<128x1xf32>
    %dot_general3A = arith.constant dense<0.000000e+00> : vector<640x1xf32>
    %dot_general3A_23 = tpu.matmul %max3A_19, %get3A_22, %dot_general3A {dimension_numbers = #tpu.dot_dimension_numbers<[1], [0], [0], [1], [0, 0, 1, 1], [], []>, transpose_lhs_hint = false} : vector<640x128xf32>, vector<128x1xf32>, vector<640x1xf32> -> vector<640x1xf32>
    %get3A_24 = arith.constant 0 : index
    %get3A_25 = arith.constant 0 : index
    %get3A_26 = vector.load %arg4[%get3A_24, %get3A_25] : memref<640x1xf32, #tpu.memory_space<vmem>>, vector<640x1xf32>
    %mul3A_27 = arith.mulf %dot_general3A_23, %get3A_26 : vector<640x1xf32>
    %swap3A = arith.constant 0 : index
    %swap3A_28 = arith.constant 0 : index
    %swap3A_29 = vector.load %arg7[%swap3A, %swap3A_28] : memref<640x1xf32, #tpu.memory_space<vmem>>, vector<640x1xf32>
    tpu.vector_store %arg7[%swap3A, %swap3A_28], %mul3A_27 {strides = array<i32>} : memref<640x1xf32, #tpu.memory_space<vmem>>, vector<640x1xf32>,
    return
  }
  func.func @transform_0(%arg0: i32) -> (i32, i32) {
    %c0_i32 = arith.constant 0 : i32
    %c0_i32_0 = arith.constant 0 : i32
    return %arg0, %c0_i32 : i32, i32
  }
  func.func @transform_1(%arg0: i32) -> (i32, i32) {
    %c0_i32 = arith.constant 0 : i32
    %c0_i32_0 = arith.constant 0 : i32
    return %arg0, %c0_i32 : i32, i32
  }
  func.func @transform_2(%arg0: i32) -> (i32, i32) {
    %c0_i32 = arith.constant 0 : i32
    %c0_i32_0 = arith.constant 0 : i32
    return %arg0, %c0_i32 : i32, i32
  }
  func.func @transform_3(%arg0: i32) -> (i32, i32) {
    %c0_i32 = arith.constant 0 : i32
    %c0_i32_0 = arith.constant 0 : i32
    return %arg0, %c0_i32 : i32, i32
  }
  func.func @transform_4(%arg0: i32) -> (i32, i32) {
    %c0_i32 = arith.constant 0 : i32
    %c0_i32_0 = arith.constant 0 : i32
    %c0_i32_1 = arith.constant 0 : i32
    return %c0_i32, %c0_i32_0 : i32, i32
  }
  func.func @transform_5(%arg0: i32) -> (i32, i32) {
    %c0_i32 = arith.constant 0 : i32
    %c0_i32_0 = arith.constant 0 : i32
    %c0_i32_1 = arith.constant 0 : i32
    return %c0_i32, %c0_i32_0 : i32, i32
  }
  func.func @transform_6(%arg0: i32) -> (i32, i32) {
    %c0_i32 = arith.constant 0 : i32
    %c0_i32_0 = arith.constant 0 : i32
    return %arg0, %c0_i32 : i32, i32
  }
}

</mosaic_0001>

<sc_bundles>
// kernel: kernel.10.cloned.1.call-start
scs
__scs_entry_jumppad:
0x0: {  	(pc) =	sbr.rel $0x88, $3  }
0x1: {  	(tag) =	ssettag $0x0;
	lr =	simm.s32 $0x1  }
0x2: {  	[smem:$0x3F9B] =	sst lr;
	_ =	strace $0xD0000000  }
0x3: {  	_ = 	snop  }
0x4: {  	_ = 	snop  }
0x5: {  	_ = 	snop  }
0x6: {  	_ = 	snop  }
0x7: {  	_ = 	snop  }
__scs_overlays_trampoline_lowered:
0x8: {  	[smem:$0x3FAA] =	sst s0  }
0x9: {  	[smem:$0x3FAB] =	sst s1  }
0xa: {  	[smem:$0x3FAC] =	sst s2  }
0xb: {  	[smem:$0x3FAD] =	sst s3  }
0xc: {  	[smem:$0x3FAE] =	sst s4  }
0xd: {  	[smem:$0x3FAF] =	sst s5  }
0xe: {  	[smem:$0x3FB0] =	sst s6  }
0xf: {  	[smem:$0x3FB1] =	sst s7  }
0x10: {  	[smem:$0x3FB2] =	sst s8  }
0x11: {  	[smem:$0x3FB3] =	sst s9;
	s0 =	simm.s32 @!p0 $0x0  }
0x12: {  	s1 =	sld [smem:$0x3F99];
	s0 =	simm.s32 @p0 $0x1  }
0x13: {  	[smem:$0x3FB4] =	sst s0;
	s0 =	simm.s32 @!p1 $0x0  }
0x14: {  	s2 =	sld [smem:$0x3F98];
	s0 =	simm.s32 @p1 $0x1  }
0x15: {  	[smem:$0x3FB5] =	sst s0;
	s0 =	simm.s32 @!p2 $0x0  }
0x16: {  	s3 =	sld [smem:$0x3FDB];
	s0 =	simm.s32 @p2 $0x1  }
0x17: {  	s4 =	simm.s32 $0x1BF5;
	[smem:$0x3FB7] =	sst s0  }
0x18: {  	s0 =	sld [smem:$0x3F9A];
	_ =	swait.ge [sflag:s4], $0x0  }
0x19: {  	s7 =	sld [smem:$0x3F9B]  }
0x1a: {  	s8 =	sadd.s32 $0xFFFFE003, lr  }
0x1b: {  	s9 =	sadd.s32 $0xFFFFFEF7, lr;
	s5 =	simm.s32 $0xFFFFFFFF;
	p2 =	slt.u32 s8, $0xFFFFF086  }
0x1c: {  	p1 =	slt.u32 s9, $0xF7A;
	s5 =	simm.s32 @!p2 $0x0  }
0x1d: {  	s5 =	simm.s32 @p1 $0x1;
	p0 =	seq.s32 s7, s2  }
0x1e: {  	s7 =	smul.u32 @!p0 $0xF7A, s2;
	p2 =	seq.s32 @!p0 s5, $0x0  }
0x1f: {  	s9 =	smul.u32 $0xF7A, s1;
	s8 =	simm.s32 @!p0 $0x1BF5;
	p2 =	por !p2, p0  }
0x20: {  	[sflag:s8] =	ssyncset.s32 @!p0 $0xFFFFF086;
	s6 =	sadd.s32 @!p0 s3, s7;
	s7 =	simm.s32 @!p0 $0x108  }
0x21: {  	s3 =	sadd.s32 s3, s9;
	s6 =	sadd.s32 @!p0 $0x88, s6;
	s7 =	simm.s32 @p2 $0x1082  }
0x22: {  	[simem:s7], [sflag:s8] =	dma.local @!p0 [hbm:s6], $0xF7A  }
0x23: {  	s9 =	sor.u32 $0xD0000000, s2;
	s6 =	simm.s32 $0x108;
	_ =	swait.ge @!p0 [sflag:s8], $0x0  }
0x24: {  	s3 =	sadd.s32 $0x88, s3;
	s6 =	simm.s32 @!p1 $0x1082;
	[sflag:s4] =	ssyncset.s32 $0xFFFFF086  }
0x25: {  	[simem:s6], [sflag:s4] =	dma.local [hbm:s3], $0xF7A  }
0x26: {  	[smem:$0x3F9B] =	sst s1;
	(tag) =	ssettag s2;
	_ =	strace s9  }
0x27: {  	s1 =	sld [smem:$0x3FAB]  }
0x28: {  	s2 =	sld [smem:$0x3FAC]  }
0x29: {  	s4 =	sld [smem:$0x3FAE]  }
0x2a: {  	p0 =	seq.s32 s5, $0x0;
	s5 =	sld [smem:$0x3FAF]  }
0x2b: {  	s6 =	sld [smem:$0x3FB0]  }
0x2c: {  	s7 =	sld [smem:$0x3FB1]  }
0x2d: {  	s3 =	simm.s32 $0x108;
	s8 =	sld [smem:$0x3FB2]  }
0x2e: {  	s3 =	simm.s32 @!p0 $0x1082;
	s9 =	sld [smem:$0x3FB3]  }
0x2f: {  	lr =	sadd.s32 s0, s3;
	s0 =	sld [smem:$0x3FAA]  }
0x30: {  	s3 =	sld [smem:$0x3FAD]  }
0x31: {  	[smem:$0x3FB6] =	sst s10  }
0x32: {  	s10 =	sld [smem:$0x3FB4];
	_ =	sdelay $0x3  }
0x33: {  	p0 =	seq.s32 s10, $0x1;
	s10 =	sld [smem:$0x3FB6];
	_ =	sdelay $0x3  }
0x34: {  	[smem:$0x3FB6] =	sst s10  }
0x35: {  	s10 =	sld [smem:$0x3FB5];
	_ =	sdelay $0x3  }
0x36: {  	p1 =	seq.s32 s10, $0x1;
	s10 =	sld [smem:$0x3FB6];
	_ =	sdelay $0x3  }
0x37: {  	[smem:$0x3FB6] =	sst s10  }
0x38: {  	s10 =	sld [smem:$0x3FB7]  }
0x39: {  	_ = 	snop;
	(pc) =	sbr.ind lr, $3  }
0x3a: {  	_ = 	snop  }
0x3b: {  	_ = 	snop  }
0x3c: {  	p2 =	seq.s32 s10, $0x1;
	s10 =	sld [smem:$0x3FB6]  }
0x3d: {  	_ =	shalt  }
0x3e: {  	_ =	shalt  }
0x3f: {  	_ =	shalt  }
0x40: {  	_ =	shalt  }
0x41: {  	_ =	shalt  }
0x42: {  	_ =	shalt  }
0x43: {  	_ =	shalt  }
0x44: {  	_ =	shalt  }
0x45: {  	_ =	shalt  }
0x46: {  	_ =	shalt  }
0x47: {  	_ =	shalt  }
0x48: {  	_ =	shalt  }
0x49: {  	_ =	shalt  }
0x4a: {  	_ =	shalt  }
0x4b: {  	_ =	shalt  }
0x4c: {  	_ =	shalt  }
0x4d: {  	_ =	shalt  }
0x4e: {  	_ =	shalt  }
0x4f: {  	_ =	shalt  }
0x50: {  	_ =	shalt  }
0x51: {  	_ =	shalt  }
0x52: {  	_ =	shalt  }
0x53: {  	_ =	shalt  }
0x54: {  	_ =	shalt  }
0x55: {  	_ =	shalt  }
0x56: {  	_ =	shalt  }
0x57: {  	_ =	shalt  }
0x58: {  	_ =	shalt  }
0x59: {  	_ =	shalt  }
0x5a: {  	_ =	shalt  }
0x5b: {  	_ =	shalt  }
0x5c: {  	_ =	shalt  }
0x5d: {  	_ =	shalt  }
0x5e: {  	_ =	shalt  }
0x5f: {  	_ =	shalt  }
0x60: {  	_ =	shalt  }
0x61: {  	_ =	shalt  }
0x62: {  	_ =	shalt  }
0x63: {  	_ =	shalt  }
0x64: {  	_ =	shalt  }
0x65: {  	_ =	shalt  }
0x66: {  	_ =	shalt  }
0x67: {  	_ =	shalt  }
0x68: {  	_ =	shalt  }
0x69: {  	_ =	shalt  }
0x6a: {  	_ =	shalt  }
0x6b: {  	_ =	shalt  }
0x6c: {  	_ =	shalt  }
0x6d: {  	_ =	shalt  }
0x6e: {  	_ =	shalt  }
0x6f: {  	_ =	shalt  }
0x70: {  	_ =	shalt  }
0x71: {  	_ =	shalt  }
0x72: {  	_ =	shalt  }
0x73: {  	_ =	shalt  }
0x74: {  	_ =	shalt  }
0x75: {  	_ =	shalt  }
0x76: {  	_ =	shalt  }
0x77: {  	_ =	shalt  }
0x78: {  	_ =	shalt  }
0x79: {  	_ =	shalt  }
0x7a: {  	_ =	shalt  }
0x7b: {  	_ =	shalt  }
0x7c: {  	_ =	shalt  }
0x7d: {  	_ =	shalt  }
0x7e: {  	_ =	shalt  }
0x7f: {  	_ =	shalt  }
0x80: {  	_ =	shalt  }
0x81: {  	_ =	shalt  }
0x82: {  	_ =	shalt  }
0x83: {  	_ =	shalt  }
0x84: {  	_ =	shalt  }
0x85: {  	_ =	shalt  }
0x86: {  	_ =	shalt  }
0x87: {  	_ =	shalt  }
.Lfunc_end0:
.L_simem_size_0:
called_computation.1_lowered:
.L_overlay_start_0:
0x88: {  	s2 =	sld [smem:$0x3FD9]  }
0x89: {  	s3 =	sld [smem:$0x3FFE];
	_ =	sdelay $0x1  }
0x8a: {  	s1 =	srdreg.scid  }
0x8b: {  	s0 =	sand.u32 $0x1, s1  }
0x8c: {  	s16 =	sshll.u32 s0, $0xA;
	s2 =	sadd.s32 s3, s2  }
0x8d: {  	s2 =	sadd.s32 s2, s16  }
0x8e: {  	[smem:$0x3FC2] =	sst s2  }
0x8f: {  	_ = 	snop  }
0x90: {  	(tm) =	ssettm $0x1  }
0x91: {  	s17 =	sld [smem:$0x3FFB];
	_ =	sdelay $0x3  }
0x92: {  	_ =	strace s17  }
0x93: {  	s2 =	sld [smem:$0x3FFC];
	_ =	sdelay $0x3  }
0x94: {  	_ =	strace s2  }
0x95: {  	s2 =	sld [smem:$0x3FFD];
	_ =	sdelay $0x3  }
0x96: {  	_ =	strace s2  }
0x97: {  	_ =	strace $0x8FFFFFFF  }
0x98: {  	s18 =	sld [smem:$0x3FDB];
	_ =	sdelay $0x1  }
0x99: {  	s19 =	simm.s32 $_scs_section_size  }
0x9a: {  	s4 =	simm.s32 $_size__tile_overlayer_lowered;
	s5 =	simm.s32 $_tile_overlayer_lowered  }
0x9b: {  	s22 =	simm.s32 $0x1BFF;
	s21 =	sshll.u32 s5, $0x1;
	s2 =	sadd.s32 s19, s18  }
0x9c: {  	s6 =	simm.s32 $0x0;
	s20 =	sshll.u32 s4, $0x1;
	s4 =	sadd.s32 s21, s2  }
0x9d: {  	[timem:s6], [sflag:s22] =	dma.local [hbm:s4], s20  }
0x9e: {  	_ =	swait.ge [sflag:s22], s20  }
0x9f: {  	s3 =	ssub.s32 $0x0, s20;
	[sflag:s22] =	ssyncset.done $0x0  }
0xa0: {  	[sflag:s22] =	ssyncadd.s32 s3;
	_ =	sdelay $0x1  }
0xa1: {  	s23 =	simm.s32 $0x1B8B  }
0xa2: {  	_ =	swait.ge [sflag:s23], $0x1  }
0xa3: {  	[sflag:s23] =	ssyncset.done $0x0  }
0xa4: {  	s25 =	simm.s32 $0x1B8E;
	s24 =	sld [smem:$0x3FFE];
	[sflag:s23] =	ssyncadd.s32 $0xFFFFFFFF  }
0xa5: {  	s26 =	simm.s32 $execute0_lowered;
	[smem:$0x3FD2] =	sst s25  }
0xa6: {  	s4 =	sshll.u32 s26, $0x1;
	_ =	strace $0x80000049;
	[dreg:$0x1] =	wrdreg $0xFFFFFFFF  }
0xa7: {  	s28 =	simm.s32 $_size_execute0_lowered;
	s2 =	sadd.s32 s2, s4;
	[dreg:$0x0] =	wrdreg $0x0  }
0xa8: {  	s4 =	sshll.u32 s28, $0x1;
	[dreg:$0x2] =	wrdreg s2  }
0xa9: {  	[dreg:$0x3] =	wrdreg s4  }
0xaa: {  	[dreg:$0x4] =	wrdreg $0xC0  }
0xab: {  	_ =	task [dreg:s6], $0x5FFFF  }
0xac: {  	[dreg:$0x1] =	wrdreg $0xFFFFFFFF  }
0xad: {  	[dreg:$0x0] =	wrdreg $0x60  }
0xae: {  	[dreg:$0x2] =	wrdreg s24  }
0xaf: {  	[dreg:$0x3] =	wrdreg $0xB0000  }
0xb0: {  	[dreg:$0x4] =	wrdreg $0x9  }
0xb1: {  	_ =	task.clear_ibuf [dreg:s6], $0x5FFFF;
	_ =	strace $0x90000049  }
0xb2: {  	s29 =	simm.s32 $0x9;
	_ =	strace $0x8000004B  }
0xb3: {  	_ =	swait.ge [sflag:s29], $0x1  }
0xb4: {  	[sflag:s29] =	ssyncadd.s32 $0xFFFFFFFF  }
0xb5: {  	_ =	strace $0x9000004B  }
0xb6: {  	_ =	sfence  }
0xb7: {  	s30 =	sld [smem:$0x0];
	_ =	sdelay $0x2  }
0xb8: {  	s31 =	sshll.u32 s1, $0xD;
	s1 =	sshrl.u32 s1, $0x2  }
0xb9: {  	s3 =	sand.u32 $0x4000, s31;
	s1 =	sadd.s32 s1, s30  }
0xba: {  	s0 =	sor.u32 s3, s0;
	s1 =	sshll.u32 s1, $0x11  }
0xbb: {  	s0 =	sor.u32 s1, s0  }
0xbc: {  	s0 =	sadd.s32 $0x8F2B, s0  }
0xbd: {  	[sflag:s0] =	ssyncadd.remote.s32 $0x1  }
0xbe: {  	_ =	sfence.sel $0xFFFF  }
0xbf: {  	[dreg:$0x0] =	wrdreg $0xFFFFFFFF;
	(pc) =	sbr.abs _section_cstart, $3  }
0xc0: {  	[dreg:$0x1] =	wrdreg $0xFFFFFFFF  }
0xc1: {  	_ =	task.clear_ibuf [dreg:s6], $0x2FFFF;
	_ =	strace $0x9FFFFFFF  }
0xc2: {  	(tm) =	ssettm $0x7FFFFFFF  }
0xc3: {  	_ =	shalt  }
tec
execute0_lowered:
.L_overlay_start_1:
0x0: {  	(tag) =	ssettag $0x1  }
0x1: {  	s0 =	rddreg [dreg:$0x0]  }
0x2: {  	s1 =	rddreg [dreg:$0x1]  }
0x3: {  	s3 =	simm.s32 $0x0;
	s2 =	srdreg.scid;
	s11 =	stileid.u32  }
0x4: {  	s20 =	simm.s32 $0x1000;
	s21 =	simm.s32 $0x4;
	s23 =	simm.s32 $0x50  }
0x5: {  	s26 =	simm.s32 $0x1;
	s28 =	simm.s32 $0x3;
	s29 =	simm.s32 $0x2  }
0x6: {  	[smem:$0x7FF] =	sst s3;
	s2 =	sand.u32 $0x1, s2;
	s8 =	smul.u32 $0x14000, s11  }
0x7: {  	s4 =	sadd.s32 $0x26800, s0;
	s5 =	sadd.s32 $0x16800, s0;
	s9 =	smul.u32 $0x50000, s11  }
0x8: {  	s6 =	sadd.s32 $0x36800, s0;
	s11 =	sshll.u32 s11, $0xE;
	s7 =	smul.u32 $0x140000, s2  }
0x9: {  	_ =	strace $0x8000004A;
	s31 =	ssub.s32 $0x2, s2;
	s2 =	sshll.u32 s2, $0x12  }
0xa: {  	s10 =	sshrl.u32 s31, $0x1;
	s9 =	sshrl.u32 s9, $0x2;
	s11 =	sor.u32 s11, s2  }
0xb: {  	s7 =	sadd.s32 s8, s7;
	s19 =	ssub.s32 s31, s10;
	s2 =	sshrl.u32 s11, $0x3  }
.Ltmp0:
0xc: {  	s7 =	sshrl.u32 s7, $0x3;
	s16 =	sadd.s32 s4, s2;
	(pc) =	sbr.rel .LBB2_1-.Ltmp0, $4  }
0xd: {  	s17 =	sadd.s32 s5, s2;
	s0 =	sadd.s32 s7, s0;
	s7 =	sadd.s32 s9, s1  }
0xe: {  	s19 =	smax.u32 s19, $0x1;
	s8 =	sadd.s32 $0x2800, s7;
	s9 =	sadd.s32 $0x5000, s7  }
0xf: {  	s10 =	sadd.s32 $0x7800, s7;
	s12 =	sadd.s32 $0xA000, s7;
	s13 =	sadd.s32 $0xC800, s7  }
0x10: {  	v0 =	vimm.f32 $0.0e+00;
	s14 =	sadd.s32 $0xF000, s7;
	s15 =	sadd.s32 $0x11800, s7;
	s18 =	sadd.s32 $0x86800, s0  }
.LBB2_12:
0x11: {  	_ =	swait.ge [sflag:s29], $0x2800  }
0x12: {  	[sflag:s29] =	ssyncset.done $0x0  }
0x13: {  	[sflag:s29] =	ssyncadd.s32 $0xFFFFD800  }
0x14: {  	s0 =	stileid.u32;
	_ =	swait.ge [sflag:s29], $0x2800  }
0x15: {  	s2 =	sshrl.u32 s7, $0x3;
	s3 =	sadd.s32 $0x1, s3;
	[sflag:s29] =	ssyncset.done $0x0  }
0x16: {  	s0 =	sshll.u32 s0, $0x6;
	p0 =	sne.s32 s3, s19;
	[sflag:s29] =	ssyncadd.s32 $0xFFFFD800  }
.Ltmp1:
0x17: {  	s0 =	sor.u32 $0x1C04, s0;
	[bflag:$0x0] =	sbarrier.arrive $0xFFFF;
	(pc) =	sbr.rel @!p0 .LBB2_13-.Ltmp1, $4  }
0x18: {  	[hbm:s18], [sflag:s0] =	dma.local [spmem:s2], $0x2800  }
0x19: {  	_ =	swait.ge [sflag:s21], $0x2800  }
0x1a: {  	[sflag:s21] =	ssyncset.done $0x0  }
0x1b: {  	[sflag:s21] =	ssyncadd.s32 $0xFFFFD800  }
.LBB2_1:
0x1c: {  	s0 =	simm.s32 $0x0;
	s2 =	simm.s32 $0x200  }
.LBB2_2:
0x1d: {  	p0 =	sne.s32 s2, $0x9E00;
	[tilespmem:s0+$0x1070] =	vst v0  }
0x1e: {  	[tilespmem:s0+$0x1000] =	vst v0  }
0x1f: {  	[tilespmem:s0+$0x1010] =	vst v0  }
.Ltmp2:
0x20: {  	[tilespmem:s0+$0x1020] =	vst v0;
	(pc) =	sbr.rel @p0 .LBB2_2-.Ltmp2, $4  }
0x21: {  	[tilespmem:s0+$0x1030] =	vst v0  }
0x22: {  	[tilespmem:s0+$0x1040] =	vst v0  }
0x23: {  	[tilespmem:s0+$0x1050] =	vst v0  }
0x24: {  	[tilespmem:s0+$0x1060] =	vst v0;
	s0 =	sshra.s32 s2, $0x2;
	s2 =	sadd.s32 $0x200, s2  }
0x25: {  	[tilespmem:s0+$0x1070] =	vst v0  }
0x26: {  	[tilespmem:s0+$0x1000] =	vst v0  }
0x27: {  	[tilespmem:s0+$0x1010] =	vst v0  }
0x28: {  	[tilespmem:s0+$0x1020] =	vst v0  }
0x29: {  	[tilespmem:s0+$0x1030] =	vst v0  }
0x2a: {  	[tilespmem:s0+$0x1040] =	vst v0  }
0x2b: {  	[tilespmem:s0+$0x1050] =	vst v0  }
0x2c: {  	[tilespmem:s0+$0x1060] =	vst v0  }
0x2d: {  	[spmem:s7] =	stream.linear.scatter [tilespmem:s20], [sflag:$0x4], $0x2800, $0x38;
	[tilespmem:$0x1F000] =	vst v63  }
0x2e: {  	_ =	swait.ge [sflag:s21], $0x2800  }
0x2f: {  	[sflag:s21] =	ssyncset.done $0x0  }
0x30: {  	[sflag:s21] =	ssyncadd.s32 $0xFFFFD800  }
0x31: {  	[spmem:s8] =	stream.linear.scatter [tilespmem:s20], [sflag:$0x4], $0x2800, $0x38;
	[tilespmem:$0x1F000] =	vst v63  }
0x32: {  	_ =	swait.ge [sflag:s21], $0x2800  }
0x33: {  	[sflag:s21] =	ssyncset.done $0x0  }
0x34: {  	[sflag:s21] =	ssyncadd.s32 $0xFFFFD800  }
0x35: {  	[spmem:s9] =	stream.linear.scatter [tilespmem:s20], [sflag:$0x4], $0x2800, $0x38;
	[tilespmem:$0x1F000] =	vst v63  }
0x36: {  	_ =	swait.ge [sflag:s21], $0x2800  }
0x37: {  	[sflag:s21] =	ssyncset.done $0x0  }
0x38: {  	[sflag:s21] =	ssyncadd.s32 $0xFFFFD800  }
0x39: {  	[spmem:s10] =	stream.linear.scatter [tilespmem:s20], [sflag:$0x4], $0x2800, $0x38;
	[tilespmem:$0x1F000] =	vst v63  }
0x3a: {  	_ =	swait.ge [sflag:s21], $0x2800  }
0x3b: {  	[sflag:s21] =	ssyncset.done $0x0  }
0x3c: {  	[sflag:s21] =	ssyncadd.s32 $0xFFFFD800  }
0x3d: {  	[spmem:s12] =	stream.linear.scatter [tilespmem:s20], [sflag:$0x4], $0x2800, $0x38;
	[tilespmem:$0x1F000] =	vst v63  }
0x3e: {  	_ =	swait.ge [sflag:s21], $0x2800  }
0x3f: {  	[sflag:s21] =	ssyncset.done $0x0  }
0x40: {  	[sflag:s21] =	ssyncadd.s32 $0xFFFFD800  }
0x41: {  	[spmem:s13] =	stream.linear.scatter [tilespmem:s20], [sflag:$0x4], $0x2800, $0x38;
	[tilespmem:$0x1F000] =	vst v63  }
0x42: {  	_ =	swait.ge [sflag:s21], $0x2800  }
0x43: {  	[sflag:s21] =	ssyncset.done $0x0  }
0x44: {  	[sflag:s21] =	ssyncadd.s32 $0xFFFFD800  }
0x45: {  	[spmem:s14] =	stream.linear.scatter [tilespmem:s20], [sflag:$0x4], $0x2800, $0x38;
	[tilespmem:$0x1F000] =	vst v63  }
0x46: {  	_ =	swait.ge [sflag:s21], $0x2800  }
0x47: {  	[sflag:s21] =	ssyncset.done $0x0  }
0x48: {  	[sflag:s21] =	ssyncadd.s32 $0xFFFFD800  }
0x49: {  	[spmem:s15] =	stream.linear.scatter [tilespmem:s20], [sflag:$0x4], $0x2800, $0x38;
	[tilespmem:$0x1F000] =	vst v63  }
0x4a: {  	_ =	swait.ge [sflag:s21], $0x2800  }
0x4b: {  	[sflag:s21] =	ssyncset.done $0x0  }
0x4c: {  	[sflag:s21] =	ssyncadd.s32 $0xFFFFD800  }
0x4d: {  	s30 =	simm.s32 $0x0;
	[bflag:$0x0] =	sbarrier.arrive $0xFFFF  }
0x4e: {  	[tilespmem:s30], [sflag:$0x4] =	stream.linear.gather [hbm4b:s16+s30], $0x400, $0x38;
	[tilespmem:$0x1F000] =	vst v63  }
0x4f: {  	_ =	swait.ge [sflag:s21], $0x400  }
0x50: {  	[sflag:s21] =	ssyncset.done $0x0  }
0x51: {  	s25 =	simm.s32 $0x800;
	[sflag:s21] =	ssyncadd.s32 $0xFFFFFC00  }
0x52: {  	[tilespmem:s25], [sflag:$0x4] =	stream.linear.gather [hbm4b:s17+s30], $0x400, $0x38;
	[tilespmem:$0x1F000] =	vst v63  }
0x53: {  	_ =	swait.ge [sflag:s21], $0x400  }
.Ltmp3:
0x54: {  	[sflag:s21] =	ssyncset.done $0x0;
	(pc) =	sbr.rel .LBB2_4-.Ltmp3, $4  }
0x55: {  	[sflag:s21] =	ssyncadd.s32 $0xFFFFFC00  }
0x56: {  	[tilespmem:s20], [sflag:$0x1] =	stream.indirect.gather [hbm4b:s6+s23], $0x80, s30, s23, $0xb8;
	[tilespmem:$0x1F000] =	vst v63  }
0x57: {  	s31 =	simm.s32 $0x80;
	s2 =	simm.s32 $0x3800  }
0x58: {  	[tilespmem:s2], [sflag:$0x1] =	stream.indirect.gather [hbm4b:s6+s23], $0x80, s31, s23, $0xb8;
	[tilespmem:$0x1F000] =	vst v63  }
.LBB2_8:
0x59: {  	_ =	swait.ge [sflag:s28], $0x400  }
0x5a: {  	[sflag:s28] =	ssyncset.done $0x0  }
0x5b: {  	[sflag:s28] =	ssyncadd.s32 $0xFFFFFC00  }
0x5c: {  	_ =	swait.ge [sflag:s28], $0x400  }
0x5d: {  	[sflag:s28] =	ssyncset.done $0x0  }
0x5e: {  	s2 =	sadd.s32 $0x2, s30;
	[sflag:s28] =	ssyncadd.s32 $0xFFFFFC00  }
.LBB2_10:
0x5f: {  	s22 =	sand.u32 $0x2, s2  }
0x60: {  	s22 =	smul.u32 $0xA000, s22;
	_ =	sdelay $0x1  }
0x61: {  	s24 =	sshll.u32 s2, $0x7;
	s22 =	sshrl.u32 s22, $0x2  }
0x62: {  	s24 =	sand.u32 $0x700, s24;
	s22 =	sadd.s32 $0x1000, s22  }
0x63: {  	[tilespmem:s22], [sflag:$0x1] =	stream.indirect.gather [hbm4b:s6+s23], $0x80, s24, s23, $0xb8;
	[tilespmem:$0x1F000] =	vst v63  }
.LBB2_11:
0x64: {  	s22 =	sand.u32 $0x2, s30  }
0x65: {  	s0 =	sshll.u32 s0, $0xA;
	s22 =	smul.u32 $0xA000, s22  }
0x66: {  	s24 =	sshll.u32 s31, $0x7;
	s0 =	sand.u32 $0x400, s0  }
0x67: {  	s0 =	sor.u32 s24, s0;
	s22 =	sshrl.u32 s22, $0x2  }
0x68: {  	s0 =	sor.u32 $0x800, s0;
	s22 =	sadd.s32 $0x1000, s22  }
0x69: {  	[spmem:s1] =	stream.indirect.scatter.add.f32 [tilespmem:s22], [sflag:$0x2], $0x80, s0, s23, $0xb8;
	[tilespmem:$0x1F000] =	vst v63  }
0x6a: {  	s0 =	simm.s32 @!p0 $0x2  }
0x6b: {  	p1 =	sgt.u32 s30, $0x7C;
	_ =	swait.ge @!p0 [sflag:s0], $0x2800  }
0x6c: {  	s22 =	sadd.s32 @!p1 $0x3, s30;
	[sflag:s0] =	ssyncset.done @!p0 $0x0  }
0x6d: {  	s24 =	sor.u32 $0x1, s30;
	[sflag:s0] =	ssyncadd.s32 @!p0 $0xFFFFD800;
	s0 =	sand.u32 @!p1 $0x3, s22  }
0x6e: {  	s31 =	simm.s32 @!p1 $0x50;
	s25 =	sand.u32 $0x3, s24;
	s0 =	smul.u32 @!p1 $0xA000, s0  }
0x6f: {  	s25 =	smul.u32 $0xA000, s25;
	s22 =	sshll.u32 @!p1 s22, $0x7;
	_ =	swait.ge [sflag:s26], $0x2800  }
0x70: {  	p0 =	slt.u32 s2, $0x80;
	[sflag:s26] =	ssyncset.done $0x0;
	s0 =	sshrl.u32 @!p1 s0, $0x2  }
0x71: {  	s22 =	sand.u32 @!p1 $0x780, s22;
	[sflag:s26] =	ssyncadd.s32 $0xFFFFD800;
	s0 =	sadd.s32 @!p1 $0x1000, s0  }
0x72: {  	[tilespmem:s0], [sflag:$0x1] =	stream.indirect.gather @!p1 [hbm4b:s6+s31], $0x80, s22, s31, $0xb8;
	[tilespmem:$0x1F000] =	vst v63  }
.Ltmp4:
0x73: {  	s24 =	sshll.u32 s24, $0x7;
	s31 =	sshll.u32 s30, $0x7;
	(pc) =	sbr.rel @!p0 .LBB2_12-.Ltmp4, $4  }
0x74: {  	s24 =	sand.u32 $0x380, s24;
	s22 =	sand.u32 $0x400, s31  }
0x75: {  	s0 =	sshrl.u32 s25, $0x2;
	s22 =	sor.u32 s24, s22  }
0x76: {  	s30 =	smov.u32 s2;
	s0 =	sadd.s32 $0x1000, s0;
	s22 =	sor.u32 $0x800, s22  }
0x77: {  	[spmem:s1] =	stream.indirect.scatter.add.f32 [tilespmem:s0], [sflag:$0x2], $0x80, s22, s23, $0xb8;
	[tilespmem:$0x1F000] =	vst v63  }
.LBB2_4:
0x78: {  	s31 =	sand.u32 $0x6, s30;
	p1 =	sgt.u32 s30, $0x77  }
0x79: {  	p0 =	sne.s32 @!p1 s31, $0x0  }
0x7a: {  	s0 =	sshrl.u32 s30, $0x3;
	p0 =	por p1, p0  }
0x7b: {  	s2 =	sshll.u32 @!p0 s0, $0xA  }
0x7c: {  	p2 =	seq.s32 @!p0 s30, $0x0;
	s2 =	sadd.s32 @!p0 $0x400, s2  }
0x7d: {  	p2 =	por p0, !p2;
	s22 =	sadd.s32 @!p0 s11, s2  }
.Ltmp5:
0x7e: {  	s22 =	sshrl.u32 @!p0 s22, $0x3;
	(pc) =	sbr.rel @!p2 .LBB2_5-.Ltmp5, $4  }
0x7f: {  	s25 =	simm.s32 @!p0 $0x0;
	s2 =	sand.u32 @!p0 $0x400, s2;
	s24 =	sadd.s32 @!p0 s4, s22  }
0x80: {  	[tilespmem:s2], [sflag:$0x3] =	stream.linear.gather @!p0 [hbm4b:s24+s25], $0x400, $0x38;
	[tilespmem:$0x1F000] =	vst v63  }
0x81: {  	s22 =	sadd.s32 @!p0 s5, s22;
	s2 =	sor.u32 @!p0 $0x800, s2  }
0x82: {  	[tilespmem:s2], [sflag:$0x3] =	stream.linear.gather @!p0 [hbm4b:s22+s25], $0x400, $0x38;
	[tilespmem:$0x1F000] =	vst v63  }
.Ltmp6:
0x83: {  	(pc) =	sbr.rel .LBB2_7-.Ltmp6, $4  }
0x84: {  	_ = 	snop  }
0x85: {  	_ =	swait.ge [sflag:s29], $0x2800  }
0x86: {  	[sflag:s29] =	ssyncset.done $0x0  }
0x87: {  	p0 =	por $0x0, $0x0;
	[sflag:s29] =	ssyncadd.s32 $0xFFFFD800  }
.LBB2_5:
0x88: {  	p0 =	por @!p0 $0x1, $0x1  }
.LBB2_7:
0x89: {  	p2 =	sne.s32 @!p1 s31, $0x6  }
0x8a: {  	p1 =	por p1, p2  }
.Ltmp7:
0x8b: {  	_ = 	snop;
	(pc) =	sbr.rel @!p1 .LBB2_8-.Ltmp7, $4  }
0x8c: {  	_ = 	snop  }
0x8d: {  	_ =	swait.ge [sflag:s26], $0x2800  }
0x8e: {  	[sflag:s26] =	ssyncset.done $0x0  }
0x8f: {  	[sflag:s26] =	ssyncadd.s32 $0xFFFFD800  }
0x90: {  	p1 =	sgt.u32 s30, $0x7D  }
.Ltmp8:
0x91: {  	_ = 	snop;
	(pc) =	sbr.rel @p1 .LBB2_11-.Ltmp8, $4  }
.Ltmp9:
0x92: {  	_ = 	snop;
	(pc) =	sbr.rel @!p1 .LBB2_10-.Ltmp9, $4  }
0x93: {  	_ = 	snop  }
0x94: {  	_ = 	snop  }
0x95: {  	s2 =	sadd.s32 $0x2, s30  }
0x96: {  	_ = 	snop  }
.LBB2_13:
0x97: {  	_ =	sfence.sel $0x180000  }
0x98: {  	[bflag:$0x0] =	sbarrier.arrive $0xFFFF  }
0x99: {  	_ =	strace $0x9000004A  }
0x9a: {  	s0 =	stileid.u32;
	[bflag:$0x2] =	sbarrier.arrive $0xFFFF  }
0x9b: {  	p0 =	sne.s32 s0, $0x0;
	s0 =	rddreg [dreg:$0x2]  }
0x9c: {  	s0 =	sadd.s32 @!p0 $0x100000, s0  }
0x9d: {  	[sflag:s0] =	ssyncadd.tile.s32 @!p0 $0x1;
	_ =	shalt  }
.Lfunc_end2:
_tile_overlayer_lowered:
.L_overlay_start_2:
0x9e: {  	(tag) =	ssettag $0x2  }
0x9f: {  	s0 =	rddreg [dreg:$0x0];
	s2 =	stileid.u32  }
0xa0: {  	s1 =	rddreg [dreg:$0x1];
	p0 =	sne.s32 s2, $0x0  }
0xa1: {  	s3 =	rddreg [dreg:$0x2];
	[bflag:$0x3] =	sbarrier.arrive $0xFFFF;
	s2 =	simm.s32 @!p0 $0x1C04  }
0xa2: {  	[timem:s3], [sflag:s2] =	dma.local @!p0 [hbm:s0], s1  }
0xa3: {  	s0 =	simm.s32 @!p0 $0x4  }
0xa4: {  	_ =	swait.ge @!p0 [sflag:s0], s1  }
0xa5: {  	s1 =	ssub.s32 @!p0 $0x0, s1;
	[sflag:s0] =	ssyncset.done @!p0 $0x0  }
0xa6: {  	[sflag:s0] =	ssyncadd.s32 @!p0 s1  }
0xa7: {  	[bflag:$0x3] =	sbarrier.arrive $0xFFFF  }
0xa8: {  	_ =	shalt  }

// kernel: kernel.13.cloned.1.call-start
scs
__scs_entry_jumppad:
0x0: {  	(pc) =	sbr.rel $0x88, $3  }
0x1: {  	(tag) =	ssettag $0x0;
	lr =	simm.s32 $0x1  }
0x2: {  	[smem:$0x3F9B] =	sst lr;
	_ =	strace $0xD0000000  }
0x3: {  	_ = 	snop  }
0x4: {  	_ = 	snop  }
0x5: {  	_ = 	snop  }
0x6: {  	_ = 	snop  }
0x7: {  	_ = 	snop  }
__scs_overlays_trampoline_lowered:
0x8: {  	[smem:$0x3FAA] =	sst s0  }
0x9: {  	[smem:$0x3FAB] =	sst s1  }
0xa: {  	[smem:$0x3FAC] =	sst s2  }
0xb: {  	[smem:$0x3FAD] =	sst s3  }
0xc: {  	[smem:$0x3FAE] =	sst s4  }
0xd: {  	[smem:$0x3FAF] =	sst s5  }
0xe: {  	[smem:$0x3FB0] =	sst s6  }
0xf: {  	[smem:$0x3FB1] =	sst s7  }
0x10: {  	[smem:$0x3FB2] =	sst s8  }
0x11: {  	[smem:$0x3FB3] =	sst s9;
	s0 =	simm.s32 @!p0 $0x0  }
0x12: {  	s1 =	sld [smem:$0x3F99];
	s0 =	simm.s32 @p0 $0x1  }
0x13: {  	[smem:$0x3FB4] =	sst s0;
	s0 =	simm.s32 @!p1 $0x0  }
0x14: {  	s2 =	sld [smem:$0x3F98];
	s0 =	simm.s32 @p1 $0x1  }
0x15: {  	[smem:$0x3FB5] =	sst s0;
	s0 =	simm.s32 @!p2 $0x0  }
0x16: {  	s3 =	sld [smem:$0x3FDB];
	s0 =	simm.s32 @p2 $0x1  }
0x17: {  	s4 =	simm.s32 $0x1BF5;
	[smem:$0x3FB7] =	sst s0  }
0x18: {  	s0 =	sld [smem:$0x3F9A];
	_ =	swait.ge [sflag:s4], $0x0  }
0x19: {  	s7 =	sld [smem:$0x3F9B]  }
0x1a: {  	s8 =	sadd.s32 $0xFFFFE003, lr  }
0x1b: {  	s9 =	sadd.s32 $0xFFFFFEF7, lr;
	s5 =	simm.s32 $0xFFFFFFFF;
	p2 =	slt.u32 s8, $0xFFFFF086  }
0x1c: {  	p1 =	slt.u32 s9, $0xF7A;
	s5 =	simm.s32 @!p2 $0x0  }
0x1d: {  	s5 =	simm.s32 @p1 $0x1;
	p0 =	seq.s32 s7, s2  }
0x1e: {  	s7 =	smul.u32 @!p0 $0xF7A, s2;
	p2 =	seq.s32 @!p0 s5, $0x0  }
0x1f: {  	s9 =	smul.u32 $0xF7A, s1;
	s8 =	simm.s32 @!p0 $0x1BF5;
	p2 =	por !p2, p0  }
0x20: {  	[sflag:s8] =	ssyncset.s32 @!p0 $0xFFFFF086;
	s6 =	sadd.s32 @!p0 s3, s7;
	s7 =	simm.s32 @!p0 $0x108  }
0x21: {  	s3 =	sadd.s32 s3, s9;
	s6 =	sadd.s32 @!p0 $0x88, s6;
	s7 =	simm.s32 @p2 $0x1082  }
0x22: {  	[simem:s7], [sflag:s8] =	dma.local @!p0 [hbm:s6], $0xF7A  }
0x23: {  	s9 =	sor.u32 $0xD0000000, s2;
	s6 =	simm.s32 $0x108;
	_ =	swait.ge @!p0 [sflag:s8], $0x0  }
0x24: {  	s3 =	sadd.s32 $0x88, s3;
	s6 =	simm.s32 @!p1 $0x1082;
	[sflag:s4] =	ssyncset.s32 $0xFFFFF086  }
0x25: {  	[simem:s6], [sflag:s4] =	dma.local [hbm:s3], $0xF7A  }
0x26: {  	[smem:$0x3F9B] =	sst s1;
	(tag) =	ssettag s2;
	_ =	strace s9  }
0x27: {  	s1 =	sld [smem:$0x3FAB]  }
0x28: {  	s2 =	sld [smem:$0x3FAC]  }
0x29: {  	s4 =	sld [smem:$0x3FAE]  }
0x2a: {  	p0 =	seq.s32 s5, $0x0;
	s5 =	sld [smem:$0x3FAF]  }
0x2b: {  	s6 =	sld [smem:$0x3FB0]  }
0x2c: {  	s7 =	sld [smem:$0x3FB1]  }
0x2d: {  	s3 =	simm.s32 $0x108;
	s8 =	sld [smem:$0x3FB2]  }
0x2e: {  	s3 =	simm.s32 @!p0 $0x1082;
	s9 =	sld [smem:$0x3FB3]  }
0x2f: {  	lr =	sadd.s32 s0, s3;
	s0 =	sld [smem:$0x3FAA]  }
0x30: {  	s3 =	sld [smem:$0x3FAD]  }
0x31: {  	[smem:$0x3FB6] =	sst s10  }
0x32: {  	s10 =	sld [smem:$0x3FB4];
	_ =	sdelay $0x3  }
0x33: {  	p0 =	seq.s32 s10, $0x1;
	s10 =	sld [smem:$0x3FB6];
	_ =	sdelay $0x3  }
0x34: {  	[smem:$0x3FB6] =	sst s10  }
0x35: {  	s10 =	sld [smem:$0x3FB5];
	_ =	sdelay $0x3  }
0x36: {  	p1 =	seq.s32 s10, $0x1;
	s10 =	sld [smem:$0x3FB6];
	_ =	sdelay $0x3  }
0x37: {  	[smem:$0x3FB6] =	sst s10  }
0x38: {  	s10 =	sld [smem:$0x3FB7]  }
0x39: {  	_ = 	snop;
	(pc) =	sbr.ind lr, $3  }
0x3a: {  	_ = 	snop  }
0x3b: {  	_ = 	snop  }
0x3c: {  	p2 =	seq.s32 s10, $0x1;
	s10 =	sld [smem:$0x3FB6]  }
0x3d: {  	_ =	shalt  }
0x3e: {  	_ =	shalt  }
0x3f: {  	_ =	shalt  }
0x40: {  	_ =	shalt  }
0x41: {  	_ =	shalt  }
0x42: {  	_ =	shalt  }
0x43: {  	_ =	shalt  }
0x44: {  	_ =	shalt  }
0x45: {  	_ =	shalt  }
0x46: {  	_ =	shalt  }
0x47: {  	_ =	shalt  }
0x48: {  	_ =	shalt  }
0x49: {  	_ =	shalt  }
0x4a: {  	_ =	shalt  }
0x4b: {  	_ =	shalt  }
0x4c: {  	_ =	shalt  }
0x4d: {  	_ =	shalt  }
0x4e: {  	_ =	shalt  }
0x4f: {  	_ =	shalt  }
0x50: {  	_ =	shalt  }
0x51: {  	_ =	shalt  }
0x52: {  	_ =	shalt  }
0x53: {  	_ =	shalt  }
0x54: {  	_ =	shalt  }
0x55: {  	_ =	shalt  }
0x56: {  	_ =	shalt  }
0x57: {  	_ =	shalt  }
0x58: {  	_ =	shalt  }
0x59: {  	_ =	shalt  }
0x5a: {  	_ =	shalt  }
0x5b: {  	_ =	shalt  }
0x5c: {  	_ =	shalt  }
0x5d: {  	_ =	shalt  }
0x5e: {  	_ =	shalt  }
0x5f: {  	_ =	shalt  }
0x60: {  	_ =	shalt  }
0x61: {  	_ =	shalt  }
0x62: {  	_ =	shalt  }
0x63: {  	_ =	shalt  }
0x64: {  	_ =	shalt  }
0x65: {  	_ =	shalt  }
0x66: {  	_ =	shalt  }
0x67: {  	_ =	shalt  }
0x68: {  	_ =	shalt  }
0x69: {  	_ =	shalt  }
0x6a: {  	_ =	shalt  }
0x6b: {  	_ =	shalt  }
0x6c: {  	_ =	shalt  }
0x6d: {  	_ =	shalt  }
0x6e: {  	_ =	shalt  }
0x6f: {  	_ =	shalt  }
0x70: {  	_ =	shalt  }
0x71: {  	_ =	shalt  }
0x72: {  	_ =	shalt  }
0x73: {  	_ =	shalt  }
0x74: {  	_ =	shalt  }
0x75: {  	_ =	shalt  }
0x76: {  	_ =	shalt  }
0x77: {  	_ =	shalt  }
0x78: {  	_ =	shalt  }
0x79: {  	_ =	shalt  }
0x7a: {  	_ =	shalt  }
0x7b: {  	_ =	shalt  }
0x7c: {  	_ =	shalt  }
0x7d: {  	_ =	shalt  }
0x7e: {  	_ =	shalt  }
0x7f: {  	_ =	shalt  }
0x80: {  	_ =	shalt  }
0x81: {  	_ =	shalt  }
0x82: {  	_ =	shalt  }
0x83: {  	_ =	shalt  }
0x84: {  	_ =	shalt  }
0x85: {  	_ =	shalt  }
0x86: {  	_ =	shalt  }
0x87: {  	_ =	shalt  }
.Lfunc_end0:
.L_simem_size_0:
called_computation.2_lowered:
.L_overlay_start_0:
0x88: {  	s2 =	sld [smem:$0x3FD9]  }
0x89: {  	s3 =	sld [smem:$0x3FFE];
	_ =	sdelay $0x1  }
0x8a: {  	s1 =	srdreg.scid  }
0x8b: {  	s0 =	sand.u32 $0x1, s1  }
0x8c: {  	s16 =	sshll.u32 s0, $0xA;
	s2 =	sadd.s32 s3, s2  }
0x8d: {  	s2 =	sadd.s32 s2, s16  }
0x8e: {  	[smem:$0x3FC2] =	sst s2  }
0x8f: {  	_ = 	snop  }
0x90: {  	(tm) =	ssettm $0x1  }
0x91: {  	s17 =	sld [smem:$0x3FFB];
	_ =	sdelay $0x3  }
0x92: {  	_ =	strace s17  }
0x93: {  	s2 =	sld [smem:$0x3FFC];
	_ =	sdelay $0x3  }
0x94: {  	_ =	strace s2  }
0x95: {  	s2 =	sld [smem:$0x3FFD];
	_ =	sdelay $0x3  }
0x96: {  	_ =	strace s2  }
0x97: {  	_ =	strace $0x8FFFFFFF  }
0x98: {  	s18 =	sld [smem:$0x3FDB];
	_ =	sdelay $0x1  }
0x99: {  	s19 =	simm.s32 $_scs_section_size  }
0x9a: {  	s4 =	simm.s32 $_size__tile_overlayer_lowered;
	s5 =	simm.s32 $_tile_overlayer_lowered  }
0x9b: {  	s22 =	simm.s32 $0x1BFF;
	s21 =	sshll.u32 s5, $0x1;
	s2 =	sadd.s32 s19, s18  }
0x9c: {  	s6 =	simm.s32 $0x0;
	s20 =	sshll.u32 s4, $0x1;
	s4 =	sadd.s32 s21, s2  }
0x9d: {  	[timem:s6], [sflag:s22] =	dma.local [hbm:s4], s20  }
0x9e: {  	_ =	swait.ge [sflag:s22], s20  }
0x9f: {  	s3 =	ssub.s32 $0x0, s20;
	[sflag:s22] =	ssyncset.done $0x0  }
0xa0: {  	[sflag:s22] =	ssyncadd.s32 s3;
	_ =	sdelay $0x1  }
0xa1: {  	s23 =	simm.s32 $0x1B8B  }
0xa2: {  	_ =	swait.ge [sflag:s23], $0x1  }
0xa3: {  	[sflag:s23] =	ssyncset.done $0x0  }
0xa4: {  	s25 =	simm.s32 $0x1B8E;
	s24 =	sld [smem:$0x3FFE];
	[sflag:s23] =	ssyncadd.s32 $0xFFFFFFFF  }
0xa5: {  	s26 =	simm.s32 $execute0_lowered;
	[smem:$0x3FD2] =	sst s25  }
0xa6: {  	s4 =	sshll.u32 s26, $0x1;
	_ =	strace $0x8000004C;
	[dreg:$0x1] =	wrdreg $0xFFFFFFFF  }
0xa7: {  	s28 =	simm.s32 $_size_execute0_lowered;
	s2 =	sadd.s32 s2, s4;
	[dreg:$0x0] =	wrdreg $0x0  }
0xa8: {  	s4 =	sshll.u32 s28, $0x1;
	[dreg:$0x2] =	wrdreg s2  }
0xa9: {  	[dreg:$0x3] =	wrdreg s4  }
0xaa: {  	[dreg:$0x4] =	wrdreg $0xC0  }
0xab: {  	_ =	task [dreg:s6], $0x5FFFF  }
0xac: {  	[dreg:$0x1] =	wrdreg $0xFFFFFFFF  }
0xad: {  	[dreg:$0x0] =	wrdreg $0x60  }
0xae: {  	[dreg:$0x2] =	wrdreg s24  }
0xaf: {  	[dreg:$0x3] =	wrdreg $0xAB800  }
0xb0: {  	[dreg:$0x4] =	wrdreg $0xAE000  }
0xb1: {  	[dreg:$0x5] =	wrdreg $0x9  }
0xb2: {  	_ =	task.clear_ibuf [dreg:s6], $0x6FFFF;
	_ =	strace $0x9000004C  }
0xb3: {  	s29 =	simm.s32 $0x9;
	_ =	strace $0x8000004E  }
0xb4: {  	_ =	swait.ge [sflag:s29], $0x1  }
0xb5: {  	[sflag:s29] =	ssyncadd.s32 $0xFFFFFFFF  }
0xb6: {  	_ =	strace $0x9000004E  }
0xb7: {  	_ =	sfence  }
0xb8: {  	s30 =	sld [smem:$0x0];
	_ =	sdelay $0x2  }
0xb9: {  	s31 =	sshll.u32 s1, $0xD;
	s1 =	sshrl.u32 s1, $0x2  }
0xba: {  	s3 =	sand.u32 $0x4000, s31;
	s1 =	sadd.s32 s1, s30  }
0xbb: {  	s0 =	sor.u32 s3, s0;
	s1 =	sshll.u32 s1, $0x11  }
0xbc: {  	s0 =	sor.u32 s1, s0  }
0xbd: {  	s0 =	sadd.s32 $0x8F2B, s0  }
0xbe: {  	[sflag:s0] =	ssyncadd.remote.s32 $0x1  }
0xbf: {  	_ =	sfence.sel $0xFFFF  }
0xc0: {  	[dreg:$0x0] =	wrdreg $0xFFFFFFFF;
	(pc) =	sbr.abs _section_cstart, $3  }
0xc1: {  	[dreg:$0x1] =	wrdreg $0xFFFFFFFF  }
0xc2: {  	_ =	task.clear_ibuf [dreg:s6], $0x2FFFF;
	_ =	strace $0x9FFFFFFF  }
0xc3: {  	(tm) =	ssettm $0x7FFFFFFF  }
tec
execute0_lowered:
.L_overlay_start_1:
0x0: {  	(tag) =	ssettag $0x1  }
0x1: {  	s0 =	rddreg [dreg:$0x0]  }
0x2: {  	s1 =	rddreg [dreg:$0x1];
	s17 =	stileid.u32  }
0x3: {  	s4 =	srdreg.scid;
	s3 =	rddreg [dreg:$0x2]  }
0x4: {  	s15 =	simm.s32 $0xA400;
	s16 =	simm.s32 $0x3;
	s19 =	simm.s32 $0x80  }
0x5: {  	s22 =	simm.s32 $0x1;
	s23 =	simm.s32 $0x2;
	s2 =	smul.u32 $0xA00, s17  }
0x6: {  	s28 =	simm.s32 $0xA980;
	s29 =	simm.s32 $0x0;
	s7 =	smul.u32 $0x280, s17  }
0x7: {  	s5 =	sand.u32 $0x1, s4;
	s4 =	simm.s32 $0x0;
	s8 =	smul.u32 $0x140, s17  }
0x8: {  	s31 =	sshll.u32 s17, $0x6;
	s6 =	smul.u32 $0x1400, s5;
	[smem:$0x7FF] =	sst s4  }
0x9: {  	s30 =	ssub.s32 $0x2, s5;
	s5 =	sadd.s32 $0x16A00, s0;
	s17 =	sor.u32 $0x1C03, s31  }
0xa: {  	_ =	strace $0x8000004D;
	s2 =	sadd.s32 s2, s0;
	s9 =	sshrl.u32 s7, $0x3  }
0xb: {  	s10 =	sshrl.u32 s30, $0x1;
	s18 =	sadd.s32 s7, s3;
	s9 =	sadd.s32 s9, s0  }
.Ltmp0:
0xc: {  	s11 =	sadd.s32 s8, s6;
	s14 =	ssub.s32 s30, s10;
	(pc) =	sbr.rel .LBB2_1-.Ltmp0, $4  }
0xd: {  	s6 =	sadd.s32 s7, s1;
	s18 =	sshrl.u32 s18, $0x3;
	s8 =	sshrl.u32 s11, $0x3  }
0xe: {  	s7 =	sadd.s32 $0x16400, s9;
	s9 =	sadd.s32 $0x1E00, s2;
	s10 =	sadd.s32 s11, s1  }
0xf: {  	s11 =	sadd.s32 s11, s3;
	s14 =	smax.u32 s14, $0x1;
	s0 =	sadd.s32 s8, s0  }
0x10: {  	v0 =	vimm.f32 $0.0e+00;
	s8 =	sadd.s32 $0xBE00, s2;
	s12 =	sadd.s32 $0x15E00, s0;
	s13 =	sadd.s32 $0x16C00, s0  }
.LBB2_8:
0x11: {  	_ =	swait.ge [sflag:s23], $0x80  }
0x12: {  	[sflag:s23] =	ssyncset.done $0x0  }
0x13: {  	[sflag:s23] =	ssyncadd.s32 $0xFFFFFF80  }
0x14: {  	_ =	swait.ge [sflag:s23], $0x80  }
0x15: {  	[sflag:s23] =	ssyncset.done $0x0  }
0x16: {  	[sflag:s23] =	ssyncadd.s32 $0xFFFFFF80  }
0x17: {  	_ =	swait.ge [sflag:s23], $0x80  }
0x18: {  	[sflag:s23] =	ssyncset.done $0x0  }
0x19: {  	[sflag:s23] =	ssyncadd.s32 $0xFFFFFF80  }
0x1a: {  	_ =	swait.ge [sflag:s23], $0x80  }
0x1b: {  	[sflag:s23] =	ssyncset.done $0x0  }
0x1c: {  	[sflag:s23] =	ssyncadd.s32 $0xFFFFFF80  }
0x1d: {  	_ =	swait.ge [sflag:s23], $0x80  }
0x1e: {  	[sflag:s23] =	ssyncset.done $0x0  }
0x1f: {  	[sflag:s23] =	ssyncadd.s32 $0xFFFFFF80  }
0x20: {  	_ =	swait.ge [sflag:s23], $0x80  }
0x21: {  	[sflag:s23] =	ssyncset.done $0x0  }
0x22: {  	[sflag:s23] =	ssyncadd.s32 $0xFFFFFF80  }
0x23: {  	s0 =	simm.s32 $0xA680;
	[bflag:$0x0] =	sbarrier.arrive $0xFFFF  }
0x24: {  	[tilespmem:s0], [sflag:$0x3] =	stream.linear.gather [spmem:s10], $0x140, $0x38;
	[tilespmem:$0xB080] =	vst v63  }
0x25: {  	_ =	swait.ge [sflag:s16], $0x140  }
0x26: {  	[sflag:s16] =	ssyncset.done $0x0  }
0x27: {  	[sflag:s16] =	ssyncadd.s32 $0xFFFFFEC0  }
0x28: {  	[tilespmem:s15], [sflag:$0x3] =	stream.linear.gather [spmem:s11], $0x140, $0x38;
	[tilespmem:$0xB080] =	vst v63  }
0x29: {  	_ =	swait.ge [sflag:s16], $0x140  }
0x2a: {  	[sflag:s16] =	ssyncset.done $0x0  }
0x2b: {  	s30 =	simm.s32 $0xA800;
	[sflag:s16] =	ssyncadd.s32 $0xFFFFFEC0  }
0x2c: {  	[tilespmem:s30], [sflag:$0x3] =	stream.linear.gather [hbm4b:s12+s4], $0x140, $0x38;
	[tilespmem:$0xB080] =	vst v63  }
0x2d: {  	_ =	swait.ge [sflag:s16], $0x140  }
0x2e: {  	[sflag:s16] =	ssyncset.done $0x0  }
0x2f: {  	s31 =	simm.s32 $0xAB00;
	[sflag:s16] =	ssyncadd.s32 $0xFFFFFEC0  }
0x30: {  	[tilespmem:s31], [sflag:$0x3] =	stream.linear.gather [hbm4b:s5+s4], $0x80, $0x38;
	[tilespmem:$0xB080] =	vst v63  }
0x31: {  	_ =	swait.ge [sflag:s16], $0x80  }
0x32: {  	[sflag:s16] =	ssyncset.done $0x0  }
0x33: {  	[sflag:s16] =	ssyncadd.s32 $0xFFFFFF80  }
0x34: {  	v1 =	vld [tilespmem:$0xAB00]  }
0x35: {  	v2 =	vld [tilespmem:$0xA800]  }
0x36: {  	v3 =	vld [tilespmem:$0xA680]  }
0x37: {  	v4 =	vld [tilespmem:$0xA400]  }
0x38: {  	v5 =	vld [tilespmem:$0xA810]  }
0x39: {  	v6 =	vld [tilespmem:$0xA690]  }
0x3a: {  	v7 =	vld [tilespmem:$0xA410]  }
0x3b: {  	v8 =	vld [tilespmem:$0xA820]  }
0x3c: {  	v9 =	vld [tilespmem:$0xA6A0]  }
0x3d: {  	v10 =	vld [tilespmem:$0xA420]  }
0x3e: {  	v11 =	vld [tilespmem:$0xA830]  }
0x3f: {  	v12 =	vld [tilespmem:$0xA6B0]  }
0x40: {  	v13 =	vld [tilespmem:$0xA430]  }
0x41: {  	v14 =	vld [tilespmem:$0xA840]  }
0x42: {  	v15 =	vld [tilespmem:$0xA6C0]  }
0x43: {  	v16 =	vld [tilespmem:$0xA440]  }
0x44: {  	v17 =	vld [tilespmem:$0xA850]  }
0x45: {  	v18 =	vld [tilespmem:$0xA6D0]  }
0x46: {  	v19 =	vld [tilespmem:$0xA450]  }
0x47: {  	v20 =	vld [tilespmem:$0xA860]  }
0x48: {  	v21 =	vld [tilespmem:$0xA6E0]  }
0x49: {  	v22 =	vld [tilespmem:$0xA460]  }
0x4a: {  	v23 =	vld [tilespmem:$0xA870]  }
0x4b: {  	v24 =	vld [tilespmem:$0xA6F0]  }
0x4c: {  	v25 =	vld [tilespmem:$0xA470]  }
0x4d: {  	v26 =	vld [tilespmem:$0xA880]  }
0x4e: {  	v27 =	vld [tilespmem:$0xA700]  }
0x4f: {  	v28 =	vld [tilespmem:$0xA480]  }
0x50: {  	v29 =	vld [tilespmem:$0xA890]  }
0x51: {  	v30 =	vld [tilespmem:$0xA710]  }
0x52: {  	v31 =	vld [tilespmem:$0xA490]  }
0x53: {  	v32 =	vld [tilespmem:$0xA8A0]  }
0x54: {  	v33 =	vld [tilespmem:$0xA720]  }
0x55: {  	v34 =	vld [tilespmem:$0xA4A0]  }
0x56: {  	v35 =	vld [tilespmem:$0xA8B0]  }
0x57: {  	v36 =	vld [tilespmem:$0xA730]  }
0x58: {  	v37 =	vld [tilespmem:$0xA4B0]  }
0x59: {  	v38 =	vld [tilespmem:$0xA8C0]  }
0x5a: {  	v39 =	vld [tilespmem:$0xA740]  }
0x5b: {  	v40 =	vld [tilespmem:$0xA4C0]  }
0x5c: {  	v41 =	vld [tilespmem:$0xA8D0]  }
0x5d: {  	v42 =	vld [tilespmem:$0xA750]  }
0x5e: {  	v43 =	vld [tilespmem:$0xA4D0]  }
0x5f: {  	v44 =	vld [tilespmem:$0xA8E0]  }
0x60: {  	v54 =	vld [tilespmem:$0xA760];
	v3 =	vadd.f32 v4, v3  }
0x61: {  	v55 =	vld [tilespmem:$0xA4E0];
	v6 =	vadd.f32 v7, v6  }
0x62: {  	v57 =	vld [tilespmem:$0xA770];
	v2 =	vmul.f32 v3, v2;
	v3 =	vadd.f32 v10, v9  }
0x63: {  	v59 =	vld [tilespmem:$0xA4F0];
	v56 =	vadd.f32 v13, v12;
	v5 =	vmul.f32 v6, v5  }
0x64: {  	v61 =	vld [tilespmem:$0xA900];
	v58 =	vadd.f32 v16, v15;
	v3 =	vmul.f32 v3, v8;
	v2 =	vadd.f32 v2, v1  }
0x65: {  	v63 =	vld [tilespmem:$0xA780];
	v60 =	vadd.f32 v19, v18;
	v6 =	vmul.f32 v56, v11;
	v5 =	vadd.f32 v5, v1  }
0x66: {  	v47 =	vld [tilespmem:$0xA7A0];
	v62 =	vadd.f32 v22, v21;
	[tilespmem:$0xA980] =	vst v2;
	v2 =	vmul.f32 v58, v14;
	v3 =	vadd.f32 v3, v1  }
0x67: {  	v49 =	vld [tilespmem:$0xA520];
	v22 =	vadd.f32 v25, v24;
	v21 =	vmul.f32 v60, v17;
	v6 =	vadd.f32 v6, v1;
	[tilespmem:$0xA990] =	vst v5  }
0x68: {  	v52 =	vld [tilespmem:$0xA7B0];
	v25 =	vadd.f32 v28, v27;
	[tilespmem:$0xA9A0] =	vst v3;
	v3 =	vmul.f32 v62, v20;
	v2 =	vadd.f32 v2, v1  }
0x69: {  	v24 =	vld [tilespmem:$0xA500];
	v30 =	vadd.f32 v31, v30;
	v28 =	vmul.f32 v22, v23;
	[tilespmem:$0xA9B0] =	vst v6;
	v5 =	vadd.f32 v21, v1  }
0x6a: {  	v31 =	vld [tilespmem:$0xA790];
	v33 =	vadd.f32 v34, v33;
	[tilespmem:$0xA9C0] =	vst v2;
	v2 =	vmul.f32 v25, v26;
	v3 =	vadd.f32 v3, v1  }
0x6b: {  	v34 =	vld [tilespmem:$0xA510];
	v46 =	vadd.f32 v37, v36;
	v45 =	vmul.f32 v30, v29;
	v6 =	vadd.f32 v28, v1;
	[tilespmem:$0xA9D0] =	vst v5  }
0x6c: {  	v48 =	vadd.f32 v40, v39;
	v9 =	vld [tilespmem:$0xA8F0];
	[tilespmem:$0xA9E0] =	vst v3;
	v3 =	vmul.f32 v33, v32;
	v2 =	vadd.f32 v2, v1  }
0x6d: {  	v53 =	vld [tilespmem:$0xA530];
	v51 =	vadd.f32 v43, v42;
	v50 =	vmul.f32 v46, v35;
	[tilespmem:$0xA9F0] =	vst v6;
	v5 =	vadd.f32 v45, v1  }
0x6e: {  	v27 =	vld [tilespmem:$0xA910];
	v4 =	vadd.f32 v55, v54;
	[tilespmem:$0xAA00] =	vst v2;
	v2 =	vmul.f32 v48, v38;
	v3 =	vadd.f32 v3, v1  }
0x6f: {  	v55 =	vadd.f32 v59, v57;
	v54 =	vmul.f32 v51, v41;
	v56 =	vld [tilespmem:$0xA920];
	v6 =	vadd.f32 v50, v1;
	[tilespmem:$0xAA10] =	vst v5  }
0x70: {  	v57 =	vadd.f32 v24, v63;
	v58 =	vld [tilespmem:$0xA930];
	[tilespmem:$0xAA20] =	vst v3;
	v3 =	vmul.f32 v4, v44;
	v2 =	vadd.f32 v2, v1  }
0x71: {  	v60 =	vadd.f32 v34, v31;
	v59 =	vmul.f32 v55, v9;
	[tilespmem:$0xAA30] =	vst v6;
	v5 =	vadd.f32 v54, v1  }
0x72: {  	[tilespmem:$0xAA40] =	vst v2;
	v2 =	vmul.f32 v57, v61;
	v61 =	vadd.f32 v49, v47;
	v3 =	vadd.f32 v3, v1  }
0x73: {  	v7 =	vadd.f32 v53, v52;
	v62 =	vmul.f32 v60, v27;
	v6 =	vadd.f32 v59, v1;
	[tilespmem:$0xAA50] =	vst v5  }
0x74: {  	[tilespmem:$0xAA60] =	vst v3;
	v3 =	vmul.f32 v61, v56;
	v2 =	vadd.f32 v2, v1  }
0x75: {  	v63 =	vmul.f32 v7, v58;
	[tilespmem:$0xAA70] =	vst v6;
	v5 =	vadd.f32 v62, v1  }
0x76: {  	[tilespmem:$0xAA80] =	vst v2;
	v2 =	vadd.f32 v3, v1  }
0x77: {  	s29 =	sadd.s32 $0x1, s29;
	[tilespmem:$0xAA90] =	vst v5;
	v1 =	vadd.f32 v63, v1  }
0x78: {  	p0 =	sne.s32 s29, s14;
	[tilespmem:$0xAAA0] =	vst v2  }
.Ltmp1:
0x79: {  	[tilespmem:$0xAAB0] =	vst v1;
	(pc) =	sbr.rel @!p0 .LBB2_9-.Ltmp1, $4  }
0x7a: {  	[hbm4b:s13+s4] =	stream.linear.scatter [tilespmem:s28], [sflag:$0x3], $0x140, $0x38;
	[tilespmem:$0xB080] =	vst v63  }
0x7b: {  	_ =	swait.ge [sflag:s16], $0x140  }
0x7c: {  	[sflag:s16] =	ssyncset.done $0x0  }
0x7d: {  	[sflag:s16] =	ssyncadd.s32 $0xFFFFFEC0  }
.LBB2_1:
0x7e: {  	[tilespmem:$0xA400] =	vst v0  }
0x7f: {  	[tilespmem:$0xA410] =	vst v0  }
0x80: {  	[tilespmem:$0xA420] =	vst v0  }
0x81: {  	[tilespmem:$0xA430] =	vst v0  }
0x82: {  	[tilespmem:$0xA440] =	vst v0  }
0x83: {  	[tilespmem:$0xA450] =	vst v0  }
0x84: {  	[tilespmem:$0xA460] =	vst v0  }
0x85: {  	[tilespmem:$0xA470] =	vst v0  }
0x86: {  	[tilespmem:$0xA480] =	vst v0  }
0x87: {  	[tilespmem:$0xA490] =	vst v0  }
0x88: {  	[tilespmem:$0xA4A0] =	vst v0  }
0x89: {  	[tilespmem:$0xA4B0] =	vst v0  }
0x8a: {  	[tilespmem:$0xA4C0] =	vst v0  }
0x8b: {  	[tilespmem:$0xA4D0] =	vst v0  }
0x8c: {  	[tilespmem:$0xA4E0] =	vst v0  }
0x8d: {  	[tilespmem:$0xA4F0] =	vst v0  }
0x8e: {  	[tilespmem:$0xA500] =	vst v0  }
0x8f: {  	[tilespmem:$0xA510] =	vst v0  }
0x90: {  	[tilespmem:$0xA520] =	vst v0  }
0x91: {  	[tilespmem:$0xA530] =	vst v0  }
0x92: {  	[tilespmem:$0xA540] =	vst v0  }
0x93: {  	[tilespmem:$0xA550] =	vst v0  }
0x94: {  	[tilespmem:$0xA560] =	vst v0  }
0x95: {  	[tilespmem:$0xA570] =	vst v0  }
0x96: {  	[tilespmem:$0xA580] =	vst v0  }
0x97: {  	[tilespmem:$0xA590] =	vst v0  }
0x98: {  	[tilespmem:$0xA5A0] =	vst v0  }
0x99: {  	[tilespmem:$0xA5B0] =	vst v0  }
0x9a: {  	[tilespmem:$0xA5C0] =	vst v0  }
0x9b: {  	[tilespmem:$0xA5D0] =	vst v0  }
0x9c: {  	[tilespmem:$0xA5E0] =	vst v0  }
0x9d: {  	[tilespmem:$0xA5F0] =	vst v0  }
0x9e: {  	[tilespmem:$0xA600] =	vst v0  }
0x9f: {  	[tilespmem:$0xA610] =	vst v0  }
0xa0: {  	[tilespmem:$0xA620] =	vst v0  }
0xa1: {  	[tilespmem:$0xA630] =	vst v0  }
0xa2: {  	[tilespmem:$0xA640] =	vst v0  }
0xa3: {  	[tilespmem:$0xA650] =	vst v0  }
0xa4: {  	[tilespmem:$0xA660] =	vst v0  }
0xa5: {  	[tilespmem:$0xA670] =	vst v0  }
0xa6: {  	[spmem:s6] =	stream.linear.scatter [tilespmem:s15], [sflag:$0x3], $0x280, $0x38;
	[tilespmem:$0xB080] =	vst v63  }
0xa7: {  	_ =	swait.ge [sflag:s16], $0x280  }
0xa8: {  	[sflag:s16] =	ssyncset.done $0x0  }
0xa9: {  	[sflag:s16] =	ssyncadd.s32 $0xFFFFFD80  }
0xaa: {  	[spmem:s18], [sflag:s17] =	dma.local [hbm:s7], $0x50  }
0xab: {  	_ =	swait.ge [sflag:s16], $0x50  }
0xac: {  	[sflag:s16] =	ssyncset.done $0x0  }
0xad: {  	[sflag:s16] =	ssyncadd.s32 $0xFFFFFFB0  }
0xae: {  	[bflag:$0x0] =	sbarrier.arrive $0xFFFF  }
0xaf: {  	[tilespmem:s4], [sflag:$0x3] =	stream.linear.gather [hbm4b:s8+s4], $0x5000, $0x38;
	[tilespmem:$0xB080] =	vst v63  }
0xb0: {  	_ =	swait.ge [sflag:s16], $0x5000  }
0xb1: {  	[sflag:s16] =	ssyncset.done $0x0  }
0xb2: {  	s30 =	simm.s32 $0x5000;
	[sflag:s16] =	ssyncadd.s32 $0xFFFFB000  }
0xb3: {  	[tilespmem:s30], [sflag:$0x3] =	stream.linear.gather [hbm4b:s9+s4], $0x5000, $0x38;
	[tilespmem:$0xB080] =	vst v63  }
0xb4: {  	_ =	swait.ge [sflag:s16], $0x5000  }
.Ltmp2:
0xb5: {  	s0 =	simm.s32 $0xA000;
	[sflag:s16] =	ssyncset.done $0x0;
	(pc) =	sbr.rel .LBB2_2-.Ltmp2, $4  }
0xb6: {  	s26 =	simm.s32 $0xA080;
	s31 =	simm.s32 $0x180;
	[sflag:s16] =	ssyncadd.s32 $0xFFFFB000  }
0xb7: {  	[tilespmem:s0], [sflag:$0x1] =	stream.indirect.gather [spmem:s3], $0x1, s4, s19, $0xb8;
	[tilespmem:$0xB080] =	vst v63  }
0xb8: {  	s2 =	simm.s32 $0x1;
	s20 =	simm.s32 $0x0;
	s0 =	simm.s32 $0x180  }
0xb9: {  	[tilespmem:s26], [sflag:$0x1] =	stream.indirect.gather [spmem:s3], $0x1, s19, s19, $0xb8;
	[tilespmem:$0xB080] =	vst v63  }
.LBB2_3:
0xba: {  	[spmem:s1] =	stream.indirect.scatter.add.f32 [tilespmem:s24], [sflag:$0x2], $0x1, s30, s19, $0xb8;
	[tilespmem:$0xB080] =	vst v63  }
0xbb: {  	s24 =	simm.s32 $0x9F  }
.LBB2_6:
0xbc: {  	_ =	swait.ge [sflag:s23], $0x80  }
0xbd: {  	[sflag:s23] =	ssyncset.done $0x0  }
0xbe: {  	[sflag:s23] =	ssyncadd.s32 $0xFFFFFF80  }
.LBB2_7:
0xbf: {  	_ =	swait.ge [sflag:s22], $0x80;
	p1 =	sgt.u32 s21, $0x9C;
	s21 =	sshll.u32 s24, $0x7  }
0xc0: {  	s30 =	sadd.s32 $0x100, s30;
	s2 =	sadd.s32 $0x2, s2;
	s20 =	sadd.s32 $0x2, s20  }
0xc1: {  	[sflag:s22] =	ssyncset.done $0x0;
	s24 =	sand.u32 @!p1 $0x380, s0;
	s25 =	simm.s32 @!p1 $0x80  }
.Ltmp3:
0xc2: {  	s26 =	sand.u32 $0x380, s21;
	s21 =	sand.u32 $0x3FFFFF80, s21;
	(pc) =	sbr.rel @!p0 .LBB2_8-.Ltmp3, $4  }
0xc3: {  	s0 =	sadd.s32 $0x100, s0;
	[sflag:s22] =	ssyncadd.s32 $0xFFFFFF80;
	s24 =	sor.u32 @!p1 $0xA000, s24  }
0xc4: {  	[tilespmem:s24], [sflag:$0x1] =	stream.indirect.gather @!p1 [spmem:s3], $0x1, s31, s25, $0xb8;
	[tilespmem:$0xB080] =	vst v63  }
0xc5: {  	s21 =	sadd.s32 $0x5000, s21;
	s24 =	sor.u32 $0xA000, s26;
	s31 =	sadd.s32 $0x100, s31  }
0xc6: {  	[spmem:s1] =	stream.indirect.scatter.add.f32 [tilespmem:s24], [sflag:$0x2], $0x1, s21, s19, $0xb8;
	[tilespmem:$0xB080] =	vst v63  }
.LBB2_2:
0xc7: {  	s21 =	sadd.s32 $0xFFFFFFFF, s2  }
0xc8: {  	p0 =	slt.u32 s21, $0x6  }
0xc9: {  	s24 =	simm.s32 @!p0 $0x2  }
0xca: {  	_ =	swait.ge @!p0 [sflag:s24], $0x80  }
0xcb: {  	[sflag:s24] =	ssyncset.done @!p0 $0x0  }
0xcc: {  	[sflag:s24] =	ssyncadd.s32 @!p0 $0xFFFFFF80;
	p0 =	slt.u32 s21, $0x9E  }
.Ltmp4:
0xcd: {  	_ = 	snop;
	(pc) =	sbr.rel @!p0 .LBB2_3-.Ltmp4, $4  }
0xce: {  	_ = 	snop  }
0xcf: {  	s26 =	sadd.s32 $0xFFFFFE80, s0;
	_ =	swait.ge [sflag:s22], $0x80  }
0xd0: {  	s24 =	sand.u32 $0x300, s26;
	[sflag:s22] =	ssyncset.done $0x0  }
0xd1: {  	s24 =	sor.u32 $0xA000, s24;
	[sflag:s22] =	ssyncadd.s32 $0xFFFFFF80  }
0xd2: {  	s25 =	sadd.s32 $0xFFFFFF80, s0  }
0xd3: {  	p1 =	slt.u32 s21, $0x5;
	s25 =	sand.u32 $0x300, s25  }
.Ltmp5:
0xd4: {  	s26 =	sadd.s32 $0xFFFFFF80, s31;
	s25 =	sor.u32 $0xA000, s25;
	(pc) =	sbr.rel @p1 .LBB2_7-.Ltmp5, $4  }
0xd5: {  	[tilespmem:s25], [sflag:$0x1] =	stream.indirect.gather [spmem:s3], $0x1, s26, s19, $0xb8;
	[tilespmem:$0xB080] =	vst v63  }
0xd6: {  	_ = 	snop  }
0xd7: {  	[spmem:s1] =	stream.indirect.scatter.add.f32 [tilespmem:s24], [sflag:$0x2], $0x1, s30, s19, $0xb8;
	[tilespmem:$0xB080] =	vst v63  }
0xd8: {  	s24 =	smov.u32 s2  }
.Ltmp6:
0xd9: {  	(pc) =	sbr.rel .LBB2_6-.Ltmp6, $2  }
0xda: {  	_ =	sdelay $0x2  }
0xdb: {  	s24 =	sor.u32 $0x1, s20  }
.LBB2_9:
0xdc: {  	_ =	sfence.sel $0x180000  }
0xdd: {  	[bflag:$0x0] =	sbarrier.arrive $0xFFFF  }
0xde: {  	_ =	strace $0x9000004D  }
0xdf: {  	s0 =	stileid.u32;
	[bflag:$0x2] =	sbarrier.arrive $0xFFFF  }
0xe0: {  	p0 =	sne.s32 s0, $0x0;
	s0 =	rddreg [dreg:$0x3]  }
0xe1: {  	s0 =	sadd.s32 @!p0 $0x100000, s0  }
0xe2: {  	[sflag:s0] =	ssyncadd.tile.s32 @!p0 $0x1;
	_ =	shalt  }
.Lfunc_end2:
_tile_overlayer_lowered:
.L_overlay_start_2:
0xe3: {  	(tag) =	ssettag $0x2  }
0xe4: {  	s0 =	rddreg [dreg:$0x0];
	s2 =	stileid.u32  }
0xe5: {  	s1 =	rddreg [dreg:$0x1];
	p0 =	sne.s32 s2, $0x0  }
0xe6: {  	s3 =	rddreg [dreg:$0x2];
	[bflag:$0x3] =	sbarrier.arrive $0xFFFF;
	s2 =	simm.s32 @!p0 $0x1C03  }
0xe7: {  	[timem:s3], [sflag:s2] =	dma.local @!p0 [hbm:s0], s1  }
0xe8: {  	s0 =	simm.s32 @!p0 $0x3  }
0xe9: {  	_ =	swait.ge @!p0 [sflag:s0], s1  }
0xea: {  	s1 =	ssub.s32 @!p0 $0x0, s1;
	[sflag:s0] =	ssyncset.done @!p0 $0x0  }
0xeb: {  	[sflag:s0] =	ssyncadd.s32 @!p0 s1  }
0xec: {  	[bflag:$0x3] =	sbarrier.arrive $0xFFFF  }
0xed: {  	_ =	shalt  }

// kernel: kernel.7.cloned.1.call-start
scs
__scs_entry_jumppad:
0x0: {  	(pc) =	sbr.rel $0x88, $3  }
0x1: {  	(tag) =	ssettag $0x0;
	lr =	simm.s32 $0x1  }
0x2: {  	[smem:$0x3F9B] =	sst lr;
	_ =	strace $0xD0000000  }
0x3: {  	_ = 	snop  }
0x4: {  	_ = 	snop  }
0x5: {  	_ = 	snop  }
0x6: {  	_ = 	snop  }
0x7: {  	_ = 	snop  }
__scs_overlays_trampoline_lowered:
0x8: {  	[smem:$0x3FAA] =	sst s0  }
0x9: {  	[smem:$0x3FAB] =	sst s1  }
0xa: {  	[smem:$0x3FAC] =	sst s2  }
0xb: {  	[smem:$0x3FAD] =	sst s3  }
0xc: {  	[smem:$0x3FAE] =	sst s4  }
0xd: {  	[smem:$0x3FAF] =	sst s5  }
0xe: {  	[smem:$0x3FB0] =	sst s6  }
0xf: {  	[smem:$0x3FB1] =	sst s7  }
0x10: {  	[smem:$0x3FB2] =	sst s8  }
0x11: {  	[smem:$0x3FB3] =	sst s9;
	s0 =	simm.s32 @!p0 $0x0  }
0x12: {  	s1 =	sld [smem:$0x3F99];
	s0 =	simm.s32 @p0 $0x1  }
0x13: {  	[smem:$0x3FB4] =	sst s0;
	s0 =	simm.s32 @!p1 $0x0  }
0x14: {  	s2 =	sld [smem:$0x3F98];
	s0 =	simm.s32 @p1 $0x1  }
0x15: {  	[smem:$0x3FB5] =	sst s0;
	s0 =	simm.s32 @!p2 $0x0  }
0x16: {  	s3 =	sld [smem:$0x3FDB];
	s0 =	simm.s32 @p2 $0x1  }
0x17: {  	s4 =	simm.s32 $0x1BF5;
	[smem:$0x3FB7] =	sst s0  }
0x18: {  	s0 =	sld [smem:$0x3F9A];
	_ =	swait.ge [sflag:s4], $0x0  }
0x19: {  	s7 =	sld [smem:$0x3F9B]  }
0x1a: {  	s8 =	sadd.s32 $0xFFFFE003, lr  }
0x1b: {  	s9 =	sadd.s32 $0xFFFFFEF7, lr;
	s5 =	simm.s32 $0xFFFFFFFF;
	p2 =	slt.u32 s8, $0xFFFFF086  }
0x1c: {  	p1 =	slt.u32 s9, $0xF7A;
	s5 =	simm.s32 @!p2 $0x0  }
0x1d: {  	s5 =	simm.s32 @p1 $0x1;
	p0 =	seq.s32 s7, s2  }
0x1e: {  	s7 =	smul.u32 @!p0 $0xF7A, s2;
	p2 =	seq.s32 @!p0 s5, $0x0  }
0x1f: {  	s9 =	smul.u32 $0xF7A, s1;
	s8 =	simm.s32 @!p0 $0x1BF5;
	p2 =	por !p2, p0  }
0x20: {  	[sflag:s8] =	ssyncset.s32 @!p0 $0xFFFFF086;
	s6 =	sadd.s32 @!p0 s3, s7;
	s7 =	simm.s32 @!p0 $0x108  }
0x21: {  	s3 =	sadd.s32 s3, s9;
	s6 =	sadd.s32 @!p0 $0x88, s6;
	s7 =	simm.s32 @p2 $0x1082  }
0x22: {  	[simem:s7], [sflag:s8] =	dma.local @!p0 [hbm:s6], $0xF7A  }
0x23: {  	s9 =	sor.u32 $0xD0000000, s2;
	s6 =	simm.s32 $0x108;
	_ =	swait.ge @!p0 [sflag:s8], $0x0  }
0x24: {  	s3 =	sadd.s32 $0x88, s3;
	s6 =	simm.s32 @!p1 $0x1082;
	[sflag:s4] =	ssyncset.s32 $0xFFFFF086  }
0x25: {  	[simem:s6], [sflag:s4] =	dma.local [hbm:s3], $0xF7A  }
0x26: {  	[smem:$0x3F9B] =	sst s1;
	(tag) =	ssettag s2;
	_ =	strace s9  }
0x27: {  	s1 =	sld [smem:$0x3FAB]  }
0x28: {  	s2 =	sld [smem:$0x3FAC]  }
0x29: {  	s4 =	sld [smem:$0x3FAE]  }
0x2a: {  	p0 =	seq.s32 s5, $0x0;
	s5 =	sld [smem:$0x3FAF]  }
0x2b: {  	s6 =	sld [smem:$0x3FB0]  }
0x2c: {  	s7 =	sld [smem:$0x3FB1]  }
0x2d: {  	s3 =	simm.s32 $0x108;
	s8 =	sld [smem:$0x3FB2]  }
0x2e: {  	s3 =	simm.s32 @!p0 $0x1082;
	s9 =	sld [smem:$0x3FB3]  }
0x2f: {  	lr =	sadd.s32 s0, s3;
	s0 =	sld [smem:$0x3FAA]  }
0x30: {  	s3 =	sld [smem:$0x3FAD]  }
0x31: {  	[smem:$0x3FB6] =	sst s10  }
0x32: {  	s10 =	sld [smem:$0x3FB4];
	_ =	sdelay $0x3  }
0x33: {  	p0 =	seq.s32 s10, $0x1;
	s10 =	sld [smem:$0x3FB6];
	_ =	sdelay $0x3  }
0x34: {  	[smem:$0x3FB6] =	sst s10  }
0x35: {  	s10 =	sld [smem:$0x3FB5];
	_ =	sdelay $0x3  }
0x36: {  	p1 =	seq.s32 s10, $0x1;
	s10 =	sld [smem:$0x3FB6];
	_ =	sdelay $0x3  }
0x37: {  	[smem:$0x3FB6] =	sst s10  }
0x38: {  	s10 =	sld [smem:$0x3FB7]  }
0x39: {  	_ = 	snop;
	(pc) =	sbr.ind lr, $3  }
0x3a: {  	_ = 	snop  }
0x3b: {  	_ = 	snop  }
0x3c: {  	p2 =	seq.s32 s10, $0x1;
	s10 =	sld [smem:$0x3FB6]  }
0x3d: {  	_ =	shalt  }
0x3e: {  	_ =	shalt  }
0x3f: {  	_ =	shalt  }
0x40: {  	_ =	shalt  }
0x41: {  	_ =	shalt  }
0x42: {  	_ =	shalt  }
0x43: {  	_ =	shalt  }
0x44: {  	_ =	shalt  }
0x45: {  	_ =	shalt  }
0x46: {  	_ =	shalt  }
0x47: {  	_ =	shalt  }
0x48: {  	_ =	shalt  }
0x49: {  	_ =	shalt  }
0x4a: {  	_ =	shalt  }
0x4b: {  	_ =	shalt  }
0x4c: {  	_ =	shalt  }
0x4d: {  	_ =	shalt  }
0x4e: {  	_ =	shalt  }
0x4f: {  	_ =	shalt  }
0x50: {  	_ =	shalt  }
0x51: {  	_ =	shalt  }
0x52: {  	_ =	shalt  }
0x53: {  	_ =	shalt  }
0x54: {  	_ =	shalt  }
0x55: {  	_ =	shalt  }
0x56: {  	_ =	shalt  }
0x57: {  	_ =	shalt  }
0x58: {  	_ =	shalt  }
0x59: {  	_ =	shalt  }
0x5a: {  	_ =	shalt  }
0x5b: {  	_ =	shalt  }
0x5c: {  	_ =	shalt  }
0x5d: {  	_ =	shalt  }
0x5e: {  	_ =	shalt  }
0x5f: {  	_ =	shalt  }
0x60: {  	_ =	shalt  }
0x61: {  	_ =	shalt  }
0x62: {  	_ =	shalt  }
0x63: {  	_ =	shalt  }
0x64: {  	_ =	shalt  }
0x65: {  	_ =	shalt  }
0x66: {  	_ =	shalt  }
0x67: {  	_ =	shalt  }
0x68: {  	_ =	shalt  }
0x69: {  	_ =	shalt  }
0x6a: {  	_ =	shalt  }
0x6b: {  	_ =	shalt  }
0x6c: {  	_ =	shalt  }
0x6d: {  	_ =	shalt  }
0x6e: {  	_ =	shalt  }
0x6f: {  	_ =	shalt  }
0x70: {  	_ =	shalt  }
0x71: {  	_ =	shalt  }
0x72: {  	_ =	shalt  }
0x73: {  	_ =	shalt  }
0x74: {  	_ =	shalt  }
0x75: {  	_ =	shalt  }
0x76: {  	_ =	shalt  }
0x77: {  	_ =	shalt  }
0x78: {  	_ =	shalt  }
0x79: {  	_ =	shalt  }
0x7a: {  	_ =	shalt  }
0x7b: {  	_ =	shalt  }
0x7c: {  	_ =	shalt  }
0x7d: {  	_ =	shalt  }
0x7e: {  	_ =	shalt  }
0x7f: {  	_ =	shalt  }
0x80: {  	_ =	shalt  }
0x81: {  	_ =	shalt  }
0x82: {  	_ =	shalt  }
0x83: {  	_ =	shalt  }
0x84: {  	_ =	shalt  }
0x85: {  	_ =	shalt  }
0x86: {  	_ =	shalt  }
0x87: {  	_ =	shalt  }
.Lfunc_end0:
.L_simem_size_0:
called_computation_lowered:
.L_overlay_start_0:
0x88: {  	s2 =	sld [smem:$0x3FD9]  }
0x89: {  	s3 =	sld [smem:$0x3FFE];
	_ =	sdelay $0x1  }
0x8a: {  	s1 =	srdreg.scid  }
0x8b: {  	s0 =	sand.u32 $0x1, s1  }
0x8c: {  	s16 =	sshll.u32 s0, $0xA;
	s2 =	sadd.s32 s3, s2  }
0x8d: {  	s2 =	sadd.s32 s2, s16  }
0x8e: {  	[smem:$0x3FC2] =	sst s2  }
0x8f: {  	_ = 	snop  }
0x90: {  	(tm) =	ssettm $0x1  }
0x91: {  	s17 =	sld [smem:$0x3FFB];
	_ =	sdelay $0x3  }
0x92: {  	_ =	strace s17  }
0x93: {  	s2 =	sld [smem:$0x3FFC];
	_ =	sdelay $0x3  }
0x94: {  	_ =	strace s2  }
0x95: {  	s2 =	sld [smem:$0x3FFD];
	_ =	sdelay $0x3  }
0x96: {  	_ =	strace s2  }
0x97: {  	_ =	strace $0x8FFFFFFF  }
0x98: {  	s18 =	sld [smem:$0x3FDB];
	_ =	sdelay $0x1  }
0x99: {  	s19 =	simm.s32 $_scs_section_size  }
0x9a: {  	s4 =	simm.s32 $_size__tile_overlayer_lowered;
	s5 =	simm.s32 $_tile_overlayer_lowered  }
0x9b: {  	s22 =	simm.s32 $0x1BFF;
	s21 =	sshll.u32 s5, $0x1;
	s2 =	sadd.s32 s19, s18  }
0x9c: {  	s6 =	simm.s32 $0x0;
	s20 =	sshll.u32 s4, $0x1;
	s4 =	sadd.s32 s21, s2  }
0x9d: {  	[timem:s6], [sflag:s22] =	dma.local [hbm:s4], s20  }
0x9e: {  	_ =	swait.ge [sflag:s22], s20  }
0x9f: {  	s3 =	ssub.s32 $0x0, s20;
	[sflag:s22] =	ssyncset.done $0x0  }
0xa0: {  	[sflag:s22] =	ssyncadd.s32 s3;
	_ =	sdelay $0x1  }
0xa1: {  	s23 =	simm.s32 $0x1B8B  }
0xa2: {  	_ =	swait.ge [sflag:s23], $0x1  }
0xa3: {  	[sflag:s23] =	ssyncset.done $0x0  }
0xa4: {  	s25 =	simm.s32 $0x1B8E;
	s24 =	sld [smem:$0x3FFE];
	[sflag:s23] =	ssyncadd.s32 $0xFFFFFFFF  }
0xa5: {  	s26 =	simm.s32 $execute0_lowered;
	[smem:$0x3FD2] =	sst s25  }
0xa6: {  	s4 =	sshll.u32 s26, $0x1;
	_ =	strace $0x80000046;
	[dreg:$0x1] =	wrdreg $0xFFFFFFFF  }
0xa7: {  	s28 =	simm.s32 $_size_execute0_lowered;
	s2 =	sadd.s32 s2, s4;
	[dreg:$0x0] =	wrdreg $0x0  }
0xa8: {  	s4 =	sshll.u32 s28, $0x1;
	[dreg:$0x2] =	wrdreg s2  }
0xa9: {  	[dreg:$0x3] =	wrdreg s4  }
0xaa: {  	[dreg:$0x4] =	wrdreg $0xC0  }
0xab: {  	_ =	task [dreg:s6], $0x5FFFF  }
0xac: {  	[dreg:$0x1] =	wrdreg $0xFFFFFFFF  }
0xad: {  	[dreg:$0x0] =	wrdreg $0x60  }
0xae: {  	[dreg:$0x2] =	wrdreg s24  }
0xaf: {  	[dreg:$0x3] =	wrdreg $0x2B000  }
0xb0: {  	[dreg:$0x4] =	wrdreg $0x9  }
0xb1: {  	_ =	task.clear_ibuf [dreg:s6], $0x5FFFF;
	_ =	strace $0x90000046  }
0xb2: {  	s29 =	simm.s32 $0x9;
	_ =	strace $0x80000048  }
0xb3: {  	_ =	swait.ge [sflag:s29], $0x1  }
0xb4: {  	[sflag:s29] =	ssyncadd.s32 $0xFFFFFFFF  }
0xb5: {  	_ =	strace $0x90000048  }
0xb6: {  	_ =	sfence  }
0xb7: {  	s30 =	sld [smem:$0x0];
	_ =	sdelay $0x2  }
0xb8: {  	s31 =	sshll.u32 s1, $0xD;
	s1 =	sshrl.u32 s1, $0x2  }
0xb9: {  	s3 =	sand.u32 $0x4000, s31;
	s1 =	sadd.s32 s1, s30  }
0xba: {  	s0 =	sor.u32 s3, s0;
	s1 =	sshll.u32 s1, $0x11  }
0xbb: {  	s0 =	sor.u32 s1, s0  }
0xbc: {  	s0 =	sadd.s32 $0x8F2B, s0  }
0xbd: {  	[sflag:s0] =	ssyncadd.remote.s32 $0x1  }
0xbe: {  	_ =	sfence.sel $0xFFFF  }
0xbf: {  	[dreg:$0x0] =	wrdreg $0xFFFFFFFF;
	(pc) =	sbr.abs _section_cstart, $3  }
0xc0: {  	[dreg:$0x1] =	wrdreg $0xFFFFFFFF  }
0xc1: {  	_ =	task.clear_ibuf [dreg:s6], $0x2FFFF;
	_ =	strace $0x9FFFFFFF  }
0xc2: {  	(tm) =	ssettm $0x7FFFFFFF  }
0xc3: {  	_ =	shalt  }
tec
execute0_lowered:
.L_overlay_start_1:
0x0: {  	(tag) =	ssettag $0x1  }
0x1: {  	s4 =	rddreg [dreg:$0x0]  }
0x2: {  	s1 =	rddreg [dreg:$0x1]  }
0x3: {  	s2 =	srdreg.scid;
	s0 =	rddreg [dreg:$0x2];
	s3 =	simm.s32 $0x0  }
0x4: {  	s10 =	simm.s32 $0x80;
	s11 =	simm.s32 $0x2800;
	s12 =	simm.s32 $0x1  }
0x5: {  	s15 =	simm.s32 $0x20;
	s16 =	simm.s32 $0x10;
	s17 =	simm.s32 $0x0  }
0x6: {  	s5 =	sand.u32 $0x1, s2;
	s2 =	stileid.u32;
	[smem:$0x7FF] =	sst s3  }
0x7: {  	s6 =	sshll.u32 s5, $0x4;
	s7 =	smul.u32 $0x500, s2;
	_ =	strace $0x80000047  }
0x8: {  	s8 =	sshll.u32 s5, $0x7;
	s5 =	ssub.s32 $0x2, s5;
	s30 =	smul.u32 $0xA00, s2  }
0x9: {  	s13 =	sshll.u32 s2, $0x6;
	s6 =	sor.u32 s2, s6;
	s9 =	sshrl.u32 s5, $0x1  }
0xa: {  	s13 =	sor.u32 $0x1C02, s13;
	s6 =	smul.u32 $0x500, s6;
	s7 =	sor.u32 s8, s7  }
0xb: {  	s9 =	ssub.s32 s5, s9;
	s31 =	sshrl.u32 s30, $0x2;
	s7 =	sshrl.u32 s7, $0x3  }
0xc: {  	s8 =	simm.s32 $0x2880;
	s6 =	sadd.s32 s6, s4;
	s7 =	sadd.s32 s7, s4  }
0xd: {  	s4 =	sadd.s32 s31, s1;
	s5 =	sadd.s32 $0x1E00, s6;
	s6 =	sadd.s32 $0x15E00, s7  }
0xe: {  	v0 =	vimm.f32 $1.000000000e+00;
	v1 =	vimm.f32 $0.0e+00;
	s7 =	smax.u32 s9, $0x1;
	s9 =	simm.s32 $0x2;
	s14 =	sshrl.u32 s4, $0x3  }
.LBB2_1:
0xf: {  	[tilespmem:$0x2800] =	vst v0  }
0x10: {  	[tilespmem:$0x2810] =	vst v0  }
0x11: {  	[tilespmem:$0x2820] =	vst v0  }
0x12: {  	[tilespmem:$0x2830] =	vst v0  }
0x13: {  	[tilespmem:$0x2840] =	vst v0  }
0x14: {  	[tilespmem:$0x2850] =	vst v0  }
0x15: {  	[tilespmem:$0x2860] =	vst v0  }
0x16: {  	[tilespmem:$0x2870] =	vst v0  }
0x17: {  	[tilespmem:$0x2880] =	vst v1  }
0x18: {  	[tilespmem:$0x2890] =	vst v1  }
0x19: {  	[tilespmem:$0x28A0] =	vst v1  }
0x1a: {  	[tilespmem:$0x28B0] =	vst v1  }
0x1b: {  	[tilespmem:$0x28C0] =	vst v1  }
0x1c: {  	[tilespmem:$0x28D0] =	vst v1  }
0x1d: {  	[tilespmem:$0x28E0] =	vst v1  }
0x1e: {  	[tilespmem:$0x28F0] =	vst v1  }
0x1f: {  	[tilespmem:$0x2900] =	vst v1  }
0x20: {  	[tilespmem:$0x2910] =	vst v1  }
0x21: {  	[tilespmem:$0x2920] =	vst v1  }
0x22: {  	[tilespmem:$0x2930] =	vst v1  }
0x23: {  	[tilespmem:$0x2940] =	vst v1  }
0x24: {  	[tilespmem:$0x2950] =	vst v1  }
0x25: {  	[tilespmem:$0x2960] =	vst v1  }
0x26: {  	[tilespmem:$0x2970] =	vst v1  }
0x27: {  	[tilespmem:$0x2980] =	vst v1  }
0x28: {  	[tilespmem:$0x2990] =	vst v1  }
0x29: {  	[tilespmem:$0x29A0] =	vst v1  }
0x2a: {  	[tilespmem:$0x29B0] =	vst v1  }
0x2b: {  	[tilespmem:$0x29C0] =	vst v1  }
0x2c: {  	[tilespmem:$0x29D0] =	vst v1  }
0x2d: {  	[tilespmem:$0x29E0] =	vst v1  }
0x2e: {  	[tilespmem:$0x29F0] =	vst v1  }
0x2f: {  	[tilespmem:$0x2A00] =	vst v1  }
0x30: {  	[tilespmem:$0x2A10] =	vst v1  }
0x31: {  	[tilespmem:$0x2A20] =	vst v1  }
0x32: {  	[tilespmem:$0x2A30] =	vst v1  }
0x33: {  	[tilespmem:$0x2A40] =	vst v1  }
0x34: {  	[tilespmem:$0x2A50] =	vst v1  }
0x35: {  	[tilespmem:$0x2A60] =	vst v1  }
0x36: {  	[tilespmem:$0x2A70] =	vst v1  }
0x37: {  	[tilespmem:$0x2A80] =	vst v1  }
0x38: {  	[tilespmem:$0x2A90] =	vst v1  }
0x39: {  	[tilespmem:$0x2AA0] =	vst v1  }
0x3a: {  	[tilespmem:$0x2AB0] =	vst v1  }
0x3b: {  	[tilespmem:$0x2AC0] =	vst v1  }
0x3c: {  	[tilespmem:$0x2AD0] =	vst v1  }
0x3d: {  	[tilespmem:$0x2AE0] =	vst v1  }
0x3e: {  	[tilespmem:$0x2AF0] =	vst v1  }
0x3f: {  	[spmem:s4] =	stream.linear.scatter [tilespmem:s8], [sflag:$0x2], $0x280, $0x38;
	[tilespmem:$0x2D80] =	vst v63  }
0x40: {  	_ =	swait.ge [sflag:s9], $0x280  }
0x41: {  	[sflag:s9] =	ssyncset.done $0x0  }
0x42: {  	[sflag:s9] =	ssyncadd.s32 $0xFFFFFD80  }
0x43: {  	[bflag:$0x0] =	sbarrier.arrive $0xFFFF  }
0x44: {  	[tilespmem:s3], [sflag:$0x2] =	stream.linear.gather [hbm4b:s5+s3], $0x2800, $0x38;
	[tilespmem:$0x2D80] =	vst v63  }
0x45: {  	_ =	swait.ge [sflag:s9], $0x2800  }
0x46: {  	p0 =	por $0x1, $0x1;
	[sflag:s9] =	ssyncset.done $0x0  }
0x47: {  	s19 =	simm.s32 @!p0 $0x1;
	[sflag:s9] =	ssyncadd.s32 $0xFFFFD800  }
0x48: {  	_ =	swait.ge @!p0 [sflag:s19], $0x80  }
0x49: {  	s18 =	simm.s32 $0x1;
	[sflag:s19] =	ssyncset.done @!p0 $0x0  }
0x4a: {  	s20 =	simm.s32 $0x0;
	[sflag:s19] =	ssyncadd.s32 @!p0 $0xFFFFFF80;
	s19 =	simm.s32 $0x80  }
.LBB2_2:
0x4b: {  	[spmem:s1] =	stream.indirect.scatter.add.f32 [tilespmem:s11], [sflag:$0x1], $0x1, s20, s10, $0xb8;
	[tilespmem:$0x2D80] =	vst v63  }
0x4c: {  	p0 =	slt.u32 s18, $0x8;
	s18 =	sadd.s32 $0x1, s18  }
0x4d: {  	p1 =	sne.s32 s18, $0x50  }
.Ltmp0:
0x4e: {  	(pc) =	sbr.rel @p1 .LBB2_2-.Ltmp0, $4  }
0x4f: {  	s20 =	smov.u32 s19;
	s21 =	simm.s32 @!p0 $0x1  }
0x50: {  	_ =	swait.ge @!p0 [sflag:s21], $0x80  }
0x51: {  	[sflag:s21] =	ssyncset.done @!p0 $0x0  }
0x52: {  	s19 =	sadd.s32 $0x80, s19;
	[sflag:s21] =	ssyncadd.s32 @!p0 $0xFFFFFF80  }
0x53: {  	[spmem:s1] =	stream.indirect.scatter.add.f32 [tilespmem:s11], [sflag:$0x1], $0x1, s20, s10, $0xb8;
	[tilespmem:$0x2D80] =	vst v63  }
0x54: {  	_ =	swait.ge [sflag:s12], $0x80  }
0x55: {  	[sflag:s12] =	ssyncset.done $0x0  }
0x56: {  	[sflag:s12] =	ssyncadd.s32 $0xFFFFFF80  }
0x57: {  	_ =	swait.ge [sflag:s12], $0x80  }
0x58: {  	[sflag:s12] =	ssyncset.done $0x0  }
0x59: {  	[sflag:s12] =	ssyncadd.s32 $0xFFFFFF80  }
0x5a: {  	_ =	swait.ge [sflag:s12], $0x80  }
0x5b: {  	[sflag:s12] =	ssyncset.done $0x0  }
0x5c: {  	[sflag:s12] =	ssyncadd.s32 $0xFFFFFF80  }
0x5d: {  	_ =	swait.ge [sflag:s12], $0x80  }
0x5e: {  	[sflag:s12] =	ssyncset.done $0x0  }
0x5f: {  	[sflag:s12] =	ssyncadd.s32 $0xFFFFFF80  }
0x60: {  	_ =	swait.ge [sflag:s12], $0x80  }
0x61: {  	[sflag:s12] =	ssyncset.done $0x0  }
0x62: {  	[sflag:s12] =	ssyncadd.s32 $0xFFFFFF80  }
0x63: {  	_ =	swait.ge [sflag:s12], $0x80  }
0x64: {  	[sflag:s12] =	ssyncset.done $0x0  }
0x65: {  	[sflag:s12] =	ssyncadd.s32 $0xFFFFFF80  }
0x66: {  	_ =	swait.ge [sflag:s12], $0x80  }
0x67: {  	[sflag:s12] =	ssyncset.done $0x0  }
0x68: {  	[sflag:s12] =	ssyncadd.s32 $0xFFFFFF80  }
0x69: {  	_ =	swait.ge [sflag:s12], $0x80  }
0x6a: {  	s17 =	sadd.s32 $0x1, s17;
	[sflag:s12] =	ssyncset.done $0x0  }
0x6b: {  	p0 =	sne.s32 s17, s7;
	[sflag:s12] =	ssyncadd.s32 $0xFFFFFF80  }
.Ltmp1:
0x6c: {  	[bflag:$0x0] =	sbarrier.arrive $0xFFFF;
	(pc) =	sbr.rel @p0 .LBB2_1-.Ltmp1, $4  }
0x6d: {  	[hbm:s6@s15], [sflag:s13] =	dma.strided [spmem:s14@s16], $0x50, s12, $0x10   }
0x6e: {  	_ =	swait.ge [sflag:s9], $0x50  }
0x6f: {  	[sflag:s9] =	ssyncset.done $0x0  }
0x70: {  	[sflag:s9] =	ssyncadd.s32 $0xFFFFFFB0  }
0x71: {  	_ =	sfence.sel $0x180000  }
0x72: {  	[bflag:$0x0] =	sbarrier.arrive $0xFFFF  }
0x73: {  	p0 =	sne.s32 s2, $0x0;
	_ =	strace $0x90000047  }
0x74: {  	s0 =	sadd.s32 @!p0 $0x100000, s0;
	[bflag:$0x2] =	sbarrier.arrive $0xFFFF  }
0x75: {  	[sflag:s0] =	ssyncadd.tile.s32 @!p0 $0x1;
	_ =	shalt  }
.Lfunc_end2:
_tile_overlayer_lowered:
.L_overlay_start_2:
0x76: {  	(tag) =	ssettag $0x2  }
0x77: {  	s0 =	rddreg [dreg:$0x0];
	s2 =	stileid.u32  }
0x78: {  	s1 =	rddreg [dreg:$0x1];
	p0 =	sne.s32 s2, $0x0  }
0x79: {  	s3 =	rddreg [dreg:$0x2];
	[bflag:$0x3] =	sbarrier.arrive $0xFFFF;
	s2 =	simm.s32 @!p0 $0x1C02  }
0x7a: {  	[timem:s3], [sflag:s2] =	dma.local @!p0 [hbm:s0], s1  }
0x7b: {  	s0 =	simm.s32 @!p0 $0x2  }
0x7c: {  	_ =	swait.ge @!p0 [sflag:s0], s1  }
0x7d: {  	s1 =	ssub.s32 @!p0 $0x0, s1;
	[sflag:s0] =	ssyncset.done @!p0 $0x0  }
0x7e: {  	[sflag:s0] =	ssyncadd.s32 @!p0 s1  }
0x7f: {  	[bflag:$0x3] =	sbarrier.arrive $0xFFFF  }
0x80: {  	_ =	shalt  }

</sc_bundles>
